<compile_context>
chip_gen: v7x
topology: tpu7x:2x2x1
jax: 0.10.2.dev20260603
libtpu: 0.0.44.dev20260713+nightly
codegen_flags: <defaults>
</compile_context>

<pallas_src>
import functools

import jax
import jax.numpy as jnp
from jax import lax
from jax.experimental import pallas as pl
from jax.experimental.pallas import tpu as pltpu
from jax.experimental.pallas import tpu_sc as plsc

LANES = 16
NBUF = 4


def _emb_kernel(n_rows, hidden, seq_len, rows_per_w, chunk, num_cores):
    n_chunks = rows_per_w // chunk
    n_groups = n_chunks // NBUF
    vecs_per_row = hidden // LANES

    mesh = plsc.VectorSubcoreMesh(core_axis_name="c", subcore_axis_name="s")

    buf_t = pltpu.VMEM((chunk, hidden), jnp.float32)

    @functools.partial(
        pl.kernel,
        mesh=mesh,
        out_type=jax.ShapeDtypeStruct((n_rows, hidden), jnp.float32),
        scratch_types=[
            pltpu.VMEM((rows_per_w,), jnp.int32),
            pltpu.VMEM((seq_len, hidden), jnp.float32),
            buf_t, buf_t, buf_t, buf_t,
            pltpu.SemaphoreType.DMA, pltpu.SemaphoreType.DMA,
            pltpu.SemaphoreType.DMA, pltpu.SemaphoreType.DMA,
            pltpu.SemaphoreType.DMA, pltpu.SemaphoreType.DMA,
            pltpu.SemaphoreType.DMA, pltpu.SemaphoreType.DMA,
        ],
    )
    def emb(
        ids_hbm, tab_hbm, pos_hbm, out_hbm,
        idx_v, pos_v, b0, b1, b2, b3,
        g0, g1, g2, g3, s0, s1, s2, s3,
    ):
        bufs = (b0, b1, b2, b3)
        gsems = (g0, g1, g2, g3)
        ssems = (s0, s1, s2, s3)

        wid = lax.axis_index("s") * num_cores + lax.axis_index("c")
        base = wid * rows_per_w
        pltpu.sync_copy(ids_hbm.at[pl.ds(base, rows_per_w)], idx_v)
        pltpu.sync_copy(pos_hbm, pos_v)

        def start_gather(c, buf, sem):
            pltpu.async_copy(
                tab_hbm.at[idx_v.at[pl.ds(c * chunk, chunk)]], buf, sem
            )

        def wait_gather(buf, sem):
            pltpu.make_async_copy(
                tab_hbm.at[idx_v.at[pl.ds(0, chunk)]], buf, sem
            ).wait()

        def start_store(c, buf, sem):
            pltpu.async_copy(
                buf, out_hbm.at[pl.ds(base + c * chunk, chunk)], sem
            )

        def wait_store(buf, sem):
            pltpu.make_async_copy(
                buf, out_hbm.at[pl.ds(base, chunk)], sem
            ).wait()

        def add_pos(buf, slot):
            @plsc.parallel_loop(0, chunk, 1, unroll=1)
            def row_body(r):
                pr = slot * chunk + r
                for j in range(vecs_per_row):
                    plsc.addupdate(
                        buf.at[r, pl.ds(j * LANES, LANES)],
                        pos_v[pr, pl.ds(j * LANES, LANES)],
                    )

        for k in range(NBUF - 1):
            start_gather(k, bufs[k], gsems[k])

        def group_body(t, carry):
            for k in range(NBUF):
                c = NBUF * t + k
                nk = (k + NBUF - 1) % NBUF

                wait_gather(bufs[k], gsems[k])
                add_pos(bufs[k], k)
                start_store(c, bufs[k], ssems[k])

                if k == 0:
                    @pl.when((c + NBUF - 1 < n_chunks) & (t > 0))
                    def _():
                        wait_store(bufs[nk], ssems[nk])
                else:
                    @pl.when(c + NBUF - 1 < n_chunks)
                    def _():
                        wait_store(bufs[nk], ssems[nk])

                @pl.when(c + NBUF - 1 < n_chunks)
                def _():
                    start_gather(c + NBUF - 1, bufs[nk], gsems[nk])
            return carry

        lax.fori_loop(0, n_groups, group_body, 0, unroll=False)
        for k in range(NBUF):
            wait_store(bufs[k], ssems[k])

    return emb


def kernel(input_ids, tokens_embedding, position_embedding):
    batch, seq_len = input_ids.shape
    vocab, hidden = tokens_embedding.shape
    n_rows = batch * seq_len

    info = plsc.get_sparse_core_info()
    num_workers = info.num_cores * info.num_subcores
    rows_per_w = n_rows // num_workers
    chunk = seq_len // NBUF

    ids_flat = input_ids.reshape(n_rows).astype(jnp.int32)
    emb = _emb_kernel(
        n_rows, hidden, seq_len, rows_per_w, chunk, info.num_cores
    )
    out = emb(ids_flat, tokens_embedding, position_embedding)
    return out.reshape(batch, seq_len, hidden)

# --- scband reference (transcript-rebuilt; emitter-appended) ---
"""Pipeline reference for scband-siglip-text-embedding-30640296690365 (READ-ONLY COPY).

The authoritative reference and input builder live on the scoring server;
editing this copy changes nothing except your own understanding.
"""

import jax, jax.numpy as jnp
import numpy as np

VOCAB_SIZE = 100000
HIDDEN_SIZE = 768
MAX_POSITIONS = 64
BATCH = 4096
SEQ_LEN = 64


def setup_inputs(seed: int = 0) -> dict:
    key = jax.random.key(seed)
    k1, k2, k3 = jax.random.split(key, 3)
    input_ids = jax.random.randint(k1, (BATCH, SEQ_LEN), 0, VOCAB_SIZE, dtype=jnp.int64 if jax.config.jax_enable_x64 else jnp.int32)
    tokens_embedding = jax.random.normal(k2, (VOCAB_SIZE, HIDDEN_SIZE), dtype=jnp.float32) * 0.02
    position_embedding = jax.random.normal(k3, (MAX_POSITIONS, HIDDEN_SIZE), dtype=jnp.float32) * 0.02
    return {"input_ids": input_ids, "tokens_embedding": tokens_embedding, "position_embedding": position_embedding}


def reference(input_ids, tokens_embedding, position_embedding):
    seq_len = input_ids.shape[-1]
    # position_ids = registered buffer arange(max_positions)[None, :seq_len]
    position_ids = jnp.arange(seq_len)[None, :]
    input_embeds = jnp.take(tokens_embedding, input_ids, axis=0)
    position_embeds = jnp.take(position_embedding, position_ids, axis=0)
    return input_embeds + position_embeds

if __name__ == "__main__":
    import jax
    _d = setup_inputs()
    print(jax.jit(kernel)(*tuple(_d.values())))

</pallas_src>

<mosaic_0001>
#map = affine_map<(d0, d1) -> (0)>
#map1 = affine_map<(d0, d1) -> (0, 0)>
module attributes {stable_mosaic.version = 14 : i64} {
  func.func @emb(%arg0: i32, %arg1: i32, %arg2: memref<262144xi32, #tpu.memory_space<hbm>>, %arg3: memref<100000x768xf32, #tpu.memory_space<hbm>>, %arg4: memref<64x768xf32, #tpu.memory_space<hbm>>, %arg5: memref<262144x768xf32, #tpu.memory_space<hbm>>, %arg6: memref<8192xi32, #tpu.memory_space<vmem>>, %arg7: memref<64x768xf32, #tpu.memory_space<vmem>>, %arg8: memref<16x768xf32, #tpu.memory_space<vmem>>, %arg9: memref<16x768xf32, #tpu.memory_space<vmem>>, %arg10: memref<16x768xf32, #tpu.memory_space<vmem>>, %arg11: memref<16x768xf32, #tpu.memory_space<vmem>>, %arg12: memref<!tpu.dma_semaphore, #tpu.memory_space<semaphore_mem>>, %arg13: memref<!tpu.dma_semaphore, #tpu.memory_space<semaphore_mem>>, %arg14: memref<!tpu.dma_semaphore, #tpu.memory_space<semaphore_mem>>, %arg15: memref<!tpu.dma_semaphore, #tpu.memory_space<semaphore_mem>>, %arg16: memref<!tpu.dma_semaphore, #tpu.memory_space<semaphore_mem>>, %arg17: memref<!tpu.dma_semaphore, #tpu.memory_space<semaphore_mem>>, %arg18: memref<!tpu.dma_semaphore, #tpu.memory_space<semaphore_mem>>, %arg19: memref<!tpu.dma_semaphore, #tpu.memory_space<semaphore_mem>>) attributes {dimension_semantics = [#tpu.dimension_semantics<core_parallel>, #tpu.dimension_semantics<subcore_parallel>], iteration_bounds = array<i64: 2, 16>, scalar_prefetch = 0 : i64, scratch_operands = 14 : i64, tpu.core_type = #tpu.core_type<sc_vector_subcore>, window_params = [{transform_indices = #map}, {transform_indices = #map1}, {transform_indices = #map1}, {transform_indices = #map1}]} {
    %mul3A = arith.constant 2 : i32
    %mul3A_0 = arith.muli %arg1, %mul3A : i32
    %add3A = arith.addi %mul3A_0, %arg0 : i32
    %mul3A_1 = arith.constant 8192 : i32
    %mul3A_2 = arith.muli %add3A, %mul3A_1 : i32
    "tpu.region"() ({
      %run_scoped3A = tpu.sem_alloc : memref<!tpu.dma_semaphore, #tpu.memory_space<semaphore_mem>>
      %dma_start3A_37 = tpu.memref_slice %arg2[%mul3A_2] : memref<262144xi32, #tpu.memory_space<hbm>> -> memref<8192xi32, #tpu.memory_space<hbm>>
      %dma_start3A_38 = tpu.memref_slice %arg2[%mul3A_2] : memref<262144xi32, #tpu.memory_space<hbm>> -> memref<8192xi32, #tpu.memory_space<hbm>>
      tpu.enqueue_dma source(%dma_start3A_38 : memref<8192xi32, #tpu.memory_space<hbm>>) target(%arg6 : memref<8192xi32, #tpu.memory_space<vmem>>) target_semaphore(%run_scoped3A : memref<!tpu.dma_semaphore, #tpu.memory_space<semaphore_mem>>)
      %dma_wait3A_39 = tpu.memref_slice %arg2[%mul3A_2] : memref<262144xi32, #tpu.memory_space<hbm>> -> memref<8192xi32, #tpu.memory_space<hbm>>
      %dma_wait3A_40 = tpu.memref_slice %arg2[%mul3A_2] : memref<262144xi32, #tpu.memory_space<hbm>> -> memref<8192xi32, #tpu.memory_space<hbm>>
      tpu.wait_dma2 semaphore(%run_scoped3A : memref<!tpu.dma_semaphore, #tpu.memory_space<semaphore_mem>>) src(%dma_wait3A_40 : memref<8192xi32, #tpu.memory_space<hbm>>) dst(%arg6 : memref<8192xi32, #tpu.memory_space<vmem>>)
      tpu.yield
    }) : () -> ()
    "tpu.region"() ({
      %run_scoped3A = tpu.sem_alloc : memref<!tpu.dma_semaphore, #tpu.memory_space<semaphore_mem>>
      tpu.enqueue_dma source(%arg4 : memref<64x768xf32, #tpu.memory_space<hbm>>) target(%arg7 : memref<64x768xf32, #tpu.memory_space<vmem>>) target_semaphore(%run_scoped3A : memref<!tpu.dma_semaphore, #tpu.memory_space<semaphore_mem>>)
      tpu.wait_dma2 semaphore(%run_scoped3A : memref<!tpu.dma_semaphore, #tpu.memory_space<semaphore_mem>>) src(%arg4 : memref<64x768xf32, #tpu.memory_space<hbm>>) dst(%arg7 : memref<64x768xf32, #tpu.memory_space<vmem>>)
      tpu.yield
    }) : () -> ()
    %dma_start3A = arith.constant 0 : i32
    %dma_start3A_3 = tpu.memref_slice %arg6[%dma_start3A] : memref<8192xi32, #tpu.memory_space<vmem>> -> memref<16xi32, #tpu.memory_space<vmem>>
    %dma_start3A_4 = arith.constant 0 : i32
    %dma_start3A_5 = arith.constant 0 : i32
    %dma_start3A_6 = tpu.memref_slice %arg3[%dma_start3A_4, %dma_start3A_5] : memref<100000x768xf32, #tpu.memory_space<hbm>> -> memref<100000x768xf32, #tpu.memory_space<hbm>>
    tpu.enqueue_indirect_dma source(%dma_start3A_6 : memref<100000x768xf32, #tpu.memory_space<hbm>>) target(%arg8 : memref<16x768xf32, #tpu.memory_space<vmem>>) offsets(%dma_start3A_3 : memref<16xi32, #tpu.memory_space<vmem>>) semaphore(%arg12 : memref<!tpu.dma_semaphore, #tpu.memory_space<semaphore_mem>>)
    %dma_start3A_7 = arith.constant 16 : i32
    %dma_start3A_8 = tpu.memref_slice %arg6[%dma_start3A_7] : memref<8192xi32, #tpu.memory_space<vmem>> -> memref<16xi32, #tpu.memory_space<vmem>>
    %dma_start3A_9 = arith.constant 0 : i32
    %dma_start3A_10 = arith.constant 0 : i32
    %dma_start3A_11 = tpu.memref_slice %arg3[%dma_start3A_9, %dma_start3A_10] : memref<100000x768xf32, #tpu.memory_space<hbm>> -> memref<100000x768xf32, #tpu.memory_space<hbm>>
    tpu.enqueue_indirect_dma source(%dma_start3A_11 : memref<100000x768xf32, #tpu.memory_space<hbm>>) target(%arg9 : memref<16x768xf32, #tpu.memory_space<vmem>>) offsets(%dma_start3A_8 : memref<16xi32, #tpu.memory_space<vmem>>) semaphore(%arg13 : memref<!tpu.dma_semaphore, #tpu.memory_space<semaphore_mem>>)
    %dma_start3A_12 = arith.constant 32 : i32
    %dma_start3A_13 = tpu.memref_slice %arg6[%dma_start3A_12] : memref<8192xi32, #tpu.memory_space<vmem>> -> memref<16xi32, #tpu.memory_space<vmem>>
    %dma_start3A_14 = arith.constant 0 : i32
    %dma_start3A_15 = arith.constant 0 : i32
    %dma_start3A_16 = tpu.memref_slice %arg3[%dma_start3A_14, %dma_start3A_15] : memref<100000x768xf32, #tpu.memory_space<hbm>> -> memref<100000x768xf32, #tpu.memory_space<hbm>>
    tpu.enqueue_indirect_dma source(%dma_start3A_16 : memref<100000x768xf32, #tpu.memory_space<hbm>>) target(%arg10 : memref<16x768xf32, #tpu.memory_space<vmem>>) offsets(%dma_start3A_13 : memref<16xi32, #tpu.memory_space<vmem>>) semaphore(%arg14 : memref<!tpu.dma_semaphore, #tpu.memory_space<semaphore_mem>>)
    %scan3A = arith.constant 0 : i32
    %scan3A_17 = arith.constant 0 : i32
    %scan3A_18 = arith.constant 128 : i32
    %scan3A_19 = arith.addi %scan3A_17, %scan3A_18 : i32
    %scan3A_20 = arith.constant 1 : i32
    scf.for %scan3A_37 = %scan3A_17 to %scan3A_19 step %scan3A_20  : i32 {
      %mul3A_38 = arith.constant 4 : i32
      %mul3A_39 = arith.muli %mul3A_38, %scan3A_37 : i32
      %add3A_40 = arith.constant 0 : i32
      %add3A_41 = arith.addi %mul3A_39, %add3A_40 : i32
      %dma_wait3A_42 = arith.constant 0 : i32
      %dma_wait3A_43 = tpu.memref_slice %arg6[%dma_wait3A_42] : memref<8192xi32, #tpu.memory_space<vmem>> -> memref<16xi32, #tpu.memory_space<vmem>>
      %dma_wait3A_44 = arith.constant 0 : i32
      %dma_wait3A_45 = arith.constant 0 : i32
      %dma_wait3A_46 = tpu.memref_slice %arg3[%dma_wait3A_44, %dma_wait3A_45] : memref<100000x768xf32, #tpu.memory_space<hbm>> -> memref<100000x768xf32, #tpu.memory_space<hbm>>
      tpu.wait_indirect_dma semaphore(%arg12 : memref<!tpu.dma_semaphore, #tpu.memory_space<semaphore_mem>>) src(%dma_wait3A_46 : memref<100000x768xf32, #tpu.memory_space<hbm>>) dst(%arg8 : memref<16x768xf32, #tpu.memory_space<vmem>>)
      %parallel_loop3A = arith.constant 0 : i32
      %parallel_loop3A_47 = arith.constant 16 : i32
      %parallel_loop3A_48 = arith.constant 1 : i32
      scf.for %parallel_loop3A_182 = %parallel_loop3A to %parallel_loop3A_47 step %parallel_loop3A_48  : i32 {
        %parallel_loop3A_183 = arith.constant 0 : i32
        %parallel_loop3A_184 = arith.addi %parallel_loop3A_183, %parallel_loop3A_182 : i32
        %parallel_loop3A_185 = arith.index_cast %parallel_loop3A_184 : i32 to index
        %parallel_loop3A_186 = arith.constant 0 : index
        %parallel_loop3A_187 = tpu.vector_load %arg7[%parallel_loop3A_185, %parallel_loop3A_186] {strides = array<i32>} : memref<64x768xf32, #tpu.memory_space<vmem>>, vector<1x16xf32>,
        %parallel_loop3A_188 = vector.shape_cast %parallel_loop3A_187 : vector<1x16xf32> to vector<16xf32>
        %parallel_loop3A_189 = arith.index_cast %parallel_loop3A_182 : i32 to index
        %parallel_loop3A_190 = arith.constant 0 : index
        %parallel_loop3A_191 = tpu.vector_load %arg8[%parallel_loop3A_189, %parallel_loop3A_190] {strides = array<i32>} : memref<16x768xf32, #tpu.memory_space<vmem>>, vector<1x16xf32>,
        %parallel_loop3A_192 = vector.shape_cast %parallel_loop3A_191 : vector<1x16xf32> to vector<16xf32>
        %parallel_loop3A_193 = vector.shape_cast %parallel_loop3A_188 : vector<16xf32> to vector<1x16xf32>
        tpu.vector_store %arg8[%parallel_loop3A_189, %parallel_loop3A_190], %parallel_loop3A_193 {add = true, strides = array<i32>} : memref<16x768xf32, #tpu.memory_space<vmem>>, vector<1x16xf32>,
        %parallel_loop3A_194 = arith.index_cast %parallel_loop3A_184 : i32 to index
        %parallel_loop3A_195 = arith.constant 16 : index
        %parallel_loop3A_196 = tpu.vector_load %arg7[%parallel_loop3A_194, %parallel_loop3A_195] {strides = array<i32>} : memref<64x768xf32, #tpu.memory_space<vmem>>, vector<1x16xf32>,
        %parallel_loop3A_197 = vector.shape_cast %parallel_loop3A_196 : vector<1x16xf32> to vector<16xf32>
        %parallel_loop3A_198 = arith.index_cast %parallel_loop3A_182 : i32 to index
        %parallel_loop3A_199 = arith.constant 16 : index
        %parallel_loop3A_200 = tpu.vector_load %arg8[%parallel_loop3A_198, %parallel_loop3A_199] {strides = array<i32>} : memref<16x768xf32, #tpu.memory_space<vmem>>, vector<1x16xf32>,
        %parallel_loop3A_201 = vector.shape_cast %parallel_loop3A_200 : vector<1x16xf32> to vector<16xf32>
        %parallel_loop3A_202 = vector.shape_cast %parallel_loop3A_197 : vector<16xf32> to vector<1x16xf32>
        tpu.vector_store %arg8[%parallel_loop3A_198, %parallel_loop3A_199], %parallel_loop3A_202 {add = true, strides = array<i32>} : memref<16x768xf32, #tpu.memory_space<vmem>>, vector<1x16xf32>,
        %parallel_loop3A_203 = arith.index_cast %parallel_loop3A_184 : i32 to index
        %parallel_loop3A_204 = arith.constant 32 : index
        %parallel_loop3A_205 = tpu.vector_load %arg7[%parallel_loop3A_203, %parallel_loop3A_204] {strides = array<i32>} : memref<64x768xf32, #tpu.memory_space<vmem>>, vector<1x16xf32>,
        %parallel_loop3A_206 = vector.shape_cast %parallel_loop3A_205 : vector<1x16xf32> to vector<16xf32>
        %parallel_loop3A_207 = arith.index_cast %parallel_loop3A_182 : i32 to index
        %parallel_loop3A_208 = arith.constant 32 : index
        %parallel_loop3A_209 = tpu.vector_load %arg8[%parallel_loop3A_207, %parallel_loop3A_208] {strides = array<i32>} : memref<16x768xf32, #tpu.memory_space<vmem>>, vector<1x16xf32>,
        %parallel_loop3A_210 = vector.shape_cast %parallel_loop3A_209 : vector<1x16xf32> to vector<16xf32>
        %parallel_loop3A_211 = vector.shape_cast %parallel_loop3A_206 : vector<16xf32> to vector<1x16xf32>
        tpu.vector_store %arg8[%parallel_loop3A_207, %parallel_loop3A_208], %parallel_loop3A_211 {add = true, strides = array<i32>} : memref<16x768xf32, #tpu.memory_space<vmem>>, vector<1x16xf32>,
        %parallel_loop3A_212 = arith.index_cast %parallel_loop3A_184 : i32 to index
        %parallel_loop3A_213 = arith.constant 48 : index
        %parallel_loop3A_214 = tpu.vector_load %arg7[%parallel_loop3A_212, %parallel_loop3A_213] {strides = array<i32>} : memref<64x768xf32, #tpu.memory_space<vmem>>, vector<1x16xf32>,
        %parallel_loop3A_215 = vector.shape_cast %parallel_loop3A_214 : vector<1x16xf32> to vector<16xf32>
        %parallel_loop3A_216 = arith.index_cast %parallel_loop3A_182 : i32 to index
        %parallel_loop3A_217 = arith.constant 48 : index
        %parallel_loop3A_218 = tpu.vector_load %arg8[%parallel_loop3A_216, %parallel_loop3A_217] {strides = array<i32>} : memref<16x768xf32, #tpu.memory_space<vmem>>, vector<1x16xf32>,
        %parallel_loop3A_219 = vector.shape_cast %parallel_loop3A_218 : vector<1x16xf32> to vector<16xf32>
        %parallel_loop3A_220 = vector.shape_cast %parallel_loop3A_215 : vector<16xf32> to vector<1x16xf32>
        tpu.vector_store %arg8[%parallel_loop3A_216, %parallel_loop3A_217], %parallel_loop3A_220 {add = true, strides = array<i32>} : memref<16x768xf32, #tpu.memory_space<vmem>>, vector<1x16xf32>,
        %parallel_loop3A_221 = arith.index_cast %parallel_loop3A_184 : i32 to index
        %parallel_loop3A_222 = arith.constant 64 : index
        %parallel_loop3A_223 = tpu.vector_load %arg7[%parallel_loop3A_221, %parallel_loop3A_222] {strides = array<i32>} : memref<64x768xf32, #tpu.memory_space<vmem>>, vector<1x16xf32>,
        %parallel_loop3A_224 = vector.shape_cast %parallel_loop3A_223 : vector<1x16xf32> to vector<16xf32>
        %parallel_loop3A_225 = arith.index_cast %parallel_loop3A_182 : i32 to index
        %parallel_loop3A_226 = arith.constant 64 : index
        %parallel_loop3A_227 = tpu.vector_load %arg8[%parallel_loop3A_225, %parallel_loop3A_226] {strides = array<i32>} : memref<16x768xf32, #tpu.memory_space<vmem>>, vector<1x16xf32>,
        %parallel_loop3A_228 = vector.shape_cast %parallel_loop3A_227 : vector<1x16xf32> to vector<16xf32>
        %parallel_loop3A_229 = vector.shape_cast %parallel_loop3A_224 : vector<16xf32> to vector<1x16xf32>
        tpu.vector_store %arg8[%parallel_loop3A_225, %parallel_loop3A_226], %parallel_loop3A_229 {add = true, strides = array<i32>} : memref<16x768xf32, #tpu.memory_space<vmem>>, vector<1x16xf32>,
        %parallel_loop3A_230 = arith.index_cast %parallel_loop3A_184 : i32 to index
        %parallel_loop3A_231 = arith.constant 80 : index
        %parallel_loop3A_232 = tpu.vector_load %arg7[%parallel_loop3A_230, %parallel_loop3A_231] {strides = array<i32>} : memref<64x768xf32, #tpu.memory_space<vmem>>, vector<1x16xf32>,
        %parallel_loop3A_233 = vector.shape_cast %parallel_loop3A_232 : vector<1x16xf32> to vector<16xf32>
        %parallel_loop3A_234 = arith.index_cast %parallel_loop3A_182 : i32 to index
        %parallel_loop3A_235 = arith.constant 80 : index
        %parallel_loop3A_236 = tpu.vector_load %arg8[%parallel_loop3A_234, %parallel_loop3A_235] {strides = array<i32>} : memref<16x768xf32, #tpu.memory_space<vmem>>, vector<1x16xf32>,
        %parallel_loop3A_237 = vector.shape_cast %parallel_loop3A_236 : vector<1x16xf32> to vector<16xf32>
        %parallel_loop3A_238 = vector.shape_cast %parallel_loop3A_233 : vector<16xf32> to vector<1x16xf32>
        tpu.vector_store %arg8[%parallel_loop3A_234, %parallel_loop3A_235], %parallel_loop3A_238 {add = true, strides = array<i32>} : memref<16x768xf32, #tpu.memory_space<vmem>>, vector<1x16xf32>,
        %parallel_loop3A_239 = arith.index_cast %parallel_loop3A_184 : i32 to index
        %parallel_loop3A_240 = arith.constant 96 : index
        %parallel_loop3A_241 = tpu.vector_load %arg7[%parallel_loop3A_239, %parallel_loop3A_240] {strides = array<i32>} : memref<64x768xf32, #tpu.memory_space<vmem>>, vector<1x16xf32>,
        %parallel_loop3A_242 = vector.shape_cast %parallel_loop3A_241 : vector<1x16xf32> to vector<16xf32>
        %parallel_loop3A_243 = arith.index_cast %parallel_loop3A_182 : i32 to index
        %parallel_loop3A_244 = arith.constant 96 : index
        %parallel_loop3A_245 = tpu.vector_load %arg8[%parallel_loop3A_243, %parallel_loop3A_244] {strides = array<i32>} : memref<16x768xf32, #tpu.memory_space<vmem>>, vector<1x16xf32>,
        %parallel_loop3A_246 = vector.shape_cast %parallel_loop3A_245 : vector<1x16xf32> to vector<16xf32>
        %parallel_loop3A_247 = vector.shape_cast %parallel_loop3A_242 : vector<16xf32> to vector<1x16xf32>
        tpu.vector_store %arg8[%parallel_loop3A_243, %parallel_loop3A_244], %parallel_loop3A_247 {add = true, strides = array<i32>} : memref<16x768xf32, #tpu.memory_space<vmem>>, vector<1x16xf32>,
        %parallel_loop3A_248 = arith.index_cast %parallel_loop3A_184 : i32 to index
        %parallel_loop3A_249 = arith.constant 112 : index
        %parallel_loop3A_250 = tpu.vector_load %arg7[%parallel_loop3A_248, %parallel_loop3A_249] {strides = array<i32>} : memref<64x768xf32, #tpu.memory_space<vmem>>, vector<1x16xf32>,
        %parallel_loop3A_251 = vector.shape_cast %parallel_loop3A_250 : vector<1x16xf32> to vector<16xf32>
        %parallel_loop3A_252 = arith.index_cast %parallel_loop3A_182 : i32 to index
        %parallel_loop3A_253 = arith.constant 112 : index
        %parallel_loop3A_254 = tpu.vector_load %arg8[%parallel_loop3A_252, %parallel_loop3A_253] {strides = array<i32>} : memref<16x768xf32, #tpu.memory_space<vmem>>, vector<1x16xf32>,
        %parallel_loop3A_255 = vector.shape_cast %parallel_loop3A_254 : vector<1x16xf32> to vector<16xf32>
        %parallel_loop3A_256 = vector.shape_cast %parallel_loop3A_251 : vector<16xf32> to vector<1x16xf32>
        tpu.vector_store %arg8[%parallel_loop3A_252, %parallel_loop3A_253], %parallel_loop3A_256 {add = true, strides = array<i32>} : memref<16x768xf32, #tpu.memory_space<vmem>>, vector<1x16xf32>,
        %parallel_loop3A_257 = arith.index_cast %parallel_loop3A_184 : i32 to index
        %parallel_loop3A_258 = arith.constant 128 : index
        %parallel_loop3A_259 = tpu.vector_load %arg7[%parallel_loop3A_257, %parallel_loop3A_258] {strides = array<i32>} : memref<64x768xf32, #tpu.memory_space<vmem>>, vector<1x16xf32>,
        %parallel_loop3A_260 = vector.shape_cast %parallel_loop3A_259 : vector<1x16xf32> to vector<16xf32>
        %parallel_loop3A_261 = arith.index_cast %parallel_loop3A_182 : i32 to index
        %parallel_loop3A_262 = arith.constant 128 : index
        %parallel_loop3A_263 = tpu.vector_load %arg8[%parallel_loop3A_261, %parallel_loop3A_262] {strides = array<i32>} : memref<16x768xf32, #tpu.memory_space<vmem>>, vector<1x16xf32>,
        %parallel_loop3A_264 = vector.shape_cast %parallel_loop3A_263 : vector<1x16xf32> to vector<16xf32>
        %parallel_loop3A_265 = vector.shape_cast %parallel_loop3A_260 : vector<16xf32> to vector<1x16xf32>
        tpu.vector_store %arg8[%parallel_loop3A_261, %parallel_loop3A_262], %parallel_loop3A_265 {add = true, strides = array<i32>} : memref<16x768xf32, #tpu.memory_space<vmem>>, vector<1x16xf32>,
        %parallel_loop3A_266 = arith.index_cast %parallel_loop3A_184 : i32 to index
        %parallel_loop3A_267 = arith.constant 144 : index
        %parallel_loop3A_268 = tpu.vector_load %arg7[%parallel_loop3A_266, %parallel_loop3A_267] {strides = array<i32>} : memref<64x768xf32, #tpu.memory_space<vmem>>, vector<1x16xf32>,
        %parallel_loop3A_269 = vector.shape_cast %parallel_loop3A_268 : vector<1x16xf32> to vector<16xf32>
        %parallel_loop3A_270 = arith.index_cast %parallel_loop3A_182 : i32 to index
        %parallel_loop3A_271 = arith.constant 144 : index
        %parallel_loop3A_272 = tpu.vector_load %arg8[%parallel_loop3A_270, %parallel_loop3A_271] {strides = array<i32>} : memref<16x768xf32, #tpu.memory_space<vmem>>, vector<1x16xf32>,
        %parallel_loop3A_273 = vector.shape_cast %parallel_loop3A_272 : vector<1x16xf32> to vector<16xf32>
        %parallel_loop3A_274 = vector.shape_cast %parallel_loop3A_269 : vector<16xf32> to vector<1x16xf32>
        tpu.vector_store %arg8[%parallel_loop3A_270, %parallel_loop3A_271], %parallel_loop3A_274 {add = true, strides = array<i32>} : memref<16x768xf32, #tpu.memory_space<vmem>>, vector<1x16xf32>,
        %parallel_loop3A_275 = arith.index_cast %parallel_loop3A_184 : i32 to index
        %parallel_loop3A_276 = arith.constant 160 : index
        %parallel_loop3A_277 = tpu.vector_load %arg7[%parallel_loop3A_275, %parallel_loop3A_276] {strides = array<i32>} : memref<64x768xf32, #tpu.memory_space<vmem>>, vector<1x16xf32>,
        %parallel_loop3A_278 = vector.shape_cast %parallel_loop3A_277 : vector<1x16xf32> to vector<16xf32>
        %parallel_loop3A_279 = arith.index_cast %parallel_loop3A_182 : i32 to index
        %parallel_loop3A_280 = arith.constant 160 : index
        %parallel_loop3A_281 = tpu.vector_load %arg8[%parallel_loop3A_279, %parallel_loop3A_280] {strides = array<i32>} : memref<16x768xf32, #tpu.memory_space<vmem>>, vector<1x16xf32>,
        %parallel_loop3A_282 = vector.shape_cast %parallel_loop3A_281 : vector<1x16xf32> to vector<16xf32>
        %parallel_loop3A_283 = vector.shape_cast %parallel_loop3A_278 : vector<16xf32> to vector<1x16xf32>
        tpu.vector_store %arg8[%parallel_loop3A_279, %parallel_loop3A_280], %parallel_loop3A_283 {add = true, strides = array<i32>} : memref<16x768xf32, #tpu.memory_space<vmem>>, vector<1x16xf32>,
        %parallel_loop3A_284 = arith.index_cast %parallel_loop3A_184 : i32 to index
        %parallel_loop3A_285 = arith.constant 176 : index
        %parallel_loop3A_286 = tpu.vector_load %arg7[%parallel_loop3A_284, %parallel_loop3A_285] {strides = array<i32>} : memref<64x768xf32, #tpu.memory_space<vmem>>, vector<1x16xf32>,
        %parallel_loop3A_287 = vector.shape_cast %parallel_loop3A_286 : vector<1x16xf32> to vector<16xf32>
        %parallel_loop3A_288 = arith.index_cast %parallel_loop3A_182 : i32 to index
        %parallel_loop3A_289 = arith.constant 176 : index
        %parallel_loop3A_290 = tpu.vector_load %arg8[%parallel_loop3A_288, %parallel_loop3A_289] {strides = array<i32>} : memref<16x768xf32, #tpu.memory_space<vmem>>, vector<1x16xf32>,
        %parallel_loop3A_291 = vector.shape_cast %parallel_loop3A_290 : vector<1x16xf32> to vector<16xf32>
        %parallel_loop3A_292 = vector.shape_cast %parallel_loop3A_287 : vector<16xf32> to vector<1x16xf32>
        tpu.vector_store %arg8[%parallel_loop3A_288, %parallel_loop3A_289], %parallel_loop3A_292 {add = true, strides = array<i32>} : memref<16x768xf32, #tpu.memory_space<vmem>>, vector<1x16xf32>,
        %parallel_loop3A_293 = arith.index_cast %parallel_loop3A_184 : i32 to index
        %parallel_loop3A_294 = arith.constant 192 : index
        %parallel_loop3A_295 = tpu.vector_load %arg7[%parallel_loop3A_293, %parallel_loop3A_294] {strides = array<i32>} : memref<64x768xf32, #tpu.memory_space<vmem>>, vector<1x16xf32>,
        %parallel_loop3A_296 = vector.shape_cast %parallel_loop3A_295 : vector<1x16xf32> to vector<16xf32>
        %parallel_loop3A_297 = arith.index_cast %parallel_loop3A_182 : i32 to index
        %parallel_loop3A_298 = arith.constant 192 : index
        %parallel_loop3A_299 = tpu.vector_load %arg8[%parallel_loop3A_297, %parallel_loop3A_298] {strides = array<i32>} : memref<16x768xf32, #tpu.memory_space<vmem>>, vector<1x16xf32>,
        %parallel_loop3A_300 = vector.shape_cast %parallel_loop3A_299 : vector<1x16xf32> to vector<16xf32>
        %parallel_loop3A_301 = vector.shape_cast %parallel_loop3A_296 : vector<16xf32> to vector<1x16xf32>
        tpu.vector_store %arg8[%parallel_loop3A_297, %parallel_loop3A_298], %parallel_loop3A_301 {add = true, strides = array<i32>} : memref<16x768xf32, #tpu.memory_space<vmem>>, vector<1x16xf32>,
        %parallel_loop3A_302 = arith.index_cast %parallel_loop3A_184 : i32 to index
        %parallel_loop3A_303 = arith.constant 208 : index
        %parallel_loop3A_304 = tpu.vector_load %arg7[%parallel_loop3A_302, %parallel_loop3A_303] {strides = array<i32>} : memref<64x768xf32, #tpu.memory_space<vmem>>, vector<1x16xf32>,
        %parallel_loop3A_305 = vector.shape_cast %parallel_loop3A_304 : vector<1x16xf32> to vector<16xf32>
        %parallel_loop3A_306 = arith.index_cast %parallel_loop3A_182 : i32 to index
        %parallel_loop3A_307 = arith.constant 208 : index
        %parallel_loop3A_308 = tpu.vector_load %arg8[%parallel_loop3A_306, %parallel_loop3A_307] {strides = array<i32>} : memref<16x768xf32, #tpu.memory_space<vmem>>, vector<1x16xf32>,
        %parallel_loop3A_309 = vector.shape_cast %parallel_loop3A_308 : vector<1x16xf32> to vector<16xf32>
        %parallel_loop3A_310 = vector.shape_cast %parallel_loop3A_305 : vector<16xf32> to vector<1x16xf32>
        tpu.vector_store %arg8[%parallel_loop3A_306, %parallel_loop3A_307], %parallel_loop3A_310 {add = true, strides = array<i32>} : memref<16x768xf32, #tpu.memory_space<vmem>>, vector<1x16xf32>,
        %parallel_loop3A_311 = arith.index_cast %parallel_loop3A_184 : i32 to index
        %parallel_loop3A_312 = arith.constant 224 : index
        %parallel_loop3A_313 = tpu.vector_load %arg7[%parallel_loop3A_311, %parallel_loop3A_312] {strides = array<i32>} : memref<64x768xf32, #tpu.memory_space<vmem>>, vector<1x16xf32>,
        %parallel_loop3A_314 = vector.shape_cast %parallel_loop3A_313 : vector<1x16xf32> to vector<16xf32>
        %parallel_loop3A_315 = arith.index_cast %parallel_loop3A_182 : i32 to index
        %parallel_loop3A_316 = arith.constant 224 : index
        %parallel_loop3A_317 = tpu.vector_load %arg8[%parallel_loop3A_315, %parallel_loop3A_316] {strides = array<i32>} : memref<16x768xf32, #tpu.memory_space<vmem>>, vector<1x16xf32>,
        %parallel_loop3A_318 = vector.shape_cast %parallel_loop3A_317 : vector<1x16xf32> to vector<16xf32>
        %parallel_loop3A_319 = vector.shape_cast %parallel_loop3A_314 : vector<16xf32> to vector<1x16xf32>
        tpu.vector_store %arg8[%parallel_loop3A_315, %parallel_loop3A_316], %parallel_loop3A_319 {add = true, strides = array<i32>} : memref<16x768xf32, #tpu.memory_space<vmem>>, vector<1x16xf32>,
        %parallel_loop3A_320 = arith.index_cast %parallel_loop3A_184 : i32 to index
        %parallel_loop3A_321 = arith.constant 240 : index
        %parallel_loop3A_322 = tpu.vector_load %arg7[%parallel_loop3A_320, %parallel_loop3A_321] {strides = array<i32>} : memref<64x768xf32, #tpu.memory_space<vmem>>, vector<1x16xf32>,
        %parallel_loop3A_323 = vector.shape_cast %parallel_loop3A_322 : vector<1x16xf32> to vector<16xf32>
        %parallel_loop3A_324 = arith.index_cast %parallel_loop3A_182 : i32 to index
        %parallel_loop3A_325 = arith.constant 240 : index
        %parallel_loop3A_326 = tpu.vector_load %arg8[%parallel_loop3A_324, %parallel_loop3A_325] {strides = array<i32>} : memref<16x768xf32, #tpu.memory_space<vmem>>, vector<1x16xf32>,
        %parallel_loop3A_327 = vector.shape_cast %parallel_loop3A_326 : vector<1x16xf32> to vector<16xf32>
        %parallel_loop3A_328 = vector.shape_cast %parallel_loop3A_323 : vector<16xf32> to vector<1x16xf32>
        tpu.vector_store %arg8[%parallel_loop3A_324, %parallel_loop3A_325], %parallel_loop3A_328 {add = true, strides = array<i32>} : memref<16x768xf32, #tpu.memory_space<vmem>>, vector<1x16xf32>,
        %parallel_loop3A_329 = arith.index_cast %parallel_loop3A_184 : i32 to index
        %parallel_loop3A_330 = arith.constant 256 : index
        %parallel_loop3A_331 = tpu.vector_load %arg7[%parallel_loop3A_329, %parallel_loop3A_330] {strides = array<i32>} : memref<64x768xf32, #tpu.memory_space<vmem>>, vector<1x16xf32>,
        %parallel_loop3A_332 = vector.shape_cast %parallel_loop3A_331 : vector<1x16xf32> to vector<16xf32>
        %parallel_loop3A_333 = arith.index_cast %parallel_loop3A_182 : i32 to index
        %parallel_loop3A_334 = arith.constant 256 : index
        %parallel_loop3A_335 = tpu.vector_load %arg8[%parallel_loop3A_333, %parallel_loop3A_334] {strides = array<i32>} : memref<16x768xf32, #tpu.memory_space<vmem>>, vector<1x16xf32>,
        %parallel_loop3A_336 = vector.shape_cast %parallel_loop3A_335 : vector<1x16xf32> to vector<16xf32>
        %parallel_loop3A_337 = vector.shape_cast %parallel_loop3A_332 : vector<16xf32> to vector<1x16xf32>
        tpu.vector_store %arg8[%parallel_loop3A_333, %parallel_loop3A_334], %parallel_loop3A_337 {add = true, strides = array<i32>} : memref<16x768xf32, #tpu.memory_space<vmem>>, vector<1x16xf32>,
        %parallel_loop3A_338 = arith.index_cast %parallel_loop3A_184 : i32 to index
        %parallel_loop3A_339 = arith.constant 272 : index
        %parallel_loop3A_340 = tpu.vector_load %arg7[%parallel_loop3A_338, %parallel_loop3A_339] {strides = array<i32>} : memref<64x768xf32, #tpu.memory_space<vmem>>, vector<1x16xf32>,
        %parallel_loop3A_341 = vector.shape_cast %parallel_loop3A_340 : vector<1x16xf32> to vector<16xf32>
        %parallel_loop3A_342 = arith.index_cast %parallel_loop3A_182 : i32 to index
        %parallel_loop3A_343 = arith.constant 272 : index
        %parallel_loop3A_344 = tpu.vector_load %arg8[%parallel_loop3A_342, %parallel_loop3A_343] {strides = array<i32>} : memref<16x768xf32, #tpu.memory_space<vmem>>, vector<1x16xf32>,
        %parallel_loop3A_345 = vector.shape_cast %parallel_loop3A_344 : vector<1x16xf32> to vector<16xf32>
        %parallel_loop3A_346 = vector.shape_cast %parallel_loop3A_341 : vector<16xf32> to vector<1x16xf32>
        tpu.vector_store %arg8[%parallel_loop3A_342, %parallel_loop3A_343], %parallel_loop3A_346 {add = true, strides = array<i32>} : memref<16x768xf32, #tpu.memory_space<vmem>>, vector<1x16xf32>,
        %parallel_loop3A_347 = arith.index_cast %parallel_loop3A_184 : i32 to index
        %parallel_loop3A_348 = arith.constant 288 : index
        %parallel_loop3A_349 = tpu.vector_load %arg7[%parallel_loop3A_347, %parallel_loop3A_348] {strides = array<i32>} : memref<64x768xf32, #tpu.memory_space<vmem>>, vector<1x16xf32>,
        %parallel_loop3A_350 = vector.shape_cast %parallel_loop3A_349 : vector<1x16xf32> to vector<16xf32>
        %parallel_loop3A_351 = arith.index_cast %parallel_loop3A_182 : i32 to index
        %parallel_loop3A_352 = arith.constant 288 : index
        %parallel_loop3A_353 = tpu.vector_load %arg8[%parallel_loop3A_351, %parallel_loop3A_352] {strides = array<i32>} : memref<16x768xf32, #tpu.memory_space<vmem>>, vector<1x16xf32>,
        %parallel_loop3A_354 = vector.shape_cast %parallel_loop3A_353 : vector<1x16xf32> to vector<16xf32>
        %parallel_loop3A_355 = vector.shape_cast %parallel_loop3A_350 : vector<16xf32> to vector<1x16xf32>
        tpu.vector_store %arg8[%parallel_loop3A_351, %parallel_loop3A_352], %parallel_loop3A_355 {add = true, strides = array<i32>} : memref<16x768xf32, #tpu.memory_space<vmem>>, vector<1x16xf32>,
        %parallel_loop3A_356 = arith.index_cast %parallel_loop3A_184 : i32 to index
        %parallel_loop3A_357 = arith.constant 304 : index
        %parallel_loop3A_358 = tpu.vector_load %arg7[%parallel_loop3A_356, %parallel_loop3A_357] {strides = array<i32>} : memref<64x768xf32, #tpu.memory_space<vmem>>, vector<1x16xf32>,
        %parallel_loop3A_359 = vector.shape_cast %parallel_loop3A_358 : vector<1x16xf32> to vector<16xf32>
        %parallel_loop3A_360 = arith.index_cast %parallel_loop3A_182 : i32 to index
        %parallel_loop3A_361 = arith.constant 304 : index
        %parallel_loop3A_362 = tpu.vector_load %arg8[%parallel_loop3A_360, %parallel_loop3A_361] {strides = array<i32>} : memref<16x768xf32, #tpu.memory_space<vmem>>, vector<1x16xf32>,
        %parallel_loop3A_363 = vector.shape_cast %parallel_loop3A_362 : vector<1x16xf32> to vector<16xf32>
        %parallel_loop3A_364 = vector.shape_cast %parallel_loop3A_359 : vector<16xf32> to vector<1x16xf32>
        tpu.vector_store %arg8[%parallel_loop3A_360, %parallel_loop3A_361], %parallel_loop3A_364 {add = true, strides = array<i32>} : memref<16x768xf32, #tpu.memory_space<vmem>>, vector<1x16xf32>,
        %parallel_loop3A_365 = arith.index_cast %parallel_loop3A_184 : i32 to index
        %parallel_loop3A_366 = arith.constant 320 : index
        %parallel_loop3A_367 = tpu.vector_load %arg7[%parallel_loop3A_365, %parallel_loop3A_366] {strides = array<i32>} : memref<64x768xf32, #tpu.memory_space<vmem>>, vector<1x16xf32>,
        %parallel_loop3A_368 = vector.shape_cast %parallel_loop3A_367 : vector<1x16xf32> to vector<16xf32>
        %parallel_loop3A_369 = arith.index_cast %parallel_loop3A_182 : i32 to index
        %parallel_loop3A_370 = arith.constant 320 : index
        %parallel_loop3A_371 = tpu.vector_load %arg8[%parallel_loop3A_369, %parallel_loop3A_370] {strides = array<i32>} : memref<16x768xf32, #tpu.memory_space<vmem>>, vector<1x16xf32>,
        %parallel_loop3A_372 = vector.shape_cast %parallel_loop3A_371 : vector<1x16xf32> to vector<16xf32>
        %parallel_loop3A_373 = vector.shape_cast %parallel_loop3A_368 : vector<16xf32> to vector<1x16xf32>
        tpu.vector_store %arg8[%parallel_loop3A_369, %parallel_loop3A_370], %parallel_loop3A_373 {add = true, strides = array<i32>} : memref<16x768xf32, #tpu.memory_space<vmem>>, vector<1x16xf32>,
        %parallel_loop3A_374 = arith.index_cast %parallel_loop3A_184 : i32 to index
        %parallel_loop3A_375 = arith.constant 336 : index
        %parallel_loop3A_376 = tpu.vector_load %arg7[%parallel_loop3A_374, %parallel_loop3A_375] {strides = array<i32>} : memref<64x768xf32, #tpu.memory_space<vmem>>, vector<1x16xf32>,
        %parallel_loop3A_377 = vector.shape_cast %parallel_loop3A_376 : vector<1x16xf32> to vector<16xf32>
        %parallel_loop3A_378 = arith.index_cast %parallel_loop3A_182 : i32 to index
        %parallel_loop3A_379 = arith.constant 336 : index
        %parallel_loop3A_380 = tpu.vector_load %arg8[%parallel_loop3A_378, %parallel_loop3A_379] {strides = array<i32>} : memref<16x768xf32, #tpu.memory_space<vmem>>, vector<1x16xf32>,
        %parallel_loop3A_381 = vector.shape_cast %parallel_loop3A_380 : vector<1x16xf32> to vector<16xf32>
        %parallel_loop3A_382 = vector.shape_cast %parallel_loop3A_377 : vector<16xf32> to vector<1x16xf32>
        tpu.vector_store %arg8[%parallel_loop3A_378, %parallel_loop3A_379], %parallel_loop3A_382 {add = true, strides = array<i32>} : memref<16x768xf32, #tpu.memory_space<vmem>>, vector<1x16xf32>,
        %parallel_loop3A_383 = arith.index_cast %parallel_loop3A_184 : i32 to index
        %parallel_loop3A_384 = arith.constant 352 : index
        %parallel_loop3A_385 = tpu.vector_load %arg7[%parallel_loop3A_383, %parallel_loop3A_384] {strides = array<i32>} : memref<64x768xf32, #tpu.memory_space<vmem>>, vector<1x16xf32>,
        %parallel_loop3A_386 = vector.shape_cast %parallel_loop3A_385 : vector<1x16xf32> to vector<16xf32>
        %parallel_loop3A_387 = arith.index_cast %parallel_loop3A_182 : i32 to index
        %parallel_loop3A_388 = arith.constant 352 : index
        %parallel_loop3A_389 = tpu.vector_load %arg8[%parallel_loop3A_387, %parallel_loop3A_388] {strides = array<i32>} : memref<16x768xf32, #tpu.memory_space<vmem>>, vector<1x16xf32>,
        %parallel_loop3A_390 = vector.shape_cast %parallel_loop3A_389 : vector<1x16xf32> to vector<16xf32>
        %parallel_loop3A_391 = vector.shape_cast %parallel_loop3A_386 : vector<16xf32> to vector<1x16xf32>
        tpu.vector_store %arg8[%parallel_loop3A_387, %parallel_loop3A_388], %parallel_loop3A_391 {add = true, strides = array<i32>} : memref<16x768xf32, #tpu.memory_space<vmem>>, vector<1x16xf32>,
        %parallel_loop3A_392 = arith.index_cast %parallel_loop3A_184 : i32 to index
        %parallel_loop3A_393 = arith.constant 368 : index
        %parallel_loop3A_394 = tpu.vector_load %arg7[%parallel_loop3A_392, %parallel_loop3A_393] {strides = array<i32>} : memref<64x768xf32, #tpu.memory_space<vmem>>, vector<1x16xf32>,
        %parallel_loop3A_395 = vector.shape_cast %parallel_loop3A_394 : vector<1x16xf32> to vector<16xf32>
        %parallel_loop3A_396 = arith.index_cast %parallel_loop3A_182 : i32 to index
        %parallel_loop3A_397 = arith.constant 368 : index
        %parallel_loop3A_398 = tpu.vector_load %arg8[%parallel_loop3A_396, %parallel_loop3A_397] {strides = array<i32>} : memref<16x768xf32, #tpu.memory_space<vmem>>, vector<1x16xf32>,
        %parallel_loop3A_399 = vector.shape_cast %parallel_loop3A_398 : vector<1x16xf32> to vector<16xf32>
        %parallel_loop3A_400 = vector.shape_cast %parallel_loop3A_395 : vector<16xf32> to vector<1x16xf32>
        tpu.vector_store %arg8[%parallel_loop3A_396, %parallel_loop3A_397], %parallel_loop3A_400 {add = true, strides = array<i32>} : memref<16x768xf32, #tpu.memory_space<vmem>>, vector<1x16xf32>,
        %parallel_loop3A_401 = arith.index_cast %parallel_loop3A_184 : i32 to index
        %parallel_loop3A_402 = arith.constant 384 : index
        %parallel_loop3A_403 = tpu.vector_load %arg7[%parallel_loop3A_401, %parallel_loop3A_402] {strides = array<i32>} : memref<64x768xf32, #tpu.memory_space<vmem>>, vector<1x16xf32>,
        %parallel_loop3A_404 = vector.shape_cast %parallel_loop3A_403 : vector<1x16xf32> to vector<16xf32>
        %parallel_loop3A_405 = arith.index_cast %parallel_loop3A_182 : i32 to index
        %parallel_loop3A_406 = arith.constant 384 : index
        %parallel_loop3A_407 = tpu.vector_load %arg8[%parallel_loop3A_405, %parallel_loop3A_406] {strides = array<i32>} : memref<16x768xf32, #tpu.memory_space<vmem>>, vector<1x16xf32>,
        %parallel_loop3A_408 = vector.shape_cast %parallel_loop3A_407 : vector<1x16xf32> to vector<16xf32>
        %parallel_loop3A_409 = vector.shape_cast %parallel_loop3A_404 : vector<16xf32> to vector<1x16xf32>
        tpu.vector_store %arg8[%parallel_loop3A_405, %parallel_loop3A_406], %parallel_loop3A_409 {add = true, strides = array<i32>} : memref<16x768xf32, #tpu.memory_space<vmem>>, vector<1x16xf32>,
        %parallel_loop3A_410 = arith.index_cast %parallel_loop3A_184 : i32 to index
        %parallel_loop3A_411 = arith.constant 400 : index
        %parallel_loop3A_412 = tpu.vector_load %arg7[%parallel_loop3A_410, %parallel_loop3A_411] {strides = array<i32>} : memref<64x768xf32, #tpu.memory_space<vmem>>, vector<1x16xf32>,
        %parallel_loop3A_413 = vector.shape_cast %parallel_loop3A_412 : vector<1x16xf32> to vector<16xf32>
        %parallel_loop3A_414 = arith.index_cast %parallel_loop3A_182 : i32 to index
        %parallel_loop3A_415 = arith.constant 400 : index
        %parallel_loop3A_416 = tpu.vector_load %arg8[%parallel_loop3A_414, %parallel_loop3A_415] {strides = array<i32>} : memref<16x768xf32, #tpu.memory_space<vmem>>, vector<1x16xf32>,
        %parallel_loop3A_417 = vector.shape_cast %parallel_loop3A_416 : vector<1x16xf32> to vector<16xf32>
        %parallel_loop3A_418 = vector.shape_cast %parallel_loop3A_413 : vector<16xf32> to vector<1x16xf32>
        tpu.vector_store %arg8[%parallel_loop3A_414, %parallel_loop3A_415], %parallel_loop3A_418 {add = true, strides = array<i32>} : memref<16x768xf32, #tpu.memory_space<vmem>>, vector<1x16xf32>,
        %parallel_loop3A_419 = arith.index_cast %parallel_loop3A_184 : i32 to index
        %parallel_loop3A_420 = arith.constant 416 : index
        %parallel_loop3A_421 = tpu.vector_load %arg7[%parallel_loop3A_419, %parallel_loop3A_420] {strides = array<i32>} : memref<64x768xf32, #tpu.memory_space<vmem>>, vector<1x16xf32>,
        %parallel_loop3A_422 = vector.shape_cast %parallel_loop3A_421 : vector<1x16xf32> to vector<16xf32>
        %parallel_loop3A_423 = arith.index_cast %parallel_loop3A_182 : i32 to index
        %parallel_loop3A_424 = arith.constant 416 : index
        %parallel_loop3A_425 = tpu.vector_load %arg8[%parallel_loop3A_423, %parallel_loop3A_424] {strides = array<i32>} : memref<16x768xf32, #tpu.memory_space<vmem>>, vector<1x16xf32>,
        %parallel_loop3A_426 = vector.shape_cast %parallel_loop3A_425 : vector<1x16xf32> to vector<16xf32>
        %parallel_loop3A_427 = vector.shape_cast %parallel_loop3A_422 : vector<16xf32> to vector<1x16xf32>
        tpu.vector_store %arg8[%parallel_loop3A_423, %parallel_loop3A_424], %parallel_loop3A_427 {add = true, strides = array<i32>} : memref<16x768xf32, #tpu.memory_space<vmem>>, vector<1x16xf32>,
        %parallel_loop3A_428 = arith.index_cast %parallel_loop3A_184 : i32 to index
        %parallel_loop3A_429 = arith.constant 432 : index
        %parallel_loop3A_430 = tpu.vector_load %arg7[%parallel_loop3A_428, %parallel_loop3A_429] {strides = array<i32>} : memref<64x768xf32, #tpu.memory_space<vmem>>, vector<1x16xf32>,
        %parallel_loop3A_431 = vector.shape_cast %parallel_loop3A_430 : vector<1x16xf32> to vector<16xf32>
        %parallel_loop3A_432 = arith.index_cast %parallel_loop3A_182 : i32 to index
        %parallel_loop3A_433 = arith.constant 432 : index
        %parallel_loop3A_434 = tpu.vector_load %arg8[%parallel_loop3A_432, %parallel_loop3A_433] {strides = array<i32>} : memref<16x768xf32, #tpu.memory_space<vmem>>, vector<1x16xf32>,
        %parallel_loop3A_435 = vector.shape_cast %parallel_loop3A_434 : vector<1x16xf32> to vector<16xf32>
        %parallel_loop3A_436 = vector.shape_cast %parallel_loop3A_431 : vector<16xf32> to vector<1x16xf32>
        tpu.vector_store %arg8[%parallel_loop3A_432, %parallel_loop3A_433], %parallel_loop3A_436 {add = true, strides = array<i32>} : memref<16x768xf32, #tpu.memory_space<vmem>>, vector<1x16xf32>,
        %parallel_loop3A_437 = arith.index_cast %parallel_loop3A_184 : i32 to index
        %parallel_loop3A_438 = arith.constant 448 : index
        %parallel_loop3A_439 = tpu.vector_load %arg7[%parallel_loop3A_437, %parallel_loop3A_438] {strides = array<i32>} : memref<64x768xf32, #tpu.memory_space<vmem>>, vector<1x16xf32>,
        %parallel_loop3A_440 = vector.shape_cast %parallel_loop3A_439 : vector<1x16xf32> to vector<16xf32>
        %parallel_loop3A_441 = arith.index_cast %parallel_loop3A_182 : i32 to index
        %parallel_loop3A_442 = arith.constant 448 : index
        %parallel_loop3A_443 = tpu.vector_load %arg8[%parallel_loop3A_441, %parallel_loop3A_442] {strides = array<i32>} : memref<16x768xf32, #tpu.memory_space<vmem>>, vector<1x16xf32>,
        %parallel_loop3A_444 = vector.shape_cast %parallel_loop3A_443 : vector<1x16xf32> to vector<16xf32>
        %parallel_loop3A_445 = vector.shape_cast %parallel_loop3A_440 : vector<16xf32> to vector<1x16xf32>
        tpu.vector_store %arg8[%parallel_loop3A_441, %parallel_loop3A_442], %parallel_loop3A_445 {add = true, strides = array<i32>} : memref<16x768xf32, #tpu.memory_space<vmem>>, vector<1x16xf32>,
        %parallel_loop3A_446 = arith.index_cast %parallel_loop3A_184 : i32 to index
        %parallel_loop3A_447 = arith.constant 464 : index
        %parallel_loop3A_448 = tpu.vector_load %arg7[%parallel_loop3A_446, %parallel_loop3A_447] {strides = array<i32>} : memref<64x768xf32, #tpu.memory_space<vmem>>, vector<1x16xf32>,
        %parallel_loop3A_449 = vector.shape_cast %parallel_loop3A_448 : vector<1x16xf32> to vector<16xf32>
        %parallel_loop3A_450 = arith.index_cast %parallel_loop3A_182 : i32 to index
        %parallel_loop3A_451 = arith.constant 464 : index
        %parallel_loop3A_452 = tpu.vector_load %arg8[%parallel_loop3A_450, %parallel_loop3A_451] {strides = array<i32>} : memref<16x768xf32, #tpu.memory_space<vmem>>, vector<1x16xf32>,
        %parallel_loop3A_453 = vector.shape_cast %parallel_loop3A_452 : vector<1x16xf32> to vector<16xf32>
        %parallel_loop3A_454 = vector.shape_cast %parallel_loop3A_449 : vector<16xf32> to vector<1x16xf32>
        tpu.vector_store %arg8[%parallel_loop3A_450, %parallel_loop3A_451], %parallel_loop3A_454 {add = true, strides = array<i32>} : memref<16x768xf32, #tpu.memory_space<vmem>>, vector<1x16xf32>,
        %parallel_loop3A_455 = arith.index_cast %parallel_loop3A_184 : i32 to index
        %parallel_loop3A_456 = arith.constant 480 : index
        %parallel_loop3A_457 = tpu.vector_load %arg7[%parallel_loop3A_455, %parallel_loop3A_456] {strides = array<i32>} : memref<64x768xf32, #tpu.memory_space<vmem>>, vector<1x16xf32>,
        %parallel_loop3A_458 = vector.shape_cast %parallel_loop3A_457 : vector<1x16xf32> to vector<16xf32>
        %parallel_loop3A_459 = arith.index_cast %parallel_loop3A_182 : i32 to index
        %parallel_loop3A_460 = arith.constant 480 : index
        %parallel_loop3A_461 = tpu.vector_load %arg8[%parallel_loop3A_459, %parallel_loop3A_460] {strides = array<i32>} : memref<16x768xf32, #tpu.memory_space<vmem>>, vector<1x16xf32>,
        %parallel_loop3A_462 = vector.shape_cast %parallel_loop3A_461 : vector<1x16xf32> to vector<16xf32>
        %parallel_loop3A_463 = vector.shape_cast %parallel_loop3A_458 : vector<16xf32> to vector<1x16xf32>
        tpu.vector_store %arg8[%parallel_loop3A_459, %parallel_loop3A_460], %parallel_loop3A_463 {add = true, strides = array<i32>} : memref<16x768xf32, #tpu.memory_space<vmem>>, vector<1x16xf32>,
        %parallel_loop3A_464 = arith.index_cast %parallel_loop3A_184 : i32 to index
        %parallel_loop3A_465 = arith.constant 496 : index
        %parallel_loop3A_466 = tpu.vector_load %arg7[%parallel_loop3A_464, %parallel_loop3A_465] {strides = array<i32>} : memref<64x768xf32, #tpu.memory_space<vmem>>, vector<1x16xf32>,
        %parallel_loop3A_467 = vector.shape_cast %parallel_loop3A_466 : vector<1x16xf32> to vector<16xf32>
        %parallel_loop3A_468 = arith.index_cast %parallel_loop3A_182 : i32 to index
        %parallel_loop3A_469 = arith.constant 496 : index
        %parallel_loop3A_470 = tpu.vector_load %arg8[%parallel_loop3A_468, %parallel_loop3A_469] {strides = array<i32>} : memref<16x768xf32, #tpu.memory_space<vmem>>, vector<1x16xf32>,
        %parallel_loop3A_471 = vector.shape_cast %parallel_loop3A_470 : vector<1x16xf32> to vector<16xf32>
        %parallel_loop3A_472 = vector.shape_cast %parallel_loop3A_467 : vector<16xf32> to vector<1x16xf32>
        tpu.vector_store %arg8[%parallel_loop3A_468, %parallel_loop3A_469], %parallel_loop3A_472 {add = true, strides = array<i32>} : memref<16x768xf32, #tpu.memory_space<vmem>>, vector<1x16xf32>,
        %parallel_loop3A_473 = arith.index_cast %parallel_loop3A_184 : i32 to index
        %parallel_loop3A_474 = arith.constant 512 : index
        %parallel_loop3A_475 = tpu.vector_load %arg7[%parallel_loop3A_473, %parallel_loop3A_474] {strides = array<i32>} : memref<64x768xf32, #tpu.memory_space<vmem>>, vector<1x16xf32>,
        %parallel_loop3A_476 = vector.shape_cast %parallel_loop3A_475 : vector<1x16xf32> to vector<16xf32>
        %parallel_loop3A_477 = arith.index_cast %parallel_loop3A_182 : i32 to index
        %parallel_loop3A_478 = arith.constant 512 : index
        %parallel_loop3A_479 = tpu.vector_load %arg8[%parallel_loop3A_477, %parallel_loop3A_478] {strides = array<i32>} : memref<16x768xf32, #tpu.memory_space<vmem>>, vector<1x16xf32>,
        %parallel_loop3A_480 = vector.shape_cast %parallel_loop3A_479 : vector<1x16xf32> to vector<16xf32>
        %parallel_loop3A_481 = vector.shape_cast %parallel_loop3A_476 : vector<16xf32> to vector<1x16xf32>
        tpu.vector_store %arg8[%parallel_loop3A_477, %parallel_loop3A_478], %parallel_loop3A_481 {add = true, strides = array<i32>} : memref<16x768xf32, #tpu.memory_space<vmem>>, vector<1x16xf32>,
        %parallel_loop3A_482 = arith.index_cast %parallel_loop3A_184 : i32 to index
        %parallel_loop3A_483 = arith.constant 528 : index
        %parallel_loop3A_484 = tpu.vector_load %arg7[%parallel_loop3A_482, %parallel_loop3A_483] {strides = array<i32>} : memref<64x768xf32, #tpu.memory_space<vmem>>, vector<1x16xf32>,
        %parallel_loop3A_485 = vector.shape_cast %parallel_loop3A_484 : vector<1x16xf32> to vector<16xf32>
        %parallel_loop3A_486 = arith.index_cast %parallel_loop3A_182 : i32 to index
        %parallel_loop3A_487 = arith.constant 528 : index
        %parallel_loop3A_488 = tpu.vector_load %arg8[%parallel_loop3A_486, %parallel_loop3A_487] {strides = array<i32>} : memref<16x768xf32, #tpu.memory_space<vmem>>, vector<1x16xf32>,
        %parallel_loop3A_489 = vector.shape_cast %parallel_loop3A_488 : vector<1x16xf32> to vector<16xf32>
        %parallel_loop3A_490 = vector.shape_cast %parallel_loop3A_485 : vector<16xf32> to vector<1x16xf32>
        tpu.vector_store %arg8[%parallel_loop3A_486, %parallel_loop3A_487], %parallel_loop3A_490 {add = true, strides = array<i32>} : memref<16x768xf32, #tpu.memory_space<vmem>>, vector<1x16xf32>,
        %parallel_loop3A_491 = arith.index_cast %parallel_loop3A_184 : i32 to index
        %parallel_loop3A_492 = arith.constant 544 : index
        %parallel_loop3A_493 = tpu.vector_load %arg7[%parallel_loop3A_491, %parallel_loop3A_492] {strides = array<i32>} : memref<64x768xf32, #tpu.memory_space<vmem>>, vector<1x16xf32>,
        %parallel_loop3A_494 = vector.shape_cast %parallel_loop3A_493 : vector<1x16xf32> to vector<16xf32>
        %parallel_loop3A_495 = arith.index_cast %parallel_loop3A_182 : i32 to index
        %parallel_loop3A_496 = arith.constant 544 : index
        %parallel_loop3A_497 = tpu.vector_load %arg8[%parallel_loop3A_495, %parallel_loop3A_496] {strides = array<i32>} : memref<16x768xf32, #tpu.memory_space<vmem>>, vector<1x16xf32>,
        %parallel_loop3A_498 = vector.shape_cast %parallel_loop3A_497 : vector<1x16xf32> to vector<16xf32>
        %parallel_loop3A_499 = vector.shape_cast %parallel_loop3A_494 : vector<16xf32> to vector<1x16xf32>
        tpu.vector_store %arg8[%parallel_loop3A_495, %parallel_loop3A_496], %parallel_loop3A_499 {add = true, strides = array<i32>} : memref<16x768xf32, #tpu.memory_space<vmem>>, vector<1x16xf32>,
        %parallel_loop3A_500 = arith.index_cast %parallel_loop3A_184 : i32 to index
        %parallel_loop3A_501 = arith.constant 560 : index
        %parallel_loop3A_502 = tpu.vector_load %arg7[%parallel_loop3A_500, %parallel_loop3A_501] {strides = array<i32>} : memref<64x768xf32, #tpu.memory_space<vmem>>, vector<1x16xf32>,
        %parallel_loop3A_503 = vector.shape_cast %parallel_loop3A_502 : vector<1x16xf32> to vector<16xf32>
        %parallel_loop3A_504 = arith.index_cast %parallel_loop3A_182 : i32 to index
        %parallel_loop3A_505 = arith.constant 560 : index
        %parallel_loop3A_506 = tpu.vector_load %arg8[%parallel_loop3A_504, %parallel_loop3A_505] {strides = array<i32>} : memref<16x768xf32, #tpu.memory_space<vmem>>, vector<1x16xf32>,
        %parallel_loop3A_507 = vector.shape_cast %parallel_loop3A_506 : vector<1x16xf32> to vector<16xf32>
        %parallel_loop3A_508 = vector.shape_cast %parallel_loop3A_503 : vector<16xf32> to vector<1x16xf32>
        tpu.vector_store %arg8[%parallel_loop3A_504, %parallel_loop3A_505], %parallel_loop3A_508 {add = true, strides = array<i32>} : memref<16x768xf32, #tpu.memory_space<vmem>>, vector<1x16xf32>,
        %parallel_loop3A_509 = arith.index_cast %parallel_loop3A_184 : i32 to index
        %parallel_loop3A_510 = arith.constant 576 : index
        %parallel_loop3A_511 = tpu.vector_load %arg7[%parallel_loop3A_509, %parallel_loop3A_510] {strides = array<i32>} : memref<64x768xf32, #tpu.memory_space<vmem>>, vector<1x16xf32>,
        %parallel_loop3A_512 = vector.shape_cast %parallel_loop3A_511 : vector<1x16xf32> to vector<16xf32>
        %parallel_loop3A_513 = arith.index_cast %parallel_loop3A_182 : i32 to index
        %parallel_loop3A_514 = arith.constant 576 : index
        %parallel_loop3A_515 = tpu.vector_load %arg8[%parallel_loop3A_513, %parallel_loop3A_514] {strides = array<i32>} : memref<16x768xf32, #tpu.memory_space<vmem>>, vector<1x16xf32>,
        %parallel_loop3A_516 = vector.shape_cast %parallel_loop3A_515 : vector<1x16xf32> to vector<16xf32>
        %parallel_loop3A_517 = vector.shape_cast %parallel_loop3A_512 : vector<16xf32> to vector<1x16xf32>
        tpu.vector_store %arg8[%parallel_loop3A_513, %parallel_loop3A_514], %parallel_loop3A_517 {add = true, strides = array<i32>} : memref<16x768xf32, #tpu.memory_space<vmem>>, vector<1x16xf32>,
        %parallel_loop3A_518 = arith.index_cast %parallel_loop3A_184 : i32 to index
        %parallel_loop3A_519 = arith.constant 592 : index
        %parallel_loop3A_520 = tpu.vector_load %arg7[%parallel_loop3A_518, %parallel_loop3A_519] {strides = array<i32>} : memref<64x768xf32, #tpu.memory_space<vmem>>, vector<1x16xf32>,
        %parallel_loop3A_521 = vector.shape_cast %parallel_loop3A_520 : vector<1x16xf32> to vector<16xf32>
        %parallel_loop3A_522 = arith.index_cast %parallel_loop3A_182 : i32 to index
        %parallel_loop3A_523 = arith.constant 592 : index
        %parallel_loop3A_524 = tpu.vector_load %arg8[%parallel_loop3A_522, %parallel_loop3A_523] {strides = array<i32>} : memref<16x768xf32, #tpu.memory_space<vmem>>, vector<1x16xf32>,
        %parallel_loop3A_525 = vector.shape_cast %parallel_loop3A_524 : vector<1x16xf32> to vector<16xf32>
        %parallel_loop3A_526 = vector.shape_cast %parallel_loop3A_521 : vector<16xf32> to vector<1x16xf32>
        tpu.vector_store %arg8[%parallel_loop3A_522, %parallel_loop3A_523], %parallel_loop3A_526 {add = true, strides = array<i32>} : memref<16x768xf32, #tpu.memory_space<vmem>>, vector<1x16xf32>,
        %parallel_loop3A_527 = arith.index_cast %parallel_loop3A_184 : i32 to index
        %parallel_loop3A_528 = arith.constant 608 : index
        %parallel_loop3A_529 = tpu.vector_load %arg7[%parallel_loop3A_527, %parallel_loop3A_528] {strides = array<i32>} : memref<64x768xf32, #tpu.memory_space<vmem>>, vector<1x16xf32>,
        %parallel_loop3A_530 = vector.shape_cast %parallel_loop3A_529 : vector<1x16xf32> to vector<16xf32>
        %parallel_loop3A_531 = arith.index_cast %parallel_loop3A_182 : i32 to index
        %parallel_loop3A_532 = arith.constant 608 : index
        %parallel_loop3A_533 = tpu.vector_load %arg8[%parallel_loop3A_531, %parallel_loop3A_532] {strides = array<i32>} : memref<16x768xf32, #tpu.memory_space<vmem>>, vector<1x16xf32>,
        %parallel_loop3A_534 = vector.shape_cast %parallel_loop3A_533 : vector<1x16xf32> to vector<16xf32>
        %parallel_loop3A_535 = vector.shape_cast %parallel_loop3A_530 : vector<16xf32> to vector<1x16xf32>
        tpu.vector_store %arg8[%parallel_loop3A_531, %parallel_loop3A_532], %parallel_loop3A_535 {add = true, strides = array<i32>} : memref<16x768xf32, #tpu.memory_space<vmem>>, vector<1x16xf32>,
        %parallel_loop3A_536 = arith.index_cast %parallel_loop3A_184 : i32 to index
        %parallel_loop3A_537 = arith.constant 624 : index
        %parallel_loop3A_538 = tpu.vector_load %arg7[%parallel_loop3A_536, %parallel_loop3A_537] {strides = array<i32>} : memref<64x768xf32, #tpu.memory_space<vmem>>, vector<1x16xf32>,
        %parallel_loop3A_539 = vector.shape_cast %parallel_loop3A_538 : vector<1x16xf32> to vector<16xf32>
        %parallel_loop3A_540 = arith.index_cast %parallel_loop3A_182 : i32 to index
        %parallel_loop3A_541 = arith.constant 624 : index
        %parallel_loop3A_542 = tpu.vector_load %arg8[%parallel_loop3A_540, %parallel_loop3A_541] {strides = array<i32>} : memref<16x768xf32, #tpu.memory_space<vmem>>, vector<1x16xf32>,
        %parallel_loop3A_543 = vector.shape_cast %parallel_loop3A_542 : vector<1x16xf32> to vector<16xf32>
        %parallel_loop3A_544 = vector.shape_cast %parallel_loop3A_539 : vector<16xf32> to vector<1x16xf32>
        tpu.vector_store %arg8[%parallel_loop3A_540, %parallel_loop3A_541], %parallel_loop3A_544 {add = true, strides = array<i32>} : memref<16x768xf32, #tpu.memory_space<vmem>>, vector<1x16xf32>,
        %parallel_loop3A_545 = arith.index_cast %parallel_loop3A_184 : i32 to index
        %parallel_loop3A_546 = arith.constant 640 : index
        %parallel_loop3A_547 = tpu.vector_load %arg7[%parallel_loop3A_545, %parallel_loop3A_546] {strides = array<i32>} : memref<64x768xf32, #tpu.memory_space<vmem>>, vector<1x16xf32>,
        %parallel_loop3A_548 = vector.shape_cast %parallel_loop3A_547 : vector<1x16xf32> to vector<16xf32>
        %parallel_loop3A_549 = arith.index_cast %parallel_loop3A_182 : i32 to index
        %parallel_loop3A_550 = arith.constant 640 : index
        %parallel_loop3A_551 = tpu.vector_load %arg8[%parallel_loop3A_549, %parallel_loop3A_550] {strides = array<i32>} : memref<16x768xf32, #tpu.memory_space<vmem>>, vector<1x16xf32>,
        %parallel_loop3A_552 = vector.shape_cast %parallel_loop3A_551 : vector<1x16xf32> to vector<16xf32>
        %parallel_loop3A_553 = vector.shape_cast %parallel_loop3A_548 : vector<16xf32> to vector<1x16xf32>
        tpu.vector_store %arg8[%parallel_loop3A_549, %parallel_loop3A_550], %parallel_loop3A_553 {add = true, strides = array<i32>} : memref<16x768xf32, #tpu.memory_space<vmem>>, vector<1x16xf32>,
        %parallel_loop3A_554 = arith.index_cast %parallel_loop3A_184 : i32 to index
        %parallel_loop3A_555 = arith.constant 656 : index
        %parallel_loop3A_556 = tpu.vector_load %arg7[%parallel_loop3A_554, %parallel_loop3A_555] {strides = array<i32>} : memref<64x768xf32, #tpu.memory_space<vmem>>, vector<1x16xf32>,
        %parallel_loop3A_557 = vector.shape_cast %parallel_loop3A_556 : vector<1x16xf32> to vector<16xf32>
        %parallel_loop3A_558 = arith.index_cast %parallel_loop3A_182 : i32 to index
        %parallel_loop3A_559 = arith.constant 656 : index
        %parallel_loop3A_560 = tpu.vector_load %arg8[%parallel_loop3A_558, %parallel_loop3A_559] {strides = array<i32>} : memref<16x768xf32, #tpu.memory_space<vmem>>, vector<1x16xf32>,
        %parallel_loop3A_561 = vector.shape_cast %parallel_loop3A_560 : vector<1x16xf32> to vector<16xf32>
        %parallel_loop3A_562 = vector.shape_cast %parallel_loop3A_557 : vector<16xf32> to vector<1x16xf32>
        tpu.vector_store %arg8[%parallel_loop3A_558, %parallel_loop3A_559], %parallel_loop3A_562 {add = true, strides = array<i32>} : memref<16x768xf32, #tpu.memory_space<vmem>>, vector<1x16xf32>,
        %parallel_loop3A_563 = arith.index_cast %parallel_loop3A_184 : i32 to index
        %parallel_loop3A_564 = arith.constant 672 : index
        %parallel_loop3A_565 = tpu.vector_load %arg7[%parallel_loop3A_563, %parallel_loop3A_564] {strides = array<i32>} : memref<64x768xf32, #tpu.memory_space<vmem>>, vector<1x16xf32>,
        %parallel_loop3A_566 = vector.shape_cast %parallel_loop3A_565 : vector<1x16xf32> to vector<16xf32>
        %parallel_loop3A_567 = arith.index_cast %parallel_loop3A_182 : i32 to index
        %parallel_loop3A_568 = arith.constant 672 : index
        %parallel_loop3A_569 = tpu.vector_load %arg8[%parallel_loop3A_567, %parallel_loop3A_568] {strides = array<i32>} : memref<16x768xf32, #tpu.memory_space<vmem>>, vector<1x16xf32>,
        %parallel_loop3A_570 = vector.shape_cast %parallel_loop3A_569 : vector<1x16xf32> to vector<16xf32>
        %parallel_loop3A_571 = vector.shape_cast %parallel_loop3A_566 : vector<16xf32> to vector<1x16xf32>
        tpu.vector_store %arg8[%parallel_loop3A_567, %parallel_loop3A_568], %parallel_loop3A_571 {add = true, strides = array<i32>} : memref<16x768xf32, #tpu.memory_space<vmem>>, vector<1x16xf32>,
        %parallel_loop3A_572 = arith.index_cast %parallel_loop3A_184 : i32 to index
        %parallel_loop3A_573 = arith.constant 688 : index
        %parallel_loop3A_574 = tpu.vector_load %arg7[%parallel_loop3A_572, %parallel_loop3A_573] {strides = array<i32>} : memref<64x768xf32, #tpu.memory_space<vmem>>, vector<1x16xf32>,
        %parallel_loop3A_575 = vector.shape_cast %parallel_loop3A_574 : vector<1x16xf32> to vector<16xf32>
        %parallel_loop3A_576 = arith.index_cast %parallel_loop3A_182 : i32 to index
        %parallel_loop3A_577 = arith.constant 688 : index
        %parallel_loop3A_578 = tpu.vector_load %arg8[%parallel_loop3A_576, %parallel_loop3A_577] {strides = array<i32>} : memref<16x768xf32, #tpu.memory_space<vmem>>, vector<1x16xf32>,
        %parallel_loop3A_579 = vector.shape_cast %parallel_loop3A_578 : vector<1x16xf32> to vector<16xf32>
        %parallel_loop3A_580 = vector.shape_cast %parallel_loop3A_575 : vector<16xf32> to vector<1x16xf32>
        tpu.vector_store %arg8[%parallel_loop3A_576, %parallel_loop3A_577], %parallel_loop3A_580 {add = true, strides = array<i32>} : memref<16x768xf32, #tpu.memory_space<vmem>>, vector<1x16xf32>,
        %parallel_loop3A_581 = arith.index_cast %parallel_loop3A_184 : i32 to index
        %parallel_loop3A_582 = arith.constant 704 : index
        %parallel_loop3A_583 = tpu.vector_load %arg7[%parallel_loop3A_581, %parallel_loop3A_582] {strides = array<i32>} : memref<64x768xf32, #tpu.memory_space<vmem>>, vector<1x16xf32>,
        %parallel_loop3A_584 = vector.shape_cast %parallel_loop3A_583 : vector<1x16xf32> to vector<16xf32>
        %parallel_loop3A_585 = arith.index_cast %parallel_loop3A_182 : i32 to index
        %parallel_loop3A_586 = arith.constant 704 : index
        %parallel_loop3A_587 = tpu.vector_load %arg8[%parallel_loop3A_585, %parallel_loop3A_586] {strides = array<i32>} : memref<16x768xf32, #tpu.memory_space<vmem>>, vector<1x16xf32>,
        %parallel_loop3A_588 = vector.shape_cast %parallel_loop3A_587 : vector<1x16xf32> to vector<16xf32>
        %parallel_loop3A_589 = vector.shape_cast %parallel_loop3A_584 : vector<16xf32> to vector<1x16xf32>
        tpu.vector_store %arg8[%parallel_loop3A_585, %parallel_loop3A_586], %parallel_loop3A_589 {add = true, strides = array<i32>} : memref<16x768xf32, #tpu.memory_space<vmem>>, vector<1x16xf32>,
        %parallel_loop3A_590 = arith.index_cast %parallel_loop3A_184 : i32 to index
        %parallel_loop3A_591 = arith.constant 720 : index
        %parallel_loop3A_592 = tpu.vector_load %arg7[%parallel_loop3A_590, %parallel_loop3A_591] {strides = array<i32>} : memref<64x768xf32, #tpu.memory_space<vmem>>, vector<1x16xf32>,
        %parallel_loop3A_593 = vector.shape_cast %parallel_loop3A_592 : vector<1x16xf32> to vector<16xf32>
        %parallel_loop3A_594 = arith.index_cast %parallel_loop3A_182 : i32 to index
        %parallel_loop3A_595 = arith.constant 720 : index
        %parallel_loop3A_596 = tpu.vector_load %arg8[%parallel_loop3A_594, %parallel_loop3A_595] {strides = array<i32>} : memref<16x768xf32, #tpu.memory_space<vmem>>, vector<1x16xf32>,
        %parallel_loop3A_597 = vector.shape_cast %parallel_loop3A_596 : vector<1x16xf32> to vector<16xf32>
        %parallel_loop3A_598 = vector.shape_cast %parallel_loop3A_593 : vector<16xf32> to vector<1x16xf32>
        tpu.vector_store %arg8[%parallel_loop3A_594, %parallel_loop3A_595], %parallel_loop3A_598 {add = true, strides = array<i32>} : memref<16x768xf32, #tpu.memory_space<vmem>>, vector<1x16xf32>,
        %parallel_loop3A_599 = arith.index_cast %parallel_loop3A_184 : i32 to index
        %parallel_loop3A_600 = arith.constant 736 : index
        %parallel_loop3A_601 = tpu.vector_load %arg7[%parallel_loop3A_599, %parallel_loop3A_600] {strides = array<i32>} : memref<64x768xf32, #tpu.memory_space<vmem>>, vector<1x16xf32>,
        %parallel_loop3A_602 = vector.shape_cast %parallel_loop3A_601 : vector<1x16xf32> to vector<16xf32>
        %parallel_loop3A_603 = arith.index_cast %parallel_loop3A_182 : i32 to index
        %parallel_loop3A_604 = arith.constant 736 : index
        %parallel_loop3A_605 = tpu.vector_load %arg8[%parallel_loop3A_603, %parallel_loop3A_604] {strides = array<i32>} : memref<16x768xf32, #tpu.memory_space<vmem>>, vector<1x16xf32>,
        %parallel_loop3A_606 = vector.shape_cast %parallel_loop3A_605 : vector<1x16xf32> to vector<16xf32>
        %parallel_loop3A_607 = vector.shape_cast %parallel_loop3A_602 : vector<16xf32> to vector<1x16xf32>
        tpu.vector_store %arg8[%parallel_loop3A_603, %parallel_loop3A_604], %parallel_loop3A_607 {add = true, strides = array<i32>} : memref<16x768xf32, #tpu.memory_space<vmem>>, vector<1x16xf32>,
        %parallel_loop3A_608 = arith.index_cast %parallel_loop3A_184 : i32 to index
        %parallel_loop3A_609 = arith.constant 752 : index
        %parallel_loop3A_610 = tpu.vector_load %arg7[%parallel_loop3A_608, %parallel_loop3A_609] {strides = array<i32>} : memref<64x768xf32, #tpu.memory_space<vmem>>, vector<1x16xf32>,
        %parallel_loop3A_611 = vector.shape_cast %parallel_loop3A_610 : vector<1x16xf32> to vector<16xf32>
        %parallel_loop3A_612 = arith.index_cast %parallel_loop3A_182 : i32 to index
        %parallel_loop3A_613 = arith.constant 752 : index
        %parallel_loop3A_614 = tpu.vector_load %arg8[%parallel_loop3A_612, %parallel_loop3A_613] {strides = array<i32>} : memref<16x768xf32, #tpu.memory_space<vmem>>, vector<1x16xf32>,
        %parallel_loop3A_615 = vector.shape_cast %parallel_loop3A_614 : vector<1x16xf32> to vector<16xf32>
        %parallel_loop3A_616 = vector.shape_cast %parallel_loop3A_611 : vector<16xf32> to vector<1x16xf32>
        tpu.vector_store %arg8[%parallel_loop3A_612, %parallel_loop3A_613], %parallel_loop3A_616 {add = true, strides = array<i32>} : memref<16x768xf32, #tpu.memory_space<vmem>>, vector<1x16xf32>,
      } {sc.loop_unroll_factor = 1 : i64, sc.parallel_access}
      %mul3A_49 = arith.constant 16 : i32
      %mul3A_50 = arith.muli %add3A_41, %mul3A_49 : i32
      %add3A_51 = arith.addi %mul3A_2, %mul3A_50 : i32
      %dma_start3A_52 = arith.constant 0 : i32
      %dma_start3A_53 = tpu.memref_slice %arg5[%add3A_51, %dma_start3A_52] : memref<262144x768xf32, #tpu.memory_space<hbm>> -> memref<16x768xf32, #tpu.memory_space<hbm>>
      %dma_start3A_54 = arith.constant 0 : i32
      %dma_start3A_55 = tpu.memref_slice %arg5[%add3A_51, %dma_start3A_54] : memref<262144x768xf32, #tpu.memory_space<hbm>> -> memref<16x768xf32, #tpu.memory_space<hbm>>
      tpu.enqueue_dma source(%arg8 : memref<16x768xf32, #tpu.memory_space<vmem>>) target(%dma_start3A_55 : memref<16x768xf32, #tpu.memory_space<hbm>>) target_semaphore(%arg16 : memref<!tpu.dma_semaphore, #tpu.memory_space<semaphore_mem>>)
      %add3A_56 = arith.constant 4 : i32
      %add3A_57 = arith.addi %add3A_41, %add3A_56 : i32
      %sub3A = arith.constant 1 : i32
      %sub3A_58 = arith.subi %add3A_57, %sub3A : i32
      %lt3A = arith.constant 512 : i32
      %lt3A_59 = arith.cmpi slt, %sub3A_58, %lt3A : i32
      %gt3A = arith.constant 0 : i32
      %gt3A_60 = arith.cmpi sgt, %scan3A_37, %gt3A : i32
      %and3A = arith.andi %lt3A_59, %gt3A_60 : i1
      %convert_element_type3A = arith.extui %and3A : i1 to i32
      %cond3A = arith.constant 0 : i32
      %cond3A_61 = arith.cmpi ne, %convert_element_type3A, %cond3A : i32
      scf.if %cond3A_61 {
        %dma_wait3A_182 = arith.constant 0 : i32
        %dma_wait3A_183 = tpu.memref_slice %arg5[%mul3A_2, %dma_wait3A_182] : memref<262144x768xf32, #tpu.memory_space<hbm>> -> memref<16x768xf32, #tpu.memory_space<hbm>>
        %dma_wait3A_184 = arith.constant 0 : i32
        %dma_wait3A_185 = tpu.memref_slice %arg5[%mul3A_2, %dma_wait3A_184] : memref<262144x768xf32, #tpu.memory_space<hbm>> -> memref<16x768xf32, #tpu.memory_space<hbm>>
        tpu.wait_dma2 semaphore(%arg19 : memref<!tpu.dma_semaphore, #tpu.memory_space<semaphore_mem>>) src(%arg11 : memref<16x768xf32, #tpu.memory_space<vmem>>) dst(%dma_wait3A_185 : memref<16x768xf32, #tpu.memory_space<hbm>>)
      } else {
      }
      %add3A_62 = arith.constant 4 : i32
      %add3A_63 = arith.addi %add3A_41, %add3A_62 : i32
      %sub3A_64 = arith.constant 1 : i32
      %sub3A_65 = arith.subi %add3A_63, %sub3A_64 : i32
      %lt3A_66 = arith.constant 512 : i32
      %lt3A_67 = arith.cmpi slt, %sub3A_65, %lt3A_66 : i32
      %convert_element_type3A_68 = arith.extui %lt3A_67 : i1 to i32
      %cond3A_69 = arith.constant 0 : i32
      %cond3A_70 = arith.cmpi ne, %convert_element_type3A_68, %cond3A_69 : i32
      scf.if %cond3A_70 {
        %add3A_182 = arith.constant 4 : i32
        %add3A_183 = arith.addi %add3A_41, %add3A_182 : i32
        %sub3A_184 = arith.constant 1 : i32
        %sub3A_185 = arith.subi %add3A_183, %sub3A_184 : i32
        %mul3A_186 = arith.constant 16 : i32
        %mul3A_187 = arith.muli %sub3A_185, %mul3A_186 : i32
        %dma_start3A_188 = tpu.memref_slice %arg6[%mul3A_187] : memref<8192xi32, #tpu.memory_space<vmem>> -> memref<16xi32, #tpu.memory_space<vmem>>
        %dma_start3A_189 = arith.constant 0 : i32
        %dma_start3A_190 = arith.constant 0 : i32
        %dma_start3A_191 = tpu.memref_slice %arg3[%dma_start3A_189, %dma_start3A_190] : memref<100000x768xf32, #tpu.memory_space<hbm>> -> memref<100000x768xf32, #tpu.memory_space<hbm>>
        tpu.enqueue_indirect_dma source(%dma_start3A_191 : memref<100000x768xf32, #tpu.memory_space<hbm>>) target(%arg11 : memref<16x768xf32, #tpu.memory_space<vmem>>) offsets(%dma_start3A_188 : memref<16xi32, #tpu.memory_space<vmem>>) semaphore(%arg15 : memref<!tpu.dma_semaphore, #tpu.memory_space<semaphore_mem>>)
      } else {
      }
      %mul3A_71 = arith.constant 4 : i32
      %mul3A_72 = arith.muli %mul3A_71, %scan3A_37 : i32
      %add3A_73 = arith.constant 1 : i32
      %add3A_74 = arith.addi %mul3A_72, %add3A_73 : i32
      %dma_wait3A_75 = arith.constant 0 : i32
      %dma_wait3A_76 = tpu.memref_slice %arg6[%dma_wait3A_75] : memref<8192xi32, #tpu.memory_space<vmem>> -> memref<16xi32, #tpu.memory_space<vmem>>
      %dma_wait3A_77 = arith.constant 0 : i32
      %dma_wait3A_78 = arith.constant 0 : i32
      %dma_wait3A_79 = tpu.memref_slice %arg3[%dma_wait3A_77, %dma_wait3A_78] : memref<100000x768xf32, #tpu.memory_space<hbm>> -> memref<100000x768xf32, #tpu.memory_space<hbm>>
      tpu.wait_indirect_dma semaphore(%arg13 : memref<!tpu.dma_semaphore, #tpu.memory_space<semaphore_mem>>) src(%dma_wait3A_79 : memref<100000x768xf32, #tpu.memory_space<hbm>>) dst(%arg9 : memref<16x768xf32, #tpu.memory_space<vmem>>)
      %parallel_loop3A_80 = arith.constant 0 : i32
      %parallel_loop3A_81 = arith.constant 16 : i32
      %parallel_loop3A_82 = arith.constant 1 : i32
      scf.for %parallel_loop3A_182 = %parallel_loop3A_80 to %parallel_loop3A_81 step %parallel_loop3A_82  : i32 {
        %parallel_loop3A_183 = arith.constant 16 : i32
        %parallel_loop3A_184 = arith.addi %parallel_loop3A_183, %parallel_loop3A_182 : i32
        %parallel_loop3A_185 = arith.index_cast %parallel_loop3A_184 : i32 to index
        %parallel_loop3A_186 = arith.constant 0 : index
        %parallel_loop3A_187 = tpu.vector_load %arg7[%parallel_loop3A_185, %parallel_loop3A_186] {strides = array<i32>} : memref<64x768xf32, #tpu.memory_space<vmem>>, vector<1x16xf32>,
        %parallel_loop3A_188 = vector.shape_cast %parallel_loop3A_187 : vector<1x16xf32> to vector<16xf32>
        %parallel_loop3A_189 = arith.index_cast %parallel_loop3A_182 : i32 to index
        %parallel_loop3A_190 = arith.constant 0 : index
        %parallel_loop3A_191 = tpu.vector_load %arg9[%parallel_loop3A_189, %parallel_loop3A_190] {strides = array<i32>} : memref<16x768xf32, #tpu.memory_space<vmem>>, vector<1x16xf32>,
        %parallel_loop3A_192 = vector.shape_cast %parallel_loop3A_191 : vector<1x16xf32> to vector<16xf32>
        %parallel_loop3A_193 = vector.shape_cast %parallel_loop3A_188 : vector<16xf32> to vector<1x16xf32>
        tpu.vector_store %arg9[%parallel_loop3A_189, %parallel_loop3A_190], %parallel_loop3A_193 {add = true, strides = array<i32>} : memref<16x768xf32, #tpu.memory_space<vmem>>, vector<1x16xf32>,
        %parallel_loop3A_194 = arith.index_cast %parallel_loop3A_184 : i32 to index
        %parallel_loop3A_195 = arith.constant 16 : index
        %parallel_loop3A_196 = tpu.vector_load %arg7[%parallel_loop3A_194, %parallel_loop3A_195] {strides = array<i32>} : memref<64x768xf32, #tpu.memory_space<vmem>>, vector<1x16xf32>,
        %parallel_loop3A_197 = vector.shape_cast %parallel_loop3A_196 : vector<1x16xf32> to vector<16xf32>
        %parallel_loop3A_198 = arith.index_cast %parallel_loop3A_182 : i32 to index
        %parallel_loop3A_199 = arith.constant 16 : index
        %parallel_loop3A_200 = tpu.vector_load %arg9[%parallel_loop3A_198, %parallel_loop3A_199] {strides = array<i32>} : memref<16x768xf32, #tpu.memory_space<vmem>>, vector<1x16xf32>,
        %parallel_loop3A_201 = vector.shape_cast %parallel_loop3A_200 : vector<1x16xf32> to vector<16xf32>
        %parallel_loop3A_202 = vector.shape_cast %parallel_loop3A_197 : vector<16xf32> to vector<1x16xf32>
        tpu.vector_store %arg9[%parallel_loop3A_198, %parallel_loop3A_199], %parallel_loop3A_202 {add = true, strides = array<i32>} : memref<16x768xf32, #tpu.memory_space<vmem>>, vector<1x16xf32>,
        %parallel_loop3A_203 = arith.index_cast %parallel_loop3A_184 : i32 to index
        %parallel_loop3A_204 = arith.constant 32 : index
        %parallel_loop3A_205 = tpu.vector_load %arg7[%parallel_loop3A_203, %parallel_loop3A_204] {strides = array<i32>} : memref<64x768xf32, #tpu.memory_space<vmem>>, vector<1x16xf32>,
        %parallel_loop3A_206 = vector.shape_cast %parallel_loop3A_205 : vector<1x16xf32> to vector<16xf32>
        %parallel_loop3A_207 = arith.index_cast %parallel_loop3A_182 : i32 to index
        %parallel_loop3A_208 = arith.constant 32 : index
        %parallel_loop3A_209 = tpu.vector_load %arg9[%parallel_loop3A_207, %parallel_loop3A_208] {strides = array<i32>} : memref<16x768xf32, #tpu.memory_space<vmem>>, vector<1x16xf32>,
        %parallel_loop3A_210 = vector.shape_cast %parallel_loop3A_209 : vector<1x16xf32> to vector<16xf32>
        %parallel_loop3A_211 = vector.shape_cast %parallel_loop3A_206 : vector<16xf32> to vector<1x16xf32>
        tpu.vector_store %arg9[%parallel_loop3A_207, %parallel_loop3A_208], %parallel_loop3A_211 {add = true, strides = array<i32>} : memref<16x768xf32, #tpu.memory_space<vmem>>, vector<1x16xf32>,
        %parallel_loop3A_212 = arith.index_cast %parallel_loop3A_184 : i32 to index
        %parallel_loop3A_213 = arith.constant 48 : index
        %parallel_loop3A_214 = tpu.vector_load %arg7[%parallel_loop3A_212, %parallel_loop3A_213] {strides = array<i32>} : memref<64x768xf32, #tpu.memory_space<vmem>>, vector<1x16xf32>,
        %parallel_loop3A_215 = vector.shape_cast %parallel_loop3A_214 : vector<1x16xf32> to vector<16xf32>
        %parallel_loop3A_216 = arith.index_cast %parallel_loop3A_182 : i32 to index
        %parallel_loop3A_217 = arith.constant 48 : index
        %parallel_loop3A_218 = tpu.vector_load %arg9[%parallel_loop3A_216, %parallel_loop3A_217] {strides = array<i32>} : memref<16x768xf32, #tpu.memory_space<vmem>>, vector<1x16xf32>,
        %parallel_loop3A_219 = vector.shape_cast %parallel_loop3A_218 : vector<1x16xf32> to vector<16xf32>
        %parallel_loop3A_220 = vector.shape_cast %parallel_loop3A_215 : vector<16xf32> to vector<1x16xf32>
        tpu.vector_store %arg9[%parallel_loop3A_216, %parallel_loop3A_217], %parallel_loop3A_220 {add = true, strides = array<i32>} : memref<16x768xf32, #tpu.memory_space<vmem>>, vector<1x16xf32>,
        %parallel_loop3A_221 = arith.index_cast %parallel_loop3A_184 : i32 to index
        %parallel_loop3A_222 = arith.constant 64 : index
        %parallel_loop3A_223 = tpu.vector_load %arg7[%parallel_loop3A_221, %parallel_loop3A_222] {strides = array<i32>} : memref<64x768xf32, #tpu.memory_space<vmem>>, vector<1x16xf32>,
        %parallel_loop3A_224 = vector.shape_cast %parallel_loop3A_223 : vector<1x16xf32> to vector<16xf32>
        %parallel_loop3A_225 = arith.index_cast %parallel_loop3A_182 : i32 to index
        %parallel_loop3A_226 = arith.constant 64 : index
        %parallel_loop3A_227 = tpu.vector_load %arg9[%parallel_loop3A_225, %parallel_loop3A_226] {strides = array<i32>} : memref<16x768xf32, #tpu.memory_space<vmem>>, vector<1x16xf32>,
        %parallel_loop3A_228 = vector.shape_cast %parallel_loop3A_227 : vector<1x16xf32> to vector<16xf32>
        %parallel_loop3A_229 = vector.shape_cast %parallel_loop3A_224 : vector<16xf32> to vector<1x16xf32>
        tpu.vector_store %arg9[%parallel_loop3A_225, %parallel_loop3A_226], %parallel_loop3A_229 {add = true, strides = array<i32>} : memref<16x768xf32, #tpu.memory_space<vmem>>, vector<1x16xf32>,
        %parallel_loop3A_230 = arith.index_cast %parallel_loop3A_184 : i32 to index
        %parallel_loop3A_231 = arith.constant 80 : index
        %parallel_loop3A_232 = tpu.vector_load %arg7[%parallel_loop3A_230, %parallel_loop3A_231] {strides = array<i32>} : memref<64x768xf32, #tpu.memory_space<vmem>>, vector<1x16xf32>,
        %parallel_loop3A_233 = vector.shape_cast %parallel_loop3A_232 : vector<1x16xf32> to vector<16xf32>
        %parallel_loop3A_234 = arith.index_cast %parallel_loop3A_182 : i32 to index
        %parallel_loop3A_235 = arith.constant 80 : index
        %parallel_loop3A_236 = tpu.vector_load %arg9[%parallel_loop3A_234, %parallel_loop3A_235] {strides = array<i32>} : memref<16x768xf32, #tpu.memory_space<vmem>>, vector<1x16xf32>,
        %parallel_loop3A_237 = vector.shape_cast %parallel_loop3A_236 : vector<1x16xf32> to vector<16xf32>
        %parallel_loop3A_238 = vector.shape_cast %parallel_loop3A_233 : vector<16xf32> to vector<1x16xf32>
        tpu.vector_store %arg9[%parallel_loop3A_234, %parallel_loop3A_235], %parallel_loop3A_238 {add = true, strides = array<i32>} : memref<16x768xf32, #tpu.memory_space<vmem>>, vector<1x16xf32>,
        %parallel_loop3A_239 = arith.index_cast %parallel_loop3A_184 : i32 to index
        %parallel_loop3A_240 = arith.constant 96 : index
        %parallel_loop3A_241 = tpu.vector_load %arg7[%parallel_loop3A_239, %parallel_loop3A_240] {strides = array<i32>} : memref<64x768xf32, #tpu.memory_space<vmem>>, vector<1x16xf32>,
        %parallel_loop3A_242 = vector.shape_cast %parallel_loop3A_241 : vector<1x16xf32> to vector<16xf32>
        %parallel_loop3A_243 = arith.index_cast %parallel_loop3A_182 : i32 to index
        %parallel_loop3A_244 = arith.constant 96 : index
        %parallel_loop3A_245 = tpu.vector_load %arg9[%parallel_loop3A_243, %parallel_loop3A_244] {strides = array<i32>} : memref<16x768xf32, #tpu.memory_space<vmem>>, vector<1x16xf32>,
        %parallel_loop3A_246 = vector.shape_cast %parallel_loop3A_245 : vector<1x16xf32> to vector<16xf32>
        %parallel_loop3A_247 = vector.shape_cast %parallel_loop3A_242 : vector<16xf32> to vector<1x16xf32>
        tpu.vector_store %arg9[%parallel_loop3A_243, %parallel_loop3A_244], %parallel_loop3A_247 {add = true, strides = array<i32>} : memref<16x768xf32, #tpu.memory_space<vmem>>, vector<1x16xf32>,
        %parallel_loop3A_248 = arith.index_cast %parallel_loop3A_184 : i32 to index
        %parallel_loop3A_249 = arith.constant 112 : index
        %parallel_loop3A_250 = tpu.vector_load %arg7[%parallel_loop3A_248, %parallel_loop3A_249] {strides = array<i32>} : memref<64x768xf32, #tpu.memory_space<vmem>>, vector<1x16xf32>,
        %parallel_loop3A_251 = vector.shape_cast %parallel_loop3A_250 : vector<1x16xf32> to vector<16xf32>
        %parallel_loop3A_252 = arith.index_cast %parallel_loop3A_182 : i32 to index
        %parallel_loop3A_253 = arith.constant 112 : index
        %parallel_loop3A_254 = tpu.vector_load %arg9[%parallel_loop3A_252, %parallel_loop3A_253] {strides = array<i32>} : memref<16x768xf32, #tpu.memory_space<vmem>>, vector<1x16xf32>,
        %parallel_loop3A_255 = vector.shape_cast %parallel_loop3A_254 : vector<1x16xf32> to vector<16xf32>
        %parallel_loop3A_256 = vector.shape_cast %parallel_loop3A_251 : vector<16xf32> to vector<1x16xf32>
        tpu.vector_store %arg9[%parallel_loop3A_252, %parallel_loop3A_253], %parallel_loop3A_256 {add = true, strides = array<i32>} : memref<16x768xf32, #tpu.memory_space<vmem>>, vector<1x16xf32>,
        %parallel_loop3A_257 = arith.index_cast %parallel_loop3A_184 : i32 to index
        %parallel_loop3A_258 = arith.constant 128 : index
        %parallel_loop3A_259 = tpu.vector_load %arg7[%parallel_loop3A_257, %parallel_loop3A_258] {strides = array<i32>} : memref<64x768xf32, #tpu.memory_space<vmem>>, vector<1x16xf32>,
        %parallel_loop3A_260 = vector.shape_cast %parallel_loop3A_259 : vector<1x16xf32> to vector<16xf32>
        %parallel_loop3A_261 = arith.index_cast %parallel_loop3A_182 : i32 to index
        %parallel_loop3A_262 = arith.constant 128 : index
        %parallel_loop3A_263 = tpu.vector_load %arg9[%parallel_loop3A_261, %parallel_loop3A_262] {strides = array<i32>} : memref<16x768xf32, #tpu.memory_space<vmem>>, vector<1x16xf32>,
        %parallel_loop3A_264 = vector.shape_cast %parallel_loop3A_263 : vector<1x16xf32> to vector<16xf32>
        %parallel_loop3A_265 = vector.shape_cast %parallel_loop3A_260 : vector<16xf32> to vector<1x16xf32>
        tpu.vector_store %arg9[%parallel_loop3A_261, %parallel_loop3A_262], %parallel_loop3A_265 {add = true, strides = array<i32>} : memref<16x768xf32, #tpu.memory_space<vmem>>, vector<1x16xf32>,
        %parallel_loop3A_266 = arith.index_cast %parallel_loop3A_184 : i32 to index
        %parallel_loop3A_267 = arith.constant 144 : index
        %parallel_loop3A_268 = tpu.vector_load %arg7[%parallel_loop3A_266, %parallel_loop3A_267] {strides = array<i32>} : memref<64x768xf32, #tpu.memory_space<vmem>>, vector<1x16xf32>,
        %parallel_loop3A_269 = vector.shape_cast %parallel_loop3A_268 : vector<1x16xf32> to vector<16xf32>
        %parallel_loop3A_270 = arith.index_cast %parallel_loop3A_182 : i32 to index
        %parallel_loop3A_271 = arith.constant 144 : index
        %parallel_loop3A_272 = tpu.vector_load %arg9[%parallel_loop3A_270, %parallel_loop3A_271] {strides = array<i32>} : memref<16x768xf32, #tpu.memory_space<vmem>>, vector<1x16xf32>,
        %parallel_loop3A_273 = vector.shape_cast %parallel_loop3A_272 : vector<1x16xf32> to vector<16xf32>
        %parallel_loop3A_274 = vector.shape_cast %parallel_loop3A_269 : vector<16xf32> to vector<1x16xf32>
        tpu.vector_store %arg9[%parallel_loop3A_270, %parallel_loop3A_271], %parallel_loop3A_274 {add = true, strides = array<i32>} : memref<16x768xf32, #tpu.memory_space<vmem>>, vector<1x16xf32>,
        %parallel_loop3A_275 = arith.index_cast %parallel_loop3A_184 : i32 to index
        %parallel_loop3A_276 = arith.constant 160 : index
        %parallel_loop3A_277 = tpu.vector_load %arg7[%parallel_loop3A_275, %parallel_loop3A_276] {strides = array<i32>} : memref<64x768xf32, #tpu.memory_space<vmem>>, vector<1x16xf32>,
        %parallel_loop3A_278 = vector.shape_cast %parallel_loop3A_277 : vector<1x16xf32> to vector<16xf32>
        %parallel_loop3A_279 = arith.index_cast %parallel_loop3A_182 : i32 to index
        %parallel_loop3A_280 = arith.constant 160 : index
        %parallel_loop3A_281 = tpu.vector_load %arg9[%parallel_loop3A_279, %parallel_loop3A_280] {strides = array<i32>} : memref<16x768xf32, #tpu.memory_space<vmem>>, vector<1x16xf32>,
        %parallel_loop3A_282 = vector.shape_cast %parallel_loop3A_281 : vector<1x16xf32> to vector<16xf32>
        %parallel_loop3A_283 = vector.shape_cast %parallel_loop3A_278 : vector<16xf32> to vector<1x16xf32>
        tpu.vector_store %arg9[%parallel_loop3A_279, %parallel_loop3A_280], %parallel_loop3A_283 {add = true, strides = array<i32>} : memref<16x768xf32, #tpu.memory_space<vmem>>, vector<1x16xf32>,
        %parallel_loop3A_284 = arith.index_cast %parallel_loop3A_184 : i32 to index
        %parallel_loop3A_285 = arith.constant 176 : index
        %parallel_loop3A_286 = tpu.vector_load %arg7[%parallel_loop3A_284, %parallel_loop3A_285] {strides = array<i32>} : memref<64x768xf32, #tpu.memory_space<vmem>>, vector<1x16xf32>,
        %parallel_loop3A_287 = vector.shape_cast %parallel_loop3A_286 : vector<1x16xf32> to vector<16xf32>
        %parallel_loop3A_288 = arith.index_cast %parallel_loop3A_182 : i32 to index
        %parallel_loop3A_289 = arith.constant 176 : index
        %parallel_loop3A_290 = tpu.vector_load %arg9[%parallel_loop3A_288, %parallel_loop3A_289] {strides = array<i32>} : memref<16x768xf32, #tpu.memory_space<vmem>>, vector<1x16xf32>,
        %parallel_loop3A_291 = vector.shape_cast %parallel_loop3A_290 : vector<1x16xf32> to vector<16xf32>
        %parallel_loop3A_292 = vector.shape_cast %parallel_loop3A_287 : vector<16xf32> to vector<1x16xf32>
        tpu.vector_store %arg9[%parallel_loop3A_288, %parallel_loop3A_289], %parallel_loop3A_292 {add = true, strides = array<i32>} : memref<16x768xf32, #tpu.memory_space<vmem>>, vector<1x16xf32>,
        %parallel_loop3A_293 = arith.index_cast %parallel_loop3A_184 : i32 to index
        %parallel_loop3A_294 = arith.constant 192 : index
        %parallel_loop3A_295 = tpu.vector_load %arg7[%parallel_loop3A_293, %parallel_loop3A_294] {strides = array<i32>} : memref<64x768xf32, #tpu.memory_space<vmem>>, vector<1x16xf32>,
        %parallel_loop3A_296 = vector.shape_cast %parallel_loop3A_295 : vector<1x16xf32> to vector<16xf32>
        %parallel_loop3A_297 = arith.index_cast %parallel_loop3A_182 : i32 to index
        %parallel_loop3A_298 = arith.constant 192 : index
        %parallel_loop3A_299 = tpu.vector_load %arg9[%parallel_loop3A_297, %parallel_loop3A_298] {strides = array<i32>} : memref<16x768xf32, #tpu.memory_space<vmem>>, vector<1x16xf32>,
        %parallel_loop3A_300 = vector.shape_cast %parallel_loop3A_299 : vector<1x16xf32> to vector<16xf32>
        %parallel_loop3A_301 = vector.shape_cast %parallel_loop3A_296 : vector<16xf32> to vector<1x16xf32>
        tpu.vector_store %arg9[%parallel_loop3A_297, %parallel_loop3A_298], %parallel_loop3A_301 {add = true, strides = array<i32>} : memref<16x768xf32, #tpu.memory_space<vmem>>, vector<1x16xf32>,
        %parallel_loop3A_302 = arith.index_cast %parallel_loop3A_184 : i32 to index
        %parallel_loop3A_303 = arith.constant 208 : index
        %parallel_loop3A_304 = tpu.vector_load %arg7[%parallel_loop3A_302, %parallel_loop3A_303] {strides = array<i32>} : memref<64x768xf32, #tpu.memory_space<vmem>>, vector<1x16xf32>,
        %parallel_loop3A_305 = vector.shape_cast %parallel_loop3A_304 : vector<1x16xf32> to vector<16xf32>
        %parallel_loop3A_306 = arith.index_cast %parallel_loop3A_182 : i32 to index
        %parallel_loop3A_307 = arith.constant 208 : index
        %parallel_loop3A_308 = tpu.vector_load %arg9[%parallel_loop3A_306, %parallel_loop3A_307] {strides = array<i32>} : memref<16x768xf32, #tpu.memory_space<vmem>>, vector<1x16xf32>,
        %parallel_loop3A_309 = vector.shape_cast %parallel_loop3A_308 : vector<1x16xf32> to vector<16xf32>
        %parallel_loop3A_310 = vector.shape_cast %parallel_loop3A_305 : vector<16xf32> to vector<1x16xf32>
        tpu.vector_store %arg9[%parallel_loop3A_306, %parallel_loop3A_307], %parallel_loop3A_310 {add = true, strides = array<i32>} : memref<16x768xf32, #tpu.memory_space<vmem>>, vector<1x16xf32>,
        %parallel_loop3A_311 = arith.index_cast %parallel_loop3A_184 : i32 to index
        %parallel_loop3A_312 = arith.constant 224 : index
        %parallel_loop3A_313 = tpu.vector_load %arg7[%parallel_loop3A_311, %parallel_loop3A_312] {strides = array<i32>} : memref<64x768xf32, #tpu.memory_space<vmem>>, vector<1x16xf32>,
        %parallel_loop3A_314 = vector.shape_cast %parallel_loop3A_313 : vector<1x16xf32> to vector<16xf32>
        %parallel_loop3A_315 = arith.index_cast %parallel_loop3A_182 : i32 to index
        %parallel_loop3A_316 = arith.constant 224 : index
        %parallel_loop3A_317 = tpu.vector_load %arg9[%parallel_loop3A_315, %parallel_loop3A_316] {strides = array<i32>} : memref<16x768xf32, #tpu.memory_space<vmem>>, vector<1x16xf32>,
        %parallel_loop3A_318 = vector.shape_cast %parallel_loop3A_317 : vector<1x16xf32> to vector<16xf32>
        %parallel_loop3A_319 = vector.shape_cast %parallel_loop3A_314 : vector<16xf32> to vector<1x16xf32>
        tpu.vector_store %arg9[%parallel_loop3A_315, %parallel_loop3A_316], %parallel_loop3A_319 {add = true, strides = array<i32>} : memref<16x768xf32, #tpu.memory_space<vmem>>, vector<1x16xf32>,
        %parallel_loop3A_320 = arith.index_cast %parallel_loop3A_184 : i32 to index
        %parallel_loop3A_321 = arith.constant 240 : index
        %parallel_loop3A_322 = tpu.vector_load %arg7[%parallel_loop3A_320, %parallel_loop3A_321] {strides = array<i32>} : memref<64x768xf32, #tpu.memory_space<vmem>>, vector<1x16xf32>,
        %parallel_loop3A_323 = vector.shape_cast %parallel_loop3A_322 : vector<1x16xf32> to vector<16xf32>
        %parallel_loop3A_324 = arith.index_cast %parallel_loop3A_182 : i32 to index
        %parallel_loop3A_325 = arith.constant 240 : index
        %parallel_loop3A_326 = tpu.vector_load %arg9[%parallel_loop3A_324, %parallel_loop3A_325] {strides = array<i32>} : memref<16x768xf32, #tpu.memory_space<vmem>>, vector<1x16xf32>,
        %parallel_loop3A_327 = vector.shape_cast %parallel_loop3A_326 : vector<1x16xf32> to vector<16xf32>
        %parallel_loop3A_328 = vector.shape_cast %parallel_loop3A_323 : vector<16xf32> to vector<1x16xf32>
        tpu.vector_store %arg9[%parallel_loop3A_324, %parallel_loop3A_325], %parallel_loop3A_328 {add = true, strides = array<i32>} : memref<16x768xf32, #tpu.memory_space<vmem>>, vector<1x16xf32>,
        %parallel_loop3A_329 = arith.index_cast %parallel_loop3A_184 : i32 to index
        %parallel_loop3A_330 = arith.constant 256 : index
        %parallel_loop3A_331 = tpu.vector_load %arg7[%parallel_loop3A_329, %parallel_loop3A_330] {strides = array<i32>} : memref<64x768xf32, #tpu.memory_space<vmem>>, vector<1x16xf32>,
        %parallel_loop3A_332 = vector.shape_cast %parallel_loop3A_331 : vector<1x16xf32> to vector<16xf32>
        %parallel_loop3A_333 = arith.index_cast %parallel_loop3A_182 : i32 to index
        %parallel_loop3A_334 = arith.constant 256 : index
        %parallel_loop3A_335 = tpu.vector_load %arg9[%parallel_loop3A_333, %parallel_loop3A_334] {strides = array<i32>} : memref<16x768xf32, #tpu.memory_space<vmem>>, vector<1x16xf32>,
        %parallel_loop3A_336 = vector.shape_cast %parallel_loop3A_335 : vector<1x16xf32> to vector<16xf32>
        %parallel_loop3A_337 = vector.shape_cast %parallel_loop3A_332 : vector<16xf32> to vector<1x16xf32>
        tpu.vector_store %arg9[%parallel_loop3A_333, %parallel_loop3A_334], %parallel_loop3A_337 {add = true, strides = array<i32>} : memref<16x768xf32, #tpu.memory_space<vmem>>, vector<1x16xf32>,
        %parallel_loop3A_338 = arith.index_cast %parallel_loop3A_184 : i32 to index
        %parallel_loop3A_339 = arith.constant 272 : index
        %parallel_loop3A_340 = tpu.vector_load %arg7[%parallel_loop3A_338, %parallel_loop3A_339] {strides = array<i32>} : memref<64x768xf32, #tpu.memory_space<vmem>>, vector<1x16xf32>,
        %parallel_loop3A_341 = vector.shape_cast %parallel_loop3A_340 : vector<1x16xf32> to vector<16xf32>
        %parallel_loop3A_342 = arith.index_cast %parallel_loop3A_182 : i32 to index
        %parallel_loop3A_343 = arith.constant 272 : index
        %parallel_loop3A_344 = tpu.vector_load %arg9[%parallel_loop3A_342, %parallel_loop3A_343] {strides = array<i32>} : memref<16x768xf32, #tpu.memory_space<vmem>>, vector<1x16xf32>,
        %parallel_loop3A_345 = vector.shape_cast %parallel_loop3A_344 : vector<1x16xf32> to vector<16xf32>
        %parallel_loop3A_346 = vector.shape_cast %parallel_loop3A_341 : vector<16xf32> to vector<1x16xf32>
        tpu.vector_store %arg9[%parallel_loop3A_342, %parallel_loop3A_343], %parallel_loop3A_346 {add = true, strides = array<i32>} : memref<16x768xf32, #tpu.memory_space<vmem>>, vector<1x16xf32>,
        %parallel_loop3A_347 = arith.index_cast %parallel_loop3A_184 : i32 to index
        %parallel_loop3A_348 = arith.constant 288 : index
        %parallel_loop3A_349 = tpu.vector_load %arg7[%parallel_loop3A_347, %parallel_loop3A_348] {strides = array<i32>} : memref<64x768xf32, #tpu.memory_space<vmem>>, vector<1x16xf32>,
        %parallel_loop3A_350 = vector.shape_cast %parallel_loop3A_349 : vector<1x16xf32> to vector<16xf32>
        %parallel_loop3A_351 = arith.index_cast %parallel_loop3A_182 : i32 to index
        %parallel_loop3A_352 = arith.constant 288 : index
        %parallel_loop3A_353 = tpu.vector_load %arg9[%parallel_loop3A_351, %parallel_loop3A_352] {strides = array<i32>} : memref<16x768xf32, #tpu.memory_space<vmem>>, vector<1x16xf32>,
        %parallel_loop3A_354 = vector.shape_cast %parallel_loop3A_353 : vector<1x16xf32> to vector<16xf32>
        %parallel_loop3A_355 = vector.shape_cast %parallel_loop3A_350 : vector<16xf32> to vector<1x16xf32>
        tpu.vector_store %arg9[%parallel_loop3A_351, %parallel_loop3A_352], %parallel_loop3A_355 {add = true, strides = array<i32>} : memref<16x768xf32, #tpu.memory_space<vmem>>, vector<1x16xf32>,
        %parallel_loop3A_356 = arith.index_cast %parallel_loop3A_184 : i32 to index
        %parallel_loop3A_357 = arith.constant 304 : index
        %parallel_loop3A_358 = tpu.vector_load %arg7[%parallel_loop3A_356, %parallel_loop3A_357] {strides = array<i32>} : memref<64x768xf32, #tpu.memory_space<vmem>>, vector<1x16xf32>,
        %parallel_loop3A_359 = vector.shape_cast %parallel_loop3A_358 : vector<1x16xf32> to vector<16xf32>
        %parallel_loop3A_360 = arith.index_cast %parallel_loop3A_182 : i32 to index
        %parallel_loop3A_361 = arith.constant 304 : index
        %parallel_loop3A_362 = tpu.vector_load %arg9[%parallel_loop3A_360, %parallel_loop3A_361] {strides = array<i32>} : memref<16x768xf32, #tpu.memory_space<vmem>>, vector<1x16xf32>,
        %parallel_loop3A_363 = vector.shape_cast %parallel_loop3A_362 : vector<1x16xf32> to vector<16xf32>
        %parallel_loop3A_364 = vector.shape_cast %parallel_loop3A_359 : vector<16xf32> to vector<1x16xf32>
        tpu.vector_store %arg9[%parallel_loop3A_360, %parallel_loop3A_361], %parallel_loop3A_364 {add = true, strides = array<i32>} : memref<16x768xf32, #tpu.memory_space<vmem>>, vector<1x16xf32>,
        %parallel_loop3A_365 = arith.index_cast %parallel_loop3A_184 : i32 to index
        %parallel_loop3A_366 = arith.constant 320 : index
        %parallel_loop3A_367 = tpu.vector_load %arg7[%parallel_loop3A_365, %parallel_loop3A_366] {strides = array<i32>} : memref<64x768xf32, #tpu.memory_space<vmem>>, vector<1x16xf32>,
        %parallel_loop3A_368 = vector.shape_cast %parallel_loop3A_367 : vector<1x16xf32> to vector<16xf32>
        %parallel_loop3A_369 = arith.index_cast %parallel_loop3A_182 : i32 to index
        %parallel_loop3A_370 = arith.constant 320 : index
        %parallel_loop3A_371 = tpu.vector_load %arg9[%parallel_loop3A_369, %parallel_loop3A_370] {strides = array<i32>} : memref<16x768xf32, #tpu.memory_space<vmem>>, vector<1x16xf32>,
        %parallel_loop3A_372 = vector.shape_cast %parallel_loop3A_371 : vector<1x16xf32> to vector<16xf32>
        %parallel_loop3A_373 = vector.shape_cast %parallel_loop3A_368 : vector<16xf32> to vector<1x16xf32>
        tpu.vector_store %arg9[%parallel_loop3A_369, %parallel_loop3A_370], %parallel_loop3A_373 {add = true, strides = array<i32>} : memref<16x768xf32, #tpu.memory_space<vmem>>, vector<1x16xf32>,
        %parallel_loop3A_374 = arith.index_cast %parallel_loop3A_184 : i32 to index
        %parallel_loop3A_375 = arith.constant 336 : index
        %parallel_loop3A_376 = tpu.vector_load %arg7[%parallel_loop3A_374, %parallel_loop3A_375] {strides = array<i32>} : memref<64x768xf32, #tpu.memory_space<vmem>>, vector<1x16xf32>,
        %parallel_loop3A_377 = vector.shape_cast %parallel_loop3A_376 : vector<1x16xf32> to vector<16xf32>
        %parallel_loop3A_378 = arith.index_cast %parallel_loop3A_182 : i32 to index
        %parallel_loop3A_379 = arith.constant 336 : index
        %parallel_loop3A_380 = tpu.vector_load %arg9[%parallel_loop3A_378, %parallel_loop3A_379] {strides = array<i32>} : memref<16x768xf32, #tpu.memory_space<vmem>>, vector<1x16xf32>,
        %parallel_loop3A_381 = vector.shape_cast %parallel_loop3A_380 : vector<1x16xf32> to vector<16xf32>
        %parallel_loop3A_382 = vector.shape_cast %parallel_loop3A_377 : vector<16xf32> to vector<1x16xf32>
        tpu.vector_store %arg9[%parallel_loop3A_378, %parallel_loop3A_379], %parallel_loop3A_382 {add = true, strides = array<i32>} : memref<16x768xf32, #tpu.memory_space<vmem>>, vector<1x16xf32>,
        %parallel_loop3A_383 = arith.index_cast %parallel_loop3A_184 : i32 to index
        %parallel_loop3A_384 = arith.constant 352 : index
        %parallel_loop3A_385 = tpu.vector_load %arg7[%parallel_loop3A_383, %parallel_loop3A_384] {strides = array<i32>} : memref<64x768xf32, #tpu.memory_space<vmem>>, vector<1x16xf32>,
        %parallel_loop3A_386 = vector.shape_cast %parallel_loop3A_385 : vector<1x16xf32> to vector<16xf32>
        %parallel_loop3A_387 = arith.index_cast %parallel_loop3A_182 : i32 to index
        %parallel_loop3A_388 = arith.constant 352 : index
        %parallel_loop3A_389 = tpu.vector_load %arg9[%parallel_loop3A_387, %parallel_loop3A_388] {strides = array<i32>} : memref<16x768xf32, #tpu.memory_space<vmem>>, vector<1x16xf32>,
        %parallel_loop3A_390 = vector.shape_cast %parallel_loop3A_389 : vector<1x16xf32> to vector<16xf32>
        %parallel_loop3A_391 = vector.shape_cast %parallel_loop3A_386 : vector<16xf32> to vector<1x16xf32>
        tpu.vector_store %arg9[%parallel_loop3A_387, %parallel_loop3A_388], %parallel_loop3A_391 {add = true, strides = array<i32>} : memref<16x768xf32, #tpu.memory_space<vmem>>, vector<1x16xf32>,
        %parallel_loop3A_392 = arith.index_cast %parallel_loop3A_184 : i32 to index
        %parallel_loop3A_393 = arith.constant 368 : index
        %parallel_loop3A_394 = tpu.vector_load %arg7[%parallel_loop3A_392, %parallel_loop3A_393] {strides = array<i32>} : memref<64x768xf32, #tpu.memory_space<vmem>>, vector<1x16xf32>,
        %parallel_loop3A_395 = vector.shape_cast %parallel_loop3A_394 : vector<1x16xf32> to vector<16xf32>
        %parallel_loop3A_396 = arith.index_cast %parallel_loop3A_182 : i32 to index
        %parallel_loop3A_397 = arith.constant 368 : index
        %parallel_loop3A_398 = tpu.vector_load %arg9[%parallel_loop3A_396, %parallel_loop3A_397] {strides = array<i32>} : memref<16x768xf32, #tpu.memory_space<vmem>>, vector<1x16xf32>,
        %parallel_loop3A_399 = vector.shape_cast %parallel_loop3A_398 : vector<1x16xf32> to vector<16xf32>
        %parallel_loop3A_400 = vector.shape_cast %parallel_loop3A_395 : vector<16xf32> to vector<1x16xf32>
        tpu.vector_store %arg9[%parallel_loop3A_396, %parallel_loop3A_397], %parallel_loop3A_400 {add = true, strides = array<i32>} : memref<16x768xf32, #tpu.memory_space<vmem>>, vector<1x16xf32>,
        %parallel_loop3A_401 = arith.index_cast %parallel_loop3A_184 : i32 to index
        %parallel_loop3A_402 = arith.constant 384 : index
        %parallel_loop3A_403 = tpu.vector_load %arg7[%parallel_loop3A_401, %parallel_loop3A_402] {strides = array<i32>} : memref<64x768xf32, #tpu.memory_space<vmem>>, vector<1x16xf32>,
        %parallel_loop3A_404 = vector.shape_cast %parallel_loop3A_403 : vector<1x16xf32> to vector<16xf32>
        %parallel_loop3A_405 = arith.index_cast %parallel_loop3A_182 : i32 to index
        %parallel_loop3A_406 = arith.constant 384 : index
        %parallel_loop3A_407 = tpu.vector_load %arg9[%parallel_loop3A_405, %parallel_loop3A_406] {strides = array<i32>} : memref<16x768xf32, #tpu.memory_space<vmem>>, vector<1x16xf32>,
        %parallel_loop3A_408 = vector.shape_cast %parallel_loop3A_407 : vector<1x16xf32> to vector<16xf32>
        %parallel_loop3A_409 = vector.shape_cast %parallel_loop3A_404 : vector<16xf32> to vector<1x16xf32>
        tpu.vector_store %arg9[%parallel_loop3A_405, %parallel_loop3A_406], %parallel_loop3A_409 {add = true, strides = array<i32>} : memref<16x768xf32, #tpu.memory_space<vmem>>, vector<1x16xf32>,
        %parallel_loop3A_410 = arith.index_cast %parallel_loop3A_184 : i32 to index
        %parallel_loop3A_411 = arith.constant 400 : index
        %parallel_loop3A_412 = tpu.vector_load %arg7[%parallel_loop3A_410, %parallel_loop3A_411] {strides = array<i32>} : memref<64x768xf32, #tpu.memory_space<vmem>>, vector<1x16xf32>,
        %parallel_loop3A_413 = vector.shape_cast %parallel_loop3A_412 : vector<1x16xf32> to vector<16xf32>
        %parallel_loop3A_414 = arith.index_cast %parallel_loop3A_182 : i32 to index
        %parallel_loop3A_415 = arith.constant 400 : index
        %parallel_loop3A_416 = tpu.vector_load %arg9[%parallel_loop3A_414, %parallel_loop3A_415] {strides = array<i32>} : memref<16x768xf32, #tpu.memory_space<vmem>>, vector<1x16xf32>,
        %parallel_loop3A_417 = vector.shape_cast %parallel_loop3A_416 : vector<1x16xf32> to vector<16xf32>
        %parallel_loop3A_418 = vector.shape_cast %parallel_loop3A_413 : vector<16xf32> to vector<1x16xf32>
        tpu.vector_store %arg9[%parallel_loop3A_414, %parallel_loop3A_415], %parallel_loop3A_418 {add = true, strides = array<i32>} : memref<16x768xf32, #tpu.memory_space<vmem>>, vector<1x16xf32>,
        %parallel_loop3A_419 = arith.index_cast %parallel_loop3A_184 : i32 to index
        %parallel_loop3A_420 = arith.constant 416 : index
        %parallel_loop3A_421 = tpu.vector_load %arg7[%parallel_loop3A_419, %parallel_loop3A_420] {strides = array<i32>} : memref<64x768xf32, #tpu.memory_space<vmem>>, vector<1x16xf32>,
        %parallel_loop3A_422 = vector.shape_cast %parallel_loop3A_421 : vector<1x16xf32> to vector<16xf32>
        %parallel_loop3A_423 = arith.index_cast %parallel_loop3A_182 : i32 to index
        %parallel_loop3A_424 = arith.constant 416 : index
        %parallel_loop3A_425 = tpu.vector_load %arg9[%parallel_loop3A_423, %parallel_loop3A_424] {strides = array<i32>} : memref<16x768xf32, #tpu.memory_space<vmem>>, vector<1x16xf32>,
        %parallel_loop3A_426 = vector.shape_cast %parallel_loop3A_425 : vector<1x16xf32> to vector<16xf32>
        %parallel_loop3A_427 = vector.shape_cast %parallel_loop3A_422 : vector<16xf32> to vector<1x16xf32>
        tpu.vector_store %arg9[%parallel_loop3A_423, %parallel_loop3A_424], %parallel_loop3A_427 {add = true, strides = array<i32>} : memref<16x768xf32, #tpu.memory_space<vmem>>, vector<1x16xf32>,
        %parallel_loop3A_428 = arith.index_cast %parallel_loop3A_184 : i32 to index
        %parallel_loop3A_429 = arith.constant 432 : index
        %parallel_loop3A_430 = tpu.vector_load %arg7[%parallel_loop3A_428, %parallel_loop3A_429] {strides = array<i32>} : memref<64x768xf32, #tpu.memory_space<vmem>>, vector<1x16xf32>,
        %parallel_loop3A_431 = vector.shape_cast %parallel_loop3A_430 : vector<1x16xf32> to vector<16xf32>
        %parallel_loop3A_432 = arith.index_cast %parallel_loop3A_182 : i32 to index
        %parallel_loop3A_433 = arith.constant 432 : index
        %parallel_loop3A_434 = tpu.vector_load %arg9[%parallel_loop3A_432, %parallel_loop3A_433] {strides = array<i32>} : memref<16x768xf32, #tpu.memory_space<vmem>>, vector<1x16xf32>,
        %parallel_loop3A_435 = vector.shape_cast %parallel_loop3A_434 : vector<1x16xf32> to vector<16xf32>
        %parallel_loop3A_436 = vector.shape_cast %parallel_loop3A_431 : vector<16xf32> to vector<1x16xf32>
        tpu.vector_store %arg9[%parallel_loop3A_432, %parallel_loop3A_433], %parallel_loop3A_436 {add = true, strides = array<i32>} : memref<16x768xf32, #tpu.memory_space<vmem>>, vector<1x16xf32>,
        %parallel_loop3A_437 = arith.index_cast %parallel_loop3A_184 : i32 to index
        %parallel_loop3A_438 = arith.constant 448 : index
        %parallel_loop3A_439 = tpu.vector_load %arg7[%parallel_loop3A_437, %parallel_loop3A_438] {strides = array<i32>} : memref<64x768xf32, #tpu.memory_space<vmem>>, vector<1x16xf32>,
        %parallel_loop3A_440 = vector.shape_cast %parallel_loop3A_439 : vector<1x16xf32> to vector<16xf32>
        %parallel_loop3A_441 = arith.index_cast %parallel_loop3A_182 : i32 to index
        %parallel_loop3A_442 = arith.constant 448 : index
        %parallel_loop3A_443 = tpu.vector_load %arg9[%parallel_loop3A_441, %parallel_loop3A_442] {strides = array<i32>} : memref<16x768xf32, #tpu.memory_space<vmem>>, vector<1x16xf32>,
        %parallel_loop3A_444 = vector.shape_cast %parallel_loop3A_443 : vector<1x16xf32> to vector<16xf32>
        %parallel_loop3A_445 = vector.shape_cast %parallel_loop3A_440 : vector<16xf32> to vector<1x16xf32>
        tpu.vector_store %arg9[%parallel_loop3A_441, %parallel_loop3A_442], %parallel_loop3A_445 {add = true, strides = array<i32>} : memref<16x768xf32, #tpu.memory_space<vmem>>, vector<1x16xf32>,
        %parallel_loop3A_446 = arith.index_cast %parallel_loop3A_184 : i32 to index
        %parallel_loop3A_447 = arith.constant 464 : index
        %parallel_loop3A_448 = tpu.vector_load %arg7[%parallel_loop3A_446, %parallel_loop3A_447] {strides = array<i32>} : memref<64x768xf32, #tpu.memory_space<vmem>>, vector<1x16xf32>,
        %parallel_loop3A_449 = vector.shape_cast %parallel_loop3A_448 : vector<1x16xf32> to vector<16xf32>
        %parallel_loop3A_450 = arith.index_cast %parallel_loop3A_182 : i32 to index
        %parallel_loop3A_451 = arith.constant 464 : index
        %parallel_loop3A_452 = tpu.vector_load %arg9[%parallel_loop3A_450, %parallel_loop3A_451] {strides = array<i32>} : memref<16x768xf32, #tpu.memory_space<vmem>>, vector<1x16xf32>,
        %parallel_loop3A_453 = vector.shape_cast %parallel_loop3A_452 : vector<1x16xf32> to vector<16xf32>
        %parallel_loop3A_454 = vector.shape_cast %parallel_loop3A_449 : vector<16xf32> to vector<1x16xf32>
        tpu.vector_store %arg9[%parallel_loop3A_450, %parallel_loop3A_451], %parallel_loop3A_454 {add = true, strides = array<i32>} : memref<16x768xf32, #tpu.memory_space<vmem>>, vector<1x16xf32>,
        %parallel_loop3A_455 = arith.index_cast %parallel_loop3A_184 : i32 to index
        %parallel_loop3A_456 = arith.constant 480 : index
        %parallel_loop3A_457 = tpu.vector_load %arg7[%parallel_loop3A_455, %parallel_loop3A_456] {strides = array<i32>} : memref<64x768xf32, #tpu.memory_space<vmem>>, vector<1x16xf32>,
        %parallel_loop3A_458 = vector.shape_cast %parallel_loop3A_457 : vector<1x16xf32> to vector<16xf32>
        %parallel_loop3A_459 = arith.index_cast %parallel_loop3A_182 : i32 to index
        %parallel_loop3A_460 = arith.constant 480 : index
        %parallel_loop3A_461 = tpu.vector_load %arg9[%parallel_loop3A_459, %parallel_loop3A_460] {strides = array<i32>} : memref<16x768xf32, #tpu.memory_space<vmem>>, vector<1x16xf32>,
        %parallel_loop3A_462 = vector.shape_cast %parallel_loop3A_461 : vector<1x16xf32> to vector<16xf32>
        %parallel_loop3A_463 = vector.shape_cast %parallel_loop3A_458 : vector<16xf32> to vector<1x16xf32>
        tpu.vector_store %arg9[%parallel_loop3A_459, %parallel_loop3A_460], %parallel_loop3A_463 {add = true, strides = array<i32>} : memref<16x768xf32, #tpu.memory_space<vmem>>, vector<1x16xf32>,
        %parallel_loop3A_464 = arith.index_cast %parallel_loop3A_184 : i32 to index
        %parallel_loop3A_465 = arith.constant 496 : index
        %parallel_loop3A_466 = tpu.vector_load %arg7[%parallel_loop3A_464, %parallel_loop3A_465] {strides = array<i32>} : memref<64x768xf32, #tpu.memory_space<vmem>>, vector<1x16xf32>,
        %parallel_loop3A_467 = vector.shape_cast %parallel_loop3A_466 : vector<1x16xf32> to vector<16xf32>
        %parallel_loop3A_468 = arith.index_cast %parallel_loop3A_182 : i32 to index
        %parallel_loop3A_469 = arith.constant 496 : index
        %parallel_loop3A_470 = tpu.vector_load %arg9[%parallel_loop3A_468, %parallel_loop3A_469] {strides = array<i32>} : memref<16x768xf32, #tpu.memory_space<vmem>>, vector<1x16xf32>,
        %parallel_loop3A_471 = vector.shape_cast %parallel_loop3A_470 : vector<1x16xf32> to vector<16xf32>
        %parallel_loop3A_472 = vector.shape_cast %parallel_loop3A_467 : vector<16xf32> to vector<1x16xf32>
        tpu.vector_store %arg9[%parallel_loop3A_468, %parallel_loop3A_469], %parallel_loop3A_472 {add = true, strides = array<i32>} : memref<16x768xf32, #tpu.memory_space<vmem>>, vector<1x16xf32>,
        %parallel_loop3A_473 = arith.index_cast %parallel_loop3A_184 : i32 to index
        %parallel_loop3A_474 = arith.constant 512 : index
        %parallel_loop3A_475 = tpu.vector_load %arg7[%parallel_loop3A_473, %parallel_loop3A_474] {strides = array<i32>} : memref<64x768xf32, #tpu.memory_space<vmem>>, vector<1x16xf32>,
        %parallel_loop3A_476 = vector.shape_cast %parallel_loop3A_475 : vector<1x16xf32> to vector<16xf32>
        %parallel_loop3A_477 = arith.index_cast %parallel_loop3A_182 : i32 to index
        %parallel_loop3A_478 = arith.constant 512 : index
        %parallel_loop3A_479 = tpu.vector_load %arg9[%parallel_loop3A_477, %parallel_loop3A_478] {strides = array<i32>} : memref<16x768xf32, #tpu.memory_space<vmem>>, vector<1x16xf32>,
        %parallel_loop3A_480 = vector.shape_cast %parallel_loop3A_479 : vector<1x16xf32> to vector<16xf32>
        %parallel_loop3A_481 = vector.shape_cast %parallel_loop3A_476 : vector<16xf32> to vector<1x16xf32>
        tpu.vector_store %arg9[%parallel_loop3A_477, %parallel_loop3A_478], %parallel_loop3A_481 {add = true, strides = array<i32>} : memref<16x768xf32, #tpu.memory_space<vmem>>, vector<1x16xf32>,
        %parallel_loop3A_482 = arith.index_cast %parallel_loop3A_184 : i32 to index
        %parallel_loop3A_483 = arith.constant 528 : index
        %parallel_loop3A_484 = tpu.vector_load %arg7[%parallel_loop3A_482, %parallel_loop3A_483] {strides = array<i32>} : memref<64x768xf32, #tpu.memory_space<vmem>>, vector<1x16xf32>,
        %parallel_loop3A_485 = vector.shape_cast %parallel_loop3A_484 : vector<1x16xf32> to vector<16xf32>
        %parallel_loop3A_486 = arith.index_cast %parallel_loop3A_182 : i32 to index
        %parallel_loop3A_487 = arith.constant 528 : index
        %parallel_loop3A_488 = tpu.vector_load %arg9[%parallel_loop3A_486, %parallel_loop3A_487] {strides = array<i32>} : memref<16x768xf32, #tpu.memory_space<vmem>>, vector<1x16xf32>,
        %parallel_loop3A_489 = vector.shape_cast %parallel_loop3A_488 : vector<1x16xf32> to vector<16xf32>
        %parallel_loop3A_490 = vector.shape_cast %parallel_loop3A_485 : vector<16xf32> to vector<1x16xf32>
        tpu.vector_store %arg9[%parallel_loop3A_486, %parallel_loop3A_487], %parallel_loop3A_490 {add = true, strides = array<i32>} : memref<16x768xf32, #tpu.memory_space<vmem>>, vector<1x16xf32>,
        %parallel_loop3A_491 = arith.index_cast %parallel_loop3A_184 : i32 to index
        %parallel_loop3A_492 = arith.constant 544 : index
        %parallel_loop3A_493 = tpu.vector_load %arg7[%parallel_loop3A_491, %parallel_loop3A_492] {strides = array<i32>} : memref<64x768xf32, #tpu.memory_space<vmem>>, vector<1x16xf32>,
        %parallel_loop3A_494 = vector.shape_cast %parallel_loop3A_493 : vector<1x16xf32> to vector<16xf32>
        %parallel_loop3A_495 = arith.index_cast %parallel_loop3A_182 : i32 to index
        %parallel_loop3A_496 = arith.constant 544 : index
        %parallel_loop3A_497 = tpu.vector_load %arg9[%parallel_loop3A_495, %parallel_loop3A_496] {strides = array<i32>} : memref<16x768xf32, #tpu.memory_space<vmem>>, vector<1x16xf32>,
        %parallel_loop3A_498 = vector.shape_cast %parallel_loop3A_497 : vector<1x16xf32> to vector<16xf32>
        %parallel_loop3A_499 = vector.shape_cast %parallel_loop3A_494 : vector<16xf32> to vector<1x16xf32>
        tpu.vector_store %arg9[%parallel_loop3A_495, %parallel_loop3A_496], %parallel_loop3A_499 {add = true, strides = array<i32>} : memref<16x768xf32, #tpu.memory_space<vmem>>, vector<1x16xf32>,
        %parallel_loop3A_500 = arith.index_cast %parallel_loop3A_184 : i32 to index
        %parallel_loop3A_501 = arith.constant 560 : index
        %parallel_loop3A_502 = tpu.vector_load %arg7[%parallel_loop3A_500, %parallel_loop3A_501] {strides = array<i32>} : memref<64x768xf32, #tpu.memory_space<vmem>>, vector<1x16xf32>,
        %parallel_loop3A_503 = vector.shape_cast %parallel_loop3A_502 : vector<1x16xf32> to vector<16xf32>
        %parallel_loop3A_504 = arith.index_cast %parallel_loop3A_182 : i32 to index
        %parallel_loop3A_505 = arith.constant 560 : index
        %parallel_loop3A_506 = tpu.vector_load %arg9[%parallel_loop3A_504, %parallel_loop3A_505] {strides = array<i32>} : memref<16x768xf32, #tpu.memory_space<vmem>>, vector<1x16xf32>,
        %parallel_loop3A_507 = vector.shape_cast %parallel_loop3A_506 : vector<1x16xf32> to vector<16xf32>
        %parallel_loop3A_508 = vector.shape_cast %parallel_loop3A_503 : vector<16xf32> to vector<1x16xf32>
        tpu.vector_store %arg9[%parallel_loop3A_504, %parallel_loop3A_505], %parallel_loop3A_508 {add = true, strides = array<i32>} : memref<16x768xf32, #tpu.memory_space<vmem>>, vector<1x16xf32>,
        %parallel_loop3A_509 = arith.index_cast %parallel_loop3A_184 : i32 to index
        %parallel_loop3A_510 = arith.constant 576 : index
        %parallel_loop3A_511 = tpu.vector_load %arg7[%parallel_loop3A_509, %parallel_loop3A_510] {strides = array<i32>} : memref<64x768xf32, #tpu.memory_space<vmem>>, vector<1x16xf32>,
        %parallel_loop3A_512 = vector.shape_cast %parallel_loop3A_511 : vector<1x16xf32> to vector<16xf32>
        %parallel_loop3A_513 = arith.index_cast %parallel_loop3A_182 : i32 to index
        %parallel_loop3A_514 = arith.constant 576 : index
        %parallel_loop3A_515 = tpu.vector_load %arg9[%parallel_loop3A_513, %parallel_loop3A_514] {strides = array<i32>} : memref<16x768xf32, #tpu.memory_space<vmem>>, vector<1x16xf32>,
        %parallel_loop3A_516 = vector.shape_cast %parallel_loop3A_515 : vector<1x16xf32> to vector<16xf32>
        %parallel_loop3A_517 = vector.shape_cast %parallel_loop3A_512 : vector<16xf32> to vector<1x16xf32>
        tpu.vector_store %arg9[%parallel_loop3A_513, %parallel_loop3A_514], %parallel_loop3A_517 {add = true, strides = array<i32>} : memref<16x768xf32, #tpu.memory_space<vmem>>, vector<1x16xf32>,
        %parallel_loop3A_518 = arith.index_cast %parallel_loop3A_184 : i32 to index
        %parallel_loop3A_519 = arith.constant 592 : index
        %parallel_loop3A_520 = tpu.vector_load %arg7[%parallel_loop3A_518, %parallel_loop3A_519] {strides = array<i32>} : memref<64x768xf32, #tpu.memory_space<vmem>>, vector<1x16xf32>,
        %parallel_loop3A_521 = vector.shape_cast %parallel_loop3A_520 : vector<1x16xf32> to vector<16xf32>
        %parallel_loop3A_522 = arith.index_cast %parallel_loop3A_182 : i32 to index
        %parallel_loop3A_523 = arith.constant 592 : index
        %parallel_loop3A_524 = tpu.vector_load %arg9[%parallel_loop3A_522, %parallel_loop3A_523] {strides = array<i32>} : memref<16x768xf32, #tpu.memory_space<vmem>>, vector<1x16xf32>,
        %parallel_loop3A_525 = vector.shape_cast %parallel_loop3A_524 : vector<1x16xf32> to vector<16xf32>
        %parallel_loop3A_526 = vector.shape_cast %parallel_loop3A_521 : vector<16xf32> to vector<1x16xf32>
        tpu.vector_store %arg9[%parallel_loop3A_522, %parallel_loop3A_523], %parallel_loop3A_526 {add = true, strides = array<i32>} : memref<16x768xf32, #tpu.memory_space<vmem>>, vector<1x16xf32>,
        %parallel_loop3A_527 = arith.index_cast %parallel_loop3A_184 : i32 to index
        %parallel_loop3A_528 = arith.constant 608 : index
        %parallel_loop3A_529 = tpu.vector_load %arg7[%parallel_loop3A_527, %parallel_loop3A_528] {strides = array<i32>} : memref<64x768xf32, #tpu.memory_space<vmem>>, vector<1x16xf32>,
        %parallel_loop3A_530 = vector.shape_cast %parallel_loop3A_529 : vector<1x16xf32> to vector<16xf32>
        %parallel_loop3A_531 = arith.index_cast %parallel_loop3A_182 : i32 to index
        %parallel_loop3A_532 = arith.constant 608 : index
        %parallel_loop3A_533 = tpu.vector_load %arg9[%parallel_loop3A_531, %parallel_loop3A_532] {strides = array<i32>} : memref<16x768xf32, #tpu.memory_space<vmem>>, vector<1x16xf32>,
        %parallel_loop3A_534 = vector.shape_cast %parallel_loop3A_533 : vector<1x16xf32> to vector<16xf32>
        %parallel_loop3A_535 = vector.shape_cast %parallel_loop3A_530 : vector<16xf32> to vector<1x16xf32>
        tpu.vector_store %arg9[%parallel_loop3A_531, %parallel_loop3A_532], %parallel_loop3A_535 {add = true, strides = array<i32>} : memref<16x768xf32, #tpu.memory_space<vmem>>, vector<1x16xf32>,
        %parallel_loop3A_536 = arith.index_cast %parallel_loop3A_184 : i32 to index
        %parallel_loop3A_537 = arith.constant 624 : index
        %parallel_loop3A_538 = tpu.vector_load %arg7[%parallel_loop3A_536, %parallel_loop3A_537] {strides = array<i32>} : memref<64x768xf32, #tpu.memory_space<vmem>>, vector<1x16xf32>,
        %parallel_loop3A_539 = vector.shape_cast %parallel_loop3A_538 : vector<1x16xf32> to vector<16xf32>
        %parallel_loop3A_540 = arith.index_cast %parallel_loop3A_182 : i32 to index
        %parallel_loop3A_541 = arith.constant 624 : index
        %parallel_loop3A_542 = tpu.vector_load %arg9[%parallel_loop3A_540, %parallel_loop3A_541] {strides = array<i32>} : memref<16x768xf32, #tpu.memory_space<vmem>>, vector<1x16xf32>,
        %parallel_loop3A_543 = vector.shape_cast %parallel_loop3A_542 : vector<1x16xf32> to vector<16xf32>
        %parallel_loop3A_544 = vector.shape_cast %parallel_loop3A_539 : vector<16xf32> to vector<1x16xf32>
        tpu.vector_store %arg9[%parallel_loop3A_540, %parallel_loop3A_541], %parallel_loop3A_544 {add = true, strides = array<i32>} : memref<16x768xf32, #tpu.memory_space<vmem>>, vector<1x16xf32>,
        %parallel_loop3A_545 = arith.index_cast %parallel_loop3A_184 : i32 to index
        %parallel_loop3A_546 = arith.constant 640 : index
        %parallel_loop3A_547 = tpu.vector_load %arg7[%parallel_loop3A_545, %parallel_loop3A_546] {strides = array<i32>} : memref<64x768xf32, #tpu.memory_space<vmem>>, vector<1x16xf32>,
        %parallel_loop3A_548 = vector.shape_cast %parallel_loop3A_547 : vector<1x16xf32> to vector<16xf32>
        %parallel_loop3A_549 = arith.index_cast %parallel_loop3A_182 : i32 to index
        %parallel_loop3A_550 = arith.constant 640 : index
        %parallel_loop3A_551 = tpu.vector_load %arg9[%parallel_loop3A_549, %parallel_loop3A_550] {strides = array<i32>} : memref<16x768xf32, #tpu.memory_space<vmem>>, vector<1x16xf32>,
        %parallel_loop3A_552 = vector.shape_cast %parallel_loop3A_551 : vector<1x16xf32> to vector<16xf32>
        %parallel_loop3A_553 = vector.shape_cast %parallel_loop3A_548 : vector<16xf32> to vector<1x16xf32>
        tpu.vector_store %arg9[%parallel_loop3A_549, %parallel_loop3A_550], %parallel_loop3A_553 {add = true, strides = array<i32>} : memref<16x768xf32, #tpu.memory_space<vmem>>, vector<1x16xf32>,
        %parallel_loop3A_554 = arith.index_cast %parallel_loop3A_184 : i32 to index
        %parallel_loop3A_555 = arith.constant 656 : index
        %parallel_loop3A_556 = tpu.vector_load %arg7[%parallel_loop3A_554, %parallel_loop3A_555] {strides = array<i32>} : memref<64x768xf32, #tpu.memory_space<vmem>>, vector<1x16xf32>,
        %parallel_loop3A_557 = vector.shape_cast %parallel_loop3A_556 : vector<1x16xf32> to vector<16xf32>
        %parallel_loop3A_558 = arith.index_cast %parallel_loop3A_182 : i32 to index
        %parallel_loop3A_559 = arith.constant 656 : index
        %parallel_loop3A_560 = tpu.vector_load %arg9[%parallel_loop3A_558, %parallel_loop3A_559] {strides = array<i32>} : memref<16x768xf32, #tpu.memory_space<vmem>>, vector<1x16xf32>,
        %parallel_loop3A_561 = vector.shape_cast %parallel_loop3A_560 : vector<1x16xf32> to vector<16xf32>
        %parallel_loop3A_562 = vector.shape_cast %parallel_loop3A_557 : vector<16xf32> to vector<1x16xf32>
        tpu.vector_store %arg9[%parallel_loop3A_558, %parallel_loop3A_559], %parallel_loop3A_562 {add = true, strides = array<i32>} : memref<16x768xf32, #tpu.memory_space<vmem>>, vector<1x16xf32>,
        %parallel_loop3A_563 = arith.index_cast %parallel_loop3A_184 : i32 to index
        %parallel_loop3A_564 = arith.constant 672 : index
        %parallel_loop3A_565 = tpu.vector_load %arg7[%parallel_loop3A_563, %parallel_loop3A_564] {strides = array<i32>} : memref<64x768xf32, #tpu.memory_space<vmem>>, vector<1x16xf32>,
        %parallel_loop3A_566 = vector.shape_cast %parallel_loop3A_565 : vector<1x16xf32> to vector<16xf32>
        %parallel_loop3A_567 = arith.index_cast %parallel_loop3A_182 : i32 to index
        %parallel_loop3A_568 = arith.constant 672 : index
        %parallel_loop3A_569 = tpu.vector_load %arg9[%parallel_loop3A_567, %parallel_loop3A_568] {strides = array<i32>} : memref<16x768xf32, #tpu.memory_space<vmem>>, vector<1x16xf32>,
        %parallel_loop3A_570 = vector.shape_cast %parallel_loop3A_569 : vector<1x16xf32> to vector<16xf32>
        %parallel_loop3A_571 = vector.shape_cast %parallel_loop3A_566 : vector<16xf32> to vector<1x16xf32>
        tpu.vector_store %arg9[%parallel_loop3A_567, %parallel_loop3A_568], %parallel_loop3A_571 {add = true, strides = array<i32>} : memref<16x768xf32, #tpu.memory_space<vmem>>, vector<1x16xf32>,
        %parallel_loop3A_572 = arith.index_cast %parallel_loop3A_184 : i32 to index
        %parallel_loop3A_573 = arith.constant 688 : index
        %parallel_loop3A_574 = tpu.vector_load %arg7[%parallel_loop3A_572, %parallel_loop3A_573] {strides = array<i32>} : memref<64x768xf32, #tpu.memory_space<vmem>>, vector<1x16xf32>,
        %parallel_loop3A_575 = vector.shape_cast %parallel_loop3A_574 : vector<1x16xf32> to vector<16xf32>
        %parallel_loop3A_576 = arith.index_cast %parallel_loop3A_182 : i32 to index
        %parallel_loop3A_577 = arith.constant 688 : index
        %parallel_loop3A_578 = tpu.vector_load %arg9[%parallel_loop3A_576, %parallel_loop3A_577] {strides = array<i32>} : memref<16x768xf32, #tpu.memory_space<vmem>>, vector<1x16xf32>,
        %parallel_loop3A_579 = vector.shape_cast %parallel_loop3A_578 : vector<1x16xf32> to vector<16xf32>
        %parallel_loop3A_580 = vector.shape_cast %parallel_loop3A_575 : vector<16xf32> to vector<1x16xf32>
        tpu.vector_store %arg9[%parallel_loop3A_576, %parallel_loop3A_577], %parallel_loop3A_580 {add = true, strides = array<i32>} : memref<16x768xf32, #tpu.memory_space<vmem>>, vector<1x16xf32>,
        %parallel_loop3A_581 = arith.index_cast %parallel_loop3A_184 : i32 to index
        %parallel_loop3A_582 = arith.constant 704 : index
        %parallel_loop3A_583 = tpu.vector_load %arg7[%parallel_loop3A_581, %parallel_loop3A_582] {strides = array<i32>} : memref<64x768xf32, #tpu.memory_space<vmem>>, vector<1x16xf32>,
        %parallel_loop3A_584 = vector.shape_cast %parallel_loop3A_583 : vector<1x16xf32> to vector<16xf32>
        %parallel_loop3A_585 = arith.index_cast %parallel_loop3A_182 : i32 to index
        %parallel_loop3A_586 = arith.constant 704 : index
        %parallel_loop3A_587 = tpu.vector_load %arg9[%parallel_loop3A_585, %parallel_loop3A_586] {strides = array<i32>} : memref<16x768xf32, #tpu.memory_space<vmem>>, vector<1x16xf32>,
        %parallel_loop3A_588 = vector.shape_cast %parallel_loop3A_587 : vector<1x16xf32> to vector<16xf32>
        %parallel_loop3A_589 = vector.shape_cast %parallel_loop3A_584 : vector<16xf32> to vector<1x16xf32>
        tpu.vector_store %arg9[%parallel_loop3A_585, %parallel_loop3A_586], %parallel_loop3A_589 {add = true, strides = array<i32>} : memref<16x768xf32, #tpu.memory_space<vmem>>, vector<1x16xf32>,
        %parallel_loop3A_590 = arith.index_cast %parallel_loop3A_184 : i32 to index
        %parallel_loop3A_591 = arith.constant 720 : index
        %parallel_loop3A_592 = tpu.vector_load %arg7[%parallel_loop3A_590, %parallel_loop3A_591] {strides = array<i32>} : memref<64x768xf32, #tpu.memory_space<vmem>>, vector<1x16xf32>,
        %parallel_loop3A_593 = vector.shape_cast %parallel_loop3A_592 : vector<1x16xf32> to vector<16xf32>
        %parallel_loop3A_594 = arith.index_cast %parallel_loop3A_182 : i32 to index
        %parallel_loop3A_595 = arith.constant 720 : index
        %parallel_loop3A_596 = tpu.vector_load %arg9[%parallel_loop3A_594, %parallel_loop3A_595] {strides = array<i32>} : memref<16x768xf32, #tpu.memory_space<vmem>>, vector<1x16xf32>,
        %parallel_loop3A_597 = vector.shape_cast %parallel_loop3A_596 : vector<1x16xf32> to vector<16xf32>
        %parallel_loop3A_598 = vector.shape_cast %parallel_loop3A_593 : vector<16xf32> to vector<1x16xf32>
        tpu.vector_store %arg9[%parallel_loop3A_594, %parallel_loop3A_595], %parallel_loop3A_598 {add = true, strides = array<i32>} : memref<16x768xf32, #tpu.memory_space<vmem>>, vector<1x16xf32>,
        %parallel_loop3A_599 = arith.index_cast %parallel_loop3A_184 : i32 to index
        %parallel_loop3A_600 = arith.constant 736 : index
        %parallel_loop3A_601 = tpu.vector_load %arg7[%parallel_loop3A_599, %parallel_loop3A_600] {strides = array<i32>} : memref<64x768xf32, #tpu.memory_space<vmem>>, vector<1x16xf32>,
        %parallel_loop3A_602 = vector.shape_cast %parallel_loop3A_601 : vector<1x16xf32> to vector<16xf32>
        %parallel_loop3A_603 = arith.index_cast %parallel_loop3A_182 : i32 to index
        %parallel_loop3A_604 = arith.constant 736 : index
        %parallel_loop3A_605 = tpu.vector_load %arg9[%parallel_loop3A_603, %parallel_loop3A_604] {strides = array<i32>} : memref<16x768xf32, #tpu.memory_space<vmem>>, vector<1x16xf32>,
        %parallel_loop3A_606 = vector.shape_cast %parallel_loop3A_605 : vector<1x16xf32> to vector<16xf32>
        %parallel_loop3A_607 = vector.shape_cast %parallel_loop3A_602 : vector<16xf32> to vector<1x16xf32>
        tpu.vector_store %arg9[%parallel_loop3A_603, %parallel_loop3A_604], %parallel_loop3A_607 {add = true, strides = array<i32>} : memref<16x768xf32, #tpu.memory_space<vmem>>, vector<1x16xf32>,
        %parallel_loop3A_608 = arith.index_cast %parallel_loop3A_184 : i32 to index
        %parallel_loop3A_609 = arith.constant 752 : index
        %parallel_loop3A_610 = tpu.vector_load %arg7[%parallel_loop3A_608, %parallel_loop3A_609] {strides = array<i32>} : memref<64x768xf32, #tpu.memory_space<vmem>>, vector<1x16xf32>,
        %parallel_loop3A_611 = vector.shape_cast %parallel_loop3A_610 : vector<1x16xf32> to vector<16xf32>
        %parallel_loop3A_612 = arith.index_cast %parallel_loop3A_182 : i32 to index
        %parallel_loop3A_613 = arith.constant 752 : index
        %parallel_loop3A_614 = tpu.vector_load %arg9[%parallel_loop3A_612, %parallel_loop3A_613] {strides = array<i32>} : memref<16x768xf32, #tpu.memory_space<vmem>>, vector<1x16xf32>,
        %parallel_loop3A_615 = vector.shape_cast %parallel_loop3A_614 : vector<1x16xf32> to vector<16xf32>
        %parallel_loop3A_616 = vector.shape_cast %parallel_loop3A_611 : vector<16xf32> to vector<1x16xf32>
        tpu.vector_store %arg9[%parallel_loop3A_612, %parallel_loop3A_613], %parallel_loop3A_616 {add = true, strides = array<i32>} : memref<16x768xf32, #tpu.memory_space<vmem>>, vector<1x16xf32>,
      } {sc.loop_unroll_factor = 1 : i64, sc.parallel_access}
      %mul3A_83 = arith.constant 16 : i32
      %mul3A_84 = arith.muli %add3A_74, %mul3A_83 : i32
      %add3A_85 = arith.addi %mul3A_2, %mul3A_84 : i32
      %dma_start3A_86 = arith.constant 0 : i32
      %dma_start3A_87 = tpu.memref_slice %arg5[%add3A_85, %dma_start3A_86] : memref<262144x768xf32, #tpu.memory_space<hbm>> -> memref<16x768xf32, #tpu.memory_space<hbm>>
      %dma_start3A_88 = arith.constant 0 : i32
      %dma_start3A_89 = tpu.memref_slice %arg5[%add3A_85, %dma_start3A_88] : memref<262144x768xf32, #tpu.memory_space<hbm>> -> memref<16x768xf32, #tpu.memory_space<hbm>>
      tpu.enqueue_dma source(%arg9 : memref<16x768xf32, #tpu.memory_space<vmem>>) target(%dma_start3A_89 : memref<16x768xf32, #tpu.memory_space<hbm>>) target_semaphore(%arg17 : memref<!tpu.dma_semaphore, #tpu.memory_space<semaphore_mem>>)
      %add3A_90 = arith.constant 4 : i32
      %add3A_91 = arith.addi %add3A_74, %add3A_90 : i32
      %sub3A_92 = arith.constant 1 : i32
      %sub3A_93 = arith.subi %add3A_91, %sub3A_92 : i32
      %lt3A_94 = arith.constant 512 : i32
      %lt3A_95 = arith.cmpi slt, %sub3A_93, %lt3A_94 : i32
      %convert_element_type3A_96 = arith.extui %lt3A_95 : i1 to i32
      %cond3A_97 = arith.constant 0 : i32
      %cond3A_98 = arith.cmpi ne, %convert_element_type3A_96, %cond3A_97 : i32
      scf.if %cond3A_98 {
        %dma_wait3A_182 = arith.constant 0 : i32
        %dma_wait3A_183 = tpu.memref_slice %arg5[%mul3A_2, %dma_wait3A_182] : memref<262144x768xf32, #tpu.memory_space<hbm>> -> memref<16x768xf32, #tpu.memory_space<hbm>>
        %dma_wait3A_184 = arith.constant 0 : i32
        %dma_wait3A_185 = tpu.memref_slice %arg5[%mul3A_2, %dma_wait3A_184] : memref<262144x768xf32, #tpu.memory_space<hbm>> -> memref<16x768xf32, #tpu.memory_space<hbm>>
        tpu.wait_dma2 semaphore(%arg16 : memref<!tpu.dma_semaphore, #tpu.memory_space<semaphore_mem>>) src(%arg8 : memref<16x768xf32, #tpu.memory_space<vmem>>) dst(%dma_wait3A_185 : memref<16x768xf32, #tpu.memory_space<hbm>>)
      } else {
      }
      %add3A_99 = arith.constant 4 : i32
      %add3A_100 = arith.addi %add3A_74, %add3A_99 : i32
      %sub3A_101 = arith.constant 1 : i32
      %sub3A_102 = arith.subi %add3A_100, %sub3A_101 : i32
      %lt3A_103 = arith.constant 512 : i32
      %lt3A_104 = arith.cmpi slt, %sub3A_102, %lt3A_103 : i32
      %convert_element_type3A_105 = arith.extui %lt3A_104 : i1 to i32
      %cond3A_106 = arith.constant 0 : i32
      %cond3A_107 = arith.cmpi ne, %convert_element_type3A_105, %cond3A_106 : i32
      scf.if %cond3A_107 {
        %add3A_182 = arith.constant 4 : i32
        %add3A_183 = arith.addi %add3A_74, %add3A_182 : i32
        %sub3A_184 = arith.constant 1 : i32
        %sub3A_185 = arith.subi %add3A_183, %sub3A_184 : i32
        %mul3A_186 = arith.constant 16 : i32
        %mul3A_187 = arith.muli %sub3A_185, %mul3A_186 : i32
        %dma_start3A_188 = tpu.memref_slice %arg6[%mul3A_187] : memref<8192xi32, #tpu.memory_space<vmem>> -> memref<16xi32, #tpu.memory_space<vmem>>
        %dma_start3A_189 = arith.constant 0 : i32
        %dma_start3A_190 = arith.constant 0 : i32
        %dma_start3A_191 = tpu.memref_slice %arg3[%dma_start3A_189, %dma_start3A_190] : memref<100000x768xf32, #tpu.memory_space<hbm>> -> memref<100000x768xf32, #tpu.memory_space<hbm>>
        tpu.enqueue_indirect_dma source(%dma_start3A_191 : memref<100000x768xf32, #tpu.memory_space<hbm>>) target(%arg8 : memref<16x768xf32, #tpu.memory_space<vmem>>) offsets(%dma_start3A_188 : memref<16xi32, #tpu.memory_space<vmem>>) semaphore(%arg12 : memref<!tpu.dma_semaphore, #tpu.memory_space<semaphore_mem>>)
      } else {
      }
      %mul3A_108 = arith.constant 4 : i32
      %mul3A_109 = arith.muli %mul3A_108, %scan3A_37 : i32
      %add3A_110 = arith.constant 2 : i32
      %add3A_111 = arith.addi %mul3A_109, %add3A_110 : i32
      %dma_wait3A_112 = arith.constant 0 : i32
      %dma_wait3A_113 = tpu.memref_slice %arg6[%dma_wait3A_112] : memref<8192xi32, #tpu.memory_space<vmem>> -> memref<16xi32, #tpu.memory_space<vmem>>
      %dma_wait3A_114 = arith.constant 0 : i32
      %dma_wait3A_115 = arith.constant 0 : i32
      %dma_wait3A_116 = tpu.memref_slice %arg3[%dma_wait3A_114, %dma_wait3A_115] : memref<100000x768xf32, #tpu.memory_space<hbm>> -> memref<100000x768xf32, #tpu.memory_space<hbm>>
      tpu.wait_indirect_dma semaphore(%arg14 : memref<!tpu.dma_semaphore, #tpu.memory_space<semaphore_mem>>) src(%dma_wait3A_116 : memref<100000x768xf32, #tpu.memory_space<hbm>>) dst(%arg10 : memref<16x768xf32, #tpu.memory_space<vmem>>)
      %parallel_loop3A_117 = arith.constant 0 : i32
      %parallel_loop3A_118 = arith.constant 16 : i32
      %parallel_loop3A_119 = arith.constant 1 : i32
      scf.for %parallel_loop3A_182 = %parallel_loop3A_117 to %parallel_loop3A_118 step %parallel_loop3A_119  : i32 {
        %parallel_loop3A_183 = arith.constant 32 : i32
        %parallel_loop3A_184 = arith.addi %parallel_loop3A_183, %parallel_loop3A_182 : i32
        %parallel_loop3A_185 = arith.index_cast %parallel_loop3A_184 : i32 to index
        %parallel_loop3A_186 = arith.constant 0 : index
        %parallel_loop3A_187 = tpu.vector_load %arg7[%parallel_loop3A_185, %parallel_loop3A_186] {strides = array<i32>} : memref<64x768xf32, #tpu.memory_space<vmem>>, vector<1x16xf32>,
        %parallel_loop3A_188 = vector.shape_cast %parallel_loop3A_187 : vector<1x16xf32> to vector<16xf32>
        %parallel_loop3A_189 = arith.index_cast %parallel_loop3A_182 : i32 to index
        %parallel_loop3A_190 = arith.constant 0 : index
        %parallel_loop3A_191 = tpu.vector_load %arg10[%parallel_loop3A_189, %parallel_loop3A_190] {strides = array<i32>} : memref<16x768xf32, #tpu.memory_space<vmem>>, vector<1x16xf32>,
        %parallel_loop3A_192 = vector.shape_cast %parallel_loop3A_191 : vector<1x16xf32> to vector<16xf32>
        %parallel_loop3A_193 = vector.shape_cast %parallel_loop3A_188 : vector<16xf32> to vector<1x16xf32>
        tpu.vector_store %arg10[%parallel_loop3A_189, %parallel_loop3A_190], %parallel_loop3A_193 {add = true, strides = array<i32>} : memref<16x768xf32, #tpu.memory_space<vmem>>, vector<1x16xf32>,
        %parallel_loop3A_194 = arith.index_cast %parallel_loop3A_184 : i32 to index
        %parallel_loop3A_195 = arith.constant 16 : index
        %parallel_loop3A_196 = tpu.vector_load %arg7[%parallel_loop3A_194, %parallel_loop3A_195] {strides = array<i32>} : memref<64x768xf32, #tpu.memory_space<vmem>>, vector<1x16xf32>,
        %parallel_loop3A_197 = vector.shape_cast %parallel_loop3A_196 : vector<1x16xf32> to vector<16xf32>
        %parallel_loop3A_198 = arith.index_cast %parallel_loop3A_182 : i32 to index
        %parallel_loop3A_199 = arith.constant 16 : index
        %parallel_loop3A_200 = tpu.vector_load %arg10[%parallel_loop3A_198, %parallel_loop3A_199] {strides = array<i32>} : memref<16x768xf32, #tpu.memory_space<vmem>>, vector<1x16xf32>,
        %parallel_loop3A_201 = vector.shape_cast %parallel_loop3A_200 : vector<1x16xf32> to vector<16xf32>
        %parallel_loop3A_202 = vector.shape_cast %parallel_loop3A_197 : vector<16xf32> to vector<1x16xf32>
        tpu.vector_store %arg10[%parallel_loop3A_198, %parallel_loop3A_199], %parallel_loop3A_202 {add = true, strides = array<i32>} : memref<16x768xf32, #tpu.memory_space<vmem>>, vector<1x16xf32>,
        %parallel_loop3A_203 = arith.index_cast %parallel_loop3A_184 : i32 to index
        %parallel_loop3A_204 = arith.constant 32 : index
        %parallel_loop3A_205 = tpu.vector_load %arg7[%parallel_loop3A_203, %parallel_loop3A_204] {strides = array<i32>} : memref<64x768xf32, #tpu.memory_space<vmem>>, vector<1x16xf32>,
        %parallel_loop3A_206 = vector.shape_cast %parallel_loop3A_205 : vector<1x16xf32> to vector<16xf32>
        %parallel_loop3A_207 = arith.index_cast %parallel_loop3A_182 : i32 to index
        %parallel_loop3A_208 = arith.constant 32 : index
        %parallel_loop3A_209 = tpu.vector_load %arg10[%parallel_loop3A_207, %parallel_loop3A_208] {strides = array<i32>} : memref<16x768xf32, #tpu.memory_space<vmem>>, vector<1x16xf32>,
        %parallel_loop3A_210 = vector.shape_cast %parallel_loop3A_209 : vector<1x16xf32> to vector<16xf32>
        %parallel_loop3A_211 = vector.shape_cast %parallel_loop3A_206 : vector<16xf32> to vector<1x16xf32>
        tpu.vector_store %arg10[%parallel_loop3A_207, %parallel_loop3A_208], %parallel_loop3A_211 {add = true, strides = array<i32>} : memref<16x768xf32, #tpu.memory_space<vmem>>, vector<1x16xf32>,
        %parallel_loop3A_212 = arith.index_cast %parallel_loop3A_184 : i32 to index
        %parallel_loop3A_213 = arith.constant 48 : index
        %parallel_loop3A_214 = tpu.vector_load %arg7[%parallel_loop3A_212, %parallel_loop3A_213] {strides = array<i32>} : memref<64x768xf32, #tpu.memory_space<vmem>>, vector<1x16xf32>,
        %parallel_loop3A_215 = vector.shape_cast %parallel_loop3A_214 : vector<1x16xf32> to vector<16xf32>
        %parallel_loop3A_216 = arith.index_cast %parallel_loop3A_182 : i32 to index
        %parallel_loop3A_217 = arith.constant 48 : index
        %parallel_loop3A_218 = tpu.vector_load %arg10[%parallel_loop3A_216, %parallel_loop3A_217] {strides = array<i32>} : memref<16x768xf32, #tpu.memory_space<vmem>>, vector<1x16xf32>,
        %parallel_loop3A_219 = vector.shape_cast %parallel_loop3A_218 : vector<1x16xf32> to vector<16xf32>
        %parallel_loop3A_220 = vector.shape_cast %parallel_loop3A_215 : vector<16xf32> to vector<1x16xf32>
        tpu.vector_store %arg10[%parallel_loop3A_216, %parallel_loop3A_217], %parallel_loop3A_220 {add = true, strides = array<i32>} : memref<16x768xf32, #tpu.memory_space<vmem>>, vector<1x16xf32>,
        %parallel_loop3A_221 = arith.index_cast %parallel_loop3A_184 : i32 to index
        %parallel_loop3A_222 = arith.constant 64 : index
        %parallel_loop3A_223 = tpu.vector_load %arg7[%parallel_loop3A_221, %parallel_loop3A_222] {strides = array<i32>} : memref<64x768xf32, #tpu.memory_space<vmem>>, vector<1x16xf32>,
        %parallel_loop3A_224 = vector.shape_cast %parallel_loop3A_223 : vector<1x16xf32> to vector<16xf32>
        %parallel_loop3A_225 = arith.index_cast %parallel_loop3A_182 : i32 to index
        %parallel_loop3A_226 = arith.constant 64 : index
        %parallel_loop3A_227 = tpu.vector_load %arg10[%parallel_loop3A_225, %parallel_loop3A_226] {strides = array<i32>} : memref<16x768xf32, #tpu.memory_space<vmem>>, vector<1x16xf32>,
        %parallel_loop3A_228 = vector.shape_cast %parallel_loop3A_227 : vector<1x16xf32> to vector<16xf32>
        %parallel_loop3A_229 = vector.shape_cast %parallel_loop3A_224 : vector<16xf32> to vector<1x16xf32>
        tpu.vector_store %arg10[%parallel_loop3A_225, %parallel_loop3A_226], %parallel_loop3A_229 {add = true, strides = array<i32>} : memref<16x768xf32, #tpu.memory_space<vmem>>, vector<1x16xf32>,
        %parallel_loop3A_230 = arith.index_cast %parallel_loop3A_184 : i32 to index
        %parallel_loop3A_231 = arith.constant 80 : index
        %parallel_loop3A_232 = tpu.vector_load %arg7[%parallel_loop3A_230, %parallel_loop3A_231] {strides = array<i32>} : memref<64x768xf32, #tpu.memory_space<vmem>>, vector<1x16xf32>,
        %parallel_loop3A_233 = vector.shape_cast %parallel_loop3A_232 : vector<1x16xf32> to vector<16xf32>
        %parallel_loop3A_234 = arith.index_cast %parallel_loop3A_182 : i32 to index
        %parallel_loop3A_235 = arith.constant 80 : index
        %parallel_loop3A_236 = tpu.vector_load %arg10[%parallel_loop3A_234, %parallel_loop3A_235] {strides = array<i32>} : memref<16x768xf32, #tpu.memory_space<vmem>>, vector<1x16xf32>,
        %parallel_loop3A_237 = vector.shape_cast %parallel_loop3A_236 : vector<1x16xf32> to vector<16xf32>
        %parallel_loop3A_238 = vector.shape_cast %parallel_loop3A_233 : vector<16xf32> to vector<1x16xf32>
        tpu.vector_store %arg10[%parallel_loop3A_234, %parallel_loop3A_235], %parallel_loop3A_238 {add = true, strides = array<i32>} : memref<16x768xf32, #tpu.memory_space<vmem>>, vector<1x16xf32>,
        %parallel_loop3A_239 = arith.index_cast %parallel_loop3A_184 : i32 to index
        %parallel_loop3A_240 = arith.constant 96 : index
        %parallel_loop3A_241 = tpu.vector_load %arg7[%parallel_loop3A_239, %parallel_loop3A_240] {strides = array<i32>} : memref<64x768xf32, #tpu.memory_space<vmem>>, vector<1x16xf32>,
        %parallel_loop3A_242 = vector.shape_cast %parallel_loop3A_241 : vector<1x16xf32> to vector<16xf32>
        %parallel_loop3A_243 = arith.index_cast %parallel_loop3A_182 : i32 to index
        %parallel_loop3A_244 = arith.constant 96 : index
        %parallel_loop3A_245 = tpu.vector_load %arg10[%parallel_loop3A_243, %parallel_loop3A_244] {strides = array<i32>} : memref<16x768xf32, #tpu.memory_space<vmem>>, vector<1x16xf32>,
        %parallel_loop3A_246 = vector.shape_cast %parallel_loop3A_245 : vector<1x16xf32> to vector<16xf32>
        %parallel_loop3A_247 = vector.shape_cast %parallel_loop3A_242 : vector<16xf32> to vector<1x16xf32>
        tpu.vector_store %arg10[%parallel_loop3A_243, %parallel_loop3A_244], %parallel_loop3A_247 {add = true, strides = array<i32>} : memref<16x768xf32, #tpu.memory_space<vmem>>, vector<1x16xf32>,
        %parallel_loop3A_248 = arith.index_cast %parallel_loop3A_184 : i32 to index
        %parallel_loop3A_249 = arith.constant 112 : index
        %parallel_loop3A_250 = tpu.vector_load %arg7[%parallel_loop3A_248, %parallel_loop3A_249] {strides = array<i32>} : memref<64x768xf32, #tpu.memory_space<vmem>>, vector<1x16xf32>,
        %parallel_loop3A_251 = vector.shape_cast %parallel_loop3A_250 : vector<1x16xf32> to vector<16xf32>
        %parallel_loop3A_252 = arith.index_cast %parallel_loop3A_182 : i32 to index
        %parallel_loop3A_253 = arith.constant 112 : index
        %parallel_loop3A_254 = tpu.vector_load %arg10[%parallel_loop3A_252, %parallel_loop3A_253] {strides = array<i32>} : memref<16x768xf32, #tpu.memory_space<vmem>>, vector<1x16xf32>,
        %parallel_loop3A_255 = vector.shape_cast %parallel_loop3A_254 : vector<1x16xf32> to vector<16xf32>
        %parallel_loop3A_256 = vector.shape_cast %parallel_loop3A_251 : vector<16xf32> to vector<1x16xf32>
        tpu.vector_store %arg10[%parallel_loop3A_252, %parallel_loop3A_253], %parallel_loop3A_256 {add = true, strides = array<i32>} : memref<16x768xf32, #tpu.memory_space<vmem>>, vector<1x16xf32>,
        %parallel_loop3A_257 = arith.index_cast %parallel_loop3A_184 : i32 to index
        %parallel_loop3A_258 = arith.constant 128 : index
        %parallel_loop3A_259 = tpu.vector_load %arg7[%parallel_loop3A_257, %parallel_loop3A_258] {strides = array<i32>} : memref<64x768xf32, #tpu.memory_space<vmem>>, vector<1x16xf32>,
        %parallel_loop3A_260 = vector.shape_cast %parallel_loop3A_259 : vector<1x16xf32> to vector<16xf32>
        %parallel_loop3A_261 = arith.index_cast %parallel_loop3A_182 : i32 to index
        %parallel_loop3A_262 = arith.constant 128 : index
        %parallel_loop3A_263 = tpu.vector_load %arg10[%parallel_loop3A_261, %parallel_loop3A_262] {strides = array<i32>} : memref<16x768xf32, #tpu.memory_space<vmem>>, vector<1x16xf32>,
        %parallel_loop3A_264 = vector.shape_cast %parallel_loop3A_263 : vector<1x16xf32> to vector<16xf32>
        %parallel_loop3A_265 = vector.shape_cast %parallel_loop3A_260 : vector<16xf32> to vector<1x16xf32>
        tpu.vector_store %arg10[%parallel_loop3A_261, %parallel_loop3A_262], %parallel_loop3A_265 {add = true, strides = array<i32>} : memref<16x768xf32, #tpu.memory_space<vmem>>, vector<1x16xf32>,
        %parallel_loop3A_266 = arith.index_cast %parallel_loop3A_184 : i32 to index
        %parallel_loop3A_267 = arith.constant 144 : index
        %parallel_loop3A_268 = tpu.vector_load %arg7[%parallel_loop3A_266, %parallel_loop3A_267] {strides = array<i32>} : memref<64x768xf32, #tpu.memory_space<vmem>>, vector<1x16xf32>,
        %parallel_loop3A_269 = vector.shape_cast %parallel_loop3A_268 : vector<1x16xf32> to vector<16xf32>
        %parallel_loop3A_270 = arith.index_cast %parallel_loop3A_182 : i32 to index
        %parallel_loop3A_271 = arith.constant 144 : index
        %parallel_loop3A_272 = tpu.vector_load %arg10[%parallel_loop3A_270, %parallel_loop3A_271] {strides = array<i32>} : memref<16x768xf32, #tpu.memory_space<vmem>>, vector<1x16xf32>,
        %parallel_loop3A_273 = vector.shape_cast %parallel_loop3A_272 : vector<1x16xf32> to vector<16xf32>
        %parallel_loop3A_274 = vector.shape_cast %parallel_loop3A_269 : vector<16xf32> to vector<1x16xf32>
        tpu.vector_store %arg10[%parallel_loop3A_270, %parallel_loop3A_271], %parallel_loop3A_274 {add = true, strides = array<i32>} : memref<16x768xf32, #tpu.memory_space<vmem>>, vector<1x16xf32>,
        %parallel_loop3A_275 = arith.index_cast %parallel_loop3A_184 : i32 to index
        %parallel_loop3A_276 = arith.constant 160 : index
        %parallel_loop3A_277 = tpu.vector_load %arg7[%parallel_loop3A_275, %parallel_loop3A_276] {strides = array<i32>} : memref<64x768xf32, #tpu.memory_space<vmem>>, vector<1x16xf32>,
        %parallel_loop3A_278 = vector.shape_cast %parallel_loop3A_277 : vector<1x16xf32> to vector<16xf32>
        %parallel_loop3A_279 = arith.index_cast %parallel_loop3A_182 : i32 to index
        %parallel_loop3A_280 = arith.constant 160 : index
        %parallel_loop3A_281 = tpu.vector_load %arg10[%parallel_loop3A_279, %parallel_loop3A_280] {strides = array<i32>} : memref<16x768xf32, #tpu.memory_space<vmem>>, vector<1x16xf32>,
        %parallel_loop3A_282 = vector.shape_cast %parallel_loop3A_281 : vector<1x16xf32> to vector<16xf32>
        %parallel_loop3A_283 = vector.shape_cast %parallel_loop3A_278 : vector<16xf32> to vector<1x16xf32>
        tpu.vector_store %arg10[%parallel_loop3A_279, %parallel_loop3A_280], %parallel_loop3A_283 {add = true, strides = array<i32>} : memref<16x768xf32, #tpu.memory_space<vmem>>, vector<1x16xf32>,
        %parallel_loop3A_284 = arith.index_cast %parallel_loop3A_184 : i32 to index
        %parallel_loop3A_285 = arith.constant 176 : index
        %parallel_loop3A_286 = tpu.vector_load %arg7[%parallel_loop3A_284, %parallel_loop3A_285] {strides = array<i32>} : memref<64x768xf32, #tpu.memory_space<vmem>>, vector<1x16xf32>,
        %parallel_loop3A_287 = vector.shape_cast %parallel_loop3A_286 : vector<1x16xf32> to vector<16xf32>
        %parallel_loop3A_288 = arith.index_cast %parallel_loop3A_182 : i32 to index
        %parallel_loop3A_289 = arith.constant 176 : index
        %parallel_loop3A_290 = tpu.vector_load %arg10[%parallel_loop3A_288, %parallel_loop3A_289] {strides = array<i32>} : memref<16x768xf32, #tpu.memory_space<vmem>>, vector<1x16xf32>,
        %parallel_loop3A_291 = vector.shape_cast %parallel_loop3A_290 : vector<1x16xf32> to vector<16xf32>
        %parallel_loop3A_292 = vector.shape_cast %parallel_loop3A_287 : vector<16xf32> to vector<1x16xf32>
        tpu.vector_store %arg10[%parallel_loop3A_288, %parallel_loop3A_289], %parallel_loop3A_292 {add = true, strides = array<i32>} : memref<16x768xf32, #tpu.memory_space<vmem>>, vector<1x16xf32>,
        %parallel_loop3A_293 = arith.index_cast %parallel_loop3A_184 : i32 to index
        %parallel_loop3A_294 = arith.constant 192 : index
        %parallel_loop3A_295 = tpu.vector_load %arg7[%parallel_loop3A_293, %parallel_loop3A_294] {strides = array<i32>} : memref<64x768xf32, #tpu.memory_space<vmem>>, vector<1x16xf32>,
        %parallel_loop3A_296 = vector.shape_cast %parallel_loop3A_295 : vector<1x16xf32> to vector<16xf32>
        %parallel_loop3A_297 = arith.index_cast %parallel_loop3A_182 : i32 to index
        %parallel_loop3A_298 = arith.constant 192 : index
        %parallel_loop3A_299 = tpu.vector_load %arg10[%parallel_loop3A_297, %parallel_loop3A_298] {strides = array<i32>} : memref<16x768xf32, #tpu.memory_space<vmem>>, vector<1x16xf32>,
        %parallel_loop3A_300 = vector.shape_cast %parallel_loop3A_299 : vector<1x16xf32> to vector<16xf32>
        %parallel_loop3A_301 = vector.shape_cast %parallel_loop3A_296 : vector<16xf32> to vector<1x16xf32>
        tpu.vector_store %arg10[%parallel_loop3A_297, %parallel_loop3A_298], %parallel_loop3A_301 {add = true, strides = array<i32>} : memref<16x768xf32, #tpu.memory_space<vmem>>, vector<1x16xf32>,
        %parallel_loop3A_302 = arith.index_cast %parallel_loop3A_184 : i32 to index
        %parallel_loop3A_303 = arith.constant 208 : index
        %parallel_loop3A_304 = tpu.vector_load %arg7[%parallel_loop3A_302, %parallel_loop3A_303] {strides = array<i32>} : memref<64x768xf32, #tpu.memory_space<vmem>>, vector<1x16xf32>,
        %parallel_loop3A_305 = vector.shape_cast %parallel_loop3A_304 : vector<1x16xf32> to vector<16xf32>
        %parallel_loop3A_306 = arith.index_cast %parallel_loop3A_182 : i32 to index
        %parallel_loop3A_307 = arith.constant 208 : index
        %parallel_loop3A_308 = tpu.vector_load %arg10[%parallel_loop3A_306, %parallel_loop3A_307] {strides = array<i32>} : memref<16x768xf32, #tpu.memory_space<vmem>>, vector<1x16xf32>,
        %parallel_loop3A_309 = vector.shape_cast %parallel_loop3A_308 : vector<1x16xf32> to vector<16xf32>
        %parallel_loop3A_310 = vector.shape_cast %parallel_loop3A_305 : vector<16xf32> to vector<1x16xf32>
        tpu.vector_store %arg10[%parallel_loop3A_306, %parallel_loop3A_307], %parallel_loop3A_310 {add = true, strides = array<i32>} : memref<16x768xf32, #tpu.memory_space<vmem>>, vector<1x16xf32>,
        %parallel_loop3A_311 = arith.index_cast %parallel_loop3A_184 : i32 to index
        %parallel_loop3A_312 = arith.constant 224 : index
        %parallel_loop3A_313 = tpu.vector_load %arg7[%parallel_loop3A_311, %parallel_loop3A_312] {strides = array<i32>} : memref<64x768xf32, #tpu.memory_space<vmem>>, vector<1x16xf32>,
        %parallel_loop3A_314 = vector.shape_cast %parallel_loop3A_313 : vector<1x16xf32> to vector<16xf32>
        %parallel_loop3A_315 = arith.index_cast %parallel_loop3A_182 : i32 to index
        %parallel_loop3A_316 = arith.constant 224 : index
        %parallel_loop3A_317 = tpu.vector_load %arg10[%parallel_loop3A_315, %parallel_loop3A_316] {strides = array<i32>} : memref<16x768xf32, #tpu.memory_space<vmem>>, vector<1x16xf32>,
        %parallel_loop3A_318 = vector.shape_cast %parallel_loop3A_317 : vector<1x16xf32> to vector<16xf32>
        %parallel_loop3A_319 = vector.shape_cast %parallel_loop3A_314 : vector<16xf32> to vector<1x16xf32>
        tpu.vector_store %arg10[%parallel_loop3A_315, %parallel_loop3A_316], %parallel_loop3A_319 {add = true, strides = array<i32>} : memref<16x768xf32, #tpu.memory_space<vmem>>, vector<1x16xf32>,
        %parallel_loop3A_320 = arith.index_cast %parallel_loop3A_184 : i32 to index
        %parallel_loop3A_321 = arith.constant 240 : index
        %parallel_loop3A_322 = tpu.vector_load %arg7[%parallel_loop3A_320, %parallel_loop3A_321] {strides = array<i32>} : memref<64x768xf32, #tpu.memory_space<vmem>>, vector<1x16xf32>,
        %parallel_loop3A_323 = vector.shape_cast %parallel_loop3A_322 : vector<1x16xf32> to vector<16xf32>
        %parallel_loop3A_324 = arith.index_cast %parallel_loop3A_182 : i32 to index
        %parallel_loop3A_325 = arith.constant 240 : index
        %parallel_loop3A_326 = tpu.vector_load %arg10[%parallel_loop3A_324, %parallel_loop3A_325] {strides = array<i32>} : memref<16x768xf32, #tpu.memory_space<vmem>>, vector<1x16xf32>,
        %parallel_loop3A_327 = vector.shape_cast %parallel_loop3A_326 : vector<1x16xf32> to vector<16xf32>
        %parallel_loop3A_328 = vector.shape_cast %parallel_loop3A_323 : vector<16xf32> to vector<1x16xf32>
        tpu.vector_store %arg10[%parallel_loop3A_324, %parallel_loop3A_325], %parallel_loop3A_328 {add = true, strides = array<i32>} : memref<16x768xf32, #tpu.memory_space<vmem>>, vector<1x16xf32>,
        %parallel_loop3A_329 = arith.index_cast %parallel_loop3A_184 : i32 to index
        %parallel_loop3A_330 = arith.constant 256 : index
        %parallel_loop3A_331 = tpu.vector_load %arg7[%parallel_loop3A_329, %parallel_loop3A_330] {strides = array<i32>} : memref<64x768xf32, #tpu.memory_space<vmem>>, vector<1x16xf32>,
        %parallel_loop3A_332 = vector.shape_cast %parallel_loop3A_331 : vector<1x16xf32> to vector<16xf32>
        %parallel_loop3A_333 = arith.index_cast %parallel_loop3A_182 : i32 to index
        %parallel_loop3A_334 = arith.constant 256 : index
        %parallel_loop3A_335 = tpu.vector_load %arg10[%parallel_loop3A_333, %parallel_loop3A_334] {strides = array<i32>} : memref<16x768xf32, #tpu.memory_space<vmem>>, vector<1x16xf32>,
        %parallel_loop3A_336 = vector.shape_cast %parallel_loop3A_335 : vector<1x16xf32> to vector<16xf32>
        %parallel_loop3A_337 = vector.shape_cast %parallel_loop3A_332 : vector<16xf32> to vector<1x16xf32>
        tpu.vector_store %arg10[%parallel_loop3A_333, %parallel_loop3A_334], %parallel_loop3A_337 {add = true, strides = array<i32>} : memref<16x768xf32, #tpu.memory_space<vmem>>, vector<1x16xf32>,
        %parallel_loop3A_338 = arith.index_cast %parallel_loop3A_184 : i32 to index
        %parallel_loop3A_339 = arith.constant 272 : index
        %parallel_loop3A_340 = tpu.vector_load %arg7[%parallel_loop3A_338, %parallel_loop3A_339] {strides = array<i32>} : memref<64x768xf32, #tpu.memory_space<vmem>>, vector<1x16xf32>,
        %parallel_loop3A_341 = vector.shape_cast %parallel_loop3A_340 : vector<1x16xf32> to vector<16xf32>
        %parallel_loop3A_342 = arith.index_cast %parallel_loop3A_182 : i32 to index
        %parallel_loop3A_343 = arith.constant 272 : index
        %parallel_loop3A_344 = tpu.vector_load %arg10[%parallel_loop3A_342, %parallel_loop3A_343] {strides = array<i32>} : memref<16x768xf32, #tpu.memory_space<vmem>>, vector<1x16xf32>,
        %parallel_loop3A_345 = vector.shape_cast %parallel_loop3A_344 : vector<1x16xf32> to vector<16xf32>
        %parallel_loop3A_346 = vector.shape_cast %parallel_loop3A_341 : vector<16xf32> to vector<1x16xf32>
        tpu.vector_store %arg10[%parallel_loop3A_342, %parallel_loop3A_343], %parallel_loop3A_346 {add = true, strides = array<i32>} : memref<16x768xf32, #tpu.memory_space<vmem>>, vector<1x16xf32>,
        %parallel_loop3A_347 = arith.index_cast %parallel_loop3A_184 : i32 to index
        %parallel_loop3A_348 = arith.constant 288 : index
        %parallel_loop3A_349 = tpu.vector_load %arg7[%parallel_loop3A_347, %parallel_loop3A_348] {strides = array<i32>} : memref<64x768xf32, #tpu.memory_space<vmem>>, vector<1x16xf32>,
        %parallel_loop3A_350 = vector.shape_cast %parallel_loop3A_349 : vector<1x16xf32> to vector<16xf32>
        %parallel_loop3A_351 = arith.index_cast %parallel_loop3A_182 : i32 to index
        %parallel_loop3A_352 = arith.constant 288 : index
        %parallel_loop3A_353 = tpu.vector_load %arg10[%parallel_loop3A_351, %parallel_loop3A_352] {strides = array<i32>} : memref<16x768xf32, #tpu.memory_space<vmem>>, vector<1x16xf32>,
        %parallel_loop3A_354 = vector.shape_cast %parallel_loop3A_353 : vector<1x16xf32> to vector<16xf32>
        %parallel_loop3A_355 = vector.shape_cast %parallel_loop3A_350 : vector<16xf32> to vector<1x16xf32>
        tpu.vector_store %arg10[%parallel_loop3A_351, %parallel_loop3A_352], %parallel_loop3A_355 {add = true, strides = array<i32>} : memref<16x768xf32, #tpu.memory_space<vmem>>, vector<1x16xf32>,
        %parallel_loop3A_356 = arith.index_cast %parallel_loop3A_184 : i32 to index
        %parallel_loop3A_357 = arith.constant 304 : index
        %parallel_loop3A_358 = tpu.vector_load %arg7[%parallel_loop3A_356, %parallel_loop3A_357] {strides = array<i32>} : memref<64x768xf32, #tpu.memory_space<vmem>>, vector<1x16xf32>,
        %parallel_loop3A_359 = vector.shape_cast %parallel_loop3A_358 : vector<1x16xf32> to vector<16xf32>
        %parallel_loop3A_360 = arith.index_cast %parallel_loop3A_182 : i32 to index
        %parallel_loop3A_361 = arith.constant 304 : index
        %parallel_loop3A_362 = tpu.vector_load %arg10[%parallel_loop3A_360, %parallel_loop3A_361] {strides = array<i32>} : memref<16x768xf32, #tpu.memory_space<vmem>>, vector<1x16xf32>,
        %parallel_loop3A_363 = vector.shape_cast %parallel_loop3A_362 : vector<1x16xf32> to vector<16xf32>
        %parallel_loop3A_364 = vector.shape_cast %parallel_loop3A_359 : vector<16xf32> to vector<1x16xf32>
        tpu.vector_store %arg10[%parallel_loop3A_360, %parallel_loop3A_361], %parallel_loop3A_364 {add = true, strides = array<i32>} : memref<16x768xf32, #tpu.memory_space<vmem>>, vector<1x16xf32>,
        %parallel_loop3A_365 = arith.index_cast %parallel_loop3A_184 : i32 to index
        %parallel_loop3A_366 = arith.constant 320 : index
        %parallel_loop3A_367 = tpu.vector_load %arg7[%parallel_loop3A_365, %parallel_loop3A_366] {strides = array<i32>} : memref<64x768xf32, #tpu.memory_space<vmem>>, vector<1x16xf32>,
        %parallel_loop3A_368 = vector.shape_cast %parallel_loop3A_367 : vector<1x16xf32> to vector<16xf32>
        %parallel_loop3A_369 = arith.index_cast %parallel_loop3A_182 : i32 to index
        %parallel_loop3A_370 = arith.constant 320 : index
        %parallel_loop3A_371 = tpu.vector_load %arg10[%parallel_loop3A_369, %parallel_loop3A_370] {strides = array<i32>} : memref<16x768xf32, #tpu.memory_space<vmem>>, vector<1x16xf32>,
        %parallel_loop3A_372 = vector.shape_cast %parallel_loop3A_371 : vector<1x16xf32> to vector<16xf32>
        %parallel_loop3A_373 = vector.shape_cast %parallel_loop3A_368 : vector<16xf32> to vector<1x16xf32>
        tpu.vector_store %arg10[%parallel_loop3A_369, %parallel_loop3A_370], %parallel_loop3A_373 {add = true, strides = array<i32>} : memref<16x768xf32, #tpu.memory_space<vmem>>, vector<1x16xf32>,
        %parallel_loop3A_374 = arith.index_cast %parallel_loop3A_184 : i32 to index
        %parallel_loop3A_375 = arith.constant 336 : index
        %parallel_loop3A_376 = tpu.vector_load %arg7[%parallel_loop3A_374, %parallel_loop3A_375] {strides = array<i32>} : memref<64x768xf32, #tpu.memory_space<vmem>>, vector<1x16xf32>,
        %parallel_loop3A_377 = vector.shape_cast %parallel_loop3A_376 : vector<1x16xf32> to vector<16xf32>
        %parallel_loop3A_378 = arith.index_cast %parallel_loop3A_182 : i32 to index
        %parallel_loop3A_379 = arith.constant 336 : index
        %parallel_loop3A_380 = tpu.vector_load %arg10[%parallel_loop3A_378, %parallel_loop3A_379] {strides = array<i32>} : memref<16x768xf32, #tpu.memory_space<vmem>>, vector<1x16xf32>,
        %parallel_loop3A_381 = vector.shape_cast %parallel_loop3A_380 : vector<1x16xf32> to vector<16xf32>
        %parallel_loop3A_382 = vector.shape_cast %parallel_loop3A_377 : vector<16xf32> to vector<1x16xf32>
        tpu.vector_store %arg10[%parallel_loop3A_378, %parallel_loop3A_379], %parallel_loop3A_382 {add = true, strides = array<i32>} : memref<16x768xf32, #tpu.memory_space<vmem>>, vector<1x16xf32>,
        %parallel_loop3A_383 = arith.index_cast %parallel_loop3A_184 : i32 to index
        %parallel_loop3A_384 = arith.constant 352 : index
        %parallel_loop3A_385 = tpu.vector_load %arg7[%parallel_loop3A_383, %parallel_loop3A_384] {strides = array<i32>} : memref<64x768xf32, #tpu.memory_space<vmem>>, vector<1x16xf32>,
        %parallel_loop3A_386 = vector.shape_cast %parallel_loop3A_385 : vector<1x16xf32> to vector<16xf32>
        %parallel_loop3A_387 = arith.index_cast %parallel_loop3A_182 : i32 to index
        %parallel_loop3A_388 = arith.constant 352 : index
        %parallel_loop3A_389 = tpu.vector_load %arg10[%parallel_loop3A_387, %parallel_loop3A_388] {strides = array<i32>} : memref<16x768xf32, #tpu.memory_space<vmem>>, vector<1x16xf32>,
        %parallel_loop3A_390 = vector.shape_cast %parallel_loop3A_389 : vector<1x16xf32> to vector<16xf32>
        %parallel_loop3A_391 = vector.shape_cast %parallel_loop3A_386 : vector<16xf32> to vector<1x16xf32>
        tpu.vector_store %arg10[%parallel_loop3A_387, %parallel_loop3A_388], %parallel_loop3A_391 {add = true, strides = array<i32>} : memref<16x768xf32, #tpu.memory_space<vmem>>, vector<1x16xf32>,
        %parallel_loop3A_392 = arith.index_cast %parallel_loop3A_184 : i32 to index
        %parallel_loop3A_393 = arith.constant 368 : index
        %parallel_loop3A_394 = tpu.vector_load %arg7[%parallel_loop3A_392, %parallel_loop3A_393] {strides = array<i32>} : memref<64x768xf32, #tpu.memory_space<vmem>>, vector<1x16xf32>,
        %parallel_loop3A_395 = vector.shape_cast %parallel_loop3A_394 : vector<1x16xf32> to vector<16xf32>
        %parallel_loop3A_396 = arith.index_cast %parallel_loop3A_182 : i32 to index
        %parallel_loop3A_397 = arith.constant 368 : index
        %parallel_loop3A_398 = tpu.vector_load %arg10[%parallel_loop3A_396, %parallel_loop3A_397] {strides = array<i32>} : memref<16x768xf32, #tpu.memory_space<vmem>>, vector<1x16xf32>,
        %parallel_loop3A_399 = vector.shape_cast %parallel_loop3A_398 : vector<1x16xf32> to vector<16xf32>
        %parallel_loop3A_400 = vector.shape_cast %parallel_loop3A_395 : vector<16xf32> to vector<1x16xf32>
        tpu.vector_store %arg10[%parallel_loop3A_396, %parallel_loop3A_397], %parallel_loop3A_400 {add = true, strides = array<i32>} : memref<16x768xf32, #tpu.memory_space<vmem>>, vector<1x16xf32>,
        %parallel_loop3A_401 = arith.index_cast %parallel_loop3A_184 : i32 to index
        %parallel_loop3A_402 = arith.constant 384 : index
        %parallel_loop3A_403 = tpu.vector_load %arg7[%parallel_loop3A_401, %parallel_loop3A_402] {strides = array<i32>} : memref<64x768xf32, #tpu.memory_space<vmem>>, vector<1x16xf32>,
        %parallel_loop3A_404 = vector.shape_cast %parallel_loop3A_403 : vector<1x16xf32> to vector<16xf32>
        %parallel_loop3A_405 = arith.index_cast %parallel_loop3A_182 : i32 to index
        %parallel_loop3A_406 = arith.constant 384 : index
        %parallel_loop3A_407 = tpu.vector_load %arg10[%parallel_loop3A_405, %parallel_loop3A_406] {strides = array<i32>} : memref<16x768xf32, #tpu.memory_space<vmem>>, vector<1x16xf32>,
        %parallel_loop3A_408 = vector.shape_cast %parallel_loop3A_407 : vector<1x16xf32> to vector<16xf32>
        %parallel_loop3A_409 = vector.shape_cast %parallel_loop3A_404 : vector<16xf32> to vector<1x16xf32>
        tpu.vector_store %arg10[%parallel_loop3A_405, %parallel_loop3A_406], %parallel_loop3A_409 {add = true, strides = array<i32>} : memref<16x768xf32, #tpu.memory_space<vmem>>, vector<1x16xf32>,
        %parallel_loop3A_410 = arith.index_cast %parallel_loop3A_184 : i32 to index
        %parallel_loop3A_411 = arith.constant 400 : index
        %parallel_loop3A_412 = tpu.vector_load %arg7[%parallel_loop3A_410, %parallel_loop3A_411] {strides = array<i32>} : memref<64x768xf32, #tpu.memory_space<vmem>>, vector<1x16xf32>,
        %parallel_loop3A_413 = vector.shape_cast %parallel_loop3A_412 : vector<1x16xf32> to vector<16xf32>
        %parallel_loop3A_414 = arith.index_cast %parallel_loop3A_182 : i32 to index
        %parallel_loop3A_415 = arith.constant 400 : index
        %parallel_loop3A_416 = tpu.vector_load %arg10[%parallel_loop3A_414, %parallel_loop3A_415] {strides = array<i32>} : memref<16x768xf32, #tpu.memory_space<vmem>>, vector<1x16xf32>,
        %parallel_loop3A_417 = vector.shape_cast %parallel_loop3A_416 : vector<1x16xf32> to vector<16xf32>
        %parallel_loop3A_418 = vector.shape_cast %parallel_loop3A_413 : vector<16xf32> to vector<1x16xf32>
        tpu.vector_store %arg10[%parallel_loop3A_414, %parallel_loop3A_415], %parallel_loop3A_418 {add = true, strides = array<i32>} : memref<16x768xf32, #tpu.memory_space<vmem>>, vector<1x16xf32>,
        %parallel_loop3A_419 = arith.index_cast %parallel_loop3A_184 : i32 to index
        %parallel_loop3A_420 = arith.constant 416 : index
        %parallel_loop3A_421 = tpu.vector_load %arg7[%parallel_loop3A_419, %parallel_loop3A_420] {strides = array<i32>} : memref<64x768xf32, #tpu.memory_space<vmem>>, vector<1x16xf32>,
        %parallel_loop3A_422 = vector.shape_cast %parallel_loop3A_421 : vector<1x16xf32> to vector<16xf32>
        %parallel_loop3A_423 = arith.index_cast %parallel_loop3A_182 : i32 to index
        %parallel_loop3A_424 = arith.constant 416 : index
        %parallel_loop3A_425 = tpu.vector_load %arg10[%parallel_loop3A_423, %parallel_loop3A_424] {strides = array<i32>} : memref<16x768xf32, #tpu.memory_space<vmem>>, vector<1x16xf32>,
        %parallel_loop3A_426 = vector.shape_cast %parallel_loop3A_425 : vector<1x16xf32> to vector<16xf32>
        %parallel_loop3A_427 = vector.shape_cast %parallel_loop3A_422 : vector<16xf32> to vector<1x16xf32>
        tpu.vector_store %arg10[%parallel_loop3A_423, %parallel_loop3A_424], %parallel_loop3A_427 {add = true, strides = array<i32>} : memref<16x768xf32, #tpu.memory_space<vmem>>, vector<1x16xf32>,
        %parallel_loop3A_428 = arith.index_cast %parallel_loop3A_184 : i32 to index
        %parallel_loop3A_429 = arith.constant 432 : index
        %parallel_loop3A_430 = tpu.vector_load %arg7[%parallel_loop3A_428, %parallel_loop3A_429] {strides = array<i32>} : memref<64x768xf32, #tpu.memory_space<vmem>>, vector<1x16xf32>,
        %parallel_loop3A_431 = vector.shape_cast %parallel_loop3A_430 : vector<1x16xf32> to vector<16xf32>
        %parallel_loop3A_432 = arith.index_cast %parallel_loop3A_182 : i32 to index
        %parallel_loop3A_433 = arith.constant 432 : index
        %parallel_loop3A_434 = tpu.vector_load %arg10[%parallel_loop3A_432, %parallel_loop3A_433] {strides = array<i32>} : memref<16x768xf32, #tpu.memory_space<vmem>>, vector<1x16xf32>,
        %parallel_loop3A_435 = vector.shape_cast %parallel_loop3A_434 : vector<1x16xf32> to vector<16xf32>
        %parallel_loop3A_436 = vector.shape_cast %parallel_loop3A_431 : vector<16xf32> to vector<1x16xf32>
        tpu.vector_store %arg10[%parallel_loop3A_432, %parallel_loop3A_433], %parallel_loop3A_436 {add = true, strides = array<i32>} : memref<16x768xf32, #tpu.memory_space<vmem>>, vector<1x16xf32>,
        %parallel_loop3A_437 = arith.index_cast %parallel_loop3A_184 : i32 to index
        %parallel_loop3A_438 = arith.constant 448 : index
        %parallel_loop3A_439 = tpu.vector_load %arg7[%parallel_loop3A_437, %parallel_loop3A_438] {strides = array<i32>} : memref<64x768xf32, #tpu.memory_space<vmem>>, vector<1x16xf32>,
        %parallel_loop3A_440 = vector.shape_cast %parallel_loop3A_439 : vector<1x16xf32> to vector<16xf32>
        %parallel_loop3A_441 = arith.index_cast %parallel_loop3A_182 : i32 to index
        %parallel_loop3A_442 = arith.constant 448 : index
        %parallel_loop3A_443 = tpu.vector_load %arg10[%parallel_loop3A_441, %parallel_loop3A_442] {strides = array<i32>} : memref<16x768xf32, #tpu.memory_space<vmem>>, vector<1x16xf32>,
        %parallel_loop3A_444 = vector.shape_cast %parallel_loop3A_443 : vector<1x16xf32> to vector<16xf32>
        %parallel_loop3A_445 = vector.shape_cast %parallel_loop3A_440 : vector<16xf32> to vector<1x16xf32>
        tpu.vector_store %arg10[%parallel_loop3A_441, %parallel_loop3A_442], %parallel_loop3A_445 {add = true, strides = array<i32>} : memref<16x768xf32, #tpu.memory_space<vmem>>, vector<1x16xf32>,
        %parallel_loop3A_446 = arith.index_cast %parallel_loop3A_184 : i32 to index
        %parallel_loop3A_447 = arith.constant 464 : index
        %parallel_loop3A_448 = tpu.vector_load %arg7[%parallel_loop3A_446, %parallel_loop3A_447] {strides = array<i32>} : memref<64x768xf32, #tpu.memory_space<vmem>>, vector<1x16xf32>,
        %parallel_loop3A_449 = vector.shape_cast %parallel_loop3A_448 : vector<1x16xf32> to vector<16xf32>
        %parallel_loop3A_450 = arith.index_cast %parallel_loop3A_182 : i32 to index
        %parallel_loop3A_451 = arith.constant 464 : index
        %parallel_loop3A_452 = tpu.vector_load %arg10[%parallel_loop3A_450, %parallel_loop3A_451] {strides = array<i32>} : memref<16x768xf32, #tpu.memory_space<vmem>>, vector<1x16xf32>,
        %parallel_loop3A_453 = vector.shape_cast %parallel_loop3A_452 : vector<1x16xf32> to vector<16xf32>
        %parallel_loop3A_454 = vector.shape_cast %parallel_loop3A_449 : vector<16xf32> to vector<1x16xf32>
        tpu.vector_store %arg10[%parallel_loop3A_450, %parallel_loop3A_451], %parallel_loop3A_454 {add = true, strides = array<i32>} : memref<16x768xf32, #tpu.memory_space<vmem>>, vector<1x16xf32>,
        %parallel_loop3A_455 = arith.index_cast %parallel_loop3A_184 : i32 to index
        %parallel_loop3A_456 = arith.constant 480 : index
        %parallel_loop3A_457 = tpu.vector_load %arg7[%parallel_loop3A_455, %parallel_loop3A_456] {strides = array<i32>} : memref<64x768xf32, #tpu.memory_space<vmem>>, vector<1x16xf32>,
        %parallel_loop3A_458 = vector.shape_cast %parallel_loop3A_457 : vector<1x16xf32> to vector<16xf32>
        %parallel_loop3A_459 = arith.index_cast %parallel_loop3A_182 : i32 to index
        %parallel_loop3A_460 = arith.constant 480 : index
        %parallel_loop3A_461 = tpu.vector_load %arg10[%parallel_loop3A_459, %parallel_loop3A_460] {strides = array<i32>} : memref<16x768xf32, #tpu.memory_space<vmem>>, vector<1x16xf32>,
        %parallel_loop3A_462 = vector.shape_cast %parallel_loop3A_461 : vector<1x16xf32> to vector<16xf32>
        %parallel_loop3A_463 = vector.shape_cast %parallel_loop3A_458 : vector<16xf32> to vector<1x16xf32>
        tpu.vector_store %arg10[%parallel_loop3A_459, %parallel_loop3A_460], %parallel_loop3A_463 {add = true, strides = array<i32>} : memref<16x768xf32, #tpu.memory_space<vmem>>, vector<1x16xf32>,
        %parallel_loop3A_464 = arith.index_cast %parallel_loop3A_184 : i32 to index
        %parallel_loop3A_465 = arith.constant 496 : index
        %parallel_loop3A_466 = tpu.vector_load %arg7[%parallel_loop3A_464, %parallel_loop3A_465] {strides = array<i32>} : memref<64x768xf32, #tpu.memory_space<vmem>>, vector<1x16xf32>,
        %parallel_loop3A_467 = vector.shape_cast %parallel_loop3A_466 : vector<1x16xf32> to vector<16xf32>
        %parallel_loop3A_468 = arith.index_cast %parallel_loop3A_182 : i32 to index
        %parallel_loop3A_469 = arith.constant 496 : index
        %parallel_loop3A_470 = tpu.vector_load %arg10[%parallel_loop3A_468, %parallel_loop3A_469] {strides = array<i32>} : memref<16x768xf32, #tpu.memory_space<vmem>>, vector<1x16xf32>,
        %parallel_loop3A_471 = vector.shape_cast %parallel_loop3A_470 : vector<1x16xf32> to vector<16xf32>
        %parallel_loop3A_472 = vector.shape_cast %parallel_loop3A_467 : vector<16xf32> to vector<1x16xf32>
        tpu.vector_store %arg10[%parallel_loop3A_468, %parallel_loop3A_469], %parallel_loop3A_472 {add = true, strides = array<i32>} : memref<16x768xf32, #tpu.memory_space<vmem>>, vector<1x16xf32>,
        %parallel_loop3A_473 = arith.index_cast %parallel_loop3A_184 : i32 to index
        %parallel_loop3A_474 = arith.constant 512 : index
        %parallel_loop3A_475 = tpu.vector_load %arg7[%parallel_loop3A_473, %parallel_loop3A_474] {strides = array<i32>} : memref<64x768xf32, #tpu.memory_space<vmem>>, vector<1x16xf32>,
        %parallel_loop3A_476 = vector.shape_cast %parallel_loop3A_475 : vector<1x16xf32> to vector<16xf32>
        %parallel_loop3A_477 = arith.index_cast %parallel_loop3A_182 : i32 to index
        %parallel_loop3A_478 = arith.constant 512 : index
        %parallel_loop3A_479 = tpu.vector_load %arg10[%parallel_loop3A_477, %parallel_loop3A_478] {strides = array<i32>} : memref<16x768xf32, #tpu.memory_space<vmem>>, vector<1x16xf32>,
        %parallel_loop3A_480 = vector.shape_cast %parallel_loop3A_479 : vector<1x16xf32> to vector<16xf32>
        %parallel_loop3A_481 = vector.shape_cast %parallel_loop3A_476 : vector<16xf32> to vector<1x16xf32>
        tpu.vector_store %arg10[%parallel_loop3A_477, %parallel_loop3A_478], %parallel_loop3A_481 {add = true, strides = array<i32>} : memref<16x768xf32, #tpu.memory_space<vmem>>, vector<1x16xf32>,
        %parallel_loop3A_482 = arith.index_cast %parallel_loop3A_184 : i32 to index
        %parallel_loop3A_483 = arith.constant 528 : index
        %parallel_loop3A_484 = tpu.vector_load %arg7[%parallel_loop3A_482, %parallel_loop3A_483] {strides = array<i32>} : memref<64x768xf32, #tpu.memory_space<vmem>>, vector<1x16xf32>,
        %parallel_loop3A_485 = vector.shape_cast %parallel_loop3A_484 : vector<1x16xf32> to vector<16xf32>
        %parallel_loop3A_486 = arith.index_cast %parallel_loop3A_182 : i32 to index
        %parallel_loop3A_487 = arith.constant 528 : index
        %parallel_loop3A_488 = tpu.vector_load %arg10[%parallel_loop3A_486, %parallel_loop3A_487] {strides = array<i32>} : memref<16x768xf32, #tpu.memory_space<vmem>>, vector<1x16xf32>,
        %parallel_loop3A_489 = vector.shape_cast %parallel_loop3A_488 : vector<1x16xf32> to vector<16xf32>
        %parallel_loop3A_490 = vector.shape_cast %parallel_loop3A_485 : vector<16xf32> to vector<1x16xf32>
        tpu.vector_store %arg10[%parallel_loop3A_486, %parallel_loop3A_487], %parallel_loop3A_490 {add = true, strides = array<i32>} : memref<16x768xf32, #tpu.memory_space<vmem>>, vector<1x16xf32>,
        %parallel_loop3A_491 = arith.index_cast %parallel_loop3A_184 : i32 to index
        %parallel_loop3A_492 = arith.constant 544 : index
        %parallel_loop3A_493 = tpu.vector_load %arg7[%parallel_loop3A_491, %parallel_loop3A_492] {strides = array<i32>} : memref<64x768xf32, #tpu.memory_space<vmem>>, vector<1x16xf32>,
        %parallel_loop3A_494 = vector.shape_cast %parallel_loop3A_493 : vector<1x16xf32> to vector<16xf32>
        %parallel_loop3A_495 = arith.index_cast %parallel_loop3A_182 : i32 to index
        %parallel_loop3A_496 = arith.constant 544 : index
        %parallel_loop3A_497 = tpu.vector_load %arg10[%parallel_loop3A_495, %parallel_loop3A_496] {strides = array<i32>} : memref<16x768xf32, #tpu.memory_space<vmem>>, vector<1x16xf32>,
        %parallel_loop3A_498 = vector.shape_cast %parallel_loop3A_497 : vector<1x16xf32> to vector<16xf32>
        %parallel_loop3A_499 = vector.shape_cast %parallel_loop3A_494 : vector<16xf32> to vector<1x16xf32>
        tpu.vector_store %arg10[%parallel_loop3A_495, %parallel_loop3A_496], %parallel_loop3A_499 {add = true, strides = array<i32>} : memref<16x768xf32, #tpu.memory_space<vmem>>, vector<1x16xf32>,
        %parallel_loop3A_500 = arith.index_cast %parallel_loop3A_184 : i32 to index
        %parallel_loop3A_501 = arith.constant 560 : index
        %parallel_loop3A_502 = tpu.vector_load %arg7[%parallel_loop3A_500, %parallel_loop3A_501] {strides = array<i32>} : memref<64x768xf32, #tpu.memory_space<vmem>>, vector<1x16xf32>,
        %parallel_loop3A_503 = vector.shape_cast %parallel_loop3A_502 : vector<1x16xf32> to vector<16xf32>
        %parallel_loop3A_504 = arith.index_cast %parallel_loop3A_182 : i32 to index
        %parallel_loop3A_505 = arith.constant 560 : index
        %parallel_loop3A_506 = tpu.vector_load %arg10[%parallel_loop3A_504, %parallel_loop3A_505] {strides = array<i32>} : memref<16x768xf32, #tpu.memory_space<vmem>>, vector<1x16xf32>,
        %parallel_loop3A_507 = vector.shape_cast %parallel_loop3A_506 : vector<1x16xf32> to vector<16xf32>
        %parallel_loop3A_508 = vector.shape_cast %parallel_loop3A_503 : vector<16xf32> to vector<1x16xf32>
        tpu.vector_store %arg10[%parallel_loop3A_504, %parallel_loop3A_505], %parallel_loop3A_508 {add = true, strides = array<i32>} : memref<16x768xf32, #tpu.memory_space<vmem>>, vector<1x16xf32>,
        %parallel_loop3A_509 = arith.index_cast %parallel_loop3A_184 : i32 to index
        %parallel_loop3A_510 = arith.constant 576 : index
        %parallel_loop3A_511 = tpu.vector_load %arg7[%parallel_loop3A_509, %parallel_loop3A_510] {strides = array<i32>} : memref<64x768xf32, #tpu.memory_space<vmem>>, vector<1x16xf32>,
        %parallel_loop3A_512 = vector.shape_cast %parallel_loop3A_511 : vector<1x16xf32> to vector<16xf32>
        %parallel_loop3A_513 = arith.index_cast %parallel_loop3A_182 : i32 to index
        %parallel_loop3A_514 = arith.constant 576 : index
        %parallel_loop3A_515 = tpu.vector_load %arg10[%parallel_loop3A_513, %parallel_loop3A_514] {strides = array<i32>} : memref<16x768xf32, #tpu.memory_space<vmem>>, vector<1x16xf32>,
        %parallel_loop3A_516 = vector.shape_cast %parallel_loop3A_515 : vector<1x16xf32> to vector<16xf32>
        %parallel_loop3A_517 = vector.shape_cast %parallel_loop3A_512 : vector<16xf32> to vector<1x16xf32>
        tpu.vector_store %arg10[%parallel_loop3A_513, %parallel_loop3A_514], %parallel_loop3A_517 {add = true, strides = array<i32>} : memref<16x768xf32, #tpu.memory_space<vmem>>, vector<1x16xf32>,
        %parallel_loop3A_518 = arith.index_cast %parallel_loop3A_184 : i32 to index
        %parallel_loop3A_519 = arith.constant 592 : index
        %parallel_loop3A_520 = tpu.vector_load %arg7[%parallel_loop3A_518, %parallel_loop3A_519] {strides = array<i32>} : memref<64x768xf32, #tpu.memory_space<vmem>>, vector<1x16xf32>,
        %parallel_loop3A_521 = vector.shape_cast %parallel_loop3A_520 : vector<1x16xf32> to vector<16xf32>
        %parallel_loop3A_522 = arith.index_cast %parallel_loop3A_182 : i32 to index
        %parallel_loop3A_523 = arith.constant 592 : index
        %parallel_loop3A_524 = tpu.vector_load %arg10[%parallel_loop3A_522, %parallel_loop3A_523] {strides = array<i32>} : memref<16x768xf32, #tpu.memory_space<vmem>>, vector<1x16xf32>,
        %parallel_loop3A_525 = vector.shape_cast %parallel_loop3A_524 : vector<1x16xf32> to vector<16xf32>
        %parallel_loop3A_526 = vector.shape_cast %parallel_loop3A_521 : vector<16xf32> to vector<1x16xf32>
        tpu.vector_store %arg10[%parallel_loop3A_522, %parallel_loop3A_523], %parallel_loop3A_526 {add = true, strides = array<i32>} : memref<16x768xf32, #tpu.memory_space<vmem>>, vector<1x16xf32>,
        %parallel_loop3A_527 = arith.index_cast %parallel_loop3A_184 : i32 to index
        %parallel_loop3A_528 = arith.constant 608 : index
        %parallel_loop3A_529 = tpu.vector_load %arg7[%parallel_loop3A_527, %parallel_loop3A_528] {strides = array<i32>} : memref<64x768xf32, #tpu.memory_space<vmem>>, vector<1x16xf32>,
        %parallel_loop3A_530 = vector.shape_cast %parallel_loop3A_529 : vector<1x16xf32> to vector<16xf32>
        %parallel_loop3A_531 = arith.index_cast %parallel_loop3A_182 : i32 to index
        %parallel_loop3A_532 = arith.constant 608 : index
        %parallel_loop3A_533 = tpu.vector_load %arg10[%parallel_loop3A_531, %parallel_loop3A_532] {strides = array<i32>} : memref<16x768xf32, #tpu.memory_space<vmem>>, vector<1x16xf32>,
        %parallel_loop3A_534 = vector.shape_cast %parallel_loop3A_533 : vector<1x16xf32> to vector<16xf32>
        %parallel_loop3A_535 = vector.shape_cast %parallel_loop3A_530 : vector<16xf32> to vector<1x16xf32>
        tpu.vector_store %arg10[%parallel_loop3A_531, %parallel_loop3A_532], %parallel_loop3A_535 {add = true, strides = array<i32>} : memref<16x768xf32, #tpu.memory_space<vmem>>, vector<1x16xf32>,
        %parallel_loop3A_536 = arith.index_cast %parallel_loop3A_184 : i32 to index
        %parallel_loop3A_537 = arith.constant 624 : index
        %parallel_loop3A_538 = tpu.vector_load %arg7[%parallel_loop3A_536, %parallel_loop3A_537] {strides = array<i32>} : memref<64x768xf32, #tpu.memory_space<vmem>>, vector<1x16xf32>,
        %parallel_loop3A_539 = vector.shape_cast %parallel_loop3A_538 : vector<1x16xf32> to vector<16xf32>
        %parallel_loop3A_540 = arith.index_cast %parallel_loop3A_182 : i32 to index
        %parallel_loop3A_541 = arith.constant 624 : index
        %parallel_loop3A_542 = tpu.vector_load %arg10[%parallel_loop3A_540, %parallel_loop3A_541] {strides = array<i32>} : memref<16x768xf32, #tpu.memory_space<vmem>>, vector<1x16xf32>,
        %parallel_loop3A_543 = vector.shape_cast %parallel_loop3A_542 : vector<1x16xf32> to vector<16xf32>
        %parallel_loop3A_544 = vector.shape_cast %parallel_loop3A_539 : vector<16xf32> to vector<1x16xf32>
        tpu.vector_store %arg10[%parallel_loop3A_540, %parallel_loop3A_541], %parallel_loop3A_544 {add = true, strides = array<i32>} : memref<16x768xf32, #tpu.memory_space<vmem>>, vector<1x16xf32>,
        %parallel_loop3A_545 = arith.index_cast %parallel_loop3A_184 : i32 to index
        %parallel_loop3A_546 = arith.constant 640 : index
        %parallel_loop3A_547 = tpu.vector_load %arg7[%parallel_loop3A_545, %parallel_loop3A_546] {strides = array<i32>} : memref<64x768xf32, #tpu.memory_space<vmem>>, vector<1x16xf32>,
        %parallel_loop3A_548 = vector.shape_cast %parallel_loop3A_547 : vector<1x16xf32> to vector<16xf32>
        %parallel_loop3A_549 = arith.index_cast %parallel_loop3A_182 : i32 to index
        %parallel_loop3A_550 = arith.constant 640 : index
        %parallel_loop3A_551 = tpu.vector_load %arg10[%parallel_loop3A_549, %parallel_loop3A_550] {strides = array<i32>} : memref<16x768xf32, #tpu.memory_space<vmem>>, vector<1x16xf32>,
        %parallel_loop3A_552 = vector.shape_cast %parallel_loop3A_551 : vector<1x16xf32> to vector<16xf32>
        %parallel_loop3A_553 = vector.shape_cast %parallel_loop3A_548 : vector<16xf32> to vector<1x16xf32>
        tpu.vector_store %arg10[%parallel_loop3A_549, %parallel_loop3A_550], %parallel_loop3A_553 {add = true, strides = array<i32>} : memref<16x768xf32, #tpu.memory_space<vmem>>, vector<1x16xf32>,
        %parallel_loop3A_554 = arith.index_cast %parallel_loop3A_184 : i32 to index
        %parallel_loop3A_555 = arith.constant 656 : index
        %parallel_loop3A_556 = tpu.vector_load %arg7[%parallel_loop3A_554, %parallel_loop3A_555] {strides = array<i32>} : memref<64x768xf32, #tpu.memory_space<vmem>>, vector<1x16xf32>,
        %parallel_loop3A_557 = vector.shape_cast %parallel_loop3A_556 : vector<1x16xf32> to vector<16xf32>
        %parallel_loop3A_558 = arith.index_cast %parallel_loop3A_182 : i32 to index
        %parallel_loop3A_559 = arith.constant 656 : index
        %parallel_loop3A_560 = tpu.vector_load %arg10[%parallel_loop3A_558, %parallel_loop3A_559] {strides = array<i32>} : memref<16x768xf32, #tpu.memory_space<vmem>>, vector<1x16xf32>,
        %parallel_loop3A_561 = vector.shape_cast %parallel_loop3A_560 : vector<1x16xf32> to vector<16xf32>
        %parallel_loop3A_562 = vector.shape_cast %parallel_loop3A_557 : vector<16xf32> to vector<1x16xf32>
        tpu.vector_store %arg10[%parallel_loop3A_558, %parallel_loop3A_559], %parallel_loop3A_562 {add = true, strides = array<i32>} : memref<16x768xf32, #tpu.memory_space<vmem>>, vector<1x16xf32>,
        %parallel_loop3A_563 = arith.index_cast %parallel_loop3A_184 : i32 to index
        %parallel_loop3A_564 = arith.constant 672 : index
        %parallel_loop3A_565 = tpu.vector_load %arg7[%parallel_loop3A_563, %parallel_loop3A_564] {strides = array<i32>} : memref<64x768xf32, #tpu.memory_space<vmem>>, vector<1x16xf32>,
        %parallel_loop3A_566 = vector.shape_cast %parallel_loop3A_565 : vector<1x16xf32> to vector<16xf32>
        %parallel_loop3A_567 = arith.index_cast %parallel_loop3A_182 : i32 to index
        %parallel_loop3A_568 = arith.constant 672 : index
        %parallel_loop3A_569 = tpu.vector_load %arg10[%parallel_loop3A_567, %parallel_loop3A_568] {strides = array<i32>} : memref<16x768xf32, #tpu.memory_space<vmem>>, vector<1x16xf32>,
        %parallel_loop3A_570 = vector.shape_cast %parallel_loop3A_569 : vector<1x16xf32> to vector<16xf32>
        %parallel_loop3A_571 = vector.shape_cast %parallel_loop3A_566 : vector<16xf32> to vector<1x16xf32>
        tpu.vector_store %arg10[%parallel_loop3A_567, %parallel_loop3A_568], %parallel_loop3A_571 {add = true, strides = array<i32>} : memref<16x768xf32, #tpu.memory_space<vmem>>, vector<1x16xf32>,
        %parallel_loop3A_572 = arith.index_cast %parallel_loop3A_184 : i32 to index
        %parallel_loop3A_573 = arith.constant 688 : index
        %parallel_loop3A_574 = tpu.vector_load %arg7[%parallel_loop3A_572, %parallel_loop3A_573] {strides = array<i32>} : memref<64x768xf32, #tpu.memory_space<vmem>>, vector<1x16xf32>,
        %parallel_loop3A_575 = vector.shape_cast %parallel_loop3A_574 : vector<1x16xf32> to vector<16xf32>
        %parallel_loop3A_576 = arith.index_cast %parallel_loop3A_182 : i32 to index
        %parallel_loop3A_577 = arith.constant 688 : index
        %parallel_loop3A_578 = tpu.vector_load %arg10[%parallel_loop3A_576, %parallel_loop3A_577] {strides = array<i32>} : memref<16x768xf32, #tpu.memory_space<vmem>>, vector<1x16xf32>,
        %parallel_loop3A_579 = vector.shape_cast %parallel_loop3A_578 : vector<1x16xf32> to vector<16xf32>
        %parallel_loop3A_580 = vector.shape_cast %parallel_loop3A_575 : vector<16xf32> to vector<1x16xf32>
        tpu.vector_store %arg10[%parallel_loop3A_576, %parallel_loop3A_577], %parallel_loop3A_580 {add = true, strides = array<i32>} : memref<16x768xf32, #tpu.memory_space<vmem>>, vector<1x16xf32>,
        %parallel_loop3A_581 = arith.index_cast %parallel_loop3A_184 : i32 to index
        %parallel_loop3A_582 = arith.constant 704 : index
        %parallel_loop3A_583 = tpu.vector_load %arg7[%parallel_loop3A_581, %parallel_loop3A_582] {strides = array<i32>} : memref<64x768xf32, #tpu.memory_space<vmem>>, vector<1x16xf32>,
        %parallel_loop3A_584 = vector.shape_cast %parallel_loop3A_583 : vector<1x16xf32> to vector<16xf32>
        %parallel_loop3A_585 = arith.index_cast %parallel_loop3A_182 : i32 to index
        %parallel_loop3A_586 = arith.constant 704 : index
        %parallel_loop3A_587 = tpu.vector_load %arg10[%parallel_loop3A_585, %parallel_loop3A_586] {strides = array<i32>} : memref<16x768xf32, #tpu.memory_space<vmem>>, vector<1x16xf32>,
        %parallel_loop3A_588 = vector.shape_cast %parallel_loop3A_587 : vector<1x16xf32> to vector<16xf32>
        %parallel_loop3A_589 = vector.shape_cast %parallel_loop3A_584 : vector<16xf32> to vector<1x16xf32>
        tpu.vector_store %arg10[%parallel_loop3A_585, %parallel_loop3A_586], %parallel_loop3A_589 {add = true, strides = array<i32>} : memref<16x768xf32, #tpu.memory_space<vmem>>, vector<1x16xf32>,
        %parallel_loop3A_590 = arith.index_cast %parallel_loop3A_184 : i32 to index
        %parallel_loop3A_591 = arith.constant 720 : index
        %parallel_loop3A_592 = tpu.vector_load %arg7[%parallel_loop3A_590, %parallel_loop3A_591] {strides = array<i32>} : memref<64x768xf32, #tpu.memory_space<vmem>>, vector<1x16xf32>,
        %parallel_loop3A_593 = vector.shape_cast %parallel_loop3A_592 : vector<1x16xf32> to vector<16xf32>
        %parallel_loop3A_594 = arith.index_cast %parallel_loop3A_182 : i32 to index
        %parallel_loop3A_595 = arith.constant 720 : index
        %parallel_loop3A_596 = tpu.vector_load %arg10[%parallel_loop3A_594, %parallel_loop3A_595] {strides = array<i32>} : memref<16x768xf32, #tpu.memory_space<vmem>>, vector<1x16xf32>,
        %parallel_loop3A_597 = vector.shape_cast %parallel_loop3A_596 : vector<1x16xf32> to vector<16xf32>
        %parallel_loop3A_598 = vector.shape_cast %parallel_loop3A_593 : vector<16xf32> to vector<1x16xf32>
        tpu.vector_store %arg10[%parallel_loop3A_594, %parallel_loop3A_595], %parallel_loop3A_598 {add = true, strides = array<i32>} : memref<16x768xf32, #tpu.memory_space<vmem>>, vector<1x16xf32>,
        %parallel_loop3A_599 = arith.index_cast %parallel_loop3A_184 : i32 to index
        %parallel_loop3A_600 = arith.constant 736 : index
        %parallel_loop3A_601 = tpu.vector_load %arg7[%parallel_loop3A_599, %parallel_loop3A_600] {strides = array<i32>} : memref<64x768xf32, #tpu.memory_space<vmem>>, vector<1x16xf32>,
        %parallel_loop3A_602 = vector.shape_cast %parallel_loop3A_601 : vector<1x16xf32> to vector<16xf32>
        %parallel_loop3A_603 = arith.index_cast %parallel_loop3A_182 : i32 to index
        %parallel_loop3A_604 = arith.constant 736 : index
        %parallel_loop3A_605 = tpu.vector_load %arg10[%parallel_loop3A_603, %parallel_loop3A_604] {strides = array<i32>} : memref<16x768xf32, #tpu.memory_space<vmem>>, vector<1x16xf32>,
        %parallel_loop3A_606 = vector.shape_cast %parallel_loop3A_605 : vector<1x16xf32> to vector<16xf32>
        %parallel_loop3A_607 = vector.shape_cast %parallel_loop3A_602 : vector<16xf32> to vector<1x16xf32>
        tpu.vector_store %arg10[%parallel_loop3A_603, %parallel_loop3A_604], %parallel_loop3A_607 {add = true, strides = array<i32>} : memref<16x768xf32, #tpu.memory_space<vmem>>, vector<1x16xf32>,
        %parallel_loop3A_608 = arith.index_cast %parallel_loop3A_184 : i32 to index
        %parallel_loop3A_609 = arith.constant 752 : index
        %parallel_loop3A_610 = tpu.vector_load %arg7[%parallel_loop3A_608, %parallel_loop3A_609] {strides = array<i32>} : memref<64x768xf32, #tpu.memory_space<vmem>>, vector<1x16xf32>,
        %parallel_loop3A_611 = vector.shape_cast %parallel_loop3A_610 : vector<1x16xf32> to vector<16xf32>
        %parallel_loop3A_612 = arith.index_cast %parallel_loop3A_182 : i32 to index
        %parallel_loop3A_613 = arith.constant 752 : index
        %parallel_loop3A_614 = tpu.vector_load %arg10[%parallel_loop3A_612, %parallel_loop3A_613] {strides = array<i32>} : memref<16x768xf32, #tpu.memory_space<vmem>>, vector<1x16xf32>,
        %parallel_loop3A_615 = vector.shape_cast %parallel_loop3A_614 : vector<1x16xf32> to vector<16xf32>
        %parallel_loop3A_616 = vector.shape_cast %parallel_loop3A_611 : vector<16xf32> to vector<1x16xf32>
        tpu.vector_store %arg10[%parallel_loop3A_612, %parallel_loop3A_613], %parallel_loop3A_616 {add = true, strides = array<i32>} : memref<16x768xf32, #tpu.memory_space<vmem>>, vector<1x16xf32>,
      } {sc.loop_unroll_factor = 1 : i64, sc.parallel_access}
      %mul3A_120 = arith.constant 16 : i32
      %mul3A_121 = arith.muli %add3A_111, %mul3A_120 : i32
      %add3A_122 = arith.addi %mul3A_2, %mul3A_121 : i32
      %dma_start3A_123 = arith.constant 0 : i32
      %dma_start3A_124 = tpu.memref_slice %arg5[%add3A_122, %dma_start3A_123] : memref<262144x768xf32, #tpu.memory_space<hbm>> -> memref<16x768xf32, #tpu.memory_space<hbm>>
      %dma_start3A_125 = arith.constant 0 : i32
      %dma_start3A_126 = tpu.memref_slice %arg5[%add3A_122, %dma_start3A_125] : memref<262144x768xf32, #tpu.memory_space<hbm>> -> memref<16x768xf32, #tpu.memory_space<hbm>>
      tpu.enqueue_dma source(%arg10 : memref<16x768xf32, #tpu.memory_space<vmem>>) target(%dma_start3A_126 : memref<16x768xf32, #tpu.memory_space<hbm>>) target_semaphore(%arg18 : memref<!tpu.dma_semaphore, #tpu.memory_space<semaphore_mem>>)
      %add3A_127 = arith.constant 4 : i32
      %add3A_128 = arith.addi %add3A_111, %add3A_127 : i32
      %sub3A_129 = arith.constant 1 : i32
      %sub3A_130 = arith.subi %add3A_128, %sub3A_129 : i32
      %lt3A_131 = arith.constant 512 : i32
      %lt3A_132 = arith.cmpi slt, %sub3A_130, %lt3A_131 : i32
      %convert_element_type3A_133 = arith.extui %lt3A_132 : i1 to i32
      %cond3A_134 = arith.constant 0 : i32
      %cond3A_135 = arith.cmpi ne, %convert_element_type3A_133, %cond3A_134 : i32
      scf.if %cond3A_135 {
        %dma_wait3A_182 = arith.constant 0 : i32
        %dma_wait3A_183 = tpu.memref_slice %arg5[%mul3A_2, %dma_wait3A_182] : memref<262144x768xf32, #tpu.memory_space<hbm>> -> memref<16x768xf32, #tpu.memory_space<hbm>>
        %dma_wait3A_184 = arith.constant 0 : i32
        %dma_wait3A_185 = tpu.memref_slice %arg5[%mul3A_2, %dma_wait3A_184] : memref<262144x768xf32, #tpu.memory_space<hbm>> -> memref<16x768xf32, #tpu.memory_space<hbm>>
        tpu.wait_dma2 semaphore(%arg17 : memref<!tpu.dma_semaphore, #tpu.memory_space<semaphore_mem>>) src(%arg9 : memref<16x768xf32, #tpu.memory_space<vmem>>) dst(%dma_wait3A_185 : memref<16x768xf32, #tpu.memory_space<hbm>>)
      } else {
      }
      %add3A_136 = arith.constant 4 : i32
      %add3A_137 = arith.addi %add3A_111, %add3A_136 : i32
      %sub3A_138 = arith.constant 1 : i32
      %sub3A_139 = arith.subi %add3A_137, %sub3A_138 : i32
      %lt3A_140 = arith.constant 512 : i32
      %lt3A_141 = arith.cmpi slt, %sub3A_139, %lt3A_140 : i32
      %convert_element_type3A_142 = arith.extui %lt3A_141 : i1 to i32
      %cond3A_143 = arith.constant 0 : i32
      %cond3A_144 = arith.cmpi ne, %convert_element_type3A_142, %cond3A_143 : i32
      scf.if %cond3A_144 {
        %add3A_182 = arith.constant 4 : i32
        %add3A_183 = arith.addi %add3A_111, %add3A_182 : i32
        %sub3A_184 = arith.constant 1 : i32
        %sub3A_185 = arith.subi %add3A_183, %sub3A_184 : i32
        %mul3A_186 = arith.constant 16 : i32
        %mul3A_187 = arith.muli %sub3A_185, %mul3A_186 : i32
        %dma_start3A_188 = tpu.memref_slice %arg6[%mul3A_187] : memref<8192xi32, #tpu.memory_space<vmem>> -> memref<16xi32, #tpu.memory_space<vmem>>
        %dma_start3A_189 = arith.constant 0 : i32
        %dma_start3A_190 = arith.constant 0 : i32
        %dma_start3A_191 = tpu.memref_slice %arg3[%dma_start3A_189, %dma_start3A_190] : memref<100000x768xf32, #tpu.memory_space<hbm>> -> memref<100000x768xf32, #tpu.memory_space<hbm>>
        tpu.enqueue_indirect_dma source(%dma_start3A_191 : memref<100000x768xf32, #tpu.memory_space<hbm>>) target(%arg9 : memref<16x768xf32, #tpu.memory_space<vmem>>) offsets(%dma_start3A_188 : memref<16xi32, #tpu.memory_space<vmem>>) semaphore(%arg13 : memref<!tpu.dma_semaphore, #tpu.memory_space<semaphore_mem>>)
      } else {
      }
      %mul3A_145 = arith.constant 4 : i32
      %mul3A_146 = arith.muli %mul3A_145, %scan3A_37 : i32
      %add3A_147 = arith.constant 3 : i32
      %add3A_148 = arith.addi %mul3A_146, %add3A_147 : i32
      %dma_wait3A_149 = arith.constant 0 : i32
      %dma_wait3A_150 = tpu.memref_slice %arg6[%dma_wait3A_149] : memref<8192xi32, #tpu.memory_space<vmem>> -> memref<16xi32, #tpu.memory_space<vmem>>
      %dma_wait3A_151 = arith.constant 0 : i32
      %dma_wait3A_152 = arith.constant 0 : i32
      %dma_wait3A_153 = tpu.memref_slice %arg3[%dma_wait3A_151, %dma_wait3A_152] : memref<100000x768xf32, #tpu.memory_space<hbm>> -> memref<100000x768xf32, #tpu.memory_space<hbm>>
      tpu.wait_indirect_dma semaphore(%arg15 : memref<!tpu.dma_semaphore, #tpu.memory_space<semaphore_mem>>) src(%dma_wait3A_153 : memref<100000x768xf32, #tpu.memory_space<hbm>>) dst(%arg11 : memref<16x768xf32, #tpu.memory_space<vmem>>)
      %parallel_loop3A_154 = arith.constant 0 : i32
      %parallel_loop3A_155 = arith.constant 16 : i32
      %parallel_loop3A_156 = arith.constant 1 : i32
      scf.for %parallel_loop3A_182 = %parallel_loop3A_154 to %parallel_loop3A_155 step %parallel_loop3A_156  : i32 {
        %parallel_loop3A_183 = arith.constant 48 : i32
        %parallel_loop3A_184 = arith.addi %parallel_loop3A_183, %parallel_loop3A_182 : i32
        %parallel_loop3A_185 = arith.index_cast %parallel_loop3A_184 : i32 to index
        %parallel_loop3A_186 = arith.constant 0 : index
        %parallel_loop3A_187 = tpu.vector_load %arg7[%parallel_loop3A_185, %parallel_loop3A_186] {strides = array<i32>} : memref<64x768xf32, #tpu.memory_space<vmem>>, vector<1x16xf32>,
        %parallel_loop3A_188 = vector.shape_cast %parallel_loop3A_187 : vector<1x16xf32> to vector<16xf32>
        %parallel_loop3A_189 = arith.index_cast %parallel_loop3A_182 : i32 to index
        %parallel_loop3A_190 = arith.constant 0 : index
        %parallel_loop3A_191 = tpu.vector_load %arg11[%parallel_loop3A_189, %parallel_loop3A_190] {strides = array<i32>} : memref<16x768xf32, #tpu.memory_space<vmem>>, vector<1x16xf32>,
        %parallel_loop3A_192 = vector.shape_cast %parallel_loop3A_191 : vector<1x16xf32> to vector<16xf32>
        %parallel_loop3A_193 = vector.shape_cast %parallel_loop3A_188 : vector<16xf32> to vector<1x16xf32>
        tpu.vector_store %arg11[%parallel_loop3A_189, %parallel_loop3A_190], %parallel_loop3A_193 {add = true, strides = array<i32>} : memref<16x768xf32, #tpu.memory_space<vmem>>, vector<1x16xf32>,
        %parallel_loop3A_194 = arith.index_cast %parallel_loop3A_184 : i32 to index
        %parallel_loop3A_195 = arith.constant 16 : index
        %parallel_loop3A_196 = tpu.vector_load %arg7[%parallel_loop3A_194, %parallel_loop3A_195] {strides = array<i32>} : memref<64x768xf32, #tpu.memory_space<vmem>>, vector<1x16xf32>,
        %parallel_loop3A_197 = vector.shape_cast %parallel_loop3A_196 : vector<1x16xf32> to vector<16xf32>
        %parallel_loop3A_198 = arith.index_cast %parallel_loop3A_182 : i32 to index
        %parallel_loop3A_199 = arith.constant 16 : index
        %parallel_loop3A_200 = tpu.vector_load %arg11[%parallel_loop3A_198, %parallel_loop3A_199] {strides = array<i32>} : memref<16x768xf32, #tpu.memory_space<vmem>>, vector<1x16xf32>,
        %parallel_loop3A_201 = vector.shape_cast %parallel_loop3A_200 : vector<1x16xf32> to vector<16xf32>
        %parallel_loop3A_202 = vector.shape_cast %parallel_loop3A_197 : vector<16xf32> to vector<1x16xf32>
        tpu.vector_store %arg11[%parallel_loop3A_198, %parallel_loop3A_199], %parallel_loop3A_202 {add = true, strides = array<i32>} : memref<16x768xf32, #tpu.memory_space<vmem>>, vector<1x16xf32>,
        %parallel_loop3A_203 = arith.index_cast %parallel_loop3A_184 : i32 to index
        %parallel_loop3A_204 = arith.constant 32 : index
        %parallel_loop3A_205 = tpu.vector_load %arg7[%parallel_loop3A_203, %parallel_loop3A_204] {strides = array<i32>} : memref<64x768xf32, #tpu.memory_space<vmem>>, vector<1x16xf32>,
        %parallel_loop3A_206 = vector.shape_cast %parallel_loop3A_205 : vector<1x16xf32> to vector<16xf32>
        %parallel_loop3A_207 = arith.index_cast %parallel_loop3A_182 : i32 to index
        %parallel_loop3A_208 = arith.constant 32 : index
        %parallel_loop3A_209 = tpu.vector_load %arg11[%parallel_loop3A_207, %parallel_loop3A_208] {strides = array<i32>} : memref<16x768xf32, #tpu.memory_space<vmem>>, vector<1x16xf32>,
        %parallel_loop3A_210 = vector.shape_cast %parallel_loop3A_209 : vector<1x16xf32> to vector<16xf32>
        %parallel_loop3A_211 = vector.shape_cast %parallel_loop3A_206 : vector<16xf32> to vector<1x16xf32>
        tpu.vector_store %arg11[%parallel_loop3A_207, %parallel_loop3A_208], %parallel_loop3A_211 {add = true, strides = array<i32>} : memref<16x768xf32, #tpu.memory_space<vmem>>, vector<1x16xf32>,
        %parallel_loop3A_212 = arith.index_cast %parallel_loop3A_184 : i32 to index
        %parallel_loop3A_213 = arith.constant 48 : index
        %parallel_loop3A_214 = tpu.vector_load %arg7[%parallel_loop3A_212, %parallel_loop3A_213] {strides = array<i32>} : memref<64x768xf32, #tpu.memory_space<vmem>>, vector<1x16xf32>,
        %parallel_loop3A_215 = vector.shape_cast %parallel_loop3A_214 : vector<1x16xf32> to vector<16xf32>
        %parallel_loop3A_216 = arith.index_cast %parallel_loop3A_182 : i32 to index
        %parallel_loop3A_217 = arith.constant 48 : index
        %parallel_loop3A_218 = tpu.vector_load %arg11[%parallel_loop3A_216, %parallel_loop3A_217] {strides = array<i32>} : memref<16x768xf32, #tpu.memory_space<vmem>>, vector<1x16xf32>,
        %parallel_loop3A_219 = vector.shape_cast %parallel_loop3A_218 : vector<1x16xf32> to vector<16xf32>
        %parallel_loop3A_220 = vector.shape_cast %parallel_loop3A_215 : vector<16xf32> to vector<1x16xf32>
        tpu.vector_store %arg11[%parallel_loop3A_216, %parallel_loop3A_217], %parallel_loop3A_220 {add = true, strides = array<i32>} : memref<16x768xf32, #tpu.memory_space<vmem>>, vector<1x16xf32>,
        %parallel_loop3A_221 = arith.index_cast %parallel_loop3A_184 : i32 to index
        %parallel_loop3A_222 = arith.constant 64 : index
        %parallel_loop3A_223 = tpu.vector_load %arg7[%parallel_loop3A_221, %parallel_loop3A_222] {strides = array<i32>} : memref<64x768xf32, #tpu.memory_space<vmem>>, vector<1x16xf32>,
        %parallel_loop3A_224 = vector.shape_cast %parallel_loop3A_223 : vector<1x16xf32> to vector<16xf32>
        %parallel_loop3A_225 = arith.index_cast %parallel_loop3A_182 : i32 to index
        %parallel_loop3A_226 = arith.constant 64 : index
        %parallel_loop3A_227 = tpu.vector_load %arg11[%parallel_loop3A_225, %parallel_loop3A_226] {strides = array<i32>} : memref<16x768xf32, #tpu.memory_space<vmem>>, vector<1x16xf32>,
        %parallel_loop3A_228 = vector.shape_cast %parallel_loop3A_227 : vector<1x16xf32> to vector<16xf32>
        %parallel_loop3A_229 = vector.shape_cast %parallel_loop3A_224 : vector<16xf32> to vector<1x16xf32>
        tpu.vector_store %arg11[%parallel_loop3A_225, %parallel_loop3A_226], %parallel_loop3A_229 {add = true, strides = array<i32>} : memref<16x768xf32, #tpu.memory_space<vmem>>, vector<1x16xf32>,
        %parallel_loop3A_230 = arith.index_cast %parallel_loop3A_184 : i32 to index
        %parallel_loop3A_231 = arith.constant 80 : index
        %parallel_loop3A_232 = tpu.vector_load %arg7[%parallel_loop3A_230, %parallel_loop3A_231] {strides = array<i32>} : memref<64x768xf32, #tpu.memory_space<vmem>>, vector<1x16xf32>,
        %parallel_loop3A_233 = vector.shape_cast %parallel_loop3A_232 : vector<1x16xf32> to vector<16xf32>
        %parallel_loop3A_234 = arith.index_cast %parallel_loop3A_182 : i32 to index
        %parallel_loop3A_235 = arith.constant 80 : index
        %parallel_loop3A_236 = tpu.vector_load %arg11[%parallel_loop3A_234, %parallel_loop3A_235] {strides = array<i32>} : memref<16x768xf32, #tpu.memory_space<vmem>>, vector<1x16xf32>,
        %parallel_loop3A_237 = vector.shape_cast %parallel_loop3A_236 : vector<1x16xf32> to vector<16xf32>
        %parallel_loop3A_238 = vector.shape_cast %parallel_loop3A_233 : vector<16xf32> to vector<1x16xf32>
        tpu.vector_store %arg11[%parallel_loop3A_234, %parallel_loop3A_235], %parallel_loop3A_238 {add = true, strides = array<i32>} : memref<16x768xf32, #tpu.memory_space<vmem>>, vector<1x16xf32>,
        %parallel_loop3A_239 = arith.index_cast %parallel_loop3A_184 : i32 to index
        %parallel_loop3A_240 = arith.constant 96 : index
        %parallel_loop3A_241 = tpu.vector_load %arg7[%parallel_loop3A_239, %parallel_loop3A_240] {strides = array<i32>} : memref<64x768xf32, #tpu.memory_space<vmem>>, vector<1x16xf32>,
        %parallel_loop3A_242 = vector.shape_cast %parallel_loop3A_241 : vector<1x16xf32> to vector<16xf32>
        %parallel_loop3A_243 = arith.index_cast %parallel_loop3A_182 : i32 to index
        %parallel_loop3A_244 = arith.constant 96 : index
        %parallel_loop3A_245 = tpu.vector_load %arg11[%parallel_loop3A_243, %parallel_loop3A_244] {strides = array<i32>} : memref<16x768xf32, #tpu.memory_space<vmem>>, vector<1x16xf32>,
        %parallel_loop3A_246 = vector.shape_cast %parallel_loop3A_245 : vector<1x16xf32> to vector<16xf32>
        %parallel_loop3A_247 = vector.shape_cast %parallel_loop3A_242 : vector<16xf32> to vector<1x16xf32>
        tpu.vector_store %arg11[%parallel_loop3A_243, %parallel_loop3A_244], %parallel_loop3A_247 {add = true, strides = array<i32>} : memref<16x768xf32, #tpu.memory_space<vmem>>, vector<1x16xf32>,
        %parallel_loop3A_248 = arith.index_cast %parallel_loop3A_184 : i32 to index
        %parallel_loop3A_249 = arith.constant 112 : index
        %parallel_loop3A_250 = tpu.vector_load %arg7[%parallel_loop3A_248, %parallel_loop3A_249] {strides = array<i32>} : memref<64x768xf32, #tpu.memory_space<vmem>>, vector<1x16xf32>,
        %parallel_loop3A_251 = vector.shape_cast %parallel_loop3A_250 : vector<1x16xf32> to vector<16xf32>
        %parallel_loop3A_252 = arith.index_cast %parallel_loop3A_182 : i32 to index
        %parallel_loop3A_253 = arith.constant 112 : index
        %parallel_loop3A_254 = tpu.vector_load %arg11[%parallel_loop3A_252, %parallel_loop3A_253] {strides = array<i32>} : memref<16x768xf32, #tpu.memory_space<vmem>>, vector<1x16xf32>,
        %parallel_loop3A_255 = vector.shape_cast %parallel_loop3A_254 : vector<1x16xf32> to vector<16xf32>
        %parallel_loop3A_256 = vector.shape_cast %parallel_loop3A_251 : vector<16xf32> to vector<1x16xf32>
        tpu.vector_store %arg11[%parallel_loop3A_252, %parallel_loop3A_253], %parallel_loop3A_256 {add = true, strides = array<i32>} : memref<16x768xf32, #tpu.memory_space<vmem>>, vector<1x16xf32>,
        %parallel_loop3A_257 = arith.index_cast %parallel_loop3A_184 : i32 to index
        %parallel_loop3A_258 = arith.constant 128 : index
        %parallel_loop3A_259 = tpu.vector_load %arg7[%parallel_loop3A_257, %parallel_loop3A_258] {strides = array<i32>} : memref<64x768xf32, #tpu.memory_space<vmem>>, vector<1x16xf32>,
        %parallel_loop3A_260 = vector.shape_cast %parallel_loop3A_259 : vector<1x16xf32> to vector<16xf32>
        %parallel_loop3A_261 = arith.index_cast %parallel_loop3A_182 : i32 to index
        %parallel_loop3A_262 = arith.constant 128 : index
        %parallel_loop3A_263 = tpu.vector_load %arg11[%parallel_loop3A_261, %parallel_loop3A_262] {strides = array<i32>} : memref<16x768xf32, #tpu.memory_space<vmem>>, vector<1x16xf32>,
        %parallel_loop3A_264 = vector.shape_cast %parallel_loop3A_263 : vector<1x16xf32> to vector<16xf32>
        %parallel_loop3A_265 = vector.shape_cast %parallel_loop3A_260 : vector<16xf32> to vector<1x16xf32>
        tpu.vector_store %arg11[%parallel_loop3A_261, %parallel_loop3A_262], %parallel_loop3A_265 {add = true, strides = array<i32>} : memref<16x768xf32, #tpu.memory_space<vmem>>, vector<1x16xf32>,
        %parallel_loop3A_266 = arith.index_cast %parallel_loop3A_184 : i32 to index
        %parallel_loop3A_267 = arith.constant 144 : index
        %parallel_loop3A_268 = tpu.vector_load %arg7[%parallel_loop3A_266, %parallel_loop3A_267] {strides = array<i32>} : memref<64x768xf32, #tpu.memory_space<vmem>>, vector<1x16xf32>,
        %parallel_loop3A_269 = vector.shape_cast %parallel_loop3A_268 : vector<1x16xf32> to vector<16xf32>
        %parallel_loop3A_270 = arith.index_cast %parallel_loop3A_182 : i32 to index
        %parallel_loop3A_271 = arith.constant 144 : index
        %parallel_loop3A_272 = tpu.vector_load %arg11[%parallel_loop3A_270, %parallel_loop3A_271] {strides = array<i32>} : memref<16x768xf32, #tpu.memory_space<vmem>>, vector<1x16xf32>,
        %parallel_loop3A_273 = vector.shape_cast %parallel_loop3A_272 : vector<1x16xf32> to vector<16xf32>
        %parallel_loop3A_274 = vector.shape_cast %parallel_loop3A_269 : vector<16xf32> to vector<1x16xf32>
        tpu.vector_store %arg11[%parallel_loop3A_270, %parallel_loop3A_271], %parallel_loop3A_274 {add = true, strides = array<i32>} : memref<16x768xf32, #tpu.memory_space<vmem>>, vector<1x16xf32>,
        %parallel_loop3A_275 = arith.index_cast %parallel_loop3A_184 : i32 to index
        %parallel_loop3A_276 = arith.constant 160 : index
        %parallel_loop3A_277 = tpu.vector_load %arg7[%parallel_loop3A_275, %parallel_loop3A_276] {strides = array<i32>} : memref<64x768xf32, #tpu.memory_space<vmem>>, vector<1x16xf32>,
        %parallel_loop3A_278 = vector.shape_cast %parallel_loop3A_277 : vector<1x16xf32> to vector<16xf32>
        %parallel_loop3A_279 = arith.index_cast %parallel_loop3A_182 : i32 to index
        %parallel_loop3A_280 = arith.constant 160 : index
        %parallel_loop3A_281 = tpu.vector_load %arg11[%parallel_loop3A_279, %parallel_loop3A_280] {strides = array<i32>} : memref<16x768xf32, #tpu.memory_space<vmem>>, vector<1x16xf32>,
        %parallel_loop3A_282 = vector.shape_cast %parallel_loop3A_281 : vector<1x16xf32> to vector<16xf32>
        %parallel_loop3A_283 = vector.shape_cast %parallel_loop3A_278 : vector<16xf32> to vector<1x16xf32>
        tpu.vector_store %arg11[%parallel_loop3A_279, %parallel_loop3A_280], %parallel_loop3A_283 {add = true, strides = array<i32>} : memref<16x768xf32, #tpu.memory_space<vmem>>, vector<1x16xf32>,
        %parallel_loop3A_284 = arith.index_cast %parallel_loop3A_184 : i32 to index
        %parallel_loop3A_285 = arith.constant 176 : index
        %parallel_loop3A_286 = tpu.vector_load %arg7[%parallel_loop3A_284, %parallel_loop3A_285] {strides = array<i32>} : memref<64x768xf32, #tpu.memory_space<vmem>>, vector<1x16xf32>,
        %parallel_loop3A_287 = vector.shape_cast %parallel_loop3A_286 : vector<1x16xf32> to vector<16xf32>
        %parallel_loop3A_288 = arith.index_cast %parallel_loop3A_182 : i32 to index
        %parallel_loop3A_289 = arith.constant 176 : index
        %parallel_loop3A_290 = tpu.vector_load %arg11[%parallel_loop3A_288, %parallel_loop3A_289] {strides = array<i32>} : memref<16x768xf32, #tpu.memory_space<vmem>>, vector<1x16xf32>,
        %parallel_loop3A_291 = vector.shape_cast %parallel_loop3A_290 : vector<1x16xf32> to vector<16xf32>
        %parallel_loop3A_292 = vector.shape_cast %parallel_loop3A_287 : vector<16xf32> to vector<1x16xf32>
        tpu.vector_store %arg11[%parallel_loop3A_288, %parallel_loop3A_289], %parallel_loop3A_292 {add = true, strides = array<i32>} : memref<16x768xf32, #tpu.memory_space<vmem>>, vector<1x16xf32>,
        %parallel_loop3A_293 = arith.index_cast %parallel_loop3A_184 : i32 to index
        %parallel_loop3A_294 = arith.constant 192 : index
        %parallel_loop3A_295 = tpu.vector_load %arg7[%parallel_loop3A_293, %parallel_loop3A_294] {strides = array<i32>} : memref<64x768xf32, #tpu.memory_space<vmem>>, vector<1x16xf32>,
        %parallel_loop3A_296 = vector.shape_cast %parallel_loop3A_295 : vector<1x16xf32> to vector<16xf32>
        %parallel_loop3A_297 = arith.index_cast %parallel_loop3A_182 : i32 to index
        %parallel_loop3A_298 = arith.constant 192 : index
        %parallel_loop3A_299 = tpu.vector_load %arg11[%parallel_loop3A_297, %parallel_loop3A_298] {strides = array<i32>} : memref<16x768xf32, #tpu.memory_space<vmem>>, vector<1x16xf32>,
        %parallel_loop3A_300 = vector.shape_cast %parallel_loop3A_299 : vector<1x16xf32> to vector<16xf32>
        %parallel_loop3A_301 = vector.shape_cast %parallel_loop3A_296 : vector<16xf32> to vector<1x16xf32>
        tpu.vector_store %arg11[%parallel_loop3A_297, %parallel_loop3A_298], %parallel_loop3A_301 {add = true, strides = array<i32>} : memref<16x768xf32, #tpu.memory_space<vmem>>, vector<1x16xf32>,
        %parallel_loop3A_302 = arith.index_cast %parallel_loop3A_184 : i32 to index
        %parallel_loop3A_303 = arith.constant 208 : index
        %parallel_loop3A_304 = tpu.vector_load %arg7[%parallel_loop3A_302, %parallel_loop3A_303] {strides = array<i32>} : memref<64x768xf32, #tpu.memory_space<vmem>>, vector<1x16xf32>,
        %parallel_loop3A_305 = vector.shape_cast %parallel_loop3A_304 : vector<1x16xf32> to vector<16xf32>
        %parallel_loop3A_306 = arith.index_cast %parallel_loop3A_182 : i32 to index
        %parallel_loop3A_307 = arith.constant 208 : index
        %parallel_loop3A_308 = tpu.vector_load %arg11[%parallel_loop3A_306, %parallel_loop3A_307] {strides = array<i32>} : memref<16x768xf32, #tpu.memory_space<vmem>>, vector<1x16xf32>,
        %parallel_loop3A_309 = vector.shape_cast %parallel_loop3A_308 : vector<1x16xf32> to vector<16xf32>
        %parallel_loop3A_310 = vector.shape_cast %parallel_loop3A_305 : vector<16xf32> to vector<1x16xf32>
        tpu.vector_store %arg11[%parallel_loop3A_306, %parallel_loop3A_307], %parallel_loop3A_310 {add = true, strides = array<i32>} : memref<16x768xf32, #tpu.memory_space<vmem>>, vector<1x16xf32>,
        %parallel_loop3A_311 = arith.index_cast %parallel_loop3A_184 : i32 to index
        %parallel_loop3A_312 = arith.constant 224 : index
        %parallel_loop3A_313 = tpu.vector_load %arg7[%parallel_loop3A_311, %parallel_loop3A_312] {strides = array<i32>} : memref<64x768xf32, #tpu.memory_space<vmem>>, vector<1x16xf32>,
        %parallel_loop3A_314 = vector.shape_cast %parallel_loop3A_313 : vector<1x16xf32> to vector<16xf32>
        %parallel_loop3A_315 = arith.index_cast %parallel_loop3A_182 : i32 to index
        %parallel_loop3A_316 = arith.constant 224 : index
        %parallel_loop3A_317 = tpu.vector_load %arg11[%parallel_loop3A_315, %parallel_loop3A_316] {strides = array<i32>} : memref<16x768xf32, #tpu.memory_space<vmem>>, vector<1x16xf32>,
        %parallel_loop3A_318 = vector.shape_cast %parallel_loop3A_317 : vector<1x16xf32> to vector<16xf32>
        %parallel_loop3A_319 = vector.shape_cast %parallel_loop3A_314 : vector<16xf32> to vector<1x16xf32>
        tpu.vector_store %arg11[%parallel_loop3A_315, %parallel_loop3A_316], %parallel_loop3A_319 {add = true, strides = array<i32>} : memref<16x768xf32, #tpu.memory_space<vmem>>, vector<1x16xf32>,
        %parallel_loop3A_320 = arith.index_cast %parallel_loop3A_184 : i32 to index
        %parallel_loop3A_321 = arith.constant 240 : index
        %parallel_loop3A_322 = tpu.vector_load %arg7[%parallel_loop3A_320, %parallel_loop3A_321] {strides = array<i32>} : memref<64x768xf32, #tpu.memory_space<vmem>>, vector<1x16xf32>,
        %parallel_loop3A_323 = vector.shape_cast %parallel_loop3A_322 : vector<1x16xf32> to vector<16xf32>
        %parallel_loop3A_324 = arith.index_cast %parallel_loop3A_182 : i32 to index
        %parallel_loop3A_325 = arith.constant 240 : index
        %parallel_loop3A_326 = tpu.vector_load %arg11[%parallel_loop3A_324, %parallel_loop3A_325] {strides = array<i32>} : memref<16x768xf32, #tpu.memory_space<vmem>>, vector<1x16xf32>,
        %parallel_loop3A_327 = vector.shape_cast %parallel_loop3A_326 : vector<1x16xf32> to vector<16xf32>
        %parallel_loop3A_328 = vector.shape_cast %parallel_loop3A_323 : vector<16xf32> to vector<1x16xf32>
        tpu.vector_store %arg11[%parallel_loop3A_324, %parallel_loop3A_325], %parallel_loop3A_328 {add = true, strides = array<i32>} : memref<16x768xf32, #tpu.memory_space<vmem>>, vector<1x16xf32>,
        %parallel_loop3A_329 = arith.index_cast %parallel_loop3A_184 : i32 to index
        %parallel_loop3A_330 = arith.constant 256 : index
        %parallel_loop3A_331 = tpu.vector_load %arg7[%parallel_loop3A_329, %parallel_loop3A_330] {strides = array<i32>} : memref<64x768xf32, #tpu.memory_space<vmem>>, vector<1x16xf32>,
        %parallel_loop3A_332 = vector.shape_cast %parallel_loop3A_331 : vector<1x16xf32> to vector<16xf32>
        %parallel_loop3A_333 = arith.index_cast %parallel_loop3A_182 : i32 to index
        %parallel_loop3A_334 = arith.constant 256 : index
        %parallel_loop3A_335 = tpu.vector_load %arg11[%parallel_loop3A_333, %parallel_loop3A_334] {strides = array<i32>} : memref<16x768xf32, #tpu.memory_space<vmem>>, vector<1x16xf32>,
        %parallel_loop3A_336 = vector.shape_cast %parallel_loop3A_335 : vector<1x16xf32> to vector<16xf32>
        %parallel_loop3A_337 = vector.shape_cast %parallel_loop3A_332 : vector<16xf32> to vector<1x16xf32>
        tpu.vector_store %arg11[%parallel_loop3A_333, %parallel_loop3A_334], %parallel_loop3A_337 {add = true, strides = array<i32>} : memref<16x768xf32, #tpu.memory_space<vmem>>, vector<1x16xf32>,
        %parallel_loop3A_338 = arith.index_cast %parallel_loop3A_184 : i32 to index
        %parallel_loop3A_339 = arith.constant 272 : index
        %parallel_loop3A_340 = tpu.vector_load %arg7[%parallel_loop3A_338, %parallel_loop3A_339] {strides = array<i32>} : memref<64x768xf32, #tpu.memory_space<vmem>>, vector<1x16xf32>,
        %parallel_loop3A_341 = vector.shape_cast %parallel_loop3A_340 : vector<1x16xf32> to vector<16xf32>
        %parallel_loop3A_342 = arith.index_cast %parallel_loop3A_182 : i32 to index
        %parallel_loop3A_343 = arith.constant 272 : index
        %parallel_loop3A_344 = tpu.vector_load %arg11[%parallel_loop3A_342, %parallel_loop3A_343] {strides = array<i32>} : memref<16x768xf32, #tpu.memory_space<vmem>>, vector<1x16xf32>,
        %parallel_loop3A_345 = vector.shape_cast %parallel_loop3A_344 : vector<1x16xf32> to vector<16xf32>
        %parallel_loop3A_346 = vector.shape_cast %parallel_loop3A_341 : vector<16xf32> to vector<1x16xf32>
        tpu.vector_store %arg11[%parallel_loop3A_342, %parallel_loop3A_343], %parallel_loop3A_346 {add = true, strides = array<i32>} : memref<16x768xf32, #tpu.memory_space<vmem>>, vector<1x16xf32>,
        %parallel_loop3A_347 = arith.index_cast %parallel_loop3A_184 : i32 to index
        %parallel_loop3A_348 = arith.constant 288 : index
        %parallel_loop3A_349 = tpu.vector_load %arg7[%parallel_loop3A_347, %parallel_loop3A_348] {strides = array<i32>} : memref<64x768xf32, #tpu.memory_space<vmem>>, vector<1x16xf32>,
        %parallel_loop3A_350 = vector.shape_cast %parallel_loop3A_349 : vector<1x16xf32> to vector<16xf32>
        %parallel_loop3A_351 = arith.index_cast %parallel_loop3A_182 : i32 to index
        %parallel_loop3A_352 = arith.constant 288 : index
        %parallel_loop3A_353 = tpu.vector_load %arg11[%parallel_loop3A_351, %parallel_loop3A_352] {strides = array<i32>} : memref<16x768xf32, #tpu.memory_space<vmem>>, vector<1x16xf32>,
        %parallel_loop3A_354 = vector.shape_cast %parallel_loop3A_353 : vector<1x16xf32> to vector<16xf32>
        %parallel_loop3A_355 = vector.shape_cast %parallel_loop3A_350 : vector<16xf32> to vector<1x16xf32>
        tpu.vector_store %arg11[%parallel_loop3A_351, %parallel_loop3A_352], %parallel_loop3A_355 {add = true, strides = array<i32>} : memref<16x768xf32, #tpu.memory_space<vmem>>, vector<1x16xf32>,
        %parallel_loop3A_356 = arith.index_cast %parallel_loop3A_184 : i32 to index
        %parallel_loop3A_357 = arith.constant 304 : index
        %parallel_loop3A_358 = tpu.vector_load %arg7[%parallel_loop3A_356, %parallel_loop3A_357] {strides = array<i32>} : memref<64x768xf32, #tpu.memory_space<vmem>>, vector<1x16xf32>,
        %parallel_loop3A_359 = vector.shape_cast %parallel_loop3A_358 : vector<1x16xf32> to vector<16xf32>
        %parallel_loop3A_360 = arith.index_cast %parallel_loop3A_182 : i32 to index
        %parallel_loop3A_361 = arith.constant 304 : index
        %parallel_loop3A_362 = tpu.vector_load %arg11[%parallel_loop3A_360, %parallel_loop3A_361] {strides = array<i32>} : memref<16x768xf32, #tpu.memory_space<vmem>>, vector<1x16xf32>,
        %parallel_loop3A_363 = vector.shape_cast %parallel_loop3A_362 : vector<1x16xf32> to vector<16xf32>
        %parallel_loop3A_364 = vector.shape_cast %parallel_loop3A_359 : vector<16xf32> to vector<1x16xf32>
        tpu.vector_store %arg11[%parallel_loop3A_360, %parallel_loop3A_361], %parallel_loop3A_364 {add = true, strides = array<i32>} : memref<16x768xf32, #tpu.memory_space<vmem>>, vector<1x16xf32>,
        %parallel_loop3A_365 = arith.index_cast %parallel_loop3A_184 : i32 to index
        %parallel_loop3A_366 = arith.constant 320 : index
        %parallel_loop3A_367 = tpu.vector_load %arg7[%parallel_loop3A_365, %parallel_loop3A_366] {strides = array<i32>} : memref<64x768xf32, #tpu.memory_space<vmem>>, vector<1x16xf32>,
        %parallel_loop3A_368 = vector.shape_cast %parallel_loop3A_367 : vector<1x16xf32> to vector<16xf32>
        %parallel_loop3A_369 = arith.index_cast %parallel_loop3A_182 : i32 to index
        %parallel_loop3A_370 = arith.constant 320 : index
        %parallel_loop3A_371 = tpu.vector_load %arg11[%parallel_loop3A_369, %parallel_loop3A_370] {strides = array<i32>} : memref<16x768xf32, #tpu.memory_space<vmem>>, vector<1x16xf32>,
        %parallel_loop3A_372 = vector.shape_cast %parallel_loop3A_371 : vector<1x16xf32> to vector<16xf32>
        %parallel_loop3A_373 = vector.shape_cast %parallel_loop3A_368 : vector<16xf32> to vector<1x16xf32>
        tpu.vector_store %arg11[%parallel_loop3A_369, %parallel_loop3A_370], %parallel_loop3A_373 {add = true, strides = array<i32>} : memref<16x768xf32, #tpu.memory_space<vmem>>, vector<1x16xf32>,
        %parallel_loop3A_374 = arith.index_cast %parallel_loop3A_184 : i32 to index
        %parallel_loop3A_375 = arith.constant 336 : index
        %parallel_loop3A_376 = tpu.vector_load %arg7[%parallel_loop3A_374, %parallel_loop3A_375] {strides = array<i32>} : memref<64x768xf32, #tpu.memory_space<vmem>>, vector<1x16xf32>,
        %parallel_loop3A_377 = vector.shape_cast %parallel_loop3A_376 : vector<1x16xf32> to vector<16xf32>
        %parallel_loop3A_378 = arith.index_cast %parallel_loop3A_182 : i32 to index
        %parallel_loop3A_379 = arith.constant 336 : index
        %parallel_loop3A_380 = tpu.vector_load %arg11[%parallel_loop3A_378, %parallel_loop3A_379] {strides = array<i32>} : memref<16x768xf32, #tpu.memory_space<vmem>>, vector<1x16xf32>,
        %parallel_loop3A_381 = vector.shape_cast %parallel_loop3A_380 : vector<1x16xf32> to vector<16xf32>
        %parallel_loop3A_382 = vector.shape_cast %parallel_loop3A_377 : vector<16xf32> to vector<1x16xf32>
        tpu.vector_store %arg11[%parallel_loop3A_378, %parallel_loop3A_379], %parallel_loop3A_382 {add = true, strides = array<i32>} : memref<16x768xf32, #tpu.memory_space<vmem>>, vector<1x16xf32>,
        %parallel_loop3A_383 = arith.index_cast %parallel_loop3A_184 : i32 to index
        %parallel_loop3A_384 = arith.constant 352 : index
        %parallel_loop3A_385 = tpu.vector_load %arg7[%parallel_loop3A_383, %parallel_loop3A_384] {strides = array<i32>} : memref<64x768xf32, #tpu.memory_space<vmem>>, vector<1x16xf32>,
        %parallel_loop3A_386 = vector.shape_cast %parallel_loop3A_385 : vector<1x16xf32> to vector<16xf32>
        %parallel_loop3A_387 = arith.index_cast %parallel_loop3A_182 : i32 to index
        %parallel_loop3A_388 = arith.constant 352 : index
        %parallel_loop3A_389 = tpu.vector_load %arg11[%parallel_loop3A_387, %parallel_loop3A_388] {strides = array<i32>} : memref<16x768xf32, #tpu.memory_space<vmem>>, vector<1x16xf32>,
        %parallel_loop3A_390 = vector.shape_cast %parallel_loop3A_389 : vector<1x16xf32> to vector<16xf32>
        %parallel_loop3A_391 = vector.shape_cast %parallel_loop3A_386 : vector<16xf32> to vector<1x16xf32>
        tpu.vector_store %arg11[%parallel_loop3A_387, %parallel_loop3A_388], %parallel_loop3A_391 {add = true, strides = array<i32>} : memref<16x768xf32, #tpu.memory_space<vmem>>, vector<1x16xf32>,
        %parallel_loop3A_392 = arith.index_cast %parallel_loop3A_184 : i32 to index
        %parallel_loop3A_393 = arith.constant 368 : index
        %parallel_loop3A_394 = tpu.vector_load %arg7[%parallel_loop3A_392, %parallel_loop3A_393] {strides = array<i32>} : memref<64x768xf32, #tpu.memory_space<vmem>>, vector<1x16xf32>,
        %parallel_loop3A_395 = vector.shape_cast %parallel_loop3A_394 : vector<1x16xf32> to vector<16xf32>
        %parallel_loop3A_396 = arith.index_cast %parallel_loop3A_182 : i32 to index
        %parallel_loop3A_397 = arith.constant 368 : index
        %parallel_loop3A_398 = tpu.vector_load %arg11[%parallel_loop3A_396, %parallel_loop3A_397] {strides = array<i32>} : memref<16x768xf32, #tpu.memory_space<vmem>>, vector<1x16xf32>,
        %parallel_loop3A_399 = vector.shape_cast %parallel_loop3A_398 : vector<1x16xf32> to vector<16xf32>
        %parallel_loop3A_400 = vector.shape_cast %parallel_loop3A_395 : vector<16xf32> to vector<1x16xf32>
        tpu.vector_store %arg11[%parallel_loop3A_396, %parallel_loop3A_397], %parallel_loop3A_400 {add = true, strides = array<i32>} : memref<16x768xf32, #tpu.memory_space<vmem>>, vector<1x16xf32>,
        %parallel_loop3A_401 = arith.index_cast %parallel_loop3A_184 : i32 to index
        %parallel_loop3A_402 = arith.constant 384 : index
        %parallel_loop3A_403 = tpu.vector_load %arg7[%parallel_loop3A_401, %parallel_loop3A_402] {strides = array<i32>} : memref<64x768xf32, #tpu.memory_space<vmem>>, vector<1x16xf32>,
        %parallel_loop3A_404 = vector.shape_cast %parallel_loop3A_403 : vector<1x16xf32> to vector<16xf32>
        %parallel_loop3A_405 = arith.index_cast %parallel_loop3A_182 : i32 to index
        %parallel_loop3A_406 = arith.constant 384 : index
        %parallel_loop3A_407 = tpu.vector_load %arg11[%parallel_loop3A_405, %parallel_loop3A_406] {strides = array<i32>} : memref<16x768xf32, #tpu.memory_space<vmem>>, vector<1x16xf32>,
        %parallel_loop3A_408 = vector.shape_cast %parallel_loop3A_407 : vector<1x16xf32> to vector<16xf32>
        %parallel_loop3A_409 = vector.shape_cast %parallel_loop3A_404 : vector<16xf32> to vector<1x16xf32>
        tpu.vector_store %arg11[%parallel_loop3A_405, %parallel_loop3A_406], %parallel_loop3A_409 {add = true, strides = array<i32>} : memref<16x768xf32, #tpu.memory_space<vmem>>, vector<1x16xf32>,
        %parallel_loop3A_410 = arith.index_cast %parallel_loop3A_184 : i32 to index
        %parallel_loop3A_411 = arith.constant 400 : index
        %parallel_loop3A_412 = tpu.vector_load %arg7[%parallel_loop3A_410, %parallel_loop3A_411] {strides = array<i32>} : memref<64x768xf32, #tpu.memory_space<vmem>>, vector<1x16xf32>,
        %parallel_loop3A_413 = vector.shape_cast %parallel_loop3A_412 : vector<1x16xf32> to vector<16xf32>
        %parallel_loop3A_414 = arith.index_cast %parallel_loop3A_182 : i32 to index
        %parallel_loop3A_415 = arith.constant 400 : index
        %parallel_loop3A_416 = tpu.vector_load %arg11[%parallel_loop3A_414, %parallel_loop3A_415] {strides = array<i32>} : memref<16x768xf32, #tpu.memory_space<vmem>>, vector<1x16xf32>,
        %parallel_loop3A_417 = vector.shape_cast %parallel_loop3A_416 : vector<1x16xf32> to vector<16xf32>
        %parallel_loop3A_418 = vector.shape_cast %parallel_loop3A_413 : vector<16xf32> to vector<1x16xf32>
        tpu.vector_store %arg11[%parallel_loop3A_414, %parallel_loop3A_415], %parallel_loop3A_418 {add = true, strides = array<i32>} : memref<16x768xf32, #tpu.memory_space<vmem>>, vector<1x16xf32>,
        %parallel_loop3A_419 = arith.index_cast %parallel_loop3A_184 : i32 to index
        %parallel_loop3A_420 = arith.constant 416 : index
        %parallel_loop3A_421 = tpu.vector_load %arg7[%parallel_loop3A_419, %parallel_loop3A_420] {strides = array<i32>} : memref<64x768xf32, #tpu.memory_space<vmem>>, vector<1x16xf32>,
        %parallel_loop3A_422 = vector.shape_cast %parallel_loop3A_421 : vector<1x16xf32> to vector<16xf32>
        %parallel_loop3A_423 = arith.index_cast %parallel_loop3A_182 : i32 to index
        %parallel_loop3A_424 = arith.constant 416 : index
        %parallel_loop3A_425 = tpu.vector_load %arg11[%parallel_loop3A_423, %parallel_loop3A_424] {strides = array<i32>} : memref<16x768xf32, #tpu.memory_space<vmem>>, vector<1x16xf32>,
        %parallel_loop3A_426 = vector.shape_cast %parallel_loop3A_425 : vector<1x16xf32> to vector<16xf32>
        %parallel_loop3A_427 = vector.shape_cast %parallel_loop3A_422 : vector<16xf32> to vector<1x16xf32>
        tpu.vector_store %arg11[%parallel_loop3A_423, %parallel_loop3A_424], %parallel_loop3A_427 {add = true, strides = array<i32>} : memref<16x768xf32, #tpu.memory_space<vmem>>, vector<1x16xf32>,
        %parallel_loop3A_428 = arith.index_cast %parallel_loop3A_184 : i32 to index
        %parallel_loop3A_429 = arith.constant 432 : index
        %parallel_loop3A_430 = tpu.vector_load %arg7[%parallel_loop3A_428, %parallel_loop3A_429] {strides = array<i32>} : memref<64x768xf32, #tpu.memory_space<vmem>>, vector<1x16xf32>,
        %parallel_loop3A_431 = vector.shape_cast %parallel_loop3A_430 : vector<1x16xf32> to vector<16xf32>
        %parallel_loop3A_432 = arith.index_cast %parallel_loop3A_182 : i32 to index
        %parallel_loop3A_433 = arith.constant 432 : index
        %parallel_loop3A_434 = tpu.vector_load %arg11[%parallel_loop3A_432, %parallel_loop3A_433] {strides = array<i32>} : memref<16x768xf32, #tpu.memory_space<vmem>>, vector<1x16xf32>,
        %parallel_loop3A_435 = vector.shape_cast %parallel_loop3A_434 : vector<1x16xf32> to vector<16xf32>
        %parallel_loop3A_436 = vector.shape_cast %parallel_loop3A_431 : vector<16xf32> to vector<1x16xf32>
        tpu.vector_store %arg11[%parallel_loop3A_432, %parallel_loop3A_433], %parallel_loop3A_436 {add = true, strides = array<i32>} : memref<16x768xf32, #tpu.memory_space<vmem>>, vector<1x16xf32>,
        %parallel_loop3A_437 = arith.index_cast %parallel_loop3A_184 : i32 to index
        %parallel_loop3A_438 = arith.constant 448 : index
        %parallel_loop3A_439 = tpu.vector_load %arg7[%parallel_loop3A_437, %parallel_loop3A_438] {strides = array<i32>} : memref<64x768xf32, #tpu.memory_space<vmem>>, vector<1x16xf32>,
        %parallel_loop3A_440 = vector.shape_cast %parallel_loop3A_439 : vector<1x16xf32> to vector<16xf32>
        %parallel_loop3A_441 = arith.index_cast %parallel_loop3A_182 : i32 to index
        %parallel_loop3A_442 = arith.constant 448 : index
        %parallel_loop3A_443 = tpu.vector_load %arg11[%parallel_loop3A_441, %parallel_loop3A_442] {strides = array<i32>} : memref<16x768xf32, #tpu.memory_space<vmem>>, vector<1x16xf32>,
        %parallel_loop3A_444 = vector.shape_cast %parallel_loop3A_443 : vector<1x16xf32> to vector<16xf32>
        %parallel_loop3A_445 = vector.shape_cast %parallel_loop3A_440 : vector<16xf32> to vector<1x16xf32>
        tpu.vector_store %arg11[%parallel_loop3A_441, %parallel_loop3A_442], %parallel_loop3A_445 {add = true, strides = array<i32>} : memref<16x768xf32, #tpu.memory_space<vmem>>, vector<1x16xf32>,
        %parallel_loop3A_446 = arith.index_cast %parallel_loop3A_184 : i32 to index
        %parallel_loop3A_447 = arith.constant 464 : index
        %parallel_loop3A_448 = tpu.vector_load %arg7[%parallel_loop3A_446, %parallel_loop3A_447] {strides = array<i32>} : memref<64x768xf32, #tpu.memory_space<vmem>>, vector<1x16xf32>,
        %parallel_loop3A_449 = vector.shape_cast %parallel_loop3A_448 : vector<1x16xf32> to vector<16xf32>
        %parallel_loop3A_450 = arith.index_cast %parallel_loop3A_182 : i32 to index
        %parallel_loop3A_451 = arith.constant 464 : index
        %parallel_loop3A_452 = tpu.vector_load %arg11[%parallel_loop3A_450, %parallel_loop3A_451] {strides = array<i32>} : memref<16x768xf32, #tpu.memory_space<vmem>>, vector<1x16xf32>,
        %parallel_loop3A_453 = vector.shape_cast %parallel_loop3A_452 : vector<1x16xf32> to vector<16xf32>
        %parallel_loop3A_454 = vector.shape_cast %parallel_loop3A_449 : vector<16xf32> to vector<1x16xf32>
        tpu.vector_store %arg11[%parallel_loop3A_450, %parallel_loop3A_451], %parallel_loop3A_454 {add = true, strides = array<i32>} : memref<16x768xf32, #tpu.memory_space<vmem>>, vector<1x16xf32>,
        %parallel_loop3A_455 = arith.index_cast %parallel_loop3A_184 : i32 to index
        %parallel_loop3A_456 = arith.constant 480 : index
        %parallel_loop3A_457 = tpu.vector_load %arg7[%parallel_loop3A_455, %parallel_loop3A_456] {strides = array<i32>} : memref<64x768xf32, #tpu.memory_space<vmem>>, vector<1x16xf32>,
        %parallel_loop3A_458 = vector.shape_cast %parallel_loop3A_457 : vector<1x16xf32> to vector<16xf32>
        %parallel_loop3A_459 = arith.index_cast %parallel_loop3A_182 : i32 to index
        %parallel_loop3A_460 = arith.constant 480 : index
        %parallel_loop3A_461 = tpu.vector_load %arg11[%parallel_loop3A_459, %parallel_loop3A_460] {strides = array<i32>} : memref<16x768xf32, #tpu.memory_space<vmem>>, vector<1x16xf32>,
        %parallel_loop3A_462 = vector.shape_cast %parallel_loop3A_461 : vector<1x16xf32> to vector<16xf32>
        %parallel_loop3A_463 = vector.shape_cast %parallel_loop3A_458 : vector<16xf32> to vector<1x16xf32>
        tpu.vector_store %arg11[%parallel_loop3A_459, %parallel_loop3A_460], %parallel_loop3A_463 {add = true, strides = array<i32>} : memref<16x768xf32, #tpu.memory_space<vmem>>, vector<1x16xf32>,
        %parallel_loop3A_464 = arith.index_cast %parallel_loop3A_184 : i32 to index
        %parallel_loop3A_465 = arith.constant 496 : index
        %parallel_loop3A_466 = tpu.vector_load %arg7[%parallel_loop3A_464, %parallel_loop3A_465] {strides = array<i32>} : memref<64x768xf32, #tpu.memory_space<vmem>>, vector<1x16xf32>,
        %parallel_loop3A_467 = vector.shape_cast %parallel_loop3A_466 : vector<1x16xf32> to vector<16xf32>
        %parallel_loop3A_468 = arith.index_cast %parallel_loop3A_182 : i32 to index
        %parallel_loop3A_469 = arith.constant 496 : index
        %parallel_loop3A_470 = tpu.vector_load %arg11[%parallel_loop3A_468, %parallel_loop3A_469] {strides = array<i32>} : memref<16x768xf32, #tpu.memory_space<vmem>>, vector<1x16xf32>,
        %parallel_loop3A_471 = vector.shape_cast %parallel_loop3A_470 : vector<1x16xf32> to vector<16xf32>
        %parallel_loop3A_472 = vector.shape_cast %parallel_loop3A_467 : vector<16xf32> to vector<1x16xf32>
        tpu.vector_store %arg11[%parallel_loop3A_468, %parallel_loop3A_469], %parallel_loop3A_472 {add = true, strides = array<i32>} : memref<16x768xf32, #tpu.memory_space<vmem>>, vector<1x16xf32>,
        %parallel_loop3A_473 = arith.index_cast %parallel_loop3A_184 : i32 to index
        %parallel_loop3A_474 = arith.constant 512 : index
        %parallel_loop3A_475 = tpu.vector_load %arg7[%parallel_loop3A_473, %parallel_loop3A_474] {strides = array<i32>} : memref<64x768xf32, #tpu.memory_space<vmem>>, vector<1x16xf32>,
        %parallel_loop3A_476 = vector.shape_cast %parallel_loop3A_475 : vector<1x16xf32> to vector<16xf32>
        %parallel_loop3A_477 = arith.index_cast %parallel_loop3A_182 : i32 to index
        %parallel_loop3A_478 = arith.constant 512 : index
        %parallel_loop3A_479 = tpu.vector_load %arg11[%parallel_loop3A_477, %parallel_loop3A_478] {strides = array<i32>} : memref<16x768xf32, #tpu.memory_space<vmem>>, vector<1x16xf32>,
        %parallel_loop3A_480 = vector.shape_cast %parallel_loop3A_479 : vector<1x16xf32> to vector<16xf32>
        %parallel_loop3A_481 = vector.shape_cast %parallel_loop3A_476 : vector<16xf32> to vector<1x16xf32>
        tpu.vector_store %arg11[%parallel_loop3A_477, %parallel_loop3A_478], %parallel_loop3A_481 {add = true, strides = array<i32>} : memref<16x768xf32, #tpu.memory_space<vmem>>, vector<1x16xf32>,
        %parallel_loop3A_482 = arith.index_cast %parallel_loop3A_184 : i32 to index
        %parallel_loop3A_483 = arith.constant 528 : index
        %parallel_loop3A_484 = tpu.vector_load %arg7[%parallel_loop3A_482, %parallel_loop3A_483] {strides = array<i32>} : memref<64x768xf32, #tpu.memory_space<vmem>>, vector<1x16xf32>,
        %parallel_loop3A_485 = vector.shape_cast %parallel_loop3A_484 : vector<1x16xf32> to vector<16xf32>
        %parallel_loop3A_486 = arith.index_cast %parallel_loop3A_182 : i32 to index
        %parallel_loop3A_487 = arith.constant 528 : index
        %parallel_loop3A_488 = tpu.vector_load %arg11[%parallel_loop3A_486, %parallel_loop3A_487] {strides = array<i32>} : memref<16x768xf32, #tpu.memory_space<vmem>>, vector<1x16xf32>,
        %parallel_loop3A_489 = vector.shape_cast %parallel_loop3A_488 : vector<1x16xf32> to vector<16xf32>
        %parallel_loop3A_490 = vector.shape_cast %parallel_loop3A_485 : vector<16xf32> to vector<1x16xf32>
        tpu.vector_store %arg11[%parallel_loop3A_486, %parallel_loop3A_487], %parallel_loop3A_490 {add = true, strides = array<i32>} : memref<16x768xf32, #tpu.memory_space<vmem>>, vector<1x16xf32>,
        %parallel_loop3A_491 = arith.index_cast %parallel_loop3A_184 : i32 to index
        %parallel_loop3A_492 = arith.constant 544 : index
        %parallel_loop3A_493 = tpu.vector_load %arg7[%parallel_loop3A_491, %parallel_loop3A_492] {strides = array<i32>} : memref<64x768xf32, #tpu.memory_space<vmem>>, vector<1x16xf32>,
        %parallel_loop3A_494 = vector.shape_cast %parallel_loop3A_493 : vector<1x16xf32> to vector<16xf32>
        %parallel_loop3A_495 = arith.index_cast %parallel_loop3A_182 : i32 to index
        %parallel_loop3A_496 = arith.constant 544 : index
        %parallel_loop3A_497 = tpu.vector_load %arg11[%parallel_loop3A_495, %parallel_loop3A_496] {strides = array<i32>} : memref<16x768xf32, #tpu.memory_space<vmem>>, vector<1x16xf32>,
        %parallel_loop3A_498 = vector.shape_cast %parallel_loop3A_497 : vector<1x16xf32> to vector<16xf32>
        %parallel_loop3A_499 = vector.shape_cast %parallel_loop3A_494 : vector<16xf32> to vector<1x16xf32>
        tpu.vector_store %arg11[%parallel_loop3A_495, %parallel_loop3A_496], %parallel_loop3A_499 {add = true, strides = array<i32>} : memref<16x768xf32, #tpu.memory_space<vmem>>, vector<1x16xf32>,
        %parallel_loop3A_500 = arith.index_cast %parallel_loop3A_184 : i32 to index
        %parallel_loop3A_501 = arith.constant 560 : index
        %parallel_loop3A_502 = tpu.vector_load %arg7[%parallel_loop3A_500, %parallel_loop3A_501] {strides = array<i32>} : memref<64x768xf32, #tpu.memory_space<vmem>>, vector<1x16xf32>,
        %parallel_loop3A_503 = vector.shape_cast %parallel_loop3A_502 : vector<1x16xf32> to vector<16xf32>
        %parallel_loop3A_504 = arith.index_cast %parallel_loop3A_182 : i32 to index
        %parallel_loop3A_505 = arith.constant 560 : index
        %parallel_loop3A_506 = tpu.vector_load %arg11[%parallel_loop3A_504, %parallel_loop3A_505] {strides = array<i32>} : memref<16x768xf32, #tpu.memory_space<vmem>>, vector<1x16xf32>,
        %parallel_loop3A_507 = vector.shape_cast %parallel_loop3A_506 : vector<1x16xf32> to vector<16xf32>
        %parallel_loop3A_508 = vector.shape_cast %parallel_loop3A_503 : vector<16xf32> to vector<1x16xf32>
        tpu.vector_store %arg11[%parallel_loop3A_504, %parallel_loop3A_505], %parallel_loop3A_508 {add = true, strides = array<i32>} : memref<16x768xf32, #tpu.memory_space<vmem>>, vector<1x16xf32>,
        %parallel_loop3A_509 = arith.index_cast %parallel_loop3A_184 : i32 to index
        %parallel_loop3A_510 = arith.constant 576 : index
        %parallel_loop3A_511 = tpu.vector_load %arg7[%parallel_loop3A_509, %parallel_loop3A_510] {strides = array<i32>} : memref<64x768xf32, #tpu.memory_space<vmem>>, vector<1x16xf32>,
        %parallel_loop3A_512 = vector.shape_cast %parallel_loop3A_511 : vector<1x16xf32> to vector<16xf32>
        %parallel_loop3A_513 = arith.index_cast %parallel_loop3A_182 : i32 to index
        %parallel_loop3A_514 = arith.constant 576 : index
        %parallel_loop3A_515 = tpu.vector_load %arg11[%parallel_loop3A_513, %parallel_loop3A_514] {strides = array<i32>} : memref<16x768xf32, #tpu.memory_space<vmem>>, vector<1x16xf32>,
        %parallel_loop3A_516 = vector.shape_cast %parallel_loop3A_515 : vector<1x16xf32> to vector<16xf32>
        %parallel_loop3A_517 = vector.shape_cast %parallel_loop3A_512 : vector<16xf32> to vector<1x16xf32>
        tpu.vector_store %arg11[%parallel_loop3A_513, %parallel_loop3A_514], %parallel_loop3A_517 {add = true, strides = array<i32>} : memref<16x768xf32, #tpu.memory_space<vmem>>, vector<1x16xf32>,
        %parallel_loop3A_518 = arith.index_cast %parallel_loop3A_184 : i32 to index
        %parallel_loop3A_519 = arith.constant 592 : index
        %parallel_loop3A_520 = tpu.vector_load %arg7[%parallel_loop3A_518, %parallel_loop3A_519] {strides = array<i32>} : memref<64x768xf32, #tpu.memory_space<vmem>>, vector<1x16xf32>,
        %parallel_loop3A_521 = vector.shape_cast %parallel_loop3A_520 : vector<1x16xf32> to vector<16xf32>
        %parallel_loop3A_522 = arith.index_cast %parallel_loop3A_182 : i32 to index
        %parallel_loop3A_523 = arith.constant 592 : index
        %parallel_loop3A_524 = tpu.vector_load %arg11[%parallel_loop3A_522, %parallel_loop3A_523] {strides = array<i32>} : memref<16x768xf32, #tpu.memory_space<vmem>>, vector<1x16xf32>,
        %parallel_loop3A_525 = vector.shape_cast %parallel_loop3A_524 : vector<1x16xf32> to vector<16xf32>
        %parallel_loop3A_526 = vector.shape_cast %parallel_loop3A_521 : vector<16xf32> to vector<1x16xf32>
        tpu.vector_store %arg11[%parallel_loop3A_522, %parallel_loop3A_523], %parallel_loop3A_526 {add = true, strides = array<i32>} : memref<16x768xf32, #tpu.memory_space<vmem>>, vector<1x16xf32>,
        %parallel_loop3A_527 = arith.index_cast %parallel_loop3A_184 : i32 to index
        %parallel_loop3A_528 = arith.constant 608 : index
        %parallel_loop3A_529 = tpu.vector_load %arg7[%parallel_loop3A_527, %parallel_loop3A_528] {strides = array<i32>} : memref<64x768xf32, #tpu.memory_space<vmem>>, vector<1x16xf32>,
        %parallel_loop3A_530 = vector.shape_cast %parallel_loop3A_529 : vector<1x16xf32> to vector<16xf32>
        %parallel_loop3A_531 = arith.index_cast %parallel_loop3A_182 : i32 to index
        %parallel_loop3A_532 = arith.constant 608 : index
        %parallel_loop3A_533 = tpu.vector_load %arg11[%parallel_loop3A_531, %parallel_loop3A_532] {strides = array<i32>} : memref<16x768xf32, #tpu.memory_space<vmem>>, vector<1x16xf32>,
        %parallel_loop3A_534 = vector.shape_cast %parallel_loop3A_533 : vector<1x16xf32> to vector<16xf32>
        %parallel_loop3A_535 = vector.shape_cast %parallel_loop3A_530 : vector<16xf32> to vector<1x16xf32>
        tpu.vector_store %arg11[%parallel_loop3A_531, %parallel_loop3A_532], %parallel_loop3A_535 {add = true, strides = array<i32>} : memref<16x768xf32, #tpu.memory_space<vmem>>, vector<1x16xf32>,
        %parallel_loop3A_536 = arith.index_cast %parallel_loop3A_184 : i32 to index
        %parallel_loop3A_537 = arith.constant 624 : index
        %parallel_loop3A_538 = tpu.vector_load %arg7[%parallel_loop3A_536, %parallel_loop3A_537] {strides = array<i32>} : memref<64x768xf32, #tpu.memory_space<vmem>>, vector<1x16xf32>,
        %parallel_loop3A_539 = vector.shape_cast %parallel_loop3A_538 : vector<1x16xf32> to vector<16xf32>
        %parallel_loop3A_540 = arith.index_cast %parallel_loop3A_182 : i32 to index
        %parallel_loop3A_541 = arith.constant 624 : index
        %parallel_loop3A_542 = tpu.vector_load %arg11[%parallel_loop3A_540, %parallel_loop3A_541] {strides = array<i32>} : memref<16x768xf32, #tpu.memory_space<vmem>>, vector<1x16xf32>,
        %parallel_loop3A_543 = vector.shape_cast %parallel_loop3A_542 : vector<1x16xf32> to vector<16xf32>
        %parallel_loop3A_544 = vector.shape_cast %parallel_loop3A_539 : vector<16xf32> to vector<1x16xf32>
        tpu.vector_store %arg11[%parallel_loop3A_540, %parallel_loop3A_541], %parallel_loop3A_544 {add = true, strides = array<i32>} : memref<16x768xf32, #tpu.memory_space<vmem>>, vector<1x16xf32>,
        %parallel_loop3A_545 = arith.index_cast %parallel_loop3A_184 : i32 to index
        %parallel_loop3A_546 = arith.constant 640 : index
        %parallel_loop3A_547 = tpu.vector_load %arg7[%parallel_loop3A_545, %parallel_loop3A_546] {strides = array<i32>} : memref<64x768xf32, #tpu.memory_space<vmem>>, vector<1x16xf32>,
        %parallel_loop3A_548 = vector.shape_cast %parallel_loop3A_547 : vector<1x16xf32> to vector<16xf32>
        %parallel_loop3A_549 = arith.index_cast %parallel_loop3A_182 : i32 to index
        %parallel_loop3A_550 = arith.constant 640 : index
        %parallel_loop3A_551 = tpu.vector_load %arg11[%parallel_loop3A_549, %parallel_loop3A_550] {strides = array<i32>} : memref<16x768xf32, #tpu.memory_space<vmem>>, vector<1x16xf32>,
        %parallel_loop3A_552 = vector.shape_cast %parallel_loop3A_551 : vector<1x16xf32> to vector<16xf32>
        %parallel_loop3A_553 = vector.shape_cast %parallel_loop3A_548 : vector<16xf32> to vector<1x16xf32>
        tpu.vector_store %arg11[%parallel_loop3A_549, %parallel_loop3A_550], %parallel_loop3A_553 {add = true, strides = array<i32>} : memref<16x768xf32, #tpu.memory_space<vmem>>, vector<1x16xf32>,
        %parallel_loop3A_554 = arith.index_cast %parallel_loop3A_184 : i32 to index
        %parallel_loop3A_555 = arith.constant 656 : index
        %parallel_loop3A_556 = tpu.vector_load %arg7[%parallel_loop3A_554, %parallel_loop3A_555] {strides = array<i32>} : memref<64x768xf32, #tpu.memory_space<vmem>>, vector<1x16xf32>,
        %parallel_loop3A_557 = vector.shape_cast %parallel_loop3A_556 : vector<1x16xf32> to vector<16xf32>
        %parallel_loop3A_558 = arith.index_cast %parallel_loop3A_182 : i32 to index
        %parallel_loop3A_559 = arith.constant 656 : index
        %parallel_loop3A_560 = tpu.vector_load %arg11[%parallel_loop3A_558, %parallel_loop3A_559] {strides = array<i32>} : memref<16x768xf32, #tpu.memory_space<vmem>>, vector<1x16xf32>,
        %parallel_loop3A_561 = vector.shape_cast %parallel_loop3A_560 : vector<1x16xf32> to vector<16xf32>
        %parallel_loop3A_562 = vector.shape_cast %parallel_loop3A_557 : vector<16xf32> to vector<1x16xf32>
        tpu.vector_store %arg11[%parallel_loop3A_558, %parallel_loop3A_559], %parallel_loop3A_562 {add = true, strides = array<i32>} : memref<16x768xf32, #tpu.memory_space<vmem>>, vector<1x16xf32>,
        %parallel_loop3A_563 = arith.index_cast %parallel_loop3A_184 : i32 to index
        %parallel_loop3A_564 = arith.constant 672 : index
        %parallel_loop3A_565 = tpu.vector_load %arg7[%parallel_loop3A_563, %parallel_loop3A_564] {strides = array<i32>} : memref<64x768xf32, #tpu.memory_space<vmem>>, vector<1x16xf32>,
        %parallel_loop3A_566 = vector.shape_cast %parallel_loop3A_565 : vector<1x16xf32> to vector<16xf32>
        %parallel_loop3A_567 = arith.index_cast %parallel_loop3A_182 : i32 to index
        %parallel_loop3A_568 = arith.constant 672 : index
        %parallel_loop3A_569 = tpu.vector_load %arg11[%parallel_loop3A_567, %parallel_loop3A_568] {strides = array<i32>} : memref<16x768xf32, #tpu.memory_space<vmem>>, vector<1x16xf32>,
        %parallel_loop3A_570 = vector.shape_cast %parallel_loop3A_569 : vector<1x16xf32> to vector<16xf32>
        %parallel_loop3A_571 = vector.shape_cast %parallel_loop3A_566 : vector<16xf32> to vector<1x16xf32>
        tpu.vector_store %arg11[%parallel_loop3A_567, %parallel_loop3A_568], %parallel_loop3A_571 {add = true, strides = array<i32>} : memref<16x768xf32, #tpu.memory_space<vmem>>, vector<1x16xf32>,
        %parallel_loop3A_572 = arith.index_cast %parallel_loop3A_184 : i32 to index
        %parallel_loop3A_573 = arith.constant 688 : index
        %parallel_loop3A_574 = tpu.vector_load %arg7[%parallel_loop3A_572, %parallel_loop3A_573] {strides = array<i32>} : memref<64x768xf32, #tpu.memory_space<vmem>>, vector<1x16xf32>,
        %parallel_loop3A_575 = vector.shape_cast %parallel_loop3A_574 : vector<1x16xf32> to vector<16xf32>
        %parallel_loop3A_576 = arith.index_cast %parallel_loop3A_182 : i32 to index
        %parallel_loop3A_577 = arith.constant 688 : index
        %parallel_loop3A_578 = tpu.vector_load %arg11[%parallel_loop3A_576, %parallel_loop3A_577] {strides = array<i32>} : memref<16x768xf32, #tpu.memory_space<vmem>>, vector<1x16xf32>,
        %parallel_loop3A_579 = vector.shape_cast %parallel_loop3A_578 : vector<1x16xf32> to vector<16xf32>
        %parallel_loop3A_580 = vector.shape_cast %parallel_loop3A_575 : vector<16xf32> to vector<1x16xf32>
        tpu.vector_store %arg11[%parallel_loop3A_576, %parallel_loop3A_577], %parallel_loop3A_580 {add = true, strides = array<i32>} : memref<16x768xf32, #tpu.memory_space<vmem>>, vector<1x16xf32>,
        %parallel_loop3A_581 = arith.index_cast %parallel_loop3A_184 : i32 to index
        %parallel_loop3A_582 = arith.constant 704 : index
        %parallel_loop3A_583 = tpu.vector_load %arg7[%parallel_loop3A_581, %parallel_loop3A_582] {strides = array<i32>} : memref<64x768xf32, #tpu.memory_space<vmem>>, vector<1x16xf32>,
        %parallel_loop3A_584 = vector.shape_cast %parallel_loop3A_583 : vector<1x16xf32> to vector<16xf32>
        %parallel_loop3A_585 = arith.index_cast %parallel_loop3A_182 : i32 to index
        %parallel_loop3A_586 = arith.constant 704 : index
        %parallel_loop3A_587 = tpu.vector_load %arg11[%parallel_loop3A_585, %parallel_loop3A_586] {strides = array<i32>} : memref<16x768xf32, #tpu.memory_space<vmem>>, vector<1x16xf32>,
        %parallel_loop3A_588 = vector.shape_cast %parallel_loop3A_587 : vector<1x16xf32> to vector<16xf32>
        %parallel_loop3A_589 = vector.shape_cast %parallel_loop3A_584 : vector<16xf32> to vector<1x16xf32>
        tpu.vector_store %arg11[%parallel_loop3A_585, %parallel_loop3A_586], %parallel_loop3A_589 {add = true, strides = array<i32>} : memref<16x768xf32, #tpu.memory_space<vmem>>, vector<1x16xf32>,
        %parallel_loop3A_590 = arith.index_cast %parallel_loop3A_184 : i32 to index
        %parallel_loop3A_591 = arith.constant 720 : index
        %parallel_loop3A_592 = tpu.vector_load %arg7[%parallel_loop3A_590, %parallel_loop3A_591] {strides = array<i32>} : memref<64x768xf32, #tpu.memory_space<vmem>>, vector<1x16xf32>,
        %parallel_loop3A_593 = vector.shape_cast %parallel_loop3A_592 : vector<1x16xf32> to vector<16xf32>
        %parallel_loop3A_594 = arith.index_cast %parallel_loop3A_182 : i32 to index
        %parallel_loop3A_595 = arith.constant 720 : index
        %parallel_loop3A_596 = tpu.vector_load %arg11[%parallel_loop3A_594, %parallel_loop3A_595] {strides = array<i32>} : memref<16x768xf32, #tpu.memory_space<vmem>>, vector<1x16xf32>,
        %parallel_loop3A_597 = vector.shape_cast %parallel_loop3A_596 : vector<1x16xf32> to vector<16xf32>
        %parallel_loop3A_598 = vector.shape_cast %parallel_loop3A_593 : vector<16xf32> to vector<1x16xf32>
        tpu.vector_store %arg11[%parallel_loop3A_594, %parallel_loop3A_595], %parallel_loop3A_598 {add = true, strides = array<i32>} : memref<16x768xf32, #tpu.memory_space<vmem>>, vector<1x16xf32>,
        %parallel_loop3A_599 = arith.index_cast %parallel_loop3A_184 : i32 to index
        %parallel_loop3A_600 = arith.constant 736 : index
        %parallel_loop3A_601 = tpu.vector_load %arg7[%parallel_loop3A_599, %parallel_loop3A_600] {strides = array<i32>} : memref<64x768xf32, #tpu.memory_space<vmem>>, vector<1x16xf32>,
        %parallel_loop3A_602 = vector.shape_cast %parallel_loop3A_601 : vector<1x16xf32> to vector<16xf32>
        %parallel_loop3A_603 = arith.index_cast %parallel_loop3A_182 : i32 to index
        %parallel_loop3A_604 = arith.constant 736 : index
        %parallel_loop3A_605 = tpu.vector_load %arg11[%parallel_loop3A_603, %parallel_loop3A_604] {strides = array<i32>} : memref<16x768xf32, #tpu.memory_space<vmem>>, vector<1x16xf32>,
        %parallel_loop3A_606 = vector.shape_cast %parallel_loop3A_605 : vector<1x16xf32> to vector<16xf32>
        %parallel_loop3A_607 = vector.shape_cast %parallel_loop3A_602 : vector<16xf32> to vector<1x16xf32>
        tpu.vector_store %arg11[%parallel_loop3A_603, %parallel_loop3A_604], %parallel_loop3A_607 {add = true, strides = array<i32>} : memref<16x768xf32, #tpu.memory_space<vmem>>, vector<1x16xf32>,
        %parallel_loop3A_608 = arith.index_cast %parallel_loop3A_184 : i32 to index
        %parallel_loop3A_609 = arith.constant 752 : index
        %parallel_loop3A_610 = tpu.vector_load %arg7[%parallel_loop3A_608, %parallel_loop3A_609] {strides = array<i32>} : memref<64x768xf32, #tpu.memory_space<vmem>>, vector<1x16xf32>,
        %parallel_loop3A_611 = vector.shape_cast %parallel_loop3A_610 : vector<1x16xf32> to vector<16xf32>
        %parallel_loop3A_612 = arith.index_cast %parallel_loop3A_182 : i32 to index
        %parallel_loop3A_613 = arith.constant 752 : index
        %parallel_loop3A_614 = tpu.vector_load %arg11[%parallel_loop3A_612, %parallel_loop3A_613] {strides = array<i32>} : memref<16x768xf32, #tpu.memory_space<vmem>>, vector<1x16xf32>,
        %parallel_loop3A_615 = vector.shape_cast %parallel_loop3A_614 : vector<1x16xf32> to vector<16xf32>
        %parallel_loop3A_616 = vector.shape_cast %parallel_loop3A_611 : vector<16xf32> to vector<1x16xf32>
        tpu.vector_store %arg11[%parallel_loop3A_612, %parallel_loop3A_613], %parallel_loop3A_616 {add = true, strides = array<i32>} : memref<16x768xf32, #tpu.memory_space<vmem>>, vector<1x16xf32>,
      } {sc.loop_unroll_factor = 1 : i64, sc.parallel_access}
      %mul3A_157 = arith.constant 16 : i32
      %mul3A_158 = arith.muli %add3A_148, %mul3A_157 : i32
      %add3A_159 = arith.addi %mul3A_2, %mul3A_158 : i32
      %dma_start3A_160 = arith.constant 0 : i32
      %dma_start3A_161 = tpu.memref_slice %arg5[%add3A_159, %dma_start3A_160] : memref<262144x768xf32, #tpu.memory_space<hbm>> -> memref<16x768xf32, #tpu.memory_space<hbm>>
      %dma_start3A_162 = arith.constant 0 : i32
      %dma_start3A_163 = tpu.memref_slice %arg5[%add3A_159, %dma_start3A_162] : memref<262144x768xf32, #tpu.memory_space<hbm>> -> memref<16x768xf32, #tpu.memory_space<hbm>>
      tpu.enqueue_dma source(%arg11 : memref<16x768xf32, #tpu.memory_space<vmem>>) target(%dma_start3A_163 : memref<16x768xf32, #tpu.memory_space<hbm>>) target_semaphore(%arg19 : memref<!tpu.dma_semaphore, #tpu.memory_space<semaphore_mem>>)
      %add3A_164 = arith.constant 4 : i32
      %add3A_165 = arith.addi %add3A_148, %add3A_164 : i32
      %sub3A_166 = arith.constant 1 : i32
      %sub3A_167 = arith.subi %add3A_165, %sub3A_166 : i32
      %lt3A_168 = arith.constant 512 : i32
      %lt3A_169 = arith.cmpi slt, %sub3A_167, %lt3A_168 : i32
      %convert_element_type3A_170 = arith.extui %lt3A_169 : i1 to i32
      %cond3A_171 = arith.constant 0 : i32
      %cond3A_172 = arith.cmpi ne, %convert_element_type3A_170, %cond3A_171 : i32
      scf.if %cond3A_172 {
        %dma_wait3A_182 = arith.constant 0 : i32
        %dma_wait3A_183 = tpu.memref_slice %arg5[%mul3A_2, %dma_wait3A_182] : memref<262144x768xf32, #tpu.memory_space<hbm>> -> memref<16x768xf32, #tpu.memory_space<hbm>>
        %dma_wait3A_184 = arith.constant 0 : i32
        %dma_wait3A_185 = tpu.memref_slice %arg5[%mul3A_2, %dma_wait3A_184] : memref<262144x768xf32, #tpu.memory_space<hbm>> -> memref<16x768xf32, #tpu.memory_space<hbm>>
        tpu.wait_dma2 semaphore(%arg18 : memref<!tpu.dma_semaphore, #tpu.memory_space<semaphore_mem>>) src(%arg10 : memref<16x768xf32, #tpu.memory_space<vmem>>) dst(%dma_wait3A_185 : memref<16x768xf32, #tpu.memory_space<hbm>>)
      } else {
      }
      %add3A_173 = arith.constant 4 : i32
      %add3A_174 = arith.addi %add3A_148, %add3A_173 : i32
      %sub3A_175 = arith.constant 1 : i32
      %sub3A_176 = arith.subi %add3A_174, %sub3A_175 : i32
      %lt3A_177 = arith.constant 512 : i32
      %lt3A_178 = arith.cmpi slt, %sub3A_176, %lt3A_177 : i32
      %convert_element_type3A_179 = arith.extui %lt3A_178 : i1 to i32
      %cond3A_180 = arith.constant 0 : i32
      %cond3A_181 = arith.cmpi ne, %convert_element_type3A_179, %cond3A_180 : i32
      scf.if %cond3A_181 {
        %add3A_182 = arith.constant 4 : i32
        %add3A_183 = arith.addi %add3A_148, %add3A_182 : i32
        %sub3A_184 = arith.constant 1 : i32
        %sub3A_185 = arith.subi %add3A_183, %sub3A_184 : i32
        %mul3A_186 = arith.constant 16 : i32
        %mul3A_187 = arith.muli %sub3A_185, %mul3A_186 : i32
        %dma_start3A_188 = tpu.memref_slice %arg6[%mul3A_187] : memref<8192xi32, #tpu.memory_space<vmem>> -> memref<16xi32, #tpu.memory_space<vmem>>
        %dma_start3A_189 = arith.constant 0 : i32
        %dma_start3A_190 = arith.constant 0 : i32
        %dma_start3A_191 = tpu.memref_slice %arg3[%dma_start3A_189, %dma_start3A_190] : memref<100000x768xf32, #tpu.memory_space<hbm>> -> memref<100000x768xf32, #tpu.memory_space<hbm>>
        tpu.enqueue_indirect_dma source(%dma_start3A_191 : memref<100000x768xf32, #tpu.memory_space<hbm>>) target(%arg10 : memref<16x768xf32, #tpu.memory_space<vmem>>) offsets(%dma_start3A_188 : memref<16xi32, #tpu.memory_space<vmem>>) semaphore(%arg14 : memref<!tpu.dma_semaphore, #tpu.memory_space<semaphore_mem>>)
      } else {
      }
    }
    %scan3A_21 = arith.constant 128 : i32
    %dma_wait3A = arith.constant 0 : i32
    %dma_wait3A_22 = tpu.memref_slice %arg5[%mul3A_2, %dma_wait3A] : memref<262144x768xf32, #tpu.memory_space<hbm>> -> memref<16x768xf32, #tpu.memory_space<hbm>>
    %dma_wait3A_23 = arith.constant 0 : i32
    %dma_wait3A_24 = tpu.memref_slice %arg5[%mul3A_2, %dma_wait3A_23] : memref<262144x768xf32, #tpu.memory_space<hbm>> -> memref<16x768xf32, #tpu.memory_space<hbm>>
    tpu.wait_dma2 semaphore(%arg16 : memref<!tpu.dma_semaphore, #tpu.memory_space<semaphore_mem>>) src(%arg8 : memref<16x768xf32, #tpu.memory_space<vmem>>) dst(%dma_wait3A_24 : memref<16x768xf32, #tpu.memory_space<hbm>>)
    %dma_wait3A_25 = arith.constant 0 : i32
    %dma_wait3A_26 = tpu.memref_slice %arg5[%mul3A_2, %dma_wait3A_25] : memref<262144x768xf32, #tpu.memory_space<hbm>> -> memref<16x768xf32, #tpu.memory_space<hbm>>
    %dma_wait3A_27 = arith.constant 0 : i32
    %dma_wait3A_28 = tpu.memref_slice %arg5[%mul3A_2, %dma_wait3A_27] : memref<262144x768xf32, #tpu.memory_space<hbm>> -> memref<16x768xf32, #tpu.memory_space<hbm>>
    tpu.wait_dma2 semaphore(%arg17 : memref<!tpu.dma_semaphore, #tpu.memory_space<semaphore_mem>>) src(%arg9 : memref<16x768xf32, #tpu.memory_space<vmem>>) dst(%dma_wait3A_28 : memref<16x768xf32, #tpu.memory_space<hbm>>)
    %dma_wait3A_29 = arith.constant 0 : i32
    %dma_wait3A_30 = tpu.memref_slice %arg5[%mul3A_2, %dma_wait3A_29] : memref<262144x768xf32, #tpu.memory_space<hbm>> -> memref<16x768xf32, #tpu.memory_space<hbm>>
    %dma_wait3A_31 = arith.constant 0 : i32
    %dma_wait3A_32 = tpu.memref_slice %arg5[%mul3A_2, %dma_wait3A_31] : memref<262144x768xf32, #tpu.memory_space<hbm>> -> memref<16x768xf32, #tpu.memory_space<hbm>>
    tpu.wait_dma2 semaphore(%arg18 : memref<!tpu.dma_semaphore, #tpu.memory_space<semaphore_mem>>) src(%arg10 : memref<16x768xf32, #tpu.memory_space<vmem>>) dst(%dma_wait3A_32 : memref<16x768xf32, #tpu.memory_space<hbm>>)
    %dma_wait3A_33 = arith.constant 0 : i32
    %dma_wait3A_34 = tpu.memref_slice %arg5[%mul3A_2, %dma_wait3A_33] : memref<262144x768xf32, #tpu.memory_space<hbm>> -> memref<16x768xf32, #tpu.memory_space<hbm>>
    %dma_wait3A_35 = arith.constant 0 : i32
    %dma_wait3A_36 = tpu.memref_slice %arg5[%mul3A_2, %dma_wait3A_35] : memref<262144x768xf32, #tpu.memory_space<hbm>> -> memref<16x768xf32, #tpu.memory_space<hbm>>
    tpu.wait_dma2 semaphore(%arg19 : memref<!tpu.dma_semaphore, #tpu.memory_space<semaphore_mem>>) src(%arg11 : memref<16x768xf32, #tpu.memory_space<vmem>>) dst(%dma_wait3A_36 : memref<16x768xf32, #tpu.memory_space<hbm>>)
    return
  }
}

</mosaic_0001>

<sc_bundles>
// kernel: kernel.3.cloned.1.call-start
scs
__scs_entry_jumppad:
0x0: {  	(pc) =	sbr.rel $0x88, $3  }
0x1: {  	(tag) =	ssettag $0x0;
	lr =	simm.s32 $0x1  }
0x2: {  	[smem:$0x3F9E] =	sst lr;
	_ =	strace $0xD0000000  }
0x3: {  	_ = 	snop  }
0x4: {  	_ = 	snop  }
0x5: {  	_ = 	snop  }
0x6: {  	_ = 	snop  }
0x7: {  	_ = 	snop  }
__scs_overlays_trampoline_lowered:
0x8: {  	[smem:$0x3FAD] =	sst s0  }
0x9: {  	[smem:$0x3FAE] =	sst s1  }
0xa: {  	[smem:$0x3FAF] =	sst s2  }
0xb: {  	[smem:$0x3FB0] =	sst s3  }
0xc: {  	[smem:$0x3FB1] =	sst s4  }
0xd: {  	[smem:$0x3FB2] =	sst s5  }
0xe: {  	[smem:$0x3FB3] =	sst s6  }
0xf: {  	[smem:$0x3FB4] =	sst s7  }
0x10: {  	[smem:$0x3FB5] =	sst s8  }
0x11: {  	[smem:$0x3FB6] =	sst s9;
	s0 =	simm.s32 @!p0 $0x0  }
0x12: {  	s1 =	sld [smem:$0x3F9C];
	s0 =	simm.s32 @p0 $0x1  }
0x13: {  	[smem:$0x3FB7] =	sst s0;
	s0 =	simm.s32 @!p1 $0x0  }
0x14: {  	s2 =	sld [smem:$0x3F9B];
	s0 =	simm.s32 @p1 $0x1  }
0x15: {  	[smem:$0x3FB8] =	sst s0;
	s0 =	simm.s32 @!p2 $0x0  }
0x16: {  	s3 =	sld [smem:$0x3FDB];
	s0 =	simm.s32 @p2 $0x1  }
0x17: {  	s4 =	simm.s32 $0x1BF5;
	[smem:$0x3FBA] =	sst s0  }
0x18: {  	s0 =	sld [smem:$0x3F9D];
	_ =	swait.ge [sflag:s4], $0x0  }
0x19: {  	s7 =	sld [smem:$0x3F9E]  }
0x1a: {  	s8 =	sadd.s32 $0xFFFFE003, lr  }
0x1b: {  	s9 =	sadd.s32 $0xFFFFFEF7, lr;
	s5 =	simm.s32 $0xFFFFFFFF;
	p2 =	slt.u32 s8, $0xFFFFF086  }
0x1c: {  	p1 =	slt.u32 s9, $0xF7A;
	s5 =	simm.s32 @!p2 $0x0  }
0x1d: {  	s5 =	simm.s32 @p1 $0x1;
	p0 =	seq.s32 s7, s2  }
0x1e: {  	s7 =	smul.u32 @!p0 $0xF7A, s2;
	p2 =	seq.s32 @!p0 s5, $0x0  }
0x1f: {  	s9 =	smul.u32 $0xF7A, s1;
	s8 =	simm.s32 @!p0 $0x1BF5;
	p2 =	por !p2, p0  }
0x20: {  	[sflag:s8] =	ssyncset.s32 @!p0 $0xFFFFF086;
	s6 =	sadd.s32 @!p0 s3, s7;
	s7 =	simm.s32 @!p0 $0x108  }
0x21: {  	s3 =	sadd.s32 s3, s9;
	s6 =	sadd.s32 @!p0 $0x88, s6;
	s7 =	simm.s32 @p2 $0x1082  }
0x22: {  	[simem:s7], [sflag:s8] =	dma.local @!p0 [hbm:s6], $0xF7A  }
0x23: {  	s9 =	sor.u32 $0xD0000000, s2;
	s6 =	simm.s32 $0x108;
	_ =	swait.ge @!p0 [sflag:s8], $0x0  }
0x24: {  	s3 =	sadd.s32 $0x88, s3;
	s6 =	simm.s32 @!p1 $0x1082;
	[sflag:s4] =	ssyncset.s32 $0xFFFFF086  }
0x25: {  	[simem:s6], [sflag:s4] =	dma.local [hbm:s3], $0xF7A  }
0x26: {  	[smem:$0x3F9E] =	sst s1;
	(tag) =	ssettag s2;
	_ =	strace s9  }
0x27: {  	s1 =	sld [smem:$0x3FAE]  }
0x28: {  	s2 =	sld [smem:$0x3FAF]  }
0x29: {  	s4 =	sld [smem:$0x3FB1]  }
0x2a: {  	p0 =	seq.s32 s5, $0x0;
	s5 =	sld [smem:$0x3FB2]  }
0x2b: {  	s6 =	sld [smem:$0x3FB3]  }
0x2c: {  	s7 =	sld [smem:$0x3FB4]  }
0x2d: {  	s3 =	simm.s32 $0x108;
	s8 =	sld [smem:$0x3FB5]  }
0x2e: {  	s3 =	simm.s32 @!p0 $0x1082;
	s9 =	sld [smem:$0x3FB6]  }
0x2f: {  	lr =	sadd.s32 s0, s3;
	s0 =	sld [smem:$0x3FAD]  }
0x30: {  	s3 =	sld [smem:$0x3FB0]  }
0x31: {  	[smem:$0x3FB9] =	sst s10  }
0x32: {  	s10 =	sld [smem:$0x3FB7];
	_ =	sdelay $0x3  }
0x33: {  	p0 =	seq.s32 s10, $0x1;
	s10 =	sld [smem:$0x3FB9];
	_ =	sdelay $0x3  }
0x34: {  	[smem:$0x3FB9] =	sst s10  }
0x35: {  	s10 =	sld [smem:$0x3FB8];
	_ =	sdelay $0x3  }
0x36: {  	p1 =	seq.s32 s10, $0x1;
	s10 =	sld [smem:$0x3FB9];
	_ =	sdelay $0x3  }
0x37: {  	[smem:$0x3FB9] =	sst s10  }
0x38: {  	s10 =	sld [smem:$0x3FBA]  }
0x39: {  	_ = 	snop;
	(pc) =	sbr.ind lr, $3  }
0x3a: {  	_ = 	snop  }
0x3b: {  	_ = 	snop  }
0x3c: {  	p2 =	seq.s32 s10, $0x1;
	s10 =	sld [smem:$0x3FB9]  }
0x3d: {  	_ =	shalt  }
0x3e: {  	_ =	shalt  }
0x3f: {  	_ =	shalt  }
0x40: {  	_ =	shalt  }
0x41: {  	_ =	shalt  }
0x42: {  	_ =	shalt  }
0x43: {  	_ =	shalt  }
0x44: {  	_ =	shalt  }
0x45: {  	_ =	shalt  }
0x46: {  	_ =	shalt  }
0x47: {  	_ =	shalt  }
0x48: {  	_ =	shalt  }
0x49: {  	_ =	shalt  }
0x4a: {  	_ =	shalt  }
0x4b: {  	_ =	shalt  }
0x4c: {  	_ =	shalt  }
0x4d: {  	_ =	shalt  }
0x4e: {  	_ =	shalt  }
0x4f: {  	_ =	shalt  }
0x50: {  	_ =	shalt  }
0x51: {  	_ =	shalt  }
0x52: {  	_ =	shalt  }
0x53: {  	_ =	shalt  }
0x54: {  	_ =	shalt  }
0x55: {  	_ =	shalt  }
0x56: {  	_ =	shalt  }
0x57: {  	_ =	shalt  }
0x58: {  	_ =	shalt  }
0x59: {  	_ =	shalt  }
0x5a: {  	_ =	shalt  }
0x5b: {  	_ =	shalt  }
0x5c: {  	_ =	shalt  }
0x5d: {  	_ =	shalt  }
0x5e: {  	_ =	shalt  }
0x5f: {  	_ =	shalt  }
0x60: {  	_ =	shalt  }
0x61: {  	_ =	shalt  }
0x62: {  	_ =	shalt  }
0x63: {  	_ =	shalt  }
0x64: {  	_ =	shalt  }
0x65: {  	_ =	shalt  }
0x66: {  	_ =	shalt  }
0x67: {  	_ =	shalt  }
0x68: {  	_ =	shalt  }
0x69: {  	_ =	shalt  }
0x6a: {  	_ =	shalt  }
0x6b: {  	_ =	shalt  }
0x6c: {  	_ =	shalt  }
0x6d: {  	_ =	shalt  }
0x6e: {  	_ =	shalt  }
0x6f: {  	_ =	shalt  }
0x70: {  	_ =	shalt  }
0x71: {  	_ =	shalt  }
0x72: {  	_ =	shalt  }
0x73: {  	_ =	shalt  }
0x74: {  	_ =	shalt  }
0x75: {  	_ =	shalt  }
0x76: {  	_ =	shalt  }
0x77: {  	_ =	shalt  }
0x78: {  	_ =	shalt  }
0x79: {  	_ =	shalt  }
0x7a: {  	_ =	shalt  }
0x7b: {  	_ =	shalt  }
0x7c: {  	_ =	shalt  }
0x7d: {  	_ =	shalt  }
0x7e: {  	_ =	shalt  }
0x7f: {  	_ =	shalt  }
0x80: {  	_ =	shalt  }
0x81: {  	_ =	shalt  }
0x82: {  	_ =	shalt  }
0x83: {  	_ =	shalt  }
0x84: {  	_ =	shalt  }
0x85: {  	_ =	shalt  }
0x86: {  	_ =	shalt  }
0x87: {  	_ =	shalt  }
.Lfunc_end0:
.L_simem_size_0:
called_computation_lowered:
.L_overlay_start_0:
0x88: {  	s2 =	sld [smem:$0x3FD9]  }
0x89: {  	s3 =	sld [smem:$0x3FFE];
	_ =	sdelay $0x1  }
0x8a: {  	s1 =	srdreg.scid  }
0x8b: {  	s0 =	sand.u32 $0x1, s1  }
0x8c: {  	s17 =	sshll.u32 s0, $0xA;
	s2 =	sadd.s32 s3, s2  }
0x8d: {  	s2 =	sadd.s32 s2, s17  }
0x8e: {  	[smem:$0x3FC5] =	sst s2  }
0x8f: {  	_ = 	snop  }
0x90: {  	s2 =	sld [smem:$0x3FC8]  }
0x91: {  	s18 =	sld [smem:$0x3FC7]  }
0x92: {  	s4 =	sld [smem:$0x3FD0];
	(tm) =	ssettm $0x1  }
0x93: {  	s5 =	sld [smem:$0x3FFB];
	_ =	sdelay $0x3  }
0x94: {  	_ =	strace s5  }
0x95: {  	s5 =	sld [smem:$0x3FFC];
	_ =	sdelay $0x3  }
0x96: {  	_ =	strace s5  }
0x97: {  	s5 =	sld [smem:$0x3FFD];
	_ =	sdelay $0x3  }
0x98: {  	_ =	strace s5  }
0x99: {  	_ =	strace $0x8FFFFFFF  }
0x9a: {  	s19 =	sld [smem:$0x3FDB];
	_ =	sdelay $0x1  }
0x9b: {  	s6 =	simm.s32 $_scs_section_size  }
0x9c: {  	s7 =	simm.s32 $_size__tile_overlayer_lowered;
	s8 =	simm.s32 $_tile_overlayer_lowered  }
0x9d: {  	s22 =	simm.s32 $0x1BFF;
	s21 =	sshll.u32 s8, $0x1;
	s5 =	sadd.s32 s6, s19  }
0x9e: {  	s9 =	simm.s32 $0x0;
	s20 =	sshll.u32 s7, $0x1;
	s7 =	sadd.s32 s21, s5  }
0x9f: {  	[timem:s9], [sflag:s22] =	dma.local [hbm:s7], s20  }
0xa0: {  	_ =	swait.ge [sflag:s22], s20  }
0xa1: {  	s6 =	ssub.s32 $0x0, s20;
	[sflag:s22] =	ssyncset.done $0x0  }
0xa2: {  	[sflag:s22] =	ssyncadd.s32 s6;
	_ =	sdelay $0x1  }
0xa3: {  	s23 =	simm.s32 $0x1B8B  }
0xa4: {  	_ =	swait.ge [sflag:s23], $0x1  }
0xa5: {  	[sflag:s23] =	ssyncset.done $0x0  }
0xa6: {  	s25 =	simm.s32 $0x1B8E;
	s24 =	sld [smem:$0x3FFE];
	[sflag:s23] =	ssyncadd.s32 $0xFFFFFFFF  }
0xa7: {  	s26 =	simm.s32 $execute0_lowered;
	[smem:$0x3FD2] =	sst s25  }
0xa8: {  	s7 =	sshll.u32 s26, $0x1;
	_ =	strace $0x80000046;
	[dreg:$0x1] =	wrdreg $0xFFFFFFFF  }
0xa9: {  	s28 =	simm.s32 $_size_execute0_lowered;
	s5 =	sadd.s32 s5, s7;
	[dreg:$0x0] =	wrdreg $0x0  }
0xaa: {  	s7 =	sshll.u32 s28, $0x1;
	[dreg:$0x2] =	wrdreg s5  }
0xab: {  	[dreg:$0x3] =	wrdreg s7  }
0xac: {  	[dreg:$0x4] =	wrdreg $0xC0  }
0xad: {  	_ =	task [dreg:s9], $0x5FFFF  }
0xae: {  	[dreg:$0x1] =	wrdreg $0xFFFFFFFF  }
0xaf: {  	[dreg:$0x0] =	wrdreg $0x60  }
0xb0: {  	[dreg:$0x2] =	wrdreg s24  }
0xb1: {  	[dreg:$0x3] =	wrdreg s2  }
0xb2: {  	[dreg:$0x4] =	wrdreg s18  }
0xb3: {  	[dreg:$0x5] =	wrdreg s4  }
0xb4: {  	[dreg:$0x6] =	wrdreg $0x9  }
0xb5: {  	_ =	task.clear_ibuf [dreg:s9], $0x7FFFF;
	_ =	strace $0x90000046  }
0xb6: {  	s29 =	simm.s32 $0x9;
	_ =	strace $0x80000048  }
0xb7: {  	_ =	swait.ge [sflag:s29], $0x1  }
0xb8: {  	[sflag:s29] =	ssyncadd.s32 $0xFFFFFFFF  }
0xb9: {  	_ =	strace $0x90000048  }
0xba: {  	_ =	sfence  }
0xbb: {  	s30 =	sld [smem:$0x0];
	_ =	sdelay $0x2  }
0xbc: {  	s31 =	sshll.u32 s1, $0xD;
	s1 =	sshrl.u32 s1, $0x2  }
0xbd: {  	s3 =	sand.u32 $0x4000, s31;
	s1 =	sadd.s32 s1, s30  }
0xbe: {  	s0 =	sor.u32 s3, s0;
	s1 =	sshll.u32 s1, $0x11  }
0xbf: {  	s0 =	sor.u32 s1, s0  }
0xc0: {  	s0 =	sadd.s32 $0x8F2B, s0  }
0xc1: {  	[sflag:s0] =	ssyncadd.remote.s32 $0x1  }
0xc2: {  	_ =	sfence.sel $0xFFFF  }
0xc3: {  	[dreg:$0x0] =	wrdreg $0xFFFFFFFF;
	(pc) =	sbr.abs _section_cstart, $3  }
0xc4: {  	[dreg:$0x1] =	wrdreg $0xFFFFFFFF  }
0xc5: {  	_ =	task.clear_ibuf [dreg:s9], $0x2FFFF;
	_ =	strace $0x9FFFFFFF  }
0xc6: {  	(tm) =	ssettm $0x7FFFFFFF  }
0xc7: {  	_ =	shalt  }
tec
execute0_lowered:
.L_overlay_start_1:
0x0: {  	(tag) =	ssettag $0x1  }
0x1: {  	s0 =	rddreg [dreg:$0x0]  }
0x2: {  	s1 =	rddreg [dreg:$0x1];
	s2 =	srdreg.scid  }
0x3: {  	s3 =	stileid.u32;
	s4 =	rddreg [dreg:$0x3];
	s6 =	simm.s32 $0x0  }
0x4: {  	s26 =	simm.s32 $0x14000;
	s19 =	simm.s32 $0x2;
	s21 =	simm.s32 $0x3  }
0x5: {  	s22 =	simm.s32 $0x4;
	s25 =	simm.s32 $0x7;
	s10 =	simm.s32 $0x0  }
0x6: {  	s2 =	sand.u32 $0x1, s2;
	s3 =	sshll.u32 s3, $0xE;
	[smem:$0x7FF] =	sst s6  }
0x7: {  	s8 =	sadd.s32 $0x100, s1;
	s5 =	sshll.u32 s2, $0xD;
	s2 =	ssub.s32 $0x2, s2  }
.Ltmp0:
0x8: {  	s5 =	sor.u32 s5, s3;
	s30 =	sshrl.u32 s2, $0x1;
	(pc) =	sbr.rel .LBB2_1-.Ltmp0, $4  }
0x9: {  	s9 =	sadd.s32 $0x200, s1;
	s3 =	sshrl.u32 s5, $0x3;
	s2 =	ssub.s32 s2, s30  }
0xa: {  	v2 =	vlaneseq.u32;
	s11 =	sadd.s32 $0xC00, s4;
	s0 =	sadd.s32 s3, s0;
	s31 =	smax.u32 s2, $0x1  }
0xb: {  	vm0 =	vmmov $0xffff;
	v1 =	vshrl.u32 v2, $0x3;
	_ =	strace $0x80000047;
	s0 =	sadd.s32 $0x400, s0;
	[dreg:$0x6] =	wrdreg s31  }
0xc: {  	v0 =	vand.u32 $0x7, v2;
	v2 =	vor.u32 $0x8, v2;
	v1 =	vmul.u32 $0x8, v1;
	s3 =	simm.s32 $0x17000;
	[dreg:$0x5] =	wrdreg s0;
	s0 =	simm.s32 $0x1  }
.LBB2_12:
0xd: {  	s2 =	simm.s32 $0x5  }
0xe: {  	_ =	swait.ge [sflag:s2], $0x3000  }
0xf: {  	[sflag:s2] =	ssyncset.done $0x0  }
0x10: {  	s30 =	simm.s32 $0x6;
	[sflag:s2] =	ssyncadd.s32 $0xFFFFD000  }
0x11: {  	_ =	swait.ge [sflag:s30], $0x3000  }
0x12: {  	[sflag:s30] =	ssyncset.done $0x0  }
0x13: {  	[sflag:s30] =	ssyncadd.s32 $0xFFFFD000  }
0x14: {  	_ =	swait.ge [sflag:s25], $0x3000  }
0x15: {  	[sflag:s25] =	ssyncset.done $0x0  }
0x16: {  	s7 =	simm.s32 $0x8;
	[sflag:s25] =	ssyncadd.s32 $0xFFFFD000  }
0x17: {  	_ =	swait.ge [sflag:s7], $0x3000  }
0x18: {  	s10 =	rddreg [dreg:$0x7]  }
0x19: {  	s31 =	rddreg [dreg:$0x6];
	s10 =	sadd.s32 $0x1, s10  }
0x1a: {  	p0 =	sne.s32 s10, s31  }
.Ltmp1:
0x1b: {  	_ = 	snop;
	(pc) =	sbr.rel @!p0 .LBB2_13-.Ltmp1, $3  }
0x1c: {  	_ =	sdelay $0x1  }
0x1d: {  	[sflag:s7] =	ssyncset.done $0x0  }
0x1e: {  	[sflag:s7] =	ssyncadd.s32 $0xFFFFD000  }
.LBB2_1:
0x1f: {  	[dreg:$0x7] =	wrdreg s10  }
0x20: {  	s2 =	rddreg [dreg:$0x5];
	s7 =	simm.s32 $0x9  }
0x21: {  	[tilespmem:s6], [sflag:$0x9] =	stream.linear.gather [hbm4b:s2+s6], $0x2000, $0x38;
	[tilespmem:$0x1A000] =	vst v63  }
0x22: {  	_ =	swait.ge [sflag:s7], $0x2000  }
0x23: {  	[sflag:s7] =	ssyncset.done $0x0  }
0x24: {  	[sflag:s7] =	ssyncadd.s32 $0xFFFFE000  }
0x25: {  	s30 =	simm.s32 $0x2000;
	s29 =	rddreg [dreg:$0x2]  }
0x26: {  	[tilespmem:s30], [sflag:$0x9] =	stream.linear.gather [hbm4b:s29+s6], $0xC000, $0x38;
	[tilespmem:$0x1A000] =	vst v63  }
0x27: {  	_ =	swait.ge [sflag:s7], $0xC000  }
0x28: {  	[sflag:s7] =	ssyncset.done $0x0  }
0x29: {  	[sflag:s7] =	ssyncadd.s32 $0xFFFF4000  }
0x2a: {  	v3 =	vld [tilespmem:$0x0];
	_ =	sdelay $0x4  }
0x2b: {  	v4 =	vshrl.u32 v3, $0x3  }
0x2c: {  	v4 =	vmul.u32 $0x30, v4  }
0x2d: {  	v3 =	vand.u32 $0x7, v3  }
0x2e: {  	v3 =	vor.u32 v3, v4  }
0x2f: {  	v4 =	vperm.xlane v3, v0;
	_ =	sdelay $0x1  }
0x30: {  	v4 =	vadd.s32 v1, v4;
	_ =	sdelay $0x3  }
0x31: {  	s31 =	simm.s32 $0xE000;
	v3 =	vperm.xlane v3, v2  }
0x32: {  	[tilespmem:s31], [sflag:$0x1] =	stream.indirect_vreg.gather [hbm4b:s1+s6], $0x80, v4, vm0, $0xb8;
	[tilespmem:$0x1A000] =	vst v63  }
0x33: {  	s7 =	simm.s32 $0xE800;
	v3 =	vadd.s32 v1, v3  }
0x34: {  	[tilespmem:s7], [sflag:$0x1] =	stream.indirect_vreg.gather [hbm4b:s8+s6], $0x80, v4, vm0, $0xb8;
	[tilespmem:$0x1A000] =	vst v63  }
0x35: {  	s10 =	simm.s32 $0xF000  }
0x36: {  	[tilespmem:s10], [sflag:$0x1] =	stream.indirect_vreg.gather [hbm4b:s9+s6], $0x80, v4, vm0, $0xb8;
	[tilespmem:$0x1A000] =	vst v63  }
0x37: {  	s12 =	simm.s32 $0xF800  }
0x38: {  	[tilespmem:s12], [sflag:$0x1] =	stream.indirect_vreg.gather [hbm4b:s1+s6], $0x80, v3, vm0, $0xb8;
	[tilespmem:$0x1A000] =	vst v63  }
0x39: {  	s13 =	simm.s32 $0x10000  }
0x3a: {  	[tilespmem:s13], [sflag:$0x1] =	stream.indirect_vreg.gather [hbm4b:s8+s6], $0x80, v3, vm0, $0xb8;
	[tilespmem:$0x1A000] =	vst v63  }
0x3b: {  	s14 =	simm.s32 $0x10800  }
0x3c: {  	[tilespmem:s14], [sflag:$0x1] =	stream.indirect_vreg.gather [hbm4b:s9+s6], $0x80, v3, vm0, $0xb8;
	[tilespmem:$0x1A000] =	vst v63  }
0x3d: {  	v3 =	vld [tilespmem:$0x10];
	_ =	sdelay $0x4  }
0x3e: {  	v62 =	vshrl.u32 v3, $0x3  }
0x3f: {  	v4 =	vmul.u32 $0x30, v62  }
0x40: {  	v3 =	vand.u32 $0x7, v3  }
0x41: {  	v3 =	vor.u32 v3, v4  }
0x42: {  	v4 =	vperm.xlane v3, v0;
	_ =	sdelay $0x1  }
0x43: {  	v4 =	vadd.s32 v1, v4;
	_ =	sdelay $0x3  }
0x44: {  	s15 =	simm.s32 $0x11000;
	v3 =	vperm.xlane v3, v2  }
0x45: {  	[tilespmem:s15], [sflag:$0x2] =	stream.indirect_vreg.gather [hbm4b:s1+s6], $0x80, v4, vm0, $0xb8;
	[tilespmem:$0x1A000] =	vst v63  }
0x46: {  	s16 =	simm.s32 $0x11800;
	v3 =	vadd.s32 v1, v3  }
0x47: {  	[tilespmem:s16], [sflag:$0x2] =	stream.indirect_vreg.gather [hbm4b:s8+s6], $0x80, v4, vm0, $0xb8;
	[tilespmem:$0x1A000] =	vst v63  }
0x48: {  	s17 =	simm.s32 $0x12000  }
0x49: {  	[tilespmem:s17], [sflag:$0x2] =	stream.indirect_vreg.gather [hbm4b:s9+s6], $0x80, v4, vm0, $0xb8;
	[tilespmem:$0x1A000] =	vst v63  }
0x4a: {  	s18 =	simm.s32 $0x12800  }
0x4b: {  	[tilespmem:s18], [sflag:$0x2] =	stream.indirect_vreg.gather [hbm4b:s1+s6], $0x80, v3, vm0, $0xb8;
	[tilespmem:$0x1A000] =	vst v63  }
0x4c: {  	s20 =	simm.s32 $0x13000  }
0x4d: {  	[tilespmem:s20], [sflag:$0x2] =	stream.indirect_vreg.gather [hbm4b:s8+s6], $0x80, v3, vm0, $0xb8;
	[tilespmem:$0x1A000] =	vst v63  }
0x4e: {  	s23 =	simm.s32 $0x13800  }
0x4f: {  	[tilespmem:s23], [sflag:$0x2] =	stream.indirect_vreg.gather [hbm4b:s9+s6], $0x80, v3, vm0, $0xb8;
	[tilespmem:$0x1A000] =	vst v63  }
0x50: {  	v3 =	vld [tilespmem:$0x20];
	_ =	sdelay $0x4  }
0x51: {  	v63 =	vshrl.u32 v3, $0x3  }
0x52: {  	v4 =	vmul.u32 $0x30, v63  }
0x53: {  	v3 =	vand.u32 $0x7, v3  }
0x54: {  	v3 =	vor.u32 v3, v4  }
0x55: {  	v4 =	vperm.xlane v3, v0;
	_ =	sdelay $0x1  }
0x56: {  	v4 =	vadd.s32 v1, v4;
	_ =	sdelay $0x3  }
0x57: {  	v3 =	vperm.xlane v3, v2  }
0x58: {  	[tilespmem:s26], [sflag:$0x3] =	stream.indirect_vreg.gather [hbm4b:s1+s6], $0x80, v4, vm0, $0xb8;
	[tilespmem:$0x1A000] =	vst v63  }
0x59: {  	s24 =	simm.s32 $0x14800;
	v3 =	vadd.s32 v1, v3  }
0x5a: {  	[tilespmem:s24], [sflag:$0x3] =	stream.indirect_vreg.gather [hbm4b:s8+s6], $0x80, v4, vm0, $0xb8;
	[tilespmem:$0x1A000] =	vst v63  }
0x5b: {  	s28 =	simm.s32 $0x15000  }
0x5c: {  	[tilespmem:s28], [sflag:$0x3] =	stream.indirect_vreg.gather [hbm4b:s9+s6], $0x80, v4, vm0, $0xb8;
	[tilespmem:$0x1A000] =	vst v63  }
0x5d: {  	s29 =	simm.s32 $0x15800  }
0x5e: {  	[tilespmem:s29], [sflag:$0x3] =	stream.indirect_vreg.gather [hbm4b:s1+s6], $0x80, v3, vm0, $0xb8;
	[tilespmem:$0x1A000] =	vst v63  }
0x5f: {  	s30 =	simm.s32 $0x16000  }
0x60: {  	[tilespmem:s30], [sflag:$0x3] =	stream.indirect_vreg.gather [hbm4b:s8+s6], $0x80, v3, vm0, $0xb8;
	[tilespmem:$0x1A000] =	vst v63  }
0x61: {  	s31 =	simm.s32 $0x16800;
	s23 =	simm.s32 $0x0  }
0x62: {  	[tilespmem:s31], [sflag:$0x3] =	stream.indirect_vreg.gather [hbm4b:s9+s6], $0x80, v3, vm0, $0xb8;
	[tilespmem:$0x1A000] =	vst v63  }
.LBB2_2:
0x63: {  	s7 =	simm.s32 $0x0  }
0x64: {  	_ =	swait.ge [sflag:s0], $0x3000;
	s2 =	simm.s32 $0x0;
	s7 =	smul.u32 $0x1800, s7  }
0x65: {  	[sflag:s0] =	ssyncset.done $0x0;
	s10 =	sand.u32 $0x380, s2  }
0x66: {  	[sflag:s0] =	ssyncadd.s32 $0xFFFFD000;
	s7 =	sor.u32 s10, s7  }
0x67: {  	v3 =	vld [tilespmem:s7+$0x3470]  }
0x68: {  	v6 =	vld [tilespmem:s7+$0x2000]  }
0x69: {  	v7 =	vld [tilespmem:s7+$0x2010]  }
0x6a: {  	v8 =	vld [tilespmem:s7+$0x2020]  }
0x6b: {  	v9 =	vld [tilespmem:s7+$0x2030]  }
0x6c: {  	v10 =	vld [tilespmem:s7+$0x2040]  }
0x6d: {  	v11 =	vld [tilespmem:s7+$0x2050]  }
0x6e: {  	v12 =	vld [tilespmem:s7+$0x2060]  }
0x6f: {  	v13 =	vld [tilespmem:s7+$0x2070]  }
0x70: {  	v14 =	vld [tilespmem:s7+$0x2400]  }
0x71: {  	v15 =	vld [tilespmem:s7+$0x2410]  }
0x72: {  	v16 =	vld [tilespmem:s7+$0x2420]  }
0x73: {  	v17 =	vld [tilespmem:s7+$0x2430]  }
0x74: {  	v18 =	vld [tilespmem:s7+$0x2440]  }
0x75: {  	v19 =	vld [tilespmem:s7+$0x2450]  }
0x76: {  	v20 =	vld [tilespmem:s7+$0x2460]  }
0x77: {  	v21 =	vld [tilespmem:s7+$0x2470]  }
0x78: {  	v22 =	vld [tilespmem:s7+$0x2800]  }
0x79: {  	v23 =	vld [tilespmem:s7+$0x2810]  }
0x7a: {  	v24 =	vld [tilespmem:s7+$0x2820]  }
0x7b: {  	v25 =	vld [tilespmem:s7+$0x2830]  }
0x7c: {  	v26 =	vld [tilespmem:s7+$0x2840]  }
0x7d: {  	v27 =	vld [tilespmem:s7+$0x2850]  }
0x7e: {  	v28 =	vld [tilespmem:s7+$0x2860]  }
0x7f: {  	v29 =	vld [tilespmem:s7+$0x2870]  }
0x80: {  	v30 =	vld [tilespmem:s7+$0x2C00]  }
0x81: {  	v31 =	vld [tilespmem:s7+$0x2C10]  }
0x82: {  	v32 =	vld [tilespmem:s7+$0x2C20]  }
0x83: {  	v33 =	vld [tilespmem:s7+$0x2C30]  }
0x84: {  	v34 =	vld [tilespmem:s7+$0x2C40]  }
0x85: {  	v35 =	vld [tilespmem:s7+$0x2C50]  }
0x86: {  	v36 =	vld [tilespmem:s7+$0x2C60]  }
0x87: {  	v37 =	vld [tilespmem:s7+$0x2C70]  }
0x88: {  	v38 =	vld [tilespmem:s7+$0x3000]  }
0x89: {  	v39 =	vld [tilespmem:s7+$0x3010]  }
0x8a: {  	v40 =	vld [tilespmem:s7+$0x3020]  }
0x8b: {  	v41 =	vld [tilespmem:s7+$0x3030]  }
0x8c: {  	v42 =	vld [tilespmem:s7+$0x3040]  }
0x8d: {  	v43 =	vld [tilespmem:s7+$0x3050]  }
0x8e: {  	v44 =	vld [tilespmem:s7+$0x3060]  }
0x8f: {  	v45 =	vld [tilespmem:s7+$0x3070]  }
0x90: {  	v46 =	vld [tilespmem:s7+$0x3400]  }
0x91: {  	v47 =	vld [tilespmem:s7+$0x3410]  }
0x92: {  	v48 =	vld [tilespmem:s7+$0x3420]  }
0x93: {  	v49 =	vld [tilespmem:s7+$0x3430]  }
0x94: {  	v5 =	vld [tilespmem:s7+$0x3440]  }
0x95: {  	v4 =	vld [tilespmem:s7+$0x3450]  }
0x96: {  	[tilespmem:s7+$0xF470] =	vst.add.f32.msk $0xffff, v3  }
0x97: {  	v3 =	vld [tilespmem:s7+$0x3460]  }
0x98: {  	[tilespmem:s7+$0xE000] =	vst.add.f32.msk $0xffff, v6  }
0x99: {  	[tilespmem:s7+$0xE010] =	vst.add.f32.msk $0xffff, v7  }
0x9a: {  	[tilespmem:s7+$0xE020] =	vst.add.f32.msk $0xffff, v8  }
0x9b: {  	[tilespmem:s7+$0xE030] =	vst.add.f32.msk $0xffff, v9  }
0x9c: {  	[tilespmem:s7+$0xE040] =	vst.add.f32.msk $0xffff, v10  }
0x9d: {  	[tilespmem:s7+$0xE050] =	vst.add.f32.msk $0xffff, v11  }
0x9e: {  	[tilespmem:s7+$0xE060] =	vst.add.f32.msk $0xffff, v12  }
0x9f: {  	[tilespmem:s7+$0xE070] =	vst.add.f32.msk $0xffff, v13  }
0xa0: {  	[tilespmem:s7+$0xE400] =	vst.add.f32.msk $0xffff, v14  }
0xa1: {  	[tilespmem:s7+$0xE410] =	vst.add.f32.msk $0xffff, v15  }
0xa2: {  	[tilespmem:s7+$0xE420] =	vst.add.f32.msk $0xffff, v16  }
0xa3: {  	[tilespmem:s7+$0xE430] =	vst.add.f32.msk $0xffff, v17  }
0xa4: {  	[tilespmem:s7+$0xE440] =	vst.add.f32.msk $0xffff, v18  }
0xa5: {  	[tilespmem:s7+$0xE450] =	vst.add.f32.msk $0xffff, v19  }
0xa6: {  	[tilespmem:s7+$0xE460] =	vst.add.f32.msk $0xffff, v20  }
0xa7: {  	[tilespmem:s7+$0xE470] =	vst.add.f32.msk $0xffff, v21  }
0xa8: {  	[tilespmem:s7+$0xE800] =	vst.add.f32.msk $0xffff, v22  }
0xa9: {  	[tilespmem:s7+$0xE810] =	vst.add.f32.msk $0xffff, v23  }
0xaa: {  	[tilespmem:s7+$0xE820] =	vst.add.f32.msk $0xffff, v24  }
0xab: {  	[tilespmem:s7+$0xE830] =	vst.add.f32.msk $0xffff, v25  }
0xac: {  	[tilespmem:s7+$0xE840] =	vst.add.f32.msk $0xffff, v26  }
0xad: {  	[tilespmem:s7+$0xE850] =	vst.add.f32.msk $0xffff, v27  }
0xae: {  	[tilespmem:s7+$0xE860] =	vst.add.f32.msk $0xffff, v28  }
0xaf: {  	[tilespmem:s7+$0xE870] =	vst.add.f32.msk $0xffff, v29  }
0xb0: {  	[tilespmem:s7+$0xEC00] =	vst.add.f32.msk $0xffff, v30  }
0xb1: {  	[tilespmem:s7+$0xEC10] =	vst.add.f32.msk $0xffff, v31  }
0xb2: {  	[tilespmem:s7+$0xEC20] =	vst.add.f32.msk $0xffff, v32  }
0xb3: {  	[tilespmem:s7+$0xEC30] =	vst.add.f32.msk $0xffff, v33  }
0xb4: {  	[tilespmem:s7+$0xEC40] =	vst.add.f32.msk $0xffff, v34  }
0xb5: {  	[tilespmem:s7+$0xEC50] =	vst.add.f32.msk $0xffff, v35  }
0xb6: {  	[tilespmem:s7+$0xEC60] =	vst.add.f32.msk $0xffff, v36  }
0xb7: {  	[tilespmem:s7+$0xEC70] =	vst.add.f32.msk $0xffff, v37  }
0xb8: {  	[tilespmem:s7+$0xF000] =	vst.add.f32.msk $0xffff, v38  }
0xb9: {  	[tilespmem:s7+$0xF010] =	vst.add.f32.msk $0xffff, v39  }
0xba: {  	[tilespmem:s7+$0xF020] =	vst.add.f32.msk $0xffff, v40  }
0xbb: {  	[tilespmem:s7+$0xF030] =	vst.add.f32.msk $0xffff, v41  }
0xbc: {  	[tilespmem:s7+$0xF040] =	vst.add.f32.msk $0xffff, v42  }
0xbd: {  	[tilespmem:s7+$0xF050] =	vst.add.f32.msk $0xffff, v43  }
0xbe: {  	[tilespmem:s7+$0xF060] =	vst.add.f32.msk $0xffff, v44  }
0xbf: {  	[tilespmem:s7+$0xF070] =	vst.add.f32.msk $0xffff, v45  }
0xc0: {  	[tilespmem:s7+$0xF400] =	vst.add.f32.msk $0xffff, v46  }
0xc1: {  	[tilespmem:s7+$0xF410] =	vst.add.f32.msk $0xffff, v47  }
0xc2: {  	[tilespmem:s7+$0xF420] =	vst.add.f32.msk $0xffff, v48  }
0xc3: {  	s12 =	simm.s32 $0x0;
	s10 =	simm.s32 $0x2;
	[tilespmem:s7+$0xF430] =	vst.add.f32.msk $0xffff, v49  }
.LBB2_3:
0xc4: {  	p0 =	sne.s32 s10, $0xF;
	s12 =	smul.u32 $0x1800, s12;
	[tilespmem:s7+$0xF440] =	vst.add.f32.msk $0xffff, v5;
	s2 =	sadd.s32 $0x80, s2  }
0xc5: {  	s13 =	sand.u32 $0x380, s2;
	[tilespmem:s7+$0xF450] =	vst.add.f32.msk $0xffff, v4  }
0xc6: {  	[tilespmem:s7+$0xF460] =	vst.add.f32.msk $0xffff, v3;
	s7 =	sor.u32 s13, s12  }
0xc7: {  	v3 =	vld [tilespmem:s7+$0x3470]  }
0xc8: {  	v6 =	vld [tilespmem:s7+$0x2000]  }
0xc9: {  	v7 =	vld [tilespmem:s7+$0x2010]  }
0xca: {  	v8 =	vld [tilespmem:s7+$0x2020]  }
0xcb: {  	v9 =	vld [tilespmem:s7+$0x2030]  }
0xcc: {  	[tilespmem:s7+$0xF470] =	vst.add.f32.msk $0xffff, v3  }
0xcd: {  	v10 =	vld [tilespmem:s7+$0x2040]  }
0xce: {  	v11 =	vld [tilespmem:s7+$0x2050]  }
0xcf: {  	v12 =	vld [tilespmem:s7+$0x2060]  }
0xd0: {  	v13 =	vld [tilespmem:s7+$0x2070]  }
0xd1: {  	v14 =	vld [tilespmem:s7+$0x2400]  }
0xd2: {  	v15 =	vld [tilespmem:s7+$0x2410]  }
0xd3: {  	v16 =	vld [tilespmem:s7+$0x2420]  }
0xd4: {  	v17 =	vld [tilespmem:s7+$0x2430]  }
0xd5: {  	v18 =	vld [tilespmem:s7+$0x2440]  }
0xd6: {  	v19 =	vld [tilespmem:s7+$0x2450]  }
0xd7: {  	v20 =	vld [tilespmem:s7+$0x2460]  }
0xd8: {  	v21 =	vld [tilespmem:s7+$0x2470]  }
0xd9: {  	v22 =	vld [tilespmem:s7+$0x2800]  }
0xda: {  	v23 =	vld [tilespmem:s7+$0x2810]  }
0xdb: {  	v24 =	vld [tilespmem:s7+$0x2820]  }
0xdc: {  	v25 =	vld [tilespmem:s7+$0x2830]  }
0xdd: {  	v26 =	vld [tilespmem:s7+$0x2840]  }
0xde: {  	v27 =	vld [tilespmem:s7+$0x2850]  }
0xdf: {  	v28 =	vld [tilespmem:s7+$0x2860]  }
0xe0: {  	v29 =	vld [tilespmem:s7+$0x2870]  }
0xe1: {  	v30 =	vld [tilespmem:s7+$0x2C00]  }
0xe2: {  	v31 =	vld [tilespmem:s7+$0x2C10]  }
0xe3: {  	v32 =	vld [tilespmem:s7+$0x2C20]  }
0xe4: {  	v33 =	vld [tilespmem:s7+$0x2C30]  }
0xe5: {  	v34 =	vld [tilespmem:s7+$0x2C40]  }
0xe6: {  	v35 =	vld [tilespmem:s7+$0x2C50]  }
0xe7: {  	v36 =	vld [tilespmem:s7+$0x2C60]  }
0xe8: {  	v37 =	vld [tilespmem:s7+$0x2C70]  }
0xe9: {  	v38 =	vld [tilespmem:s7+$0x3000]  }
0xea: {  	v39 =	vld [tilespmem:s7+$0x3010]  }
0xeb: {  	v40 =	vld [tilespmem:s7+$0x3020]  }
0xec: {  	v41 =	vld [tilespmem:s7+$0x3030]  }
0xed: {  	v42 =	vld [tilespmem:s7+$0x3040]  }
0xee: {  	v43 =	vld [tilespmem:s7+$0x3050]  }
0xef: {  	v44 =	vld [tilespmem:s7+$0x3060]  }
0xf0: {  	v45 =	vld [tilespmem:s7+$0x3070]  }
0xf1: {  	v46 =	vld [tilespmem:s7+$0x3400]  }
0xf2: {  	v47 =	vld [tilespmem:s7+$0x3410]  }
0xf3: {  	v48 =	vld [tilespmem:s7+$0x3420]  }
0xf4: {  	v49 =	vld [tilespmem:s7+$0x3430]  }
0xf5: {  	v5 =	vld [tilespmem:s7+$0x3440]  }
0xf6: {  	v4 =	vld [tilespmem:s7+$0x3450]  }
0xf7: {  	v3 =	vld [tilespmem:s7+$0x3460]  }
0xf8: {  	[tilespmem:s7+$0xE000] =	vst.add.f32.msk $0xffff, v6  }
0xf9: {  	[tilespmem:s7+$0xE010] =	vst.add.f32.msk $0xffff, v7  }
0xfa: {  	[tilespmem:s7+$0xE020] =	vst.add.f32.msk $0xffff, v8  }
0xfb: {  	[tilespmem:s7+$0xE030] =	vst.add.f32.msk $0xffff, v9  }
0xfc: {  	[tilespmem:s7+$0xE040] =	vst.add.f32.msk $0xffff, v10  }
0xfd: {  	[tilespmem:s7+$0xE050] =	vst.add.f32.msk $0xffff, v11  }
0xfe: {  	[tilespmem:s7+$0xE060] =	vst.add.f32.msk $0xffff, v12  }
0xff: {  	[tilespmem:s7+$0xE070] =	vst.add.f32.msk $0xffff, v13  }
0x100: {  	[tilespmem:s7+$0xE400] =	vst.add.f32.msk $0xffff, v14  }
0x101: {  	[tilespmem:s7+$0xE410] =	vst.add.f32.msk $0xffff, v15  }
0x102: {  	[tilespmem:s7+$0xE420] =	vst.add.f32.msk $0xffff, v16  }
0x103: {  	[tilespmem:s7+$0xE430] =	vst.add.f32.msk $0xffff, v17  }
0x104: {  	[tilespmem:s7+$0xE440] =	vst.add.f32.msk $0xffff, v18  }
0x105: {  	[tilespmem:s7+$0xE450] =	vst.add.f32.msk $0xffff, v19  }
0x106: {  	[tilespmem:s7+$0xE460] =	vst.add.f32.msk $0xffff, v20  }
0x107: {  	[tilespmem:s7+$0xE470] =	vst.add.f32.msk $0xffff, v21  }
0x108: {  	[tilespmem:s7+$0xE800] =	vst.add.f32.msk $0xffff, v22  }
0x109: {  	[tilespmem:s7+$0xE810] =	vst.add.f32.msk $0xffff, v23  }
0x10a: {  	[tilespmem:s7+$0xE820] =	vst.add.f32.msk $0xffff, v24  }
0x10b: {  	[tilespmem:s7+$0xE830] =	vst.add.f32.msk $0xffff, v25  }
0x10c: {  	[tilespmem:s7+$0xE840] =	vst.add.f32.msk $0xffff, v26  }
0x10d: {  	[tilespmem:s7+$0xE850] =	vst.add.f32.msk $0xffff, v27  }
0x10e: {  	[tilespmem:s7+$0xE860] =	vst.add.f32.msk $0xffff, v28  }
0x10f: {  	[tilespmem:s7+$0xE870] =	vst.add.f32.msk $0xffff, v29  }
0x110: {  	[tilespmem:s7+$0xEC00] =	vst.add.f32.msk $0xffff, v30  }
0x111: {  	[tilespmem:s7+$0xEC10] =	vst.add.f32.msk $0xffff, v31  }
0x112: {  	[tilespmem:s7+$0xEC20] =	vst.add.f32.msk $0xffff, v32  }
0x113: {  	[tilespmem:s7+$0xEC30] =	vst.add.f32.msk $0xffff, v33  }
0x114: {  	[tilespmem:s7+$0xEC40] =	vst.add.f32.msk $0xffff, v34  }
0x115: {  	[tilespmem:s7+$0xEC50] =	vst.add.f32.msk $0xffff, v35  }
0x116: {  	[tilespmem:s7+$0xEC60] =	vst.add.f32.msk $0xffff, v36  }
0x117: {  	[tilespmem:s7+$0xEC70] =	vst.add.f32.msk $0xffff, v37  }
0x118: {  	[tilespmem:s7+$0xF000] =	vst.add.f32.msk $0xffff, v38  }
0x119: {  	[tilespmem:s7+$0xF010] =	vst.add.f32.msk $0xffff, v39  }
0x11a: {  	[tilespmem:s7+$0xF020] =	vst.add.f32.msk $0xffff, v40  }
0x11b: {  	[tilespmem:s7+$0xF030] =	vst.add.f32.msk $0xffff, v41  }
0x11c: {  	[tilespmem:s7+$0xF040] =	vst.add.f32.msk $0xffff, v42  }
0x11d: {  	[tilespmem:s7+$0xF050] =	vst.add.f32.msk $0xffff, v43  }
0x11e: {  	[tilespmem:s7+$0xF060] =	vst.add.f32.msk $0xffff, v44  }
.Ltmp2:
0x11f: {  	[tilespmem:s7+$0xF070] =	vst.add.f32.msk $0xffff, v45;
	(pc) =	sbr.rel @p0 .LBB2_3-.Ltmp2, $4  }
0x120: {  	[tilespmem:s7+$0xF400] =	vst.add.f32.msk $0xffff, v46  }
0x121: {  	[tilespmem:s7+$0xF410] =	vst.add.f32.msk $0xffff, v47  }
0x122: {  	[tilespmem:s7+$0xF420] =	vst.add.f32.msk $0xffff, v48  }
0x123: {  	s12 =	sshrl.u32 s10, $0x3;
	s10 =	sadd.s32 $0x1, s10;
	[tilespmem:s7+$0xF430] =	vst.add.f32.msk $0xffff, v49  }
0x124: {  	s10 =	smul.u32 $0x1800, s12;
	[tilespmem:s7+$0xF440] =	vst.add.f32.msk $0xffff, v5;
	s2 =	sadd.s32 $0x80, s2  }
0x125: {  	[tilespmem:s7+$0xF450] =	vst.add.f32.msk $0xffff, v4;
	s2 =	sand.u32 $0x380, s2  }
0x126: {  	[tilespmem:s7+$0xF460] =	vst.add.f32.msk $0xffff, v3;
	s2 =	sor.u32 s2, s10  }
0x127: {  	v3 =	vld [tilespmem:s2+$0x3470]  }
0x128: {  	v4 =	vld [tilespmem:s2+$0x2000]  }
0x129: {  	v5 =	vld [tilespmem:s2+$0x2010]  }
0x12a: {  	v6 =	vld [tilespmem:s2+$0x2020]  }
0x12b: {  	v7 =	vld [tilespmem:s2+$0x2030]  }
0x12c: {  	v8 =	vld [tilespmem:s2+$0x2050]  }
0x12d: {  	v9 =	vld [tilespmem:s2+$0x2060]  }
0x12e: {  	v10 =	vld [tilespmem:s2+$0x2070]  }
0x12f: {  	v11 =	vld [tilespmem:s2+$0x2400]  }
0x130: {  	v12 =	vld [tilespmem:s2+$0x2410]  }
0x131: {  	v13 =	vld [tilespmem:s2+$0x2420]  }
0x132: {  	v14 =	vld [tilespmem:s2+$0x2430]  }
0x133: {  	v15 =	vld [tilespmem:s2+$0x2440]  }
0x134: {  	v16 =	vld [tilespmem:s2+$0x2450]  }
0x135: {  	v17 =	vld [tilespmem:s2+$0x2460]  }
0x136: {  	v18 =	vld [tilespmem:s2+$0x2470]  }
0x137: {  	v19 =	vld [tilespmem:s2+$0x2800]  }
0x138: {  	v20 =	vld [tilespmem:s2+$0x2810]  }
0x139: {  	v21 =	vld [tilespmem:s2+$0x2820]  }
0x13a: {  	v22 =	vld [tilespmem:s2+$0x2830]  }
0x13b: {  	v23 =	vld [tilespmem:s2+$0x2840]  }
0x13c: {  	v24 =	vld [tilespmem:s2+$0x2850]  }
0x13d: {  	v25 =	vld [tilespmem:s2+$0x2860]  }
0x13e: {  	v26 =	vld [tilespmem:s2+$0x2870]  }
0x13f: {  	v27 =	vld [tilespmem:s2+$0x2C00]  }
0x140: {  	v28 =	vld [tilespmem:s2+$0x2C10]  }
0x141: {  	v29 =	vld [tilespmem:s2+$0x2C20]  }
0x142: {  	v30 =	vld [tilespmem:s2+$0x2C30]  }
0x143: {  	v31 =	vld [tilespmem:s2+$0x2C40]  }
0x144: {  	v32 =	vld [tilespmem:s2+$0x2C50]  }
0x145: {  	v33 =	vld [tilespmem:s2+$0x2C60]  }
0x146: {  	v34 =	vld [tilespmem:s2+$0x2C70]  }
0x147: {  	v35 =	vld [tilespmem:s2+$0x3000]  }
0x148: {  	v36 =	vld [tilespmem:s2+$0x3010]  }
0x149: {  	v37 =	vld [tilespmem:s2+$0x3020]  }
0x14a: {  	v38 =	vld [tilespmem:s2+$0x3030]  }
0x14b: {  	v39 =	vld [tilespmem:s2+$0x3040]  }
0x14c: {  	v40 =	vld [tilespmem:s2+$0x3050]  }
0x14d: {  	v41 =	vld [tilespmem:s2+$0x3060]  }
0x14e: {  	v42 =	vld [tilespmem:s2+$0x3070]  }
0x14f: {  	v43 =	vld [tilespmem:s2+$0x3400]  }
0x150: {  	v44 =	vld [tilespmem:s2+$0x3410]  }
0x151: {  	v45 =	vld [tilespmem:s2+$0x3420]  }
0x152: {  	v46 =	vld [tilespmem:s2+$0x3430]  }
0x153: {  	v47 =	vld [tilespmem:s2+$0x3440]  }
0x154: {  	v48 =	vld [tilespmem:s2+$0x3450]  }
0x155: {  	v49 =	vld [tilespmem:s2+$0x3460]  }
0x156: {  	[tilespmem:s2+$0xF470] =	vst.add.f32.msk $0xffff, v3  }
0x157: {  	v3 =	vld [tilespmem:s2+$0x2040]  }
0x158: {  	[tilespmem:s2+$0xE000] =	vst.add.f32.msk $0xffff, v4  }
0x159: {  	[tilespmem:s2+$0xE010] =	vst.add.f32.msk $0xffff, v5  }
0x15a: {  	[tilespmem:s2+$0xE020] =	vst.add.f32.msk $0xffff, v6  }
0x15b: {  	[tilespmem:s2+$0xE030] =	vst.add.f32.msk $0xffff, v7  }
0x15c: {  	[tilespmem:s2+$0xE050] =	vst.add.f32.msk $0xffff, v8  }
0x15d: {  	[tilespmem:s2+$0xE060] =	vst.add.f32.msk $0xffff, v9  }
0x15e: {  	[tilespmem:s2+$0xE070] =	vst.add.f32.msk $0xffff, v10  }
0x15f: {  	[tilespmem:s2+$0xE400] =	vst.add.f32.msk $0xffff, v11  }
0x160: {  	[tilespmem:s2+$0xE410] =	vst.add.f32.msk $0xffff, v12  }
0x161: {  	[tilespmem:s2+$0xE420] =	vst.add.f32.msk $0xffff, v13  }
0x162: {  	[tilespmem:s2+$0xE430] =	vst.add.f32.msk $0xffff, v14  }
0x163: {  	[tilespmem:s2+$0xE440] =	vst.add.f32.msk $0xffff, v15  }
0x164: {  	[tilespmem:s2+$0xE450] =	vst.add.f32.msk $0xffff, v16  }
0x165: {  	[tilespmem:s2+$0xE460] =	vst.add.f32.msk $0xffff, v17  }
0x166: {  	[tilespmem:s2+$0xE470] =	vst.add.f32.msk $0xffff, v18  }
0x167: {  	[tilespmem:s2+$0xE800] =	vst.add.f32.msk $0xffff, v19  }
0x168: {  	[tilespmem:s2+$0xE810] =	vst.add.f32.msk $0xffff, v20  }
0x169: {  	[tilespmem:s2+$0xE820] =	vst.add.f32.msk $0xffff, v21  }
0x16a: {  	[tilespmem:s2+$0xE830] =	vst.add.f32.msk $0xffff, v22  }
0x16b: {  	[tilespmem:s2+$0xE840] =	vst.add.f32.msk $0xffff, v23  }
0x16c: {  	[tilespmem:s2+$0xE850] =	vst.add.f32.msk $0xffff, v24  }
0x16d: {  	[tilespmem:s2+$0xE860] =	vst.add.f32.msk $0xffff, v25  }
0x16e: {  	[tilespmem:s2+$0xE870] =	vst.add.f32.msk $0xffff, v26  }
0x16f: {  	[tilespmem:s2+$0xEC00] =	vst.add.f32.msk $0xffff, v27  }
0x170: {  	[tilespmem:s2+$0xEC10] =	vst.add.f32.msk $0xffff, v28  }
0x171: {  	[tilespmem:s2+$0xEC20] =	vst.add.f32.msk $0xffff, v29  }
0x172: {  	[tilespmem:s2+$0xEC30] =	vst.add.f32.msk $0xffff, v30  }
0x173: {  	[tilespmem:s2+$0xEC40] =	vst.add.f32.msk $0xffff, v31  }
0x174: {  	[tilespmem:s2+$0xEC50] =	vst.add.f32.msk $0xffff, v32  }
0x175: {  	[tilespmem:s2+$0xEC60] =	vst.add.f32.msk $0xffff, v33  }
0x176: {  	[tilespmem:s2+$0xEC70] =	vst.add.f32.msk $0xffff, v34  }
0x177: {  	[tilespmem:s2+$0xF000] =	vst.add.f32.msk $0xffff, v35  }
0x178: {  	[tilespmem:s2+$0xF010] =	vst.add.f32.msk $0xffff, v36  }
0x179: {  	[tilespmem:s2+$0xF020] =	vst.add.f32.msk $0xffff, v37  }
0x17a: {  	[tilespmem:s2+$0xF030] =	vst.add.f32.msk $0xffff, v38  }
0x17b: {  	[tilespmem:s2+$0xF040] =	vst.add.f32.msk $0xffff, v39  }
0x17c: {  	[tilespmem:s2+$0xF050] =	vst.add.f32.msk $0xffff, v40  }
0x17d: {  	[tilespmem:s2+$0xF060] =	vst.add.f32.msk $0xffff, v41  }
0x17e: {  	[tilespmem:s2+$0xF070] =	vst.add.f32.msk $0xffff, v42  }
0x17f: {  	[tilespmem:s2+$0xF400] =	vst.add.f32.msk $0xffff, v43  }
0x180: {  	[tilespmem:s2+$0xF410] =	vst.add.f32.msk $0xffff, v44  }
0x181: {  	s24 =	sshll.u32 s23, $0x6;
	[tilespmem:s2+$0xF420] =	vst.add.f32.msk $0xffff, v45  }
0x182: {  	s14 =	sor.u32 s5, s24;
	[tilespmem:s2+$0xF430] =	vst.add.f32.msk $0xffff, v46  }
0x183: {  	s7 =	sshrl.u32 s14, $0x3;
	[tilespmem:s2+$0xF440] =	vst.add.f32.msk $0xffff, v47  }
0x184: {  	s12 =	smul.u32 $0x300, s7;
	[tilespmem:s2+$0xF450] =	vst.add.f32.msk $0xffff, v48  }
0x185: {  	p0 =	seq.s32 s23, $0x0;
	[tilespmem:s2+$0xF460] =	vst.add.f32.msk $0xffff, v49  }
0x186: {  	s16 =	simm.s32 $0xE000;
	s15 =	sadd.s32 s4, s12;
	[tilespmem:s2+$0xE040] =	vst.add.f32.msk $0xffff, v3;
	s2 =	simm.s32 @!p0 $0x8  }
0x187: {  	[hbm4b:s15+s6] =	stream.linear.scatter [tilespmem:s16], [sflag:$0x5], $0x3000, $0x38;
	[tilespmem:$0x1A000] =	vst v63  }
0x188: {  	s17 =	sshllo.u32 s23, $0x2;
	_ =	swait.ge @!p0 [sflag:s2], $0x3000  }
0x189: {  	s7 =	sshll.u32 s17, $0x4;
	[sflag:s2] =	ssyncset.done @!p0 $0x0  }
0x18a: {  	s18 =	sand.u32 $0x3FFFFFF0, s7;
	[sflag:s2] =	ssyncadd.s32 @!p0 $0xFFFFD000  }
0x18b: {  	v3 =	vld [tilespmem:s18+$0x0];
	_ =	sdelay $0x4  }
0x18c: {  	v4 =	vshrl.u32 v3, $0x3  }
0x18d: {  	v4 =	vmul.u32 $0x30, v4  }
0x18e: {  	v3 =	vand.u32 $0x7, v3  }
0x18f: {  	v3 =	vor.u32 v3, v4  }
0x190: {  	v4 =	vperm.xlane v3, v0;
	_ =	sdelay $0x1  }
0x191: {  	v4 =	vadd.s32 v1, v4;
	_ =	sdelay $0x3  }
0x192: {  	s28 =	simm.s32 $0x0;
	v3 =	vperm.xlane v3, v2  }
0x193: {  	[tilespmem:s3], [sflag:$0x4] =	stream.indirect_vreg.gather [hbm4b:s1+s28], $0x80, v4, vm0, $0xb8;
	[tilespmem:$0x1A000] =	vst v63  }
0x194: {  	s20 =	simm.s32 $0x17800;
	v3 =	vadd.s32 v1, v3  }
0x195: {  	[tilespmem:s20], [sflag:$0x4] =	stream.indirect_vreg.gather [hbm4b:s8+s28], $0x80, v4, vm0, $0xb8;
	[tilespmem:$0x1A000] =	vst v63  }
0x196: {  	s10 =	simm.s32 $0x18000  }
0x197: {  	[tilespmem:s10], [sflag:$0x4] =	stream.indirect_vreg.gather [hbm4b:s9+s28], $0x80, v4, vm0, $0xb8;
	[tilespmem:$0x1A000] =	vst v63  }
0x198: {  	s13 =	simm.s32 $0x18800  }
0x199: {  	[tilespmem:s13], [sflag:$0x4] =	stream.indirect_vreg.gather [hbm4b:s1+s28], $0x80, v3, vm0, $0xb8;
	[tilespmem:$0x1A000] =	vst v63  }
0x19a: {  	s14 =	simm.s32 $0x19000  }
0x19b: {  	[tilespmem:s14], [sflag:$0x4] =	stream.indirect_vreg.gather [hbm4b:s8+s28], $0x80, v3, vm0, $0xb8;
	[tilespmem:$0x1A000] =	vst v63  }
0x19c: {  	s15 =	simm.s32 $0x19800;
	s16 =	simm.s32 $0x0  }
0x19d: {  	[tilespmem:s15], [sflag:$0x4] =	stream.indirect_vreg.gather [hbm4b:s9+s28], $0x80, v3, vm0, $0xb8;
	[tilespmem:$0x1A000] =	vst v63  }
0x19e: {  	s29 =	smul.u32 $0x1800, s16;
	_ =	swait.ge [sflag:s19], $0x3000  }
0x19f: {  	s17 =	sand.u32 $0x380, s28;
	[sflag:s19] =	ssyncset.done $0x0  }
0x1a0: {  	s10 =	sor.u32 s17, s29;
	[sflag:s19] =	ssyncadd.s32 $0xFFFFD000  }
0x1a1: {  	v3 =	vld [tilespmem:s10+$0x5000]  }
0x1a2: {  	v4 =	vld [tilespmem:s10+$0x5010]  }
0x1a3: {  	v5 =	vld [tilespmem:s10+$0x5020]  }
0x1a4: {  	v53 =	vld [tilespmem:s10+$0x5030]  }
0x1a5: {  	v54 =	vld [tilespmem:s10+$0x5040]  }
0x1a6: {  	v8 =	vld [tilespmem:s10+$0x5050]  }
0x1a7: {  	v9 =	vld [tilespmem:s10+$0x5060]  }
0x1a8: {  	v10 =	vld [tilespmem:s10+$0x5070]  }
0x1a9: {  	v11 =	vld [tilespmem:s10+$0x5400]  }
0x1aa: {  	v12 =	vld [tilespmem:s10+$0x5410]  }
0x1ab: {  	v13 =	vld [tilespmem:s10+$0x5420]  }
0x1ac: {  	v14 =	vld [tilespmem:s10+$0x5430]  }
0x1ad: {  	v15 =	vld [tilespmem:s10+$0x5440]  }
0x1ae: {  	v16 =	vld [tilespmem:s10+$0x5450]  }
0x1af: {  	v17 =	vld [tilespmem:s10+$0x5460]  }
0x1b0: {  	v55 =	vld [tilespmem:s10+$0x5470]  }
0x1b1: {  	v56 =	vld [tilespmem:s10+$0x5800]  }
0x1b2: {  	v57 =	vld [tilespmem:s10+$0x5810]  }
0x1b3: {  	[tilespmem:s10+$0x11000] =	vst.add.f32.msk $0xffff, v3  }
0x1b4: {  	[tilespmem:s10+$0x11010] =	vst.add.f32.msk $0xffff, v4  }
0x1b5: {  	[tilespmem:s10+$0x11020] =	vst.add.f32.msk $0xffff, v5  }
0x1b6: {  	[tilespmem:s10+$0x11030] =	vst.add.f32.msk $0xffff, v53  }
0x1b7: {  	[tilespmem:s10+$0x11040] =	vst.add.f32.msk $0xffff, v54  }
0x1b8: {  	[tilespmem:s10+$0x11050] =	vst.add.f32.msk $0xffff, v8  }
0x1b9: {  	[tilespmem:s10+$0x11060] =	vst.add.f32.msk $0xffff, v9  }
0x1ba: {  	[tilespmem:s10+$0x11070] =	vst.add.f32.msk $0xffff, v10  }
0x1bb: {  	[tilespmem:s10+$0x11400] =	vst.add.f32.msk $0xffff, v11  }
0x1bc: {  	[tilespmem:s10+$0x11410] =	vst.add.f32.msk $0xffff, v12  }
0x1bd: {  	[tilespmem:s10+$0x11420] =	vst.add.f32.msk $0xffff, v13  }
0x1be: {  	[tilespmem:s10+$0x11430] =	vst.add.f32.msk $0xffff, v14  }
0x1bf: {  	[tilespmem:s10+$0x11440] =	vst.add.f32.msk $0xffff, v15  }
0x1c0: {  	[tilespmem:s10+$0x11450] =	vst.add.f32.msk $0xffff, v16  }
0x1c1: {  	[tilespmem:s10+$0x11460] =	vst.add.f32.msk $0xffff, v17  }
0x1c2: {  	s2 =	sadd.s32 $0x11800, s10;
	[tilespmem:s10+$0x11470] =	vst.add.f32.msk $0xffff, v55  }
0x1c3: {  	s13 =	sor.u32 $0x10, s2;
	[tilespmem:s10+$0x11800] =	vst.add.f32.msk $0xffff, v56  }
0x1c4: {  	[tilespmem:s13+$0x0] =	vst.add.f32.msk $0xffff, v57  }
0x1c5: {  	v3 =	vld [tilespmem:s10+$0x5820];
	_ =	sdelay $0x3  }
0x1c6: {  	s18 =	sor.u32 $0x20, s2  }
0x1c7: {  	[tilespmem:s18+$0x0] =	vst.add.f32.msk $0xffff, v3  }
0x1c8: {  	v3 =	vld [tilespmem:s10+$0x5830];
	_ =	sdelay $0x3  }
0x1c9: {  	s20 =	sor.u32 $0x30, s2  }
0x1ca: {  	[tilespmem:s20+$0x0] =	vst.add.f32.msk $0xffff, v3  }
0x1cb: {  	v3 =	vld [tilespmem:s10+$0x5840];
	_ =	sdelay $0x3  }
0x1cc: {  	s14 =	sor.u32 $0x40, s2  }
0x1cd: {  	[tilespmem:s14+$0x0] =	vst.add.f32.msk $0xffff, v3  }
0x1ce: {  	v3 =	vld [tilespmem:s10+$0x5850];
	_ =	sdelay $0x3  }
0x1cf: {  	s15 =	sor.u32 $0x50, s2  }
0x1d0: {  	[tilespmem:s15+$0x0] =	vst.add.f32.msk $0xffff, v3  }
0x1d1: {  	v3 =	vld [tilespmem:s10+$0x5860];
	_ =	sdelay $0x3  }
0x1d2: {  	s16 =	sor.u32 $0x60, s2  }
0x1d3: {  	[tilespmem:s16+$0x0] =	vst.add.f32.msk $0xffff, v3  }
0x1d4: {  	v3 =	vld [tilespmem:s10+$0x5870];
	_ =	sdelay $0x3  }
0x1d5: {  	s17 =	simm.s32 $0x0;
	s2 =	sor.u32 $0x70, s2  }
0x1d6: {  	s31 =	smul.u32 $0x1800, s17;
	s13 =	simm.s32 $0x80;
	[tilespmem:s2+$0x0] =	vst.add.f32.msk $0xffff, v3  }
0x1d7: {  	s18 =	sand.u32 $0x380, s13;
	v3 =	vld [tilespmem:s10+$0x5C00]  }
0x1d8: {  	s30 =	sor.u32 s18, s31;
	v4 =	vld [tilespmem:s10+$0x5C10]  }
0x1d9: {  	v5 =	vld [tilespmem:s30+$0x5000]  }
0x1da: {  	v58 =	vld [tilespmem:s30+$0x5010]  }
0x1db: {  	v59 =	vld [tilespmem:s30+$0x5020];
	s2 =	sadd.s32 $0x11C00, s10  }
0x1dc: {  	s14 =	sor.u32 $0x10, s2;
	[tilespmem:s10+$0x11C00] =	vst.add.f32.msk $0xffff, v3  }
0x1dd: {  	[tilespmem:s14+$0x0] =	vst.add.f32.msk $0xffff, v4  }
0x1de: {  	v3 =	vld [tilespmem:s10+$0x5C20]  }
0x1df: {  	v8 =	vld [tilespmem:s30+$0x5040]  }
0x1e0: {  	v10 =	vld [tilespmem:s30+$0x5050]  }
0x1e1: {  	v12 =	vld [tilespmem:s30+$0x5060]  }
0x1e2: {  	v14 =	vld [tilespmem:s30+$0x5070];
	s20 =	sor.u32 $0x20, s2  }
0x1e3: {  	[tilespmem:s20+$0x0] =	vst.add.f32.msk $0xffff, v3  }
0x1e4: {  	v3 =	vld [tilespmem:s10+$0x5C30]  }
0x1e5: {  	v16 =	vld [tilespmem:s30+$0x5400]  }
0x1e6: {  	v17 =	vld [tilespmem:s30+$0x5410]  }
0x1e7: {  	v60 =	vld [tilespmem:s30+$0x5420]  }
0x1e8: {  	v61 =	vld [tilespmem:s30+$0x5430];
	s15 =	sor.u32 $0x30, s2  }
0x1e9: {  	[tilespmem:s15+$0x0] =	vst.add.f32.msk $0xffff, v3  }
0x1ea: {  	v3 =	vld [tilespmem:s10+$0x5C40]  }
0x1eb: {  	v62 =	vld [tilespmem:s30+$0x5440]  }
0x1ec: {  	v63 =	vld [tilespmem:s30+$0x5450]  }
0x1ed: {  	v9 =	vld [tilespmem:s30+$0x5460]  }
0x1ee: {  	v15 =	vld [tilespmem:s30+$0x5470];
	s16 =	sor.u32 $0x40, s2  }
0x1ef: {  	[tilespmem:s16+$0x0] =	vst.add.f32.msk $0xffff, v3  }
0x1f0: {  	v3 =	vld [tilespmem:s10+$0x5C50]  }
0x1f1: {  	v11 =	vld [tilespmem:s30+$0x5800]  }
0x1f2: {  	v13 =	vld [tilespmem:s30+$0x5810]  }
0x1f3: {  	[tilespmem:s30+$0x11000] =	vst.add.f32.msk $0xffff, v5  }
0x1f4: {  	[tilespmem:s30+$0x11010] =	vst.add.f32.msk $0xffff, v58;
	s17 =	sor.u32 $0x50, s2  }
0x1f5: {  	[tilespmem:s17+$0x0] =	vst.add.f32.msk $0xffff, v3  }
0x1f6: {  	v3 =	vld [tilespmem:s10+$0x5C60]  }
0x1f7: {  	[tilespmem:s30+$0x11020] =	vst.add.f32.msk $0xffff, v59  }
0x1f8: {  	[tilespmem:s30+$0x11040] =	vst.add.f32.msk $0xffff, v8  }
0x1f9: {  	[tilespmem:s30+$0x11050] =	vst.add.f32.msk $0xffff, v10  }
0x1fa: {  	s18 =	sor.u32 $0x60, s2;
	v4 =	vld [tilespmem:s30+$0x5030]  }
0x1fb: {  	[tilespmem:s18+$0x0] =	vst.add.f32.msk $0xffff, v3  }
0x1fc: {  	v3 =	vld [tilespmem:s10+$0x5C70]  }
0x1fd: {  	[tilespmem:s30+$0x11060] =	vst.add.f32.msk $0xffff, v12  }
0x1fe: {  	[tilespmem:s30+$0x11070] =	vst.add.f32.msk $0xffff, v14  }
0x1ff: {  	[tilespmem:s30+$0x11400] =	vst.add.f32.msk $0xffff, v16  }
0x200: {  	s2 =	sor.u32 $0x70, s2;
	[tilespmem:s30+$0x11030] =	vst.add.f32.msk $0xffff, v4  }
0x201: {  	[tilespmem:s2+$0x0] =	vst.add.f32.msk $0xffff, v3  }
0x202: {  	v3 =	vld [tilespmem:s10+$0x6000]  }
0x203: {  	v4 =	vld [tilespmem:s10+$0x6010]  }
0x204: {  	[tilespmem:s30+$0x11410] =	vst.add.f32.msk $0xffff, v17  }
0x205: {  	[tilespmem:s30+$0x11420] =	vst.add.f32.msk $0xffff, v60  }
0x206: {  	[tilespmem:s30+$0x11430] =	vst.add.f32.msk $0xffff, v61;
	s16 =	sadd.s32 $0x12000, s10  }
0x207: {  	s20 =	sor.u32 $0x10, s16;
	[tilespmem:s10+$0x12000] =	vst.add.f32.msk $0xffff, v3  }
0x208: {  	[tilespmem:s20+$0x0] =	vst.add.f32.msk $0xffff, v4  }
0x209: {  	v3 =	vld [tilespmem:s10+$0x6020]  }
0x20a: {  	[tilespmem:s30+$0x11440] =	vst.add.f32.msk $0xffff, v62  }
0x20b: {  	[tilespmem:s30+$0x11450] =	vst.add.f32.msk $0xffff, v63;
	s15 =	simm.s32 $0x2;
	s2 =	simm.s32 $0x80  }
.LBB2_5:
0x20c: {  	p0 =	sne.s32 s15, $0xF;
	[tilespmem:s30+$0x11460] =	vst.add.f32.msk $0xffff, v9  }
0x20d: {  	s14 =	sor.u32 $0x20, s16;
	[tilespmem:s30+$0x11470] =	vst.add.f32.msk $0xffff, v15  }
0x20e: {  	[tilespmem:s14+$0x0] =	vst.add.f32.msk $0xffff, v3  }
0x20f: {  	s17 =	sadd.s32 $0x11800, s30;
	s14 =	sshrl.u32 s15, $0x3;
	v3 =	vld [tilespmem:s10+$0x6030]  }
0x210: {  	s13 =	sadd.s32 $0x80, s13;
	s18 =	sor.u32 $0x10, s17;
	s14 =	smul.u32 $0x1800, s14;
	[tilespmem:s30+$0x11800] =	vst.add.f32.msk $0xffff, v11  }
0x211: {  	s20 =	sand.u32 $0x380, s13;
	[tilespmem:s18+$0x0] =	vst.add.f32.msk $0xffff, v13  }
0x212: {  	s18 =	sor.u32 s20, s14;
	v4 =	vld [tilespmem:s30+$0x5820]  }
0x213: {  	s20 =	sor.u32 $0x30, s16;
	v6 =	vld [tilespmem:s18+$0x5000]  }
0x214: {  	[tilespmem:s20+$0x0] =	vst.add.f32.msk $0xffff, v3  }
0x215: {  	v5 =	vld [tilespmem:s10+$0x6040]  }
0x216: {  	s20 =	sor.u32 $0x20, s17;
	v3 =	vld [tilespmem:s18+$0x5010]  }
0x217: {  	[tilespmem:s20+$0x0] =	vst.add.f32.msk $0xffff, v4  }
0x218: {  	v8 =	vld [tilespmem:s30+$0x5830]  }
0x219: {  	s20 =	sor.u32 $0x40, s16;
	v7 =	vld [tilespmem:s18+$0x5020]  }
0x21a: {  	[tilespmem:s20+$0x0] =	vst.add.f32.msk $0xffff, v5  }
0x21b: {  	v5 =	vld [tilespmem:s10+$0x6050]  }
0x21c: {  	s20 =	sor.u32 $0x30, s17;
	v4 =	vld [tilespmem:s18+$0x5030]  }
0x21d: {  	[tilespmem:s20+$0x0] =	vst.add.f32.msk $0xffff, v8  }
0x21e: {  	v9 =	vld [tilespmem:s30+$0x5840]  }
0x21f: {  	s20 =	sor.u32 $0x50, s16;
	v8 =	vld [tilespmem:s18+$0x5040]  }
0x220: {  	[tilespmem:s20+$0x0] =	vst.add.f32.msk $0xffff, v5  }
0x221: {  	v11 =	vld [tilespmem:s10+$0x6060]  }
0x222: {  	s20 =	sor.u32 $0x40, s17;
	v5 =	vld [tilespmem:s18+$0x5050]  }
0x223: {  	[tilespmem:s20+$0x0] =	vst.add.f32.msk $0xffff, v9  }
0x224: {  	v9 =	vld [tilespmem:s30+$0x5850]  }
0x225: {  	s20 =	sor.u32 $0x60, s16;
	v10 =	vld [tilespmem:s18+$0x5060]  }
0x226: {  	[tilespmem:s20+$0x0] =	vst.add.f32.msk $0xffff, v11  }
0x227: {  	v11 =	vld [tilespmem:s10+$0x6070]  }
0x228: {  	s20 =	sor.u32 $0x50, s17;
	v12 =	vld [tilespmem:s18+$0x5070]  }
0x229: {  	[tilespmem:s20+$0x0] =	vst.add.f32.msk $0xffff, v9  }
0x22a: {  	v9 =	vld [tilespmem:s30+$0x5860]  }
0x22b: {  	s16 =	sor.u32 $0x70, s16;
	s20 =	sor.u32 s29, s28;
	s29 =	smov.u32 s31;
	v14 =	vld [tilespmem:s18+$0x5400]  }
0x22c: {  	s31 =	smov.u32 s14;
	s28 =	smov.u32 s2;
	[tilespmem:s16+$0x0] =	vst.add.f32.msk $0xffff, v11;
	s16 =	sor.u32 $0x4400, s20  }
0x22d: {  	s2 =	smov.u32 s13;
	v11 =	vld [tilespmem:s16+$0x2000]  }
0x22e: {  	s14 =	sor.u32 $0x60, s17;
	v16 =	vld [tilespmem:s18+$0x5410]  }
0x22f: {  	[tilespmem:s14+$0x0] =	vst.add.f32.msk $0xffff, v9  }
0x230: {  	v9 =	vld [tilespmem:s30+$0x5870]  }
0x231: {  	v17 =	vld [tilespmem:s18+$0x5420]  }
0x232: {  	[tilespmem:s10+$0x12400] =	vst.add.f32.msk $0xffff, v11  }
0x233: {  	v11 =	vld [tilespmem:s16+$0x2010]  }
0x234: {  	s14 =	sor.u32 $0x70, s17;
	v18 =	vld [tilespmem:s18+$0x5430]  }
0x235: {  	[tilespmem:s14+$0x0] =	vst.add.f32.msk $0xffff, v9  }
0x236: {  	s17 =	sadd.s32 $0x12400, s10;
	s10 =	smov.u32 s30;
	v9 =	vld [tilespmem:s30+$0x5C00];
	s30 =	smov.u32 s18  }
0x237: {  	s14 =	sor.u32 $0x10, s17;
	v13 =	vld [tilespmem:s10+$0x5C10]  }
0x238: {  	[tilespmem:s14+$0x0] =	vst.add.f32.msk $0xffff, v11  }
0x239: {  	v11 =	vld [tilespmem:s16+$0x2020]  }
0x23a: {  	s18 =	sadd.s32 $0x11C00, s10;
	v19 =	vld [tilespmem:s30+$0x5440]  }
0x23b: {  	s14 =	sor.u32 $0x10, s18;
	[tilespmem:s10+$0x11C00] =	vst.add.f32.msk $0xffff, v9  }
0x23c: {  	[tilespmem:s14+$0x0] =	vst.add.f32.msk $0xffff, v13  }
0x23d: {  	s14 =	sor.u32 $0x20, s17;
	v13 =	vld [tilespmem:s10+$0x5C20]  }
0x23e: {  	[tilespmem:s14+$0x0] =	vst.add.f32.msk $0xffff, v11  }
0x23f: {  	v11 =	vld [tilespmem:s16+$0x2030]  }
0x240: {  	v20 =	vld [tilespmem:s30+$0x5450]  }
0x241: {  	s14 =	sor.u32 $0x20, s18;
	v9 =	vld [tilespmem:s30+$0x5460]  }
0x242: {  	[tilespmem:s14+$0x0] =	vst.add.f32.msk $0xffff, v13  }
0x243: {  	s14 =	sor.u32 $0x30, s17;
	v13 =	vld [tilespmem:s10+$0x5C30]  }
0x244: {  	[tilespmem:s14+$0x0] =	vst.add.f32.msk $0xffff, v11  }
0x245: {  	v21 =	vld [tilespmem:s16+$0x2040]  }
0x246: {  	v15 =	vld [tilespmem:s30+$0x5470]  }
0x247: {  	s14 =	sor.u32 $0x30, s18;
	v11 =	vld [tilespmem:s30+$0x5800]  }
0x248: {  	[tilespmem:s14+$0x0] =	vst.add.f32.msk $0xffff, v13  }
0x249: {  	s14 =	sor.u32 $0x40, s17;
	v22 =	vld [tilespmem:s10+$0x5C40]  }
0x24a: {  	[tilespmem:s14+$0x0] =	vst.add.f32.msk $0xffff, v21  }
0x24b: {  	v21 =	vld [tilespmem:s16+$0x2050]  }
0x24c: {  	v13 =	vld [tilespmem:s30+$0x5810]  }
0x24d: {  	s14 =	sor.u32 $0x40, s18;
	[tilespmem:s30+$0x11000] =	vst.add.f32.msk $0xffff, v6  }
0x24e: {  	[tilespmem:s14+$0x0] =	vst.add.f32.msk $0xffff, v22  }
0x24f: {  	s14 =	sor.u32 $0x50, s17;
	v6 =	vld [tilespmem:s10+$0x5C50]  }
0x250: {  	[tilespmem:s14+$0x0] =	vst.add.f32.msk $0xffff, v21  }
0x251: {  	v21 =	vld [tilespmem:s16+$0x2060]  }
0x252: {  	[tilespmem:s30+$0x11010] =	vst.add.f32.msk $0xffff, v3  }
0x253: {  	s14 =	sor.u32 $0x50, s18;
	[tilespmem:s30+$0x11020] =	vst.add.f32.msk $0xffff, v7  }
0x254: {  	[tilespmem:s14+$0x0] =	vst.add.f32.msk $0xffff, v6  }
0x255: {  	s14 =	sor.u32 $0x60, s17;
	v3 =	vld [tilespmem:s10+$0x5C60]  }
0x256: {  	[tilespmem:s14+$0x0] =	vst.add.f32.msk $0xffff, v21  }
0x257: {  	v6 =	vld [tilespmem:s16+$0x2070]  }
0x258: {  	[tilespmem:s30+$0x11030] =	vst.add.f32.msk $0xffff, v4  }
0x259: {  	s14 =	sor.u32 $0x60, s18;
	[tilespmem:s30+$0x11040] =	vst.add.f32.msk $0xffff, v8  }
0x25a: {  	[tilespmem:s14+$0x0] =	vst.add.f32.msk $0xffff, v3  }
0x25b: {  	s14 =	sor.u32 $0x70, s17;
	v3 =	vld [tilespmem:s10+$0x5C70]  }
0x25c: {  	[tilespmem:s14+$0x0] =	vst.add.f32.msk $0xffff, v6  }
0x25d: {  	[tilespmem:s30+$0x11050] =	vst.add.f32.msk $0xffff, v5  }
0x25e: {  	[tilespmem:s30+$0x11060] =	vst.add.f32.msk $0xffff, v10  }
0x25f: {  	[tilespmem:s30+$0x11070] =	vst.add.f32.msk $0xffff, v12  }
0x260: {  	s14 =	sor.u32 $0x70, s18;
	[tilespmem:s30+$0x11400] =	vst.add.f32.msk $0xffff, v14  }
0x261: {  	[tilespmem:s14+$0x0] =	vst.add.f32.msk $0xffff, v3  }
0x262: {  	v3 =	vld [tilespmem:s10+$0x6000]  }
0x263: {  	v4 =	vld [tilespmem:s10+$0x6010]  }
0x264: {  	[tilespmem:s30+$0x11410] =	vst.add.f32.msk $0xffff, v16  }
0x265: {  	[tilespmem:s30+$0x11420] =	vst.add.f32.msk $0xffff, v17  }
0x266: {  	s16 =	sadd.s32 $0x12000, s10;
	[tilespmem:s30+$0x11430] =	vst.add.f32.msk $0xffff, v18  }
.Ltmp3:
0x267: {  	s14 =	sor.u32 $0x10, s16;
	[tilespmem:s10+$0x12000] =	vst.add.f32.msk $0xffff, v3;
	(pc) =	sbr.rel @p0 .LBB2_5-.Ltmp3, $4  }
0x268: {  	[tilespmem:s14+$0x0] =	vst.add.f32.msk $0xffff, v4  }
0x269: {  	v3 =	vld [tilespmem:s10+$0x6020]  }
0x26a: {  	[tilespmem:s30+$0x11440] =	vst.add.f32.msk $0xffff, v19  }
0x26b: {  	s15 =	sadd.s32 $0x1, s15;
	[tilespmem:s30+$0x11450] =	vst.add.f32.msk $0xffff, v20  }
0x26c: {  	[tilespmem:s30+$0x11460] =	vst.add.f32.msk $0xffff, v9  }
0x26d: {  	[tilespmem:s30+$0x11470] =	vst.add.f32.msk $0xffff, v15;
	s13 =	sadd.s32 $0x11800, s30  }
0x26e: {  	[tilespmem:s30+$0x11800] =	vst.add.f32.msk $0xffff, v11;
	s14 =	sor.u32 $0x10, s13  }
0x26f: {  	[tilespmem:s14+$0x0] =	vst.add.f32.msk $0xffff, v13  }
0x270: {  	v4 =	vld [tilespmem:s30+$0x5820];
	_ =	sdelay $0x3  }
0x271: {  	s20 =	sor.u32 $0x20, s13  }
0x272: {  	[tilespmem:s20+$0x0] =	vst.add.f32.msk $0xffff, v4  }
0x273: {  	v4 =	vld [tilespmem:s30+$0x5830];
	_ =	sdelay $0x3  }
0x274: {  	s15 =	sor.u32 $0x30, s13  }
0x275: {  	[tilespmem:s15+$0x0] =	vst.add.f32.msk $0xffff, v4  }
0x276: {  	v4 =	vld [tilespmem:s30+$0x5840];
	_ =	sdelay $0x3  }
0x277: {  	s17 =	sor.u32 $0x40, s13  }
0x278: {  	[tilespmem:s17+$0x0] =	vst.add.f32.msk $0xffff, v4  }
0x279: {  	v4 =	vld [tilespmem:s30+$0x5850];
	_ =	sdelay $0x3  }
0x27a: {  	s18 =	sor.u32 $0x50, s13  }
0x27b: {  	[tilespmem:s18+$0x0] =	vst.add.f32.msk $0xffff, v4  }
0x27c: {  	v4 =	vld [tilespmem:s30+$0x5860];
	_ =	sdelay $0x3  }
0x27d: {  	s20 =	sor.u32 $0x60, s13  }
0x27e: {  	[tilespmem:s20+$0x0] =	vst.add.f32.msk $0xffff, v4  }
0x27f: {  	v4 =	vld [tilespmem:s30+$0x5870];
	_ =	sdelay $0x3  }
0x280: {  	s13 =	sor.u32 $0x70, s13  }
0x281: {  	[tilespmem:s13+$0x0] =	vst.add.f32.msk $0xffff, v4  }
0x282: {  	v4 =	vld [tilespmem:s30+$0x5C00]  }
0x283: {  	v5 =	vld [tilespmem:s30+$0x5C10];
	_ =	sdelay $0x2  }
0x284: {  	s13 =	sadd.s32 $0x11C00, s30  }
0x285: {  	s15 =	sor.u32 $0x10, s13;
	[tilespmem:s30+$0x11C00] =	vst.add.f32.msk $0xffff, v4  }
0x286: {  	[tilespmem:s15+$0x0] =	vst.add.f32.msk $0xffff, v5  }
0x287: {  	v4 =	vld [tilespmem:s30+$0x5C20];
	_ =	sdelay $0x3  }
0x288: {  	s17 =	sor.u32 $0x20, s13  }
0x289: {  	[tilespmem:s17+$0x0] =	vst.add.f32.msk $0xffff, v4  }
0x28a: {  	v4 =	vld [tilespmem:s30+$0x5C30];
	_ =	sdelay $0x3  }
0x28b: {  	s18 =	sor.u32 $0x30, s13  }
0x28c: {  	[tilespmem:s18+$0x0] =	vst.add.f32.msk $0xffff, v4  }
0x28d: {  	v4 =	vld [tilespmem:s30+$0x5C40];
	_ =	sdelay $0x3  }
0x28e: {  	s20 =	sor.u32 $0x40, s13  }
0x28f: {  	[tilespmem:s20+$0x0] =	vst.add.f32.msk $0xffff, v4  }
0x290: {  	v4 =	vld [tilespmem:s30+$0x5C50];
	_ =	sdelay $0x3  }
0x291: {  	s15 =	sor.u32 $0x50, s13  }
0x292: {  	[tilespmem:s15+$0x0] =	vst.add.f32.msk $0xffff, v4  }
0x293: {  	v4 =	vld [tilespmem:s30+$0x5C60];
	_ =	sdelay $0x3  }
0x294: {  	s17 =	sor.u32 $0x60, s13  }
0x295: {  	[tilespmem:s17+$0x0] =	vst.add.f32.msk $0xffff, v4  }
0x296: {  	v4 =	vld [tilespmem:s30+$0x5C70];
	_ =	sdelay $0x3  }
0x297: {  	s13 =	sor.u32 $0x70, s13  }
0x298: {  	[tilespmem:s13+$0x0] =	vst.add.f32.msk $0xffff, v4  }
0x299: {  	v4 =	vld [tilespmem:s30+$0x6000]  }
0x29a: {  	v5 =	vld [tilespmem:s30+$0x6010];
	_ =	sdelay $0x2  }
0x29b: {  	s13 =	sadd.s32 $0x12000, s30  }
0x29c: {  	s18 =	sor.u32 $0x10, s13;
	[tilespmem:s30+$0x12000] =	vst.add.f32.msk $0xffff, v4  }
0x29d: {  	[tilespmem:s18+$0x0] =	vst.add.f32.msk $0xffff, v5  }
0x29e: {  	v4 =	vld [tilespmem:s30+$0x6020];
	_ =	sdelay $0x1  }
0x29f: {  	s20 =	sor.u32 $0x20, s16  }
0x2a0: {  	[tilespmem:s20+$0x0] =	vst.add.f32.msk $0xffff, v3  }
0x2a1: {  	v3 =	vld [tilespmem:s10+$0x6030];
	s15 =	sor.u32 $0x20, s13  }
0x2a2: {  	[tilespmem:s15+$0x0] =	vst.add.f32.msk $0xffff, v4  }
0x2a3: {  	v4 =	vld [tilespmem:s30+$0x6030];
	_ =	sdelay $0x1  }
0x2a4: {  	s17 =	sor.u32 $0x30, s16  }
0x2a5: {  	[tilespmem:s17+$0x0] =	vst.add.f32.msk $0xffff, v3  }
0x2a6: {  	v3 =	vld [tilespmem:s10+$0x6040];
	s18 =	sor.u32 $0x30, s13  }
0x2a7: {  	[tilespmem:s18+$0x0] =	vst.add.f32.msk $0xffff, v4  }
0x2a8: {  	v4 =	vld [tilespmem:s30+$0x6040];
	_ =	sdelay $0x1  }
0x2a9: {  	s20 =	sor.u32 $0x40, s16  }
0x2aa: {  	[tilespmem:s20+$0x0] =	vst.add.f32.msk $0xffff, v3  }
0x2ab: {  	v3 =	vld [tilespmem:s10+$0x6050];
	s15 =	sor.u32 $0x40, s13  }
0x2ac: {  	[tilespmem:s15+$0x0] =	vst.add.f32.msk $0xffff, v4  }
0x2ad: {  	v4 =	vld [tilespmem:s30+$0x6050];
	_ =	sdelay $0x1  }
0x2ae: {  	s17 =	sor.u32 $0x50, s16  }
0x2af: {  	[tilespmem:s17+$0x0] =	vst.add.f32.msk $0xffff, v3  }
0x2b0: {  	v3 =	vld [tilespmem:s10+$0x6060];
	s18 =	sor.u32 $0x50, s13  }
0x2b1: {  	[tilespmem:s18+$0x0] =	vst.add.f32.msk $0xffff, v4  }
0x2b2: {  	v4 =	vld [tilespmem:s30+$0x6060];
	_ =	sdelay $0x1  }
0x2b3: {  	s20 =	sor.u32 $0x60, s16  }
0x2b4: {  	[tilespmem:s20+$0x0] =	vst.add.f32.msk $0xffff, v3  }
0x2b5: {  	v3 =	vld [tilespmem:s10+$0x6070];
	s15 =	sor.u32 $0x60, s13  }
0x2b6: {  	[tilespmem:s15+$0x0] =	vst.add.f32.msk $0xffff, v4  }
0x2b7: {  	v4 =	vld [tilespmem:s30+$0x6070];
	_ =	sdelay $0x1  }
0x2b8: {  	s16 =	sor.u32 $0x70, s16;
	s15 =	sor.u32 s29, s28  }
0x2b9: {  	[tilespmem:s16+$0x0] =	vst.add.f32.msk $0xffff, v3;
	s14 =	sor.u32 $0x4400, s15  }
0x2ba: {  	s2 =	sor.u32 s31, s2;
	s13 =	sor.u32 $0x70, s13;
	v3 =	vld [tilespmem:s14+$0x2000]  }
0x2bb: {  	s2 =	sor.u32 $0x4400, s2;
	[tilespmem:s13+$0x0] =	vst.add.f32.msk $0xffff, v4  }
0x2bc: {  	v4 =	vld [tilespmem:s2+$0x2000];
	_ =	sdelay $0x2  }
0x2bd: {  	[tilespmem:s10+$0x12400] =	vst.add.f32.msk $0xffff, v3  }
0x2be: {  	v3 =	vld [tilespmem:s14+$0x2010]  }
0x2bf: {  	[tilespmem:s30+$0x12400] =	vst.add.f32.msk $0xffff, v4  }
0x2c0: {  	v4 =	vld [tilespmem:s2+$0x2010]  }
0x2c1: {  	s10 =	sadd.s32 $0x12400, s10  }
0x2c2: {  	s17 =	sor.u32 $0x10, s10  }
0x2c3: {  	s13 =	sadd.s32 $0x12400, s30;
	[tilespmem:s17+$0x0] =	vst.add.f32.msk $0xffff, v3  }
0x2c4: {  	s18 =	sor.u32 $0x10, s13;
	v3 =	vld [tilespmem:s14+$0x2020]  }
0x2c5: {  	[tilespmem:s18+$0x0] =	vst.add.f32.msk $0xffff, v4  }
0x2c6: {  	v4 =	vld [tilespmem:s2+$0x2020];
	_ =	sdelay $0x1  }
0x2c7: {  	s20 =	sor.u32 $0x20, s10  }
0x2c8: {  	[tilespmem:s20+$0x0] =	vst.add.f32.msk $0xffff, v3  }
0x2c9: {  	s16 =	sor.u32 $0x20, s13;
	v3 =	vld [tilespmem:s14+$0x2030]  }
0x2ca: {  	[tilespmem:s16+$0x0] =	vst.add.f32.msk $0xffff, v4  }
0x2cb: {  	v4 =	vld [tilespmem:s2+$0x2030];
	_ =	sdelay $0x1  }
0x2cc: {  	s17 =	sor.u32 $0x30, s10  }
0x2cd: {  	[tilespmem:s17+$0x0] =	vst.add.f32.msk $0xffff, v3  }
0x2ce: {  	s18 =	sor.u32 $0x30, s13;
	v3 =	vld [tilespmem:s14+$0x2040]  }
0x2cf: {  	[tilespmem:s18+$0x0] =	vst.add.f32.msk $0xffff, v4  }
0x2d0: {  	v4 =	vld [tilespmem:s2+$0x2040];
	_ =	sdelay $0x1  }
0x2d1: {  	s20 =	sor.u32 $0x40, s10  }
0x2d2: {  	[tilespmem:s20+$0x0] =	vst.add.f32.msk $0xffff, v3  }
0x2d3: {  	s16 =	sor.u32 $0x40, s13;
	v3 =	vld [tilespmem:s14+$0x2050]  }
0x2d4: {  	[tilespmem:s16+$0x0] =	vst.add.f32.msk $0xffff, v4  }
0x2d5: {  	v4 =	vld [tilespmem:s2+$0x2050];
	_ =	sdelay $0x1  }
0x2d6: {  	s17 =	sor.u32 $0x50, s10  }
0x2d7: {  	[tilespmem:s17+$0x0] =	vst.add.f32.msk $0xffff, v3  }
0x2d8: {  	s18 =	sor.u32 $0x50, s13;
	v3 =	vld [tilespmem:s14+$0x2060]  }
0x2d9: {  	[tilespmem:s18+$0x0] =	vst.add.f32.msk $0xffff, v4  }
0x2da: {  	v4 =	vld [tilespmem:s2+$0x2060];
	_ =	sdelay $0x1  }
0x2db: {  	s20 =	sor.u32 $0x60, s10  }
0x2dc: {  	[tilespmem:s20+$0x0] =	vst.add.f32.msk $0xffff, v3  }
0x2dd: {  	s16 =	sor.u32 $0x60, s13;
	v3 =	vld [tilespmem:s14+$0x2070]  }
0x2de: {  	[tilespmem:s16+$0x0] =	vst.add.f32.msk $0xffff, v4  }
0x2df: {  	v4 =	vld [tilespmem:s2+$0x2070];
	_ =	sdelay $0x2  }
0x2e0: {  	s17 =	sor.u32 $0x70, s10  }
0x2e1: {  	p0 =	seq.s32 s23, $0x7F;
	s18 =	sor.u32 $0x70, s13;
	s20 =	sadd.s32 s12, s4;
	[tilespmem:s17+$0x0] =	vst.add.f32.msk $0xffff, v3  }
0x2e2: {  	s13 =	sadd.s32 $0x600, s20;
	s14 =	simm.s32 $0x11000;
	s2 =	simm.s32 @!p0 $0x5;
	[tilespmem:s18+$0x0] =	vst.add.f32.msk $0xffff, v4  }
0x2e3: {  	[hbm4b:s13+s6] =	stream.linear.scatter [tilespmem:s14], [sflag:$0x6], $0x3000, $0x38;
	[tilespmem:$0x1A000] =	vst v63  }
0x2e4: {  	_ =	swait.ge @!p0 [sflag:s2], $0x3000  }
0x2e5: {  	s10 =	sshll.u32 @!p0 s23, $0x6;
	[sflag:s2] =	ssyncset.done @!p0 $0x0  }
0x2e6: {  	s10 =	sand.u32 @!p0 $0x3FFFFFC0, s10;
	[sflag:s2] =	ssyncadd.s32 @!p0 $0xFFFFD000  }
0x2e7: {  	v3 =	vld @!p0 [tilespmem:s10+$0x40];
	_ =	sdelay $0x4  }
0x2e8: {  	v4 =	vshrl.u32 @!p0 v3, $0x3  }
0x2e9: {  	v4 =	vmul.u32 @!p0 $0x30, v4  }
0x2ea: {  	v5 =	vlaneseq.u32 @!p0;
	v3 =	vand.u32 @!p0 $0x7, v3  }
0x2eb: {  	v6 =	vshrl.u32 @!p0 v5, $0x3;
	v3 =	vor.u32 @!p0 v3, v4;
	v4 =	vand.u32 @!p0 $0x7, v5  }
0x2ec: {  	v6 =	vmul.u32 @!p0 $0x8, v6;
	v4 =	vperm.xlane @!p0 v3, v4;
	_ =	sdelay $0x1  }
0x2ed: {  	v4 =	vadd.s32 @!p0 v6, v4;
	_ =	sdelay $0x2  }
0x2ee: {  	v5 =	vor.u32 @!p0 $0x8, v5  }
0x2ef: {  	vm1 =	vmmov @!p0 $0xffff;
	s13 =	simm.s32 @!p0 $0xE000;
	s2 =	simm.s32 @!p0 $0x0;
	v3 =	vperm.xlane @!p0 v3, v5  }
0x2f0: {  	[tilespmem:s13], [sflag:$0x1] =	stream.indirect_vreg.gather @!p0 [hbm4b:s1+s2], $0x80, v4, vm1, $0xb8;
	[tilespmem:$0x1A000] =	vst v63  }
0x2f1: {  	v3 =	vadd.s32 @!p0 v6, v3;
	s13 =	simm.s32 @!p0 $0xE800  }
0x2f2: {  	[tilespmem:s13], [sflag:$0x1] =	stream.indirect_vreg.gather @!p0 [hbm4b:s8+s2], $0x80, v4, vm1, $0xb8;
	[tilespmem:$0x1A000] =	vst v63  }
0x2f3: {  	s13 =	simm.s32 @!p0 $0xF000  }
0x2f4: {  	[tilespmem:s13], [sflag:$0x1] =	stream.indirect_vreg.gather @!p0 [hbm4b:s9+s2], $0x80, v4, vm1, $0xb8;
	[tilespmem:$0x1A000] =	vst v63  }
0x2f5: {  	s13 =	simm.s32 @!p0 $0xF800  }
0x2f6: {  	[tilespmem:s13], [sflag:$0x1] =	stream.indirect_vreg.gather @!p0 [hbm4b:s1+s2], $0x80, v3, vm1, $0xb8;
	[tilespmem:$0x1A000] =	vst v63  }
0x2f7: {  	s13 =	simm.s32 @!p0 $0x10000  }
0x2f8: {  	[tilespmem:s13], [sflag:$0x1] =	stream.indirect_vreg.gather @!p0 [hbm4b:s8+s2], $0x80, v3, vm1, $0xb8;
	[tilespmem:$0x1A000] =	vst v63  }
0x2f9: {  	s15 =	simm.s32 $0x0;
	s13 =	simm.s32 @!p0 $0x10800  }
0x2fa: {  	[tilespmem:s13], [sflag:$0x1] =	stream.indirect_vreg.gather @!p0 [hbm4b:s9+s2], $0x80, v3, vm1, $0xb8;
	[tilespmem:$0x1A000] =	vst v63  }
0x2fb: {  	s16 =	simm.s32 $0x0;
	s2 =	smul.u32 $0x1800, s15;
	_ =	swait.ge [sflag:s21], $0x3000  }
0x2fc: {  	s13 =	sand.u32 $0x380, s16;
	[sflag:s21] =	ssyncset.done $0x0  }
0x2fd: {  	s28 =	sor.u32 s13, s2;
	[sflag:s21] =	ssyncadd.s32 $0xFFFFD000  }
0x2fe: {  	v3 =	vld [tilespmem:s28+$0x8000]  }
0x2ff: {  	v4 =	vld [tilespmem:s28+$0x8010];
	_ =	sdelay $0x2  }
0x300: {  	s2 =	sadd.s32 $0x14000, s28  }
0x301: {  	s17 =	sor.u32 $0x10, s2;
	[tilespmem:s28+$0x14000] =	vst.add.f32.msk $0xffff, v3  }
0x302: {  	[tilespmem:s17+$0x0] =	vst.add.f32.msk $0xffff, v4  }
0x303: {  	v3 =	vld [tilespmem:s28+$0x8020];
	_ =	sdelay $0x3  }
0x304: {  	s18 =	sor.u32 $0x20, s2  }
0x305: {  	[tilespmem:s18+$0x0] =	vst.add.f32.msk $0xffff, v3  }
0x306: {  	v3 =	vld [tilespmem:s28+$0x8030];
	_ =	sdelay $0x3  }
0x307: {  	s20 =	sor.u32 $0x30, s2  }
0x308: {  	[tilespmem:s20+$0x0] =	vst.add.f32.msk $0xffff, v3  }
0x309: {  	v3 =	vld [tilespmem:s28+$0x8040];
	_ =	sdelay $0x3  }
0x30a: {  	s14 =	sor.u32 $0x40, s2  }
0x30b: {  	[tilespmem:s14+$0x0] =	vst.add.f32.msk $0xffff, v3  }
0x30c: {  	v3 =	vld [tilespmem:s28+$0x8050];
	_ =	sdelay $0x3  }
0x30d: {  	s15 =	sor.u32 $0x50, s2  }
0x30e: {  	[tilespmem:s15+$0x0] =	vst.add.f32.msk $0xffff, v3  }
0x30f: {  	v3 =	vld [tilespmem:s28+$0x8060];
	_ =	sdelay $0x3  }
0x310: {  	s16 =	sor.u32 $0x60, s2  }
0x311: {  	[tilespmem:s16+$0x0] =	vst.add.f32.msk $0xffff, v3  }
0x312: {  	v3 =	vld [tilespmem:s28+$0x8070];
	_ =	sdelay $0x3  }
0x313: {  	s17 =	sor.u32 $0x70, s2  }
0x314: {  	[tilespmem:s17+$0x0] =	vst.add.f32.msk $0xffff, v3  }
0x315: {  	v3 =	vld [tilespmem:s28+$0x8400];
	_ =	sdelay $0x3  }
0x316: {  	s18 =	sor.u32 $0x400, s2  }
0x317: {  	[tilespmem:s18+$0x0] =	vst.add.f32.msk $0xffff, v3  }
0x318: {  	v3 =	vld [tilespmem:s28+$0x8410];
	_ =	sdelay $0x3  }
0x319: {  	s20 =	sor.u32 $0x410, s2  }
0x31a: {  	[tilespmem:s20+$0x0] =	vst.add.f32.msk $0xffff, v3  }
0x31b: {  	v3 =	vld [tilespmem:s28+$0x8420];
	_ =	sdelay $0x3  }
0x31c: {  	s14 =	sor.u32 $0x420, s2  }
0x31d: {  	[tilespmem:s14+$0x0] =	vst.add.f32.msk $0xffff, v3  }
0x31e: {  	v3 =	vld [tilespmem:s28+$0x8430];
	_ =	sdelay $0x3  }
0x31f: {  	s15 =	sor.u32 $0x430, s2  }
0x320: {  	[tilespmem:s15+$0x0] =	vst.add.f32.msk $0xffff, v3  }
0x321: {  	v3 =	vld [tilespmem:s28+$0x8440];
	_ =	sdelay $0x3  }
0x322: {  	s16 =	sor.u32 $0x440, s2  }
0x323: {  	[tilespmem:s16+$0x0] =	vst.add.f32.msk $0xffff, v3  }
0x324: {  	v3 =	vld [tilespmem:s28+$0x8450];
	_ =	sdelay $0x3  }
0x325: {  	s17 =	sor.u32 $0x450, s2  }
0x326: {  	[tilespmem:s17+$0x0] =	vst.add.f32.msk $0xffff, v3  }
0x327: {  	v3 =	vld [tilespmem:s28+$0x8460];
	_ =	sdelay $0x3  }
0x328: {  	s18 =	sor.u32 $0x460, s2  }
0x329: {  	[tilespmem:s18+$0x0] =	vst.add.f32.msk $0xffff, v3  }
0x32a: {  	v3 =	vld [tilespmem:s28+$0x8470];
	_ =	sdelay $0x3  }
0x32b: {  	s2 =	sor.u32 $0x470, s2  }
0x32c: {  	s20 =	simm.s32 $0x0;
	[tilespmem:s2+$0x0] =	vst.add.f32.msk $0xffff, v3  }
0x32d: {  	s14 =	smul.u32 $0x1800, s20;
	s15 =	simm.s32 $0x80;
	v3 =	vld [tilespmem:s28+$0x8800]  }
0x32e: {  	s13 =	sand.u32 $0x380, s15;
	v4 =	vld [tilespmem:s28+$0x8810]  }
0x32f: {  	s29 =	sor.u32 s13, s14  }
0x330: {  	v5 =	vld [tilespmem:s29+$0x8000]  }
0x331: {  	v6 =	vld [tilespmem:s29+$0x8010];
	s2 =	sadd.s32 $0x14800, s28  }
0x332: {  	s16 =	sor.u32 $0x10, s2;
	[tilespmem:s28+$0x14800] =	vst.add.f32.msk $0xffff, v3  }
0x333: {  	[tilespmem:s16+$0x0] =	vst.add.f32.msk $0xffff, v4  }
0x334: {  	v3 =	vld [tilespmem:s28+$0x8820]  }
0x335: {  	s15 =	sadd.s32 $0x14000, s29  }
0x336: {  	[tilespmem:s29+$0x14000] =	vst.add.f32.msk $0xffff, v5;
	s17 =	sor.u32 $0x10, s15  }
0x337: {  	[tilespmem:s17+$0x0] =	vst.add.f32.msk $0xffff, v6  }
0x338: {  	s18 =	sor.u32 $0x20, s2;
	v4 =	vld [tilespmem:s29+$0x8020]  }
0x339: {  	[tilespmem:s18+$0x0] =	vst.add.f32.msk $0xffff, v3  }
0x33a: {  	v3 =	vld [tilespmem:s28+$0x8830];
	_ =	sdelay $0x1  }
0x33b: {  	s20 =	sor.u32 $0x20, s15  }
0x33c: {  	[tilespmem:s20+$0x0] =	vst.add.f32.msk $0xffff, v4  }
0x33d: {  	s14 =	sor.u32 $0x30, s2;
	v4 =	vld [tilespmem:s29+$0x8030]  }
0x33e: {  	[tilespmem:s14+$0x0] =	vst.add.f32.msk $0xffff, v3  }
0x33f: {  	v3 =	vld [tilespmem:s28+$0x8840];
	_ =	sdelay $0x1  }
0x340: {  	s16 =	sor.u32 $0x30, s15  }
0x341: {  	[tilespmem:s16+$0x0] =	vst.add.f32.msk $0xffff, v4  }
0x342: {  	s17 =	sor.u32 $0x40, s2;
	v4 =	vld [tilespmem:s29+$0x8040]  }
0x343: {  	[tilespmem:s17+$0x0] =	vst.add.f32.msk $0xffff, v3  }
0x344: {  	v3 =	vld [tilespmem:s28+$0x8850];
	_ =	sdelay $0x1  }
0x345: {  	s18 =	sor.u32 $0x40, s15  }
0x346: {  	[tilespmem:s18+$0x0] =	vst.add.f32.msk $0xffff, v4  }
0x347: {  	s20 =	sor.u32 $0x50, s2;
	v4 =	vld [tilespmem:s29+$0x8050]  }
0x348: {  	[tilespmem:s20+$0x0] =	vst.add.f32.msk $0xffff, v3  }
0x349: {  	v3 =	vld [tilespmem:s28+$0x8860];
	_ =	sdelay $0x1  }
0x34a: {  	s14 =	sor.u32 $0x50, s15  }
0x34b: {  	[tilespmem:s14+$0x0] =	vst.add.f32.msk $0xffff, v4  }
0x34c: {  	s16 =	sor.u32 $0x60, s2;
	v4 =	vld [tilespmem:s29+$0x8060]  }
0x34d: {  	[tilespmem:s16+$0x0] =	vst.add.f32.msk $0xffff, v3  }
0x34e: {  	v3 =	vld [tilespmem:s28+$0x8870];
	_ =	sdelay $0x1  }
0x34f: {  	s17 =	sor.u32 $0x60, s15  }
0x350: {  	[tilespmem:s17+$0x0] =	vst.add.f32.msk $0xffff, v4  }
0x351: {  	s2 =	sor.u32 $0x70, s2;
	v4 =	vld [tilespmem:s29+$0x8070]  }
0x352: {  	[tilespmem:s2+$0x0] =	vst.add.f32.msk $0xffff, v3  }
0x353: {  	v3 =	vld [tilespmem:s28+$0x8C00]  }
0x354: {  	v5 =	vld [tilespmem:s28+$0x8C10]  }
0x355: {  	s18 =	sor.u32 $0x70, s15  }
0x356: {  	[tilespmem:s18+$0x0] =	vst.add.f32.msk $0xffff, v4  }
0x357: {  	s14 =	sadd.s32 $0x14C00, s28;
	v4 =	vld [tilespmem:s29+$0x8400]  }
0x358: {  	s20 =	sor.u32 $0x10, s14;
	[tilespmem:s28+$0x14C00] =	vst.add.f32.msk $0xffff, v3  }
0x359: {  	[tilespmem:s20+$0x0] =	vst.add.f32.msk $0xffff, v5  }
0x35a: {  	v3 =	vld [tilespmem:s28+$0x8C20];
	_ =	sdelay $0x1  }
0x35b: {  	s13 =	sor.u32 $0x400, s15  }
0x35c: {  	[tilespmem:s13+$0x0] =	vst.add.f32.msk $0xffff, v4  }
0x35d: {  	s16 =	sor.u32 $0x20, s14;
	v4 =	vld [tilespmem:s29+$0x8410]  }
0x35e: {  	[tilespmem:s16+$0x0] =	vst.add.f32.msk $0xffff, v3  }
0x35f: {  	v3 =	vld [tilespmem:s28+$0x8C30];
	_ =	sdelay $0x1  }
0x360: {  	s17 =	sor.u32 $0x410, s15  }
0x361: {  	[tilespmem:s17+$0x0] =	vst.add.f32.msk $0xffff, v4  }
0x362: {  	s18 =	sor.u32 $0x30, s14;
	v4 =	vld [tilespmem:s29+$0x8420]  }
0x363: {  	[tilespmem:s18+$0x0] =	vst.add.f32.msk $0xffff, v3  }
0x364: {  	v3 =	vld [tilespmem:s28+$0x8C40];
	_ =	sdelay $0x1  }
0x365: {  	s20 =	sor.u32 $0x420, s15  }
0x366: {  	[tilespmem:s20+$0x0] =	vst.add.f32.msk $0xffff, v4  }
0x367: {  	s13 =	sor.u32 $0x40, s14;
	v4 =	vld [tilespmem:s29+$0x8430]  }
0x368: {  	[tilespmem:s13+$0x0] =	vst.add.f32.msk $0xffff, v3  }
0x369: {  	v3 =	vld [tilespmem:s28+$0x8C50];
	_ =	sdelay $0x1  }
0x36a: {  	s16 =	sor.u32 $0x430, s15  }
0x36b: {  	s17 =	simm.s32 $0x0;
	[tilespmem:s16+$0x0] =	vst.add.f32.msk $0xffff, v4  }
0x36c: {  	s20 =	sor.u32 $0x50, s14;
	s18 =	smul.u32 $0x1800, s17;
	v4 =	vld [tilespmem:s29+$0x8440];
	s13 =	simm.s32 $0x100  }
0x36d: {  	s17 =	sand.u32 $0x380, s13;
	[tilespmem:s20+$0x0] =	vst.add.f32.msk $0xffff, v3  }
0x36e: {  	s30 =	sor.u32 s17, s18;
	v3 =	vld [tilespmem:s28+$0x8C60]  }
0x36f: {  	v5 =	vld [tilespmem:s30+$0x8000]  }
0x370: {  	s17 =	sor.u32 $0x440, s15;
	v6 =	vld [tilespmem:s30+$0x8010]  }
0x371: {  	[tilespmem:s17+$0x0] =	vst.add.f32.msk $0xffff, v4  }
0x372: {  	s18 =	sor.u32 $0x60, s14;
	v4 =	vld [tilespmem:s29+$0x8450]  }
0x373: {  	[tilespmem:s18+$0x0] =	vst.add.f32.msk $0xffff, v3  }
0x374: {  	s2 =	sadd.s32 $0x14000, s30;
	v3 =	vld [tilespmem:s28+$0x8C70]  }
0x375: {  	s20 =	sor.u32 $0x10, s2;
	[tilespmem:s30+$0x14000] =	vst.add.f32.msk $0xffff, v5  }
0x376: {  	s17 =	sor.u32 $0x450, s15;
	[tilespmem:s20+$0x0] =	vst.add.f32.msk $0xffff, v6  }
0x377: {  	[tilespmem:s17+$0x0] =	vst.add.f32.msk $0xffff, v4  }
0x378: {  	s14 =	sor.u32 $0x70, s14;
	v4 =	vld [tilespmem:s29+$0x8460]  }
0x379: {  	[tilespmem:s14+$0x0] =	vst.add.f32.msk $0xffff, v3  }
0x37a: {  	v3 =	vld [tilespmem:s28+$0x9000]  }
0x37b: {  	v5 =	vld [tilespmem:s28+$0x9010]  }
0x37c: {  	v6 =	vld [tilespmem:s30+$0x8020];
	s18 =	sor.u32 $0x460, s15  }
0x37d: {  	[tilespmem:s18+$0x0] =	vst.add.f32.msk $0xffff, v4  }
0x37e: {  	s31 =	sadd.s32 $0x15000, s28;
	v4 =	vld [tilespmem:s29+$0x8470]  }
0x37f: {  	s20 =	sor.u32 $0x10, s31;
	[tilespmem:s28+$0x15000] =	vst.add.f32.msk $0xffff, v3  }
0x380: {  	[tilespmem:s20+$0x0] =	vst.add.f32.msk $0xffff, v5  }
0x381: {  	s16 =	sor.u32 $0x20, s2;
	v3 =	vld [tilespmem:s28+$0x9020]  }
0x382: {  	s17 =	sor.u32 $0x470, s15;
	[tilespmem:s16+$0x0] =	vst.add.f32.msk $0xffff, v6  }
0x383: {  	[tilespmem:s17+$0x0] =	vst.add.f32.msk $0xffff, v4  }
0x384: {  	v5 =	vld [tilespmem:s29+$0x8800]  }
0x385: {  	s18 =	sor.u32 $0x20, s31;
	v6 =	vld [tilespmem:s29+$0x8810]  }
0x386: {  	[tilespmem:s18+$0x0] =	vst.add.f32.msk $0xffff, v3  }
0x387: {  	v3 =	vld [tilespmem:s28+$0x9030]  }
0x388: {  	s16 =	sadd.s32 $0x14800, s29;
	v4 =	vld [tilespmem:s30+$0x8030]  }
0x389: {  	s20 =	sor.u32 $0x10, s16;
	[tilespmem:s29+$0x14800] =	vst.add.f32.msk $0xffff, v5  }
0x38a: {  	s15 =	simm.s32 $0x3;
	[tilespmem:s20+$0x0] =	vst.add.f32.msk $0xffff, v6  }
.LBB2_7:
0x38b: {  	p1 =	sne.s32 s15, $0xF;
	v5 =	vld [tilespmem:s29+$0x8820];
	s14 =	sor.u32 $0x30, s31  }
0x38c: {  	[tilespmem:s14+$0x0] =	vst.add.f32.msk $0xffff, v3  }
0x38d: {  	s14 =	sor.u32 $0x30, s2;
	v3 =	vld [tilespmem:s28+$0x9040]  }
0x38e: {  	[tilespmem:s14+$0x0] =	vst.add.f32.msk $0xffff, v4  }
0x38f: {  	s14 =	sor.u32 $0x20, s16;
	v4 =	vld [tilespmem:s30+$0x8040]  }
0x390: {  	[tilespmem:s14+$0x0] =	vst.add.f32.msk $0xffff, v5  }
0x391: {  	s14 =	sor.u32 $0x40, s31;
	v5 =	vld [tilespmem:s29+$0x8830]  }
0x392: {  	[tilespmem:s14+$0x0] =	vst.add.f32.msk $0xffff, v3  }
0x393: {  	s14 =	sor.u32 $0x40, s2;
	v3 =	vld [tilespmem:s28+$0x9050]  }
0x394: {  	[tilespmem:s14+$0x0] =	vst.add.f32.msk $0xffff, v4  }
0x395: {  	s14 =	sor.u32 $0x30, s16;
	v4 =	vld [tilespmem:s30+$0x8050]  }
0x396: {  	[tilespmem:s14+$0x0] =	vst.add.f32.msk $0xffff, v5  }
0x397: {  	s14 =	sor.u32 $0x50, s31;
	v5 =	vld [tilespmem:s29+$0x8840]  }
0x398: {  	[tilespmem:s14+$0x0] =	vst.add.f32.msk $0xffff, v3  }
0x399: {  	s14 =	sor.u32 $0x50, s2;
	v3 =	vld [tilespmem:s28+$0x9060]  }
0x39a: {  	[tilespmem:s14+$0x0] =	vst.add.f32.msk $0xffff, v4  }
0x39b: {  	s14 =	sor.u32 $0x40, s16;
	v4 =	vld [tilespmem:s30+$0x8060]  }
0x39c: {  	s17 =	sshrl.u32 s15, $0x3;
	[tilespmem:s14+$0x0] =	vst.add.f32.msk $0xffff, v5  }
0x39d: {  	s13 =	sadd.s32 $0x80, s13;
	s14 =	smul.u32 $0x1800, s17;
	s17 =	sor.u32 $0x60, s31;
	v5 =	vld [tilespmem:s29+$0x8850]  }
0x39e: {  	s18 =	sand.u32 $0x380, s13;
	[tilespmem:s17+$0x0] =	vst.add.f32.msk $0xffff, v3  }
0x39f: {  	s17 =	sor.u32 s18, s14;
	v6 =	vld [tilespmem:s28+$0x9070]  }
0x3a0: {  	s14 =	sor.u32 $0x60, s2;
	v3 =	vld [tilespmem:s17+$0x8000]  }
0x3a1: {  	[tilespmem:s14+$0x0] =	vst.add.f32.msk $0xffff, v4;
	s14 =	sor.u32 $0x50, s16  }
0x3a2: {  	[tilespmem:s14+$0x0] =	vst.add.f32.msk $0xffff, v5  }
0x3a3: {  	s14 =	sor.u32 $0x70, s31;
	v4 =	vld [tilespmem:s29+$0x8860]  }
0x3a4: {  	[tilespmem:s14+$0x0] =	vst.add.f32.msk $0xffff, v6  }
0x3a5: {  	v5 =	vld [tilespmem:s28+$0x9400]  }
0x3a6: {  	v6 =	vld [tilespmem:s28+$0x9410]  }
0x3a7: {  	s14 =	sor.u32 $0x60, s16;
	v7 =	vld [tilespmem:s30+$0x8070]  }
0x3a8: {  	[tilespmem:s14+$0x0] =	vst.add.f32.msk $0xffff, v4  }
0x3a9: {  	s31 =	sadd.s32 $0x15400, s28;
	v4 =	vld [tilespmem:s29+$0x8870]  }
0x3aa: {  	s14 =	sor.u32 $0x10, s31;
	[tilespmem:s28+$0x15400] =	vst.add.f32.msk $0xffff, v5  }
0x3ab: {  	[tilespmem:s14+$0x0] =	vst.add.f32.msk $0xffff, v6  }
0x3ac: {  	s14 =	sor.u32 $0x70, s2;
	v5 =	vld [tilespmem:s28+$0x9420]  }
0x3ad: {  	[tilespmem:s14+$0x0] =	vst.add.f32.msk $0xffff, v7;
	s14 =	sor.u32 $0x70, s16  }
0x3ae: {  	[tilespmem:s14+$0x0] =	vst.add.f32.msk $0xffff, v4  }
0x3af: {  	v4 =	vld [tilespmem:s29+$0x8C00]  }
0x3b0: {  	s14 =	sor.u32 $0x20, s31;
	v6 =	vld [tilespmem:s29+$0x8C10]  }
0x3b1: {  	[tilespmem:s14+$0x0] =	vst.add.f32.msk $0xffff, v5  }
0x3b2: {  	v5 =	vld [tilespmem:s28+$0x9430]  }
0x3b3: {  	s16 =	sadd.s32 $0x14C00, s29;
	v7 =	vld [tilespmem:s30+$0x8400]  }
0x3b4: {  	s14 =	sor.u32 $0x10, s16;
	[tilespmem:s29+$0x14C00] =	vst.add.f32.msk $0xffff, v4  }
0x3b5: {  	[tilespmem:s14+$0x0] =	vst.add.f32.msk $0xffff, v6  }
0x3b6: {  	s14 =	sor.u32 $0x30, s31;
	v4 =	vld [tilespmem:s29+$0x8C20]  }
0x3b7: {  	[tilespmem:s14+$0x0] =	vst.add.f32.msk $0xffff, v5  }
0x3b8: {  	s14 =	sor.u32 $0x400, s2;
	v5 =	vld [tilespmem:s28+$0x9440]  }
0x3b9: {  	[tilespmem:s14+$0x0] =	vst.add.f32.msk $0xffff, v7  }
0x3ba: {  	s14 =	sor.u32 $0x20, s16;
	v6 =	vld [tilespmem:s30+$0x8410]  }
0x3bb: {  	[tilespmem:s14+$0x0] =	vst.add.f32.msk $0xffff, v4  }
0x3bc: {  	s14 =	sor.u32 $0x40, s31;
	v4 =	vld [tilespmem:s29+$0x8C30]  }
0x3bd: {  	[tilespmem:s14+$0x0] =	vst.add.f32.msk $0xffff, v5  }
0x3be: {  	s14 =	sor.u32 $0x410, s2;
	v5 =	vld [tilespmem:s28+$0x9450]  }
0x3bf: {  	[tilespmem:s14+$0x0] =	vst.add.f32.msk $0xffff, v6  }
0x3c0: {  	s14 =	sor.u32 $0x30, s16;
	v6 =	vld [tilespmem:s30+$0x8420]  }
0x3c1: {  	[tilespmem:s14+$0x0] =	vst.add.f32.msk $0xffff, v4  }
0x3c2: {  	s14 =	sor.u32 $0x50, s31;
	v4 =	vld [tilespmem:s29+$0x8C40]  }
0x3c3: {  	[tilespmem:s14+$0x0] =	vst.add.f32.msk $0xffff, v5  }
0x3c4: {  	s14 =	sor.u32 $0x420, s2;
	v5 =	vld [tilespmem:s28+$0x9460]  }
0x3c5: {  	[tilespmem:s14+$0x0] =	vst.add.f32.msk $0xffff, v6  }
0x3c6: {  	s14 =	sor.u32 $0x40, s16;
	v6 =	vld [tilespmem:s30+$0x8430]  }
0x3c7: {  	[tilespmem:s14+$0x0] =	vst.add.f32.msk $0xffff, v4  }
0x3c8: {  	s14 =	sor.u32 $0x60, s31;
	v4 =	vld [tilespmem:s29+$0x8C50]  }
0x3c9: {  	[tilespmem:s14+$0x0] =	vst.add.f32.msk $0xffff, v5  }
0x3ca: {  	s14 =	sor.u32 $0x430, s2;
	v5 =	vld [tilespmem:s28+$0x9470];
	s28 =	smov.u32 s29;
	s29 =	smov.u32 s30  }
0x3cb: {  	s30 =	smov.u32 s17;
	[tilespmem:s14+$0x0] =	vst.add.f32.msk $0xffff, v6  }
0x3cc: {  	s14 =	sor.u32 $0x50, s16;
	v6 =	vld [tilespmem:s29+$0x8440]  }
0x3cd: {  	[tilespmem:s14+$0x0] =	vst.add.f32.msk $0xffff, v4  }
0x3ce: {  	s14 =	sor.u32 $0x70, s31;
	v4 =	vld [tilespmem:s28+$0x8C60]  }
0x3cf: {  	[tilespmem:s14+$0x0] =	vst.add.f32.msk $0xffff, v5  }
0x3d0: {  	s14 =	sor.u32 $0x440, s2;
	v5 =	vld [tilespmem:s30+$0x8010]  }
0x3d1: {  	[tilespmem:s14+$0x0] =	vst.add.f32.msk $0xffff, v6  }
0x3d2: {  	s14 =	sor.u32 $0x60, s16;
	v6 =	vld [tilespmem:s29+$0x8450]  }
0x3d3: {  	[tilespmem:s14+$0x0] =	vst.add.f32.msk $0xffff, v4  }
0x3d4: {  	s14 =	sadd.s32 $0x14000, s30;
	v4 =	vld [tilespmem:s28+$0x8C70]  }
0x3d5: {  	s17 =	sor.u32 $0x10, s14;
	[tilespmem:s30+$0x14000] =	vst.add.f32.msk $0xffff, v3  }
0x3d6: {  	[tilespmem:s17+$0x0] =	vst.add.f32.msk $0xffff, v5;
	s17 =	sor.u32 $0x450, s2  }
0x3d7: {  	[tilespmem:s17+$0x0] =	vst.add.f32.msk $0xffff, v6  }
0x3d8: {  	s16 =	sor.u32 $0x70, s16;
	v3 =	vld [tilespmem:s29+$0x8460]  }
0x3d9: {  	[tilespmem:s16+$0x0] =	vst.add.f32.msk $0xffff, v4  }
0x3da: {  	v4 =	vld [tilespmem:s28+$0x9000]  }
0x3db: {  	v5 =	vld [tilespmem:s28+$0x9010]  }
0x3dc: {  	s16 =	sor.u32 $0x460, s2;
	v6 =	vld [tilespmem:s30+$0x8020]  }
0x3dd: {  	[tilespmem:s16+$0x0] =	vst.add.f32.msk $0xffff, v3  }
0x3de: {  	s31 =	sadd.s32 $0x15000, s28;
	v3 =	vld [tilespmem:s29+$0x8470]  }
0x3df: {  	s16 =	sor.u32 $0x10, s31;
	[tilespmem:s28+$0x15000] =	vst.add.f32.msk $0xffff, v4  }
0x3e0: {  	[tilespmem:s16+$0x0] =	vst.add.f32.msk $0xffff, v5  }
0x3e1: {  	s16 =	sor.u32 $0x20, s14;
	v4 =	vld [tilespmem:s28+$0x9020]  }
0x3e2: {  	[tilespmem:s16+$0x0] =	vst.add.f32.msk $0xffff, v6;
	s16 =	sor.u32 $0x470, s2;
	s2 =	smov.u32 s14  }
0x3e3: {  	[tilespmem:s16+$0x0] =	vst.add.f32.msk $0xffff, v3  }
0x3e4: {  	v5 =	vld [tilespmem:s29+$0x8800]  }
0x3e5: {  	s14 =	sor.u32 $0x20, s31;
	v6 =	vld [tilespmem:s29+$0x8810]  }
.Ltmp4:
0x3e6: {  	[tilespmem:s14+$0x0] =	vst.add.f32.msk $0xffff, v4;
	(pc) =	sbr.rel @p1 .LBB2_7-.Ltmp4, $4  }
0x3e7: {  	v3 =	vld [tilespmem:s28+$0x9030]  }
0x3e8: {  	s16 =	sadd.s32 $0x14800, s29;
	v4 =	vld [tilespmem:s30+$0x8030]  }
0x3e9: {  	s14 =	sor.u32 $0x10, s16;
	[tilespmem:s29+$0x14800] =	vst.add.f32.msk $0xffff, v5  }
0x3ea: {  	s15 =	sadd.s32 $0x1, s15;
	[tilespmem:s14+$0x0] =	vst.add.f32.msk $0xffff, v6  }
0x3eb: {  	_ = 	snop  }
0x3ec: {  	s13 =	sor.u32 $0x30, s2  }
0x3ed: {  	[tilespmem:s13+$0x0] =	vst.add.f32.msk $0xffff, v4  }
0x3ee: {  	v4 =	vld [tilespmem:s30+$0x8040];
	_ =	sdelay $0x3  }
0x3ef: {  	s20 =	sor.u32 $0x40, s2  }
0x3f0: {  	[tilespmem:s20+$0x0] =	vst.add.f32.msk $0xffff, v4  }
0x3f1: {  	v4 =	vld [tilespmem:s30+$0x8050];
	_ =	sdelay $0x3  }
0x3f2: {  	s14 =	sor.u32 $0x50, s2  }
0x3f3: {  	[tilespmem:s14+$0x0] =	vst.add.f32.msk $0xffff, v4  }
0x3f4: {  	v4 =	vld [tilespmem:s30+$0x8060];
	_ =	sdelay $0x3  }
0x3f5: {  	s15 =	sor.u32 $0x60, s2  }
0x3f6: {  	[tilespmem:s15+$0x0] =	vst.add.f32.msk $0xffff, v4  }
0x3f7: {  	v4 =	vld [tilespmem:s30+$0x8070];
	_ =	sdelay $0x3  }
0x3f8: {  	s17 =	sor.u32 $0x70, s2  }
0x3f9: {  	[tilespmem:s17+$0x0] =	vst.add.f32.msk $0xffff, v4  }
0x3fa: {  	v4 =	vld [tilespmem:s30+$0x8400];
	_ =	sdelay $0x3  }
0x3fb: {  	s18 =	sor.u32 $0x400, s2  }
0x3fc: {  	[tilespmem:s18+$0x0] =	vst.add.f32.msk $0xffff, v4  }
0x3fd: {  	v4 =	vld [tilespmem:s30+$0x8410];
	_ =	sdelay $0x3  }
0x3fe: {  	s20 =	sor.u32 $0x410, s2  }
0x3ff: {  	[tilespmem:s20+$0x0] =	vst.add.f32.msk $0xffff, v4  }
0x400: {  	v4 =	vld [tilespmem:s30+$0x8420];
	_ =	sdelay $0x3  }
0x401: {  	s14 =	sor.u32 $0x420, s2  }
0x402: {  	[tilespmem:s14+$0x0] =	vst.add.f32.msk $0xffff, v4  }
0x403: {  	v4 =	vld [tilespmem:s30+$0x8430];
	_ =	sdelay $0x3  }
0x404: {  	s15 =	sor.u32 $0x430, s2  }
0x405: {  	[tilespmem:s15+$0x0] =	vst.add.f32.msk $0xffff, v4  }
0x406: {  	v4 =	vld [tilespmem:s30+$0x8440];
	_ =	sdelay $0x3  }
0x407: {  	s17 =	sor.u32 $0x440, s2  }
0x408: {  	[tilespmem:s17+$0x0] =	vst.add.f32.msk $0xffff, v4  }
0x409: {  	v4 =	vld [tilespmem:s30+$0x8450];
	_ =	sdelay $0x3  }
0x40a: {  	s18 =	sor.u32 $0x450, s2  }
0x40b: {  	[tilespmem:s18+$0x0] =	vst.add.f32.msk $0xffff, v4  }
0x40c: {  	v4 =	vld [tilespmem:s30+$0x8460];
	_ =	sdelay $0x3  }
0x40d: {  	s20 =	sor.u32 $0x460, s2  }
0x40e: {  	[tilespmem:s20+$0x0] =	vst.add.f32.msk $0xffff, v4  }
0x40f: {  	v4 =	vld [tilespmem:s30+$0x8470];
	_ =	sdelay $0x3  }
0x410: {  	s13 =	sor.u32 $0x470, s2  }
0x411: {  	[tilespmem:s13+$0x0] =	vst.add.f32.msk $0xffff, v4  }
0x412: {  	v4 =	vld [tilespmem:s30+$0x8800]  }
0x413: {  	v5 =	vld [tilespmem:s30+$0x8810];
	_ =	sdelay $0x2  }
0x414: {  	v6 =	vld [tilespmem:s29+$0x8820];
	s2 =	sadd.s32 $0x14800, s30  }
0x415: {  	s14 =	sor.u32 $0x10, s2;
	[tilespmem:s30+$0x14800] =	vst.add.f32.msk $0xffff, v4  }
0x416: {  	[tilespmem:s14+$0x0] =	vst.add.f32.msk $0xffff, v5  }
0x417: {  	v4 =	vld [tilespmem:s30+$0x8820]  }
0x418: {  	s15 =	sor.u32 $0x20, s16  }
0x419: {  	[tilespmem:s15+$0x0] =	vst.add.f32.msk $0xffff, v6  }
0x41a: {  	v5 =	vld [tilespmem:s29+$0x8830]  }
0x41b: {  	s17 =	sor.u32 $0x20, s2  }
0x41c: {  	[tilespmem:s17+$0x0] =	vst.add.f32.msk $0xffff, v4  }
0x41d: {  	v4 =	vld [tilespmem:s30+$0x8830]  }
0x41e: {  	s18 =	sor.u32 $0x30, s16  }
0x41f: {  	[tilespmem:s18+$0x0] =	vst.add.f32.msk $0xffff, v5  }
0x420: {  	v5 =	vld [tilespmem:s29+$0x8840]  }
0x421: {  	s20 =	sor.u32 $0x30, s2  }
0x422: {  	[tilespmem:s20+$0x0] =	vst.add.f32.msk $0xffff, v4  }
0x423: {  	v4 =	vld [tilespmem:s30+$0x8840]  }
0x424: {  	s14 =	sor.u32 $0x40, s16  }
0x425: {  	[tilespmem:s14+$0x0] =	vst.add.f32.msk $0xffff, v5  }
0x426: {  	v5 =	vld [tilespmem:s29+$0x8850]  }
0x427: {  	s15 =	sor.u32 $0x40, s2  }
0x428: {  	[tilespmem:s15+$0x0] =	vst.add.f32.msk $0xffff, v4  }
0x429: {  	v4 =	vld [tilespmem:s30+$0x8850]  }
0x42a: {  	s17 =	sor.u32 $0x50, s16  }
0x42b: {  	[tilespmem:s17+$0x0] =	vst.add.f32.msk $0xffff, v5  }
0x42c: {  	v5 =	vld [tilespmem:s29+$0x8860]  }
0x42d: {  	s18 =	sor.u32 $0x50, s2  }
0x42e: {  	[tilespmem:s18+$0x0] =	vst.add.f32.msk $0xffff, v4  }
0x42f: {  	v4 =	vld [tilespmem:s30+$0x8860]  }
0x430: {  	s20 =	sor.u32 $0x60, s16  }
0x431: {  	[tilespmem:s20+$0x0] =	vst.add.f32.msk $0xffff, v5  }
0x432: {  	v5 =	vld [tilespmem:s29+$0x8870]  }
0x433: {  	s14 =	sor.u32 $0x60, s2  }
0x434: {  	[tilespmem:s14+$0x0] =	vst.add.f32.msk $0xffff, v4  }
0x435: {  	v4 =	vld [tilespmem:s30+$0x8870]  }
0x436: {  	s15 =	sor.u32 $0x70, s16  }
0x437: {  	[tilespmem:s15+$0x0] =	vst.add.f32.msk $0xffff, v5  }
0x438: {  	v5 =	vld [tilespmem:s29+$0x8C00]  }
0x439: {  	s2 =	sor.u32 $0x70, s2;
	v6 =	vld [tilespmem:s29+$0x8C10]  }
0x43a: {  	[tilespmem:s2+$0x0] =	vst.add.f32.msk $0xffff, v4  }
0x43b: {  	v4 =	vld [tilespmem:s30+$0x8C00]  }
0x43c: {  	s2 =	sadd.s32 $0x14C00, s29;
	v7 =	vld [tilespmem:s30+$0x8C10]  }
0x43d: {  	[tilespmem:s29+$0x14C00] =	vst.add.f32.msk $0xffff, v5;
	s16 =	sor.u32 $0x10, s2  }
0x43e: {  	[tilespmem:s16+$0x0] =	vst.add.f32.msk $0xffff, v6  }
0x43f: {  	s13 =	sadd.s32 $0x14C00, s30;
	v5 =	vld [tilespmem:s29+$0x8C20]  }
0x440: {  	s14 =	sor.u32 $0x10, s13;
	[tilespmem:s30+$0x14C00] =	vst.add.f32.msk $0xffff, v4  }
0x441: {  	[tilespmem:s14+$0x0] =	vst.add.f32.msk $0xffff, v7  }
0x442: {  	v4 =	vld [tilespmem:s30+$0x8C20]  }
0x443: {  	s17 =	sor.u32 $0x20, s2  }
0x444: {  	[tilespmem:s17+$0x0] =	vst.add.f32.msk $0xffff, v5  }
0x445: {  	v5 =	vld [tilespmem:s29+$0x8C30]  }
0x446: {  	s18 =	sor.u32 $0x20, s13  }
0x447: {  	[tilespmem:s18+$0x0] =	vst.add.f32.msk $0xffff, v4  }
0x448: {  	v4 =	vld [tilespmem:s30+$0x8C30]  }
0x449: {  	s20 =	sor.u32 $0x30, s2  }
0x44a: {  	[tilespmem:s20+$0x0] =	vst.add.f32.msk $0xffff, v5  }
0x44b: {  	v5 =	vld [tilespmem:s29+$0x8C40]  }
0x44c: {  	s15 =	sor.u32 $0x30, s13  }
0x44d: {  	[tilespmem:s15+$0x0] =	vst.add.f32.msk $0xffff, v4  }
0x44e: {  	s16 =	sor.u32 $0x30, s31;
	v4 =	vld [tilespmem:s30+$0x8C40]  }
0x44f: {  	[tilespmem:s16+$0x0] =	vst.add.f32.msk $0xffff, v3;
	s17 =	sor.u32 $0x40, s2  }
0x450: {  	[tilespmem:s17+$0x0] =	vst.add.f32.msk $0xffff, v5  }
0x451: {  	v3 =	vld [tilespmem:s29+$0x8C50]  }
0x452: {  	s18 =	sor.u32 $0x40, s13;
	v5 =	vld [tilespmem:s28+$0x9040]  }
0x453: {  	[tilespmem:s18+$0x0] =	vst.add.f32.msk $0xffff, v4  }
0x454: {  	v4 =	vld [tilespmem:s30+$0x8C50]  }
0x455: {  	s20 =	sor.u32 $0x50, s2  }
0x456: {  	[tilespmem:s20+$0x0] =	vst.add.f32.msk $0xffff, v3  }
0x457: {  	s15 =	sor.u32 $0x40, s31;
	v3 =	vld [tilespmem:s29+$0x8C60]  }
0x458: {  	s16 =	sor.u32 $0x50, s13;
	[tilespmem:s15+$0x0] =	vst.add.f32.msk $0xffff, v5  }
0x459: {  	[tilespmem:s16+$0x0] =	vst.add.f32.msk $0xffff, v4  }
0x45a: {  	v4 =	vld [tilespmem:s30+$0x8C60]  }
0x45b: {  	s17 =	sor.u32 $0x60, s2;
	v5 =	vld [tilespmem:s28+$0x9050]  }
0x45c: {  	[tilespmem:s17+$0x0] =	vst.add.f32.msk $0xffff, v3  }
0x45d: {  	v3 =	vld [tilespmem:s29+$0x8C70]  }
0x45e: {  	s18 =	sor.u32 $0x60, s13  }
0x45f: {  	[tilespmem:s18+$0x0] =	vst.add.f32.msk $0xffff, v4  }
0x460: {  	s20 =	sor.u32 $0x50, s31;
	v4 =	vld [tilespmem:s30+$0x8C70]  }
0x461: {  	s2 =	sor.u32 $0x70, s2;
	[tilespmem:s20+$0x0] =	vst.add.f32.msk $0xffff, v5  }
0x462: {  	[tilespmem:s2+$0x0] =	vst.add.f32.msk $0xffff, v3  }
0x463: {  	v3 =	vld [tilespmem:s29+$0x9000]  }
0x464: {  	s14 =	sor.u32 $0x70, s13;
	v5 =	vld [tilespmem:s29+$0x9010]  }
0x465: {  	[tilespmem:s14+$0x0] =	vst.add.f32.msk $0xffff, v4  }
0x466: {  	v4 =	vld [tilespmem:s30+$0x9000]  }
0x467: {  	s13 =	sadd.s32 $0x15000, s29;
	v54 =	vld [tilespmem:s30+$0x9010]  }
0x468: {  	s15 =	sor.u32 $0x10, s13;
	[tilespmem:s29+$0x15000] =	vst.add.f32.msk $0xffff, v3  }
0x469: {  	[tilespmem:s15+$0x0] =	vst.add.f32.msk $0xffff, v5  }
0x46a: {  	s14 =	sadd.s32 $0x15000, s30;
	v3 =	vld [tilespmem:s29+$0x9020]  }
0x46b: {  	s16 =	sor.u32 $0x10, s14;
	[tilespmem:s30+$0x15000] =	vst.add.f32.msk $0xffff, v4  }
0x46c: {  	[tilespmem:s16+$0x0] =	vst.add.f32.msk $0xffff, v54  }
0x46d: {  	v4 =	vld [tilespmem:s30+$0x9020]  }
0x46e: {  	s17 =	sor.u32 $0x20, s13;
	v5 =	vld [tilespmem:s28+$0x9060]  }
0x46f: {  	[tilespmem:s17+$0x0] =	vst.add.f32.msk $0xffff, v3  }
0x470: {  	v3 =	vld [tilespmem:s29+$0x9030]  }
0x471: {  	s18 =	sor.u32 $0x20, s14  }
0x472: {  	[tilespmem:s18+$0x0] =	vst.add.f32.msk $0xffff, v4  }
0x473: {  	s20 =	sor.u32 $0x60, s31;
	v4 =	vld [tilespmem:s30+$0x9030]  }
0x474: {  	s15 =	sor.u32 $0x30, s13;
	[tilespmem:s20+$0x0] =	vst.add.f32.msk $0xffff, v5  }
0x475: {  	[tilespmem:s15+$0x0] =	vst.add.f32.msk $0xffff, v3  }
0x476: {  	v3 =	vld [tilespmem:s29+$0x9040]  }
0x477: {  	s16 =	sor.u32 $0x30, s14;
	v5 =	vld [tilespmem:s28+$0x9070]  }
0x478: {  	[tilespmem:s16+$0x0] =	vst.add.f32.msk $0xffff, v4  }
0x479: {  	v4 =	vld [tilespmem:s30+$0x9040]  }
0x47a: {  	s17 =	sor.u32 $0x40, s13  }
0x47b: {  	[tilespmem:s17+$0x0] =	vst.add.f32.msk $0xffff, v3  }
0x47c: {  	s18 =	sor.u32 $0x70, s31;
	v3 =	vld [tilespmem:s29+$0x9050]  }
0x47d: {  	s20 =	sor.u32 $0x40, s14;
	[tilespmem:s18+$0x0] =	vst.add.f32.msk $0xffff, v5  }
0x47e: {  	[tilespmem:s20+$0x0] =	vst.add.f32.msk $0xffff, v4  }
0x47f: {  	v4 =	vld [tilespmem:s30+$0x9050]  }
0x480: {  	s31 =	sor.u32 $0x50, s13;
	v5 =	vld [tilespmem:s28+$0x9400]  }
0x481: {  	[tilespmem:s31+$0x0] =	vst.add.f32.msk $0xffff, v3  }
0x482: {  	v3 =	vld [tilespmem:s29+$0x9060]  }
0x483: {  	s15 =	sor.u32 $0x50, s14;
	v55 =	vld [tilespmem:s28+$0x9410]  }
0x484: {  	[tilespmem:s15+$0x0] =	vst.add.f32.msk $0xffff, v4  }
0x485: {  	v4 =	vld [tilespmem:s30+$0x9060]  }
0x486: {  	[tilespmem:s28+$0x15400] =	vst.add.f32.msk $0xffff, v5;
	s15 =	sor.u32 $0x60, s13  }
0x487: {  	s2 =	sadd.s32 $0x15400, s28;
	[tilespmem:s15+$0x0] =	vst.add.f32.msk $0xffff, v3  }
0x488: {  	s16 =	sor.u32 $0x10, s2;
	v3 =	vld [tilespmem:s29+$0x9070]  }
0x489: {  	s17 =	sor.u32 $0x60, s14;
	[tilespmem:s16+$0x0] =	vst.add.f32.msk $0xffff, v55  }
0x48a: {  	[tilespmem:s17+$0x0] =	vst.add.f32.msk $0xffff, v4  }
0x48b: {  	v4 =	vld [tilespmem:s30+$0x9070]  }
0x48c: {  	v5 =	vld [tilespmem:s28+$0x9420];
	s13 =	sor.u32 $0x70, s13  }
0x48d: {  	[tilespmem:s13+$0x0] =	vst.add.f32.msk $0xffff, v3  }
0x48e: {  	v3 =	vld [tilespmem:s29+$0x9400]  }
0x48f: {  	s18 =	sor.u32 $0x70, s14;
	v56 =	vld [tilespmem:s29+$0x9410]  }
0x490: {  	[tilespmem:s18+$0x0] =	vst.add.f32.msk $0xffff, v4  }
0x491: {  	v4 =	vld [tilespmem:s30+$0x9400]  }
0x492: {  	s13 =	sadd.s32 $0x15400, s29;
	v7 =	vld [tilespmem:s30+$0x9410]  }
0x493: {  	s20 =	sor.u32 $0x10, s13;
	[tilespmem:s29+$0x15400] =	vst.add.f32.msk $0xffff, v3  }
0x494: {  	[tilespmem:s20+$0x0] =	vst.add.f32.msk $0xffff, v56  }
0x495: {  	s14 =	sadd.s32 $0x15400, s30;
	v3 =	vld [tilespmem:s29+$0x9420]  }
0x496: {  	s31 =	sor.u32 $0x10, s14;
	[tilespmem:s30+$0x15400] =	vst.add.f32.msk $0xffff, v4  }
0x497: {  	[tilespmem:s31+$0x0] =	vst.add.f32.msk $0xffff, v7  }
0x498: {  	s16 =	sor.u32 $0x20, s2;
	v4 =	vld [tilespmem:s30+$0x9420]  }
0x499: {  	[tilespmem:s16+$0x0] =	vst.add.f32.msk $0xffff, v5  }
0x49a: {  	v5 =	vld [tilespmem:s28+$0x9430];
	s17 =	sor.u32 $0x20, s13  }
0x49b: {  	[tilespmem:s17+$0x0] =	vst.add.f32.msk $0xffff, v3  }
0x49c: {  	s18 =	sor.u32 $0x20, s14;
	v3 =	vld [tilespmem:s29+$0x9430]  }
0x49d: {  	[tilespmem:s18+$0x0] =	vst.add.f32.msk $0xffff, v4  }
0x49e: {  	s20 =	sor.u32 $0x30, s2;
	v4 =	vld [tilespmem:s30+$0x9430]  }
0x49f: {  	[tilespmem:s20+$0x0] =	vst.add.f32.msk $0xffff, v5  }
0x4a0: {  	v5 =	vld [tilespmem:s28+$0x9440];
	s31 =	sor.u32 $0x30, s13  }
0x4a1: {  	[tilespmem:s31+$0x0] =	vst.add.f32.msk $0xffff, v3  }
0x4a2: {  	s16 =	sor.u32 $0x30, s14;
	v3 =	vld [tilespmem:s29+$0x9440]  }
0x4a3: {  	[tilespmem:s16+$0x0] =	vst.add.f32.msk $0xffff, v4  }
0x4a4: {  	s17 =	sor.u32 $0x40, s2;
	v4 =	vld [tilespmem:s30+$0x9440]  }
0x4a5: {  	[tilespmem:s17+$0x0] =	vst.add.f32.msk $0xffff, v5  }
0x4a6: {  	v5 =	vld [tilespmem:s28+$0x9450];
	s18 =	sor.u32 $0x40, s13  }
0x4a7: {  	[tilespmem:s18+$0x0] =	vst.add.f32.msk $0xffff, v3  }
0x4a8: {  	s20 =	sor.u32 $0x40, s14;
	v3 =	vld [tilespmem:s29+$0x9450]  }
0x4a9: {  	[tilespmem:s20+$0x0] =	vst.add.f32.msk $0xffff, v4  }
0x4aa: {  	s31 =	sor.u32 $0x50, s2;
	v4 =	vld [tilespmem:s30+$0x9450]  }
0x4ab: {  	[tilespmem:s31+$0x0] =	vst.add.f32.msk $0xffff, v5  }
0x4ac: {  	v5 =	vld [tilespmem:s28+$0x9460];
	s16 =	sor.u32 $0x50, s13  }
0x4ad: {  	[tilespmem:s16+$0x0] =	vst.add.f32.msk $0xffff, v3  }
0x4ae: {  	s17 =	sor.u32 $0x50, s14;
	v3 =	vld [tilespmem:s29+$0x9460]  }
0x4af: {  	[tilespmem:s17+$0x0] =	vst.add.f32.msk $0xffff, v4  }
0x4b0: {  	s18 =	sor.u32 $0x60, s2;
	v4 =	vld [tilespmem:s30+$0x9460]  }
0x4b1: {  	[tilespmem:s18+$0x0] =	vst.add.f32.msk $0xffff, v5  }
0x4b2: {  	v5 =	vld [tilespmem:s28+$0x9470];
	s20 =	sor.u32 $0x60, s13  }
0x4b3: {  	[tilespmem:s20+$0x0] =	vst.add.f32.msk $0xffff, v3  }
0x4b4: {  	s31 =	sor.u32 $0x60, s14;
	v3 =	vld [tilespmem:s29+$0x9470]  }
0x4b5: {  	[tilespmem:s31+$0x0] =	vst.add.f32.msk $0xffff, v4  }
0x4b6: {  	v4 =	vld [tilespmem:s30+$0x9470];
	_ =	sdelay $0x1  }
0x4b7: {  	s2 =	sor.u32 $0x70, s2  }
0x4b8: {  	s13 =	sor.u32 $0x70, s13;
	[tilespmem:s2+$0x0] =	vst.add.f32.msk $0xffff, v5  }
0x4b9: {  	s15 =	sor.u32 $0x70, s14;
	[tilespmem:s13+$0x0] =	vst.add.f32.msk $0xffff, v3  }
0x4ba: {  	s16 =	sadd.s32 s11, s12;
	s2 =	simm.s32 @!p0 $0x6;
	[tilespmem:s15+$0x0] =	vst.add.f32.msk $0xffff, v4  }
0x4bb: {  	[hbm4b:s16+s6] =	stream.linear.scatter [tilespmem:s26], [sflag:$0x7], $0x3000, $0x38;
	[tilespmem:$0x1A000] =	vst v63  }
0x4bc: {  	_ =	swait.ge @!p0 [sflag:s2], $0x3000  }
0x4bd: {  	[sflag:s2] =	ssyncset.done @!p0 $0x0  }
0x4be: {  	[sflag:s2] =	ssyncadd.s32 @!p0 $0xFFFFD000  }
0x4bf: {  	v3 =	vld @!p0 [tilespmem:s10+$0x50];
	_ =	sdelay $0x4  }
0x4c0: {  	v4 =	vshrl.u32 @!p0 v3, $0x3  }
0x4c1: {  	v4 =	vmul.u32 @!p0 $0x30, v4  }
0x4c2: {  	v5 =	vlaneseq.u32 @!p0;
	v3 =	vand.u32 @!p0 $0x7, v3  }
0x4c3: {  	v6 =	vshrl.u32 @!p0 v5, $0x3;
	v3 =	vor.u32 @!p0 v3, v4;
	v4 =	vand.u32 @!p0 $0x7, v5  }
0x4c4: {  	v6 =	vmul.u32 @!p0 $0x8, v6;
	v4 =	vperm.xlane @!p0 v3, v4;
	_ =	sdelay $0x1  }
0x4c5: {  	v4 =	vadd.s32 @!p0 v6, v4;
	_ =	sdelay $0x2  }
0x4c6: {  	v5 =	vor.u32 @!p0 $0x8, v5  }
0x4c7: {  	s2 =	simm.s32 @!p0 $0x0;
	s10 =	simm.s32 @!p0 $0x11000;
	v3 =	vperm.xlane @!p0 v3, v5  }
0x4c8: {  	[tilespmem:s10], [sflag:$0x2] =	stream.indirect_vreg.gather @!p0 [hbm4b:s1+s2], $0x80, v4, vm1, $0xb8;
	[tilespmem:$0x1A000] =	vst v63  }
0x4c9: {  	v3 =	vadd.s32 @!p0 v6, v3;
	s10 =	simm.s32 @!p0 $0x11800  }
0x4ca: {  	[tilespmem:s10], [sflag:$0x2] =	stream.indirect_vreg.gather @!p0 [hbm4b:s8+s2], $0x80, v4, vm1, $0xb8;
	[tilespmem:$0x1A000] =	vst v63  }
0x4cb: {  	s10 =	simm.s32 @!p0 $0x12000  }
0x4cc: {  	[tilespmem:s10], [sflag:$0x2] =	stream.indirect_vreg.gather @!p0 [hbm4b:s9+s2], $0x80, v4, vm1, $0xb8;
	[tilespmem:$0x1A000] =	vst v63  }
0x4cd: {  	s10 =	simm.s32 @!p0 $0x12800  }
0x4ce: {  	[tilespmem:s10], [sflag:$0x2] =	stream.indirect_vreg.gather @!p0 [hbm4b:s1+s2], $0x80, v3, vm1, $0xb8;
	[tilespmem:$0x1A000] =	vst v63  }
0x4cf: {  	s10 =	simm.s32 @!p0 $0x13000  }
0x4d0: {  	[tilespmem:s10], [sflag:$0x2] =	stream.indirect_vreg.gather @!p0 [hbm4b:s8+s2], $0x80, v3, vm1, $0xb8;
	[tilespmem:$0x1A000] =	vst v63  }
0x4d1: {  	s17 =	simm.s32 $0x0;
	s10 =	simm.s32 @!p0 $0x13800  }
0x4d2: {  	[tilespmem:s10], [sflag:$0x2] =	stream.indirect_vreg.gather @!p0 [hbm4b:s9+s2], $0x80, v3, vm1, $0xb8;
	[tilespmem:$0x1A000] =	vst v63  }
0x4d3: {  	s28 =	simm.s32 $0x0;
	s12 =	smul.u32 $0x1800, s17;
	_ =	swait.ge [sflag:s22], $0x3000  }
0x4d4: {  	s18 =	sand.u32 $0x380, s28;
	[sflag:s22] =	ssyncset.done $0x0  }
0x4d5: {  	s10 =	sor.u32 s18, s12;
	[sflag:s22] =	ssyncadd.s32 $0xFFFFD000  }
0x4d6: {  	v3 =	vld [tilespmem:s10+$0xB000]  }
0x4d7: {  	v4 =	vld [tilespmem:s10+$0xB010]  }
0x4d8: {  	v5 =	vld [tilespmem:s10+$0xB020]  }
0x4d9: {  	v57 =	vld [tilespmem:s10+$0xB030]  }
0x4da: {  	v58 =	vld [tilespmem:s10+$0xB040]  }
0x4db: {  	v8 =	vld [tilespmem:s10+$0xB050]  }
0x4dc: {  	v9 =	vld [tilespmem:s10+$0xB060]  }
0x4dd: {  	v10 =	vld [tilespmem:s10+$0xB070]  }
0x4de: {  	v11 =	vld [tilespmem:s10+$0xB400]  }
0x4df: {  	v12 =	vld [tilespmem:s10+$0xB410]  }
0x4e0: {  	v13 =	vld [tilespmem:s10+$0xB420]  }
0x4e1: {  	v14 =	vld [tilespmem:s10+$0xB430]  }
0x4e2: {  	v15 =	vld [tilespmem:s10+$0xB440]  }
0x4e3: {  	v16 =	vld [tilespmem:s10+$0xB450]  }
0x4e4: {  	v17 =	vld [tilespmem:s10+$0xB460]  }
0x4e5: {  	v18 =	vld [tilespmem:s10+$0xB470]  }
0x4e6: {  	v19 =	vld [tilespmem:s10+$0xB800]  }
0x4e7: {  	v20 =	vld [tilespmem:s10+$0xB810]  }
0x4e8: {  	[tilespmem:s10+$0x17000] =	vst.add.f32.msk $0xffff, v3  }
0x4e9: {  	[tilespmem:s10+$0x17010] =	vst.add.f32.msk $0xffff, v4  }
0x4ea: {  	[tilespmem:s10+$0x17020] =	vst.add.f32.msk $0xffff, v5  }
0x4eb: {  	[tilespmem:s10+$0x17030] =	vst.add.f32.msk $0xffff, v57  }
0x4ec: {  	[tilespmem:s10+$0x17040] =	vst.add.f32.msk $0xffff, v58  }
0x4ed: {  	[tilespmem:s10+$0x17050] =	vst.add.f32.msk $0xffff, v8  }
0x4ee: {  	[tilespmem:s10+$0x17060] =	vst.add.f32.msk $0xffff, v9  }
0x4ef: {  	[tilespmem:s10+$0x17070] =	vst.add.f32.msk $0xffff, v10  }
0x4f0: {  	[tilespmem:s10+$0x17400] =	vst.add.f32.msk $0xffff, v11  }
0x4f1: {  	[tilespmem:s10+$0x17410] =	vst.add.f32.msk $0xffff, v12  }
0x4f2: {  	[tilespmem:s10+$0x17420] =	vst.add.f32.msk $0xffff, v13  }
0x4f3: {  	[tilespmem:s10+$0x17430] =	vst.add.f32.msk $0xffff, v14  }
0x4f4: {  	[tilespmem:s10+$0x17440] =	vst.add.f32.msk $0xffff, v15  }
0x4f5: {  	[tilespmem:s10+$0x17450] =	vst.add.f32.msk $0xffff, v16  }
0x4f6: {  	[tilespmem:s10+$0x17460] =	vst.add.f32.msk $0xffff, v17  }
0x4f7: {  	s2 =	sadd.s32 $0x17800, s10;
	[tilespmem:s10+$0x17470] =	vst.add.f32.msk $0xffff, v18  }
0x4f8: {  	s20 =	sor.u32 $0x10, s2;
	[tilespmem:s10+$0x17800] =	vst.add.f32.msk $0xffff, v19  }
0x4f9: {  	[tilespmem:s20+$0x0] =	vst.add.f32.msk $0xffff, v20  }
0x4fa: {  	v3 =	vld [tilespmem:s10+$0xB820];
	_ =	sdelay $0x3  }
0x4fb: {  	s31 =	sor.u32 $0x20, s2  }
0x4fc: {  	[tilespmem:s31+$0x0] =	vst.add.f32.msk $0xffff, v3  }
0x4fd: {  	v3 =	vld [tilespmem:s10+$0xB830];
	_ =	sdelay $0x3  }
0x4fe: {  	s14 =	sor.u32 $0x30, s2  }
0x4ff: {  	[tilespmem:s14+$0x0] =	vst.add.f32.msk $0xffff, v3  }
0x500: {  	v3 =	vld [tilespmem:s10+$0xB840];
	_ =	sdelay $0x3  }
0x501: {  	s15 =	sor.u32 $0x40, s2  }
0x502: {  	[tilespmem:s15+$0x0] =	vst.add.f32.msk $0xffff, v3  }
0x503: {  	v3 =	vld [tilespmem:s10+$0xB850];
	_ =	sdelay $0x3  }
0x504: {  	s16 =	sor.u32 $0x50, s2  }
0x505: {  	[tilespmem:s16+$0x0] =	vst.add.f32.msk $0xffff, v3  }
0x506: {  	v3 =	vld [tilespmem:s10+$0xB860];
	_ =	sdelay $0x3  }
0x507: {  	s17 =	sor.u32 $0x60, s2  }
0x508: {  	[tilespmem:s17+$0x0] =	vst.add.f32.msk $0xffff, v3  }
0x509: {  	v3 =	vld [tilespmem:s10+$0xB870];
	_ =	sdelay $0x3  }
0x50a: {  	s18 =	simm.s32 $0x0;
	s2 =	sor.u32 $0x70, s2  }
0x50b: {  	s13 =	simm.s32 $0x80;
	s30 =	smul.u32 $0x1800, s18;
	[tilespmem:s2+$0x0] =	vst.add.f32.msk $0xffff, v3  }
0x50c: {  	s20 =	sand.u32 $0x380, s13;
	v3 =	vld [tilespmem:s10+$0xBC00]  }
0x50d: {  	s29 =	sor.u32 s20, s30;
	v4 =	vld [tilespmem:s10+$0xBC10]  }
0x50e: {  	v5 =	vld [tilespmem:s29+$0xB000]  }
0x50f: {  	v59 =	vld [tilespmem:s29+$0xB010]  }
0x510: {  	v60 =	vld [tilespmem:s29+$0xB020];
	s2 =	sadd.s32 $0x17C00, s10  }
0x511: {  	s31 =	sor.u32 $0x10, s2;
	[tilespmem:s10+$0x17C00] =	vst.add.f32.msk $0xffff, v3  }
0x512: {  	[tilespmem:s31+$0x0] =	vst.add.f32.msk $0xffff, v4  }
0x513: {  	v3 =	vld [tilespmem:s10+$0xBC20]  }
0x514: {  	v8 =	vld [tilespmem:s29+$0xB040]  }
0x515: {  	v10 =	vld [tilespmem:s29+$0xB050]  }
0x516: {  	v12 =	vld [tilespmem:s29+$0xB060]  }
0x517: {  	v14 =	vld [tilespmem:s29+$0xB070];
	s15 =	sor.u32 $0x20, s2  }
0x518: {  	[tilespmem:s15+$0x0] =	vst.add.f32.msk $0xffff, v3  }
0x519: {  	v3 =	vld [tilespmem:s10+$0xBC30]  }
0x51a: {  	v16 =	vld [tilespmem:s29+$0xB400]  }
0x51b: {  	v17 =	vld [tilespmem:s29+$0xB410]  }
0x51c: {  	v61 =	vld [tilespmem:s29+$0xB420]  }
0x51d: {  	v62 =	vld [tilespmem:s29+$0xB430];
	s16 =	sor.u32 $0x30, s2  }
0x51e: {  	[tilespmem:s16+$0x0] =	vst.add.f32.msk $0xffff, v3  }
0x51f: {  	v3 =	vld [tilespmem:s10+$0xBC40]  }
0x520: {  	v63 =	vld [tilespmem:s29+$0xB440]  }
0x521: {  	v21 =	vld [tilespmem:s29+$0xB450]  }
0x522: {  	v9 =	vld [tilespmem:s29+$0xB460]  }
0x523: {  	v15 =	vld [tilespmem:s29+$0xB470];
	s17 =	sor.u32 $0x40, s2  }
0x524: {  	[tilespmem:s17+$0x0] =	vst.add.f32.msk $0xffff, v3  }
0x525: {  	v3 =	vld [tilespmem:s10+$0xBC50]  }
0x526: {  	v11 =	vld [tilespmem:s29+$0xB800]  }
0x527: {  	v13 =	vld [tilespmem:s29+$0xB810]  }
0x528: {  	[tilespmem:s29+$0x17000] =	vst.add.f32.msk $0xffff, v5  }
0x529: {  	[tilespmem:s29+$0x17010] =	vst.add.f32.msk $0xffff, v59;
	s18 =	sor.u32 $0x50, s2  }
0x52a: {  	[tilespmem:s18+$0x0] =	vst.add.f32.msk $0xffff, v3  }
0x52b: {  	v3 =	vld [tilespmem:s10+$0xBC60]  }
0x52c: {  	[tilespmem:s29+$0x17020] =	vst.add.f32.msk $0xffff, v60  }
0x52d: {  	[tilespmem:s29+$0x17040] =	vst.add.f32.msk $0xffff, v8  }
0x52e: {  	[tilespmem:s29+$0x17050] =	vst.add.f32.msk $0xffff, v10  }
0x52f: {  	s20 =	sor.u32 $0x60, s2;
	v4 =	vld [tilespmem:s29+$0xB030]  }
0x530: {  	[tilespmem:s20+$0x0] =	vst.add.f32.msk $0xffff, v3  }
0x531: {  	v3 =	vld [tilespmem:s10+$0xBC70]  }
0x532: {  	[tilespmem:s29+$0x17060] =	vst.add.f32.msk $0xffff, v12  }
0x533: {  	[tilespmem:s29+$0x17070] =	vst.add.f32.msk $0xffff, v14  }
0x534: {  	[tilespmem:s29+$0x17400] =	vst.add.f32.msk $0xffff, v16  }
0x535: {  	s2 =	sor.u32 $0x70, s2;
	[tilespmem:s29+$0x17030] =	vst.add.f32.msk $0xffff, v4  }
0x536: {  	[tilespmem:s2+$0x0] =	vst.add.f32.msk $0xffff, v3  }
0x537: {  	v3 =	vld [tilespmem:s10+$0xC000]  }
0x538: {  	v4 =	vld [tilespmem:s10+$0xC010]  }
0x539: {  	[tilespmem:s29+$0x17410] =	vst.add.f32.msk $0xffff, v17  }
0x53a: {  	[tilespmem:s29+$0x17420] =	vst.add.f32.msk $0xffff, v61  }
0x53b: {  	[tilespmem:s29+$0x17430] =	vst.add.f32.msk $0xffff, v62;
	s16 =	sadd.s32 $0x18000, s10  }
0x53c: {  	s31 =	sor.u32 $0x10, s16;
	[tilespmem:s10+$0x18000] =	vst.add.f32.msk $0xffff, v3  }
0x53d: {  	[tilespmem:s31+$0x0] =	vst.add.f32.msk $0xffff, v4  }
0x53e: {  	v3 =	vld [tilespmem:s10+$0xC020]  }
0x53f: {  	[tilespmem:s29+$0x17440] =	vst.add.f32.msk $0xffff, v63  }
0x540: {  	[tilespmem:s29+$0x17450] =	vst.add.f32.msk $0xffff, v21;
	s15 =	simm.s32 $0x2;
	s2 =	simm.s32 $0x80  }
.LBB2_9:
0x541: {  	p1 =	sne.s32 s15, $0xF;
	[tilespmem:s29+$0x17460] =	vst.add.f32.msk $0xffff, v9  }
0x542: {  	s14 =	sor.u32 $0x20, s16;
	[tilespmem:s29+$0x17470] =	vst.add.f32.msk $0xffff, v15  }
0x543: {  	[tilespmem:s14+$0x0] =	vst.add.f32.msk $0xffff, v3  }
0x544: {  	s17 =	sadd.s32 $0x17800, s29;
	s14 =	sshrl.u32 s15, $0x3;
	v3 =	vld [tilespmem:s10+$0xC030]  }
0x545: {  	s13 =	sadd.s32 $0x80, s13;
	s18 =	sor.u32 $0x10, s17;
	s14 =	smul.u32 $0x1800, s14;
	[tilespmem:s29+$0x17800] =	vst.add.f32.msk $0xffff, v11  }
0x546: {  	s20 =	sand.u32 $0x380, s13;
	[tilespmem:s18+$0x0] =	vst.add.f32.msk $0xffff, v13  }
0x547: {  	s18 =	sor.u32 s20, s14;
	v4 =	vld [tilespmem:s29+$0xB820]  }
0x548: {  	s20 =	sor.u32 $0x30, s16;
	v6 =	vld [tilespmem:s18+$0xB000]  }
0x549: {  	[tilespmem:s20+$0x0] =	vst.add.f32.msk $0xffff, v3  }
0x54a: {  	v5 =	vld [tilespmem:s10+$0xC040]  }
0x54b: {  	s20 =	sor.u32 $0x20, s17;
	v3 =	vld [tilespmem:s18+$0xB010]  }
0x54c: {  	[tilespmem:s20+$0x0] =	vst.add.f32.msk $0xffff, v4  }
0x54d: {  	v8 =	vld [tilespmem:s29+$0xB830]  }
0x54e: {  	s20 =	sor.u32 $0x40, s16;
	v7 =	vld [tilespmem:s18+$0xB020]  }
0x54f: {  	[tilespmem:s20+$0x0] =	vst.add.f32.msk $0xffff, v5  }
0x550: {  	v5 =	vld [tilespmem:s10+$0xC050]  }
0x551: {  	s20 =	sor.u32 $0x30, s17;
	v4 =	vld [tilespmem:s18+$0xB030]  }
0x552: {  	[tilespmem:s20+$0x0] =	vst.add.f32.msk $0xffff, v8  }
0x553: {  	v9 =	vld [tilespmem:s29+$0xB840]  }
0x554: {  	s20 =	sor.u32 $0x50, s16;
	v8 =	vld [tilespmem:s18+$0xB040]  }
0x555: {  	[tilespmem:s20+$0x0] =	vst.add.f32.msk $0xffff, v5  }
0x556: {  	v11 =	vld [tilespmem:s10+$0xC060]  }
0x557: {  	s20 =	sor.u32 $0x40, s17;
	v5 =	vld [tilespmem:s18+$0xB050]  }
0x558: {  	[tilespmem:s20+$0x0] =	vst.add.f32.msk $0xffff, v9  }
0x559: {  	v9 =	vld [tilespmem:s29+$0xB850]  }
0x55a: {  	s20 =	sor.u32 $0x60, s16;
	v10 =	vld [tilespmem:s18+$0xB060]  }
0x55b: {  	[tilespmem:s20+$0x0] =	vst.add.f32.msk $0xffff, v11  }
0x55c: {  	v11 =	vld [tilespmem:s10+$0xC070]  }
0x55d: {  	s20 =	sor.u32 $0x50, s17;
	v12 =	vld [tilespmem:s18+$0xB070]  }
0x55e: {  	[tilespmem:s20+$0x0] =	vst.add.f32.msk $0xffff, v9  }
0x55f: {  	v9 =	vld [tilespmem:s29+$0xB860]  }
0x560: {  	s16 =	sor.u32 $0x70, s16;
	s20 =	sor.u32 s12, s28;
	s12 =	smov.u32 s30;
	v14 =	vld [tilespmem:s18+$0xB400]  }
0x561: {  	s30 =	smov.u32 s14;
	s28 =	smov.u32 s2;
	[tilespmem:s16+$0x0] =	vst.add.f32.msk $0xffff, v11;
	s16 =	sor.u32 $0xA400, s20  }
0x562: {  	s2 =	smov.u32 s13;
	v11 =	vld [tilespmem:s16+$0x2000]  }
0x563: {  	s14 =	sor.u32 $0x60, s17;
	v16 =	vld [tilespmem:s18+$0xB410]  }
0x564: {  	[tilespmem:s14+$0x0] =	vst.add.f32.msk $0xffff, v9  }
0x565: {  	v9 =	vld [tilespmem:s29+$0xB870]  }
0x566: {  	v17 =	vld [tilespmem:s18+$0xB420]  }
0x567: {  	[tilespmem:s10+$0x18400] =	vst.add.f32.msk $0xffff, v11  }
0x568: {  	v11 =	vld [tilespmem:s16+$0x2010]  }
0x569: {  	s14 =	sor.u32 $0x70, s17;
	v18 =	vld [tilespmem:s18+$0xB430]  }
0x56a: {  	[tilespmem:s14+$0x0] =	vst.add.f32.msk $0xffff, v9  }
0x56b: {  	s17 =	sadd.s32 $0x18400, s10;
	s10 =	smov.u32 s29;
	v9 =	vld [tilespmem:s29+$0xBC00];
	s29 =	smov.u32 s18  }
0x56c: {  	s14 =	sor.u32 $0x10, s17;
	v13 =	vld [tilespmem:s10+$0xBC10]  }
0x56d: {  	[tilespmem:s14+$0x0] =	vst.add.f32.msk $0xffff, v11  }
0x56e: {  	v11 =	vld [tilespmem:s16+$0x2020]  }
0x56f: {  	s18 =	sadd.s32 $0x17C00, s10;
	v19 =	vld [tilespmem:s29+$0xB440]  }
0x570: {  	s14 =	sor.u32 $0x10, s18;
	[tilespmem:s10+$0x17C00] =	vst.add.f32.msk $0xffff, v9  }
0x571: {  	[tilespmem:s14+$0x0] =	vst.add.f32.msk $0xffff, v13  }
0x572: {  	s14 =	sor.u32 $0x20, s17;
	v13 =	vld [tilespmem:s10+$0xBC20]  }
0x573: {  	[tilespmem:s14+$0x0] =	vst.add.f32.msk $0xffff, v11  }
0x574: {  	v11 =	vld [tilespmem:s16+$0x2030]  }
0x575: {  	v20 =	vld [tilespmem:s29+$0xB450]  }
0x576: {  	s14 =	sor.u32 $0x20, s18;
	v9 =	vld [tilespmem:s29+$0xB460]  }
0x577: {  	[tilespmem:s14+$0x0] =	vst.add.f32.msk $0xffff, v13  }
0x578: {  	s14 =	sor.u32 $0x30, s17;
	v13 =	vld [tilespmem:s10+$0xBC30]  }
0x579: {  	[tilespmem:s14+$0x0] =	vst.add.f32.msk $0xffff, v11  }
0x57a: {  	v21 =	vld [tilespmem:s16+$0x2040]  }
0x57b: {  	v15 =	vld [tilespmem:s29+$0xB470]  }
0x57c: {  	s14 =	sor.u32 $0x30, s18;
	v11 =	vld [tilespmem:s29+$0xB800]  }
0x57d: {  	[tilespmem:s14+$0x0] =	vst.add.f32.msk $0xffff, v13  }
0x57e: {  	s14 =	sor.u32 $0x40, s17;
	v22 =	vld [tilespmem:s10+$0xBC40]  }
0x57f: {  	[tilespmem:s14+$0x0] =	vst.add.f32.msk $0xffff, v21  }
0x580: {  	v21 =	vld [tilespmem:s16+$0x2050]  }
0x581: {  	v13 =	vld [tilespmem:s29+$0xB810]  }
0x582: {  	s14 =	sor.u32 $0x40, s18;
	[tilespmem:s29+$0x17000] =	vst.add.f32.msk $0xffff, v6  }
0x583: {  	[tilespmem:s14+$0x0] =	vst.add.f32.msk $0xffff, v22  }
0x584: {  	s14 =	sor.u32 $0x50, s17;
	v6 =	vld [tilespmem:s10+$0xBC50]  }
0x585: {  	[tilespmem:s14+$0x0] =	vst.add.f32.msk $0xffff, v21  }
0x586: {  	v21 =	vld [tilespmem:s16+$0x2060]  }
0x587: {  	[tilespmem:s29+$0x17010] =	vst.add.f32.msk $0xffff, v3  }
0x588: {  	s14 =	sor.u32 $0x50, s18;
	[tilespmem:s29+$0x17020] =	vst.add.f32.msk $0xffff, v7  }
0x589: {  	[tilespmem:s14+$0x0] =	vst.add.f32.msk $0xffff, v6  }
0x58a: {  	s14 =	sor.u32 $0x60, s17;
	v3 =	vld [tilespmem:s10+$0xBC60]  }
0x58b: {  	[tilespmem:s14+$0x0] =	vst.add.f32.msk $0xffff, v21  }
0x58c: {  	v6 =	vld [tilespmem:s16+$0x2070]  }
0x58d: {  	[tilespmem:s29+$0x17030] =	vst.add.f32.msk $0xffff, v4  }
0x58e: {  	s14 =	sor.u32 $0x60, s18;
	[tilespmem:s29+$0x17040] =	vst.add.f32.msk $0xffff, v8  }
0x58f: {  	[tilespmem:s14+$0x0] =	vst.add.f32.msk $0xffff, v3  }
0x590: {  	s14 =	sor.u32 $0x70, s17;
	v3 =	vld [tilespmem:s10+$0xBC70]  }
0x591: {  	[tilespmem:s14+$0x0] =	vst.add.f32.msk $0xffff, v6  }
0x592: {  	[tilespmem:s29+$0x17050] =	vst.add.f32.msk $0xffff, v5  }
0x593: {  	[tilespmem:s29+$0x17060] =	vst.add.f32.msk $0xffff, v10  }
0x594: {  	[tilespmem:s29+$0x17070] =	vst.add.f32.msk $0xffff, v12  }
0x595: {  	s14 =	sor.u32 $0x70, s18;
	[tilespmem:s29+$0x17400] =	vst.add.f32.msk $0xffff, v14  }
0x596: {  	[tilespmem:s14+$0x0] =	vst.add.f32.msk $0xffff, v3  }
0x597: {  	v3 =	vld [tilespmem:s10+$0xC000]  }
0x598: {  	v4 =	vld [tilespmem:s10+$0xC010]  }
0x599: {  	[tilespmem:s29+$0x17410] =	vst.add.f32.msk $0xffff, v16  }
0x59a: {  	[tilespmem:s29+$0x17420] =	vst.add.f32.msk $0xffff, v17  }
0x59b: {  	s16 =	sadd.s32 $0x18000, s10;
	[tilespmem:s29+$0x17430] =	vst.add.f32.msk $0xffff, v18  }
.Ltmp5:
0x59c: {  	s14 =	sor.u32 $0x10, s16;
	[tilespmem:s10+$0x18000] =	vst.add.f32.msk $0xffff, v3;
	(pc) =	sbr.rel @p1 .LBB2_9-.Ltmp5, $4  }
0x59d: {  	[tilespmem:s14+$0x0] =	vst.add.f32.msk $0xffff, v4  }
0x59e: {  	v3 =	vld [tilespmem:s10+$0xC020]  }
0x59f: {  	[tilespmem:s29+$0x17440] =	vst.add.f32.msk $0xffff, v19  }
0x5a0: {  	s15 =	sadd.s32 $0x1, s15;
	[tilespmem:s29+$0x17450] =	vst.add.f32.msk $0xffff, v20  }
0x5a1: {  	[tilespmem:s29+$0x17460] =	vst.add.f32.msk $0xffff, v9  }
0x5a2: {  	[tilespmem:s29+$0x17470] =	vst.add.f32.msk $0xffff, v15;
	s13 =	sadd.s32 $0x17800, s29  }
0x5a3: {  	[tilespmem:s29+$0x17800] =	vst.add.f32.msk $0xffff, v11;
	s14 =	sor.u32 $0x10, s13  }
0x5a4: {  	[tilespmem:s14+$0x0] =	vst.add.f32.msk $0xffff, v13  }
0x5a5: {  	v4 =	vld [tilespmem:s29+$0xB820];
	_ =	sdelay $0x3  }
0x5a6: {  	s31 =	sor.u32 $0x20, s13  }
0x5a7: {  	[tilespmem:s31+$0x0] =	vst.add.f32.msk $0xffff, v4  }
0x5a8: {  	v4 =	vld [tilespmem:s29+$0xB830];
	_ =	sdelay $0x3  }
0x5a9: {  	s15 =	sor.u32 $0x30, s13  }
0x5aa: {  	[tilespmem:s15+$0x0] =	vst.add.f32.msk $0xffff, v4  }
0x5ab: {  	v4 =	vld [tilespmem:s29+$0xB840];
	_ =	sdelay $0x3  }
0x5ac: {  	s17 =	sor.u32 $0x40, s13  }
0x5ad: {  	[tilespmem:s17+$0x0] =	vst.add.f32.msk $0xffff, v4  }
0x5ae: {  	v4 =	vld [tilespmem:s29+$0xB850];
	_ =	sdelay $0x3  }
0x5af: {  	s18 =	sor.u32 $0x50, s13  }
0x5b0: {  	[tilespmem:s18+$0x0] =	vst.add.f32.msk $0xffff, v4  }
0x5b1: {  	v4 =	vld [tilespmem:s29+$0xB860];
	_ =	sdelay $0x3  }
0x5b2: {  	s20 =	sor.u32 $0x60, s13  }
0x5b3: {  	[tilespmem:s20+$0x0] =	vst.add.f32.msk $0xffff, v4  }
0x5b4: {  	v4 =	vld [tilespmem:s29+$0xB870];
	_ =	sdelay $0x3  }
0x5b5: {  	s13 =	sor.u32 $0x70, s13  }
0x5b6: {  	[tilespmem:s13+$0x0] =	vst.add.f32.msk $0xffff, v4  }
0x5b7: {  	v4 =	vld [tilespmem:s29+$0xBC00]  }
0x5b8: {  	v5 =	vld [tilespmem:s29+$0xBC10];
	_ =	sdelay $0x2  }
0x5b9: {  	s13 =	sadd.s32 $0x17C00, s29  }
0x5ba: {  	s31 =	sor.u32 $0x10, s13;
	[tilespmem:s29+$0x17C00] =	vst.add.f32.msk $0xffff, v4  }
0x5bb: {  	[tilespmem:s31+$0x0] =	vst.add.f32.msk $0xffff, v5  }
0x5bc: {  	v62 =	vld [tilespmem:s29+$0xBC20];
	_ =	sdelay $0x3  }
0x5bd: {  	s15 =	sor.u32 $0x20, s13  }
0x5be: {  	[tilespmem:s15+$0x0] =	vst.add.f32.msk $0xffff, v62  }
0x5bf: {  	v4 =	vld [tilespmem:s29+$0xBC30];
	_ =	sdelay $0x3  }
0x5c0: {  	s17 =	sor.u32 $0x30, s13  }
0x5c1: {  	[tilespmem:s17+$0x0] =	vst.add.f32.msk $0xffff, v4  }
0x5c2: {  	v4 =	vld [tilespmem:s29+$0xBC40];
	_ =	sdelay $0x3  }
0x5c3: {  	s18 =	sor.u32 $0x40, s13  }
0x5c4: {  	[tilespmem:s18+$0x0] =	vst.add.f32.msk $0xffff, v4  }
0x5c5: {  	v4 =	vld [tilespmem:s29+$0xBC50];
	_ =	sdelay $0x3  }
0x5c6: {  	s20 =	sor.u32 $0x50, s13  }
0x5c7: {  	[tilespmem:s20+$0x0] =	vst.add.f32.msk $0xffff, v4  }
0x5c8: {  	v4 =	vld [tilespmem:s29+$0xBC60];
	_ =	sdelay $0x3  }
0x5c9: {  	s31 =	sor.u32 $0x60, s13  }
0x5ca: {  	[tilespmem:s31+$0x0] =	vst.add.f32.msk $0xffff, v4  }
0x5cb: {  	v4 =	vld [tilespmem:s29+$0xBC70];
	_ =	sdelay $0x3  }
0x5cc: {  	s13 =	sor.u32 $0x70, s13  }
0x5cd: {  	[tilespmem:s13+$0x0] =	vst.add.f32.msk $0xffff, v4  }
0x5ce: {  	v4 =	vld [tilespmem:s29+$0xC000]  }
0x5cf: {  	v5 =	vld [tilespmem:s29+$0xC010];
	_ =	sdelay $0x2  }
0x5d0: {  	s13 =	sadd.s32 $0x18000, s29  }
0x5d1: {  	s15 =	sor.u32 $0x10, s13;
	[tilespmem:s29+$0x18000] =	vst.add.f32.msk $0xffff, v4  }
0x5d2: {  	[tilespmem:s15+$0x0] =	vst.add.f32.msk $0xffff, v5  }
0x5d3: {  	v63 =	vld [tilespmem:s29+$0xC020];
	_ =	sdelay $0x1  }
0x5d4: {  	s17 =	sor.u32 $0x20, s16  }
0x5d5: {  	[tilespmem:s17+$0x0] =	vst.add.f32.msk $0xffff, v3  }
0x5d6: {  	v3 =	vld [tilespmem:s10+$0xC030];
	s18 =	sor.u32 $0x20, s13  }
0x5d7: {  	[tilespmem:s18+$0x0] =	vst.add.f32.msk $0xffff, v63  }
0x5d8: {  	v4 =	vld [tilespmem:s29+$0xC030];
	_ =	sdelay $0x1  }
0x5d9: {  	s20 =	sor.u32 $0x30, s16  }
0x5da: {  	[tilespmem:s20+$0x0] =	vst.add.f32.msk $0xffff, v3  }
0x5db: {  	v3 =	vld [tilespmem:s10+$0xC040];
	s31 =	sor.u32 $0x30, s13  }
0x5dc: {  	[tilespmem:s31+$0x0] =	vst.add.f32.msk $0xffff, v4  }
0x5dd: {  	v4 =	vld [tilespmem:s29+$0xC040];
	_ =	sdelay $0x1  }
0x5de: {  	s15 =	sor.u32 $0x40, s16  }
0x5df: {  	[tilespmem:s15+$0x0] =	vst.add.f32.msk $0xffff, v3  }
0x5e0: {  	s17 =	sor.u32 $0x40, s13;
	v3 =	vld [tilespmem:s10+$0xC050]  }
0x5e1: {  	[tilespmem:s17+$0x0] =	vst.add.f32.msk $0xffff, v4  }
0x5e2: {  	v4 =	vld [tilespmem:s29+$0xC050];
	_ =	sdelay $0x1  }
0x5e3: {  	s18 =	sor.u32 $0x50, s16  }
0x5e4: {  	[tilespmem:s18+$0x0] =	vst.add.f32.msk $0xffff, v3  }
0x5e5: {  	s20 =	sor.u32 $0x50, s13;
	v3 =	vld [tilespmem:s10+$0xC060]  }
0x5e6: {  	[tilespmem:s20+$0x0] =	vst.add.f32.msk $0xffff, v4  }
0x5e7: {  	v4 =	vld [tilespmem:s29+$0xC060];
	_ =	sdelay $0x1  }
0x5e8: {  	s31 =	sor.u32 $0x60, s16  }
0x5e9: {  	[tilespmem:s31+$0x0] =	vst.add.f32.msk $0xffff, v3  }
0x5ea: {  	s15 =	sor.u32 $0x60, s13;
	v3 =	vld [tilespmem:s10+$0xC070]  }
0x5eb: {  	[tilespmem:s15+$0x0] =	vst.add.f32.msk $0xffff, v4  }
0x5ec: {  	v4 =	vld [tilespmem:s29+$0xC070];
	_ =	sdelay $0x1  }
0x5ed: {  	s12 =	sor.u32 s12, s28;
	s17 =	sor.u32 $0x70, s16  }
0x5ee: {  	s12 =	sor.u32 $0xA400, s12;
	[tilespmem:s17+$0x0] =	vst.add.f32.msk $0xffff, v3  }
0x5ef: {  	s2 =	sor.u32 s30, s2;
	s13 =	sor.u32 $0x70, s13;
	v3 =	vld [tilespmem:s12+$0x2000]  }
0x5f0: {  	s2 =	sor.u32 $0xA400, s2;
	[tilespmem:s13+$0x0] =	vst.add.f32.msk $0xffff, v4  }
0x5f1: {  	v4 =	vld [tilespmem:s2+$0x2000];
	_ =	sdelay $0x2  }
0x5f2: {  	[tilespmem:s10+$0x18400] =	vst.add.f32.msk $0xffff, v3  }
0x5f3: {  	v3 =	vld [tilespmem:s12+$0x2010]  }
0x5f4: {  	[tilespmem:s29+$0x18400] =	vst.add.f32.msk $0xffff, v4  }
0x5f5: {  	v4 =	vld [tilespmem:s2+$0x2010]  }
0x5f6: {  	s10 =	sadd.s32 $0x18400, s10  }
0x5f7: {  	s18 =	sor.u32 $0x10, s10  }
0x5f8: {  	[tilespmem:s18+$0x0] =	vst.add.f32.msk $0xffff, v3;
	s13 =	sadd.s32 $0x18400, s29  }
0x5f9: {  	v3 =	vld [tilespmem:s12+$0x2020];
	s20 =	sor.u32 $0x10, s13  }
0x5fa: {  	[tilespmem:s20+$0x0] =	vst.add.f32.msk $0xffff, v4  }
0x5fb: {  	v4 =	vld [tilespmem:s2+$0x2020];
	_ =	sdelay $0x1  }
0x5fc: {  	s28 =	sor.u32 $0x20, s10  }
0x5fd: {  	[tilespmem:s28+$0x0] =	vst.add.f32.msk $0xffff, v3  }
0x5fe: {  	v3 =	vld [tilespmem:s12+$0x2030];
	s29 =	sor.u32 $0x20, s13  }
0x5ff: {  	[tilespmem:s29+$0x0] =	vst.add.f32.msk $0xffff, v4  }
0x600: {  	v4 =	vld [tilespmem:s2+$0x2030];
	_ =	sdelay $0x1  }
0x601: {  	s30 =	sor.u32 $0x30, s10  }
0x602: {  	[tilespmem:s30+$0x0] =	vst.add.f32.msk $0xffff, v3  }
0x603: {  	s31 =	sor.u32 $0x30, s13;
	v3 =	vld [tilespmem:s12+$0x2040]  }
0x604: {  	[tilespmem:s31+$0x0] =	vst.add.f32.msk $0xffff, v4  }
0x605: {  	v4 =	vld [tilespmem:s2+$0x2040];
	_ =	sdelay $0x1  }
0x606: {  	s15 =	sor.u32 $0x40, s10  }
0x607: {  	[tilespmem:s15+$0x0] =	vst.add.f32.msk $0xffff, v3  }
0x608: {  	s16 =	sor.u32 $0x40, s13;
	v3 =	vld [tilespmem:s12+$0x2050]  }
0x609: {  	[tilespmem:s16+$0x0] =	vst.add.f32.msk $0xffff, v4  }
0x60a: {  	v4 =	vld [tilespmem:s2+$0x2050];
	_ =	sdelay $0x1  }
0x60b: {  	s17 =	sor.u32 $0x50, s10  }
0x60c: {  	[tilespmem:s17+$0x0] =	vst.add.f32.msk $0xffff, v3  }
0x60d: {  	s18 =	sor.u32 $0x50, s13;
	v3 =	vld [tilespmem:s12+$0x2060]  }
0x60e: {  	[tilespmem:s18+$0x0] =	vst.add.f32.msk $0xffff, v4  }
0x60f: {  	v4 =	vld [tilespmem:s2+$0x2060];
	_ =	sdelay $0x1  }
0x610: {  	s20 =	sor.u32 $0x60, s10  }
0x611: {  	[tilespmem:s20+$0x0] =	vst.add.f32.msk $0xffff, v3  }
0x612: {  	s28 =	sor.u32 $0x60, s13;
	v3 =	vld [tilespmem:s12+$0x2070]  }
0x613: {  	[tilespmem:s28+$0x0] =	vst.add.f32.msk $0xffff, v4  }
0x614: {  	v4 =	vld [tilespmem:s2+$0x2070]  }
0x615: {  	s29 =	sadd.s32 s5, s7  }
.Ltmp6:
0x616: {  	s2 =	sshrl.u32 s29, $0x3;
	(pc) =	sbr.rel @p0 .LBB2_12-.Ltmp6, $4  }
0x617: {  	s30 =	sor.u32 $0x70, s10;
	s2 =	smul.u32 $0x300, s2  }
0x618: {  	s31 =	sor.u32 $0x70, s13;
	[tilespmem:s30+$0x0] =	vst.add.f32.msk $0xffff, v3  }
0x619: {  	s2 =	sadd.s32 s4, s2;
	[tilespmem:s31+$0x0] =	vst.add.f32.msk $0xffff, v4  }
0x61a: {  	[hbm4b:s2+s6] =	stream.linear.scatter [tilespmem:s3], [sflag:$0x8], $0x3000, $0x38;
	[tilespmem:$0x1A000] =	vst v63  }
0x61b: {  	_ =	swait.ge [sflag:s25], $0x3000  }
0x61c: {  	[sflag:s25] =	ssyncset.done $0x0  }
0x61d: {  	s2 =	sand.u32 $0x3FFFFFC0, s24;
	[sflag:s25] =	ssyncadd.s32 $0xFFFFD000  }
0x61e: {  	v3 =	vld [tilespmem:s2+$0x60];
	_ =	sdelay $0x4  }
0x61f: {  	v4 =	vshrl.u32 v3, $0x3  }
0x620: {  	v4 =	vmul.u32 $0x30, v4  }
0x621: {  	v3 =	vand.u32 $0x7, v3  }
0x622: {  	v3 =	vor.u32 v3, v4  }
0x623: {  	v4 =	vperm.xlane v3, v0;
	_ =	sdelay $0x1  }
0x624: {  	v4 =	vadd.s32 v1, v4;
	_ =	sdelay $0x3  }
0x625: {  	v3 =	vperm.xlane v3, v2  }
0x626: {  	[tilespmem:s26], [sflag:$0x3] =	stream.indirect_vreg.gather [hbm4b:s1+s6], $0x80, v4, vm0, $0xb8;
	[tilespmem:$0x1A000] =	vst v63  }
0x627: {  	s24 =	simm.s32 $0x14800;
	v3 =	vadd.s32 v1, v3  }
0x628: {  	[tilespmem:s24], [sflag:$0x3] =	stream.indirect_vreg.gather [hbm4b:s8+s6], $0x80, v4, vm0, $0xb8;
	[tilespmem:$0x1A000] =	vst v63  }
0x629: {  	s28 =	simm.s32 $0x15000  }
0x62a: {  	[tilespmem:s28], [sflag:$0x3] =	stream.indirect_vreg.gather [hbm4b:s9+s6], $0x80, v4, vm0, $0xb8;
	[tilespmem:$0x1A000] =	vst v63  }
0x62b: {  	s29 =	simm.s32 $0x15800  }
0x62c: {  	[tilespmem:s29], [sflag:$0x3] =	stream.indirect_vreg.gather [hbm4b:s1+s6], $0x80, v3, vm0, $0xb8;
	[tilespmem:$0x1A000] =	vst v63  }
.Ltmp7:
0x62d: {  	_ = 	snop;
	(pc) =	sbr.rel .LBB2_2-.Ltmp7, $4  }
0x62e: {  	s30 =	simm.s32 $0x16000  }
0x62f: {  	[tilespmem:s30], [sflag:$0x3] =	stream.indirect_vreg.gather [hbm4b:s8+s6], $0x80, v3, vm0, $0xb8;
	[tilespmem:$0x1A000] =	vst v63  }
0x630: {  	s31 =	simm.s32 $0x16800;
	s23 =	sadd.s32 $0x1, s23  }
0x631: {  	[tilespmem:s31], [sflag:$0x3] =	stream.indirect_vreg.gather [hbm4b:s9+s6], $0x80, v3, vm0, $0xb8;
	[tilespmem:$0x1A000] =	vst v63  }
.LBB2_13:
0x632: {  	_ =	sfence.sel $0x180000  }
0x633: {  	[bflag:$0x0] =	sbarrier.arrive $0xFFFF  }
0x634: {  	_ =	strace $0x90000047  }
0x635: {  	s0 =	stileid.u32;
	[bflag:$0x2] =	sbarrier.arrive $0xFFFF  }
0x636: {  	p0 =	sne.s32 s0, $0x0;
	s0 =	rddreg [dreg:$0x4]  }
0x637: {  	s0 =	sadd.s32 @!p0 $0x100000, s0  }
0x638: {  	[sflag:s0] =	ssyncadd.tile.s32 @!p0 $0x1;
	_ =	shalt  }
.Lfunc_end2:
_tile_overlayer_lowered:
.L_overlay_start_2:
0x639: {  	(tag) =	ssettag $0x2  }
0x63a: {  	s0 =	rddreg [dreg:$0x0];
	s2 =	stileid.u32  }
0x63b: {  	s1 =	rddreg [dreg:$0x1];
	p0 =	sne.s32 s2, $0x0  }
0x63c: {  	s3 =	rddreg [dreg:$0x2];
	[bflag:$0x3] =	sbarrier.arrive $0xFFFF;
	s2 =	simm.s32 @!p0 $0x1C09  }
0x63d: {  	[timem:s3], [sflag:s2] =	dma.local @!p0 [hbm:s0], s1  }
0x63e: {  	s0 =	simm.s32 @!p0 $0x9  }
0x63f: {  	_ =	swait.ge @!p0 [sflag:s0], s1  }
0x640: {  	s1 =	ssub.s32 @!p0 $0x0, s1;
	[sflag:s0] =	ssyncset.done @!p0 $0x0  }
0x641: {  	[sflag:s0] =	ssyncadd.s32 @!p0 s1  }
0x642: {  	[bflag:$0x3] =	sbarrier.arrive $0xFFFF  }
0x643: {  	_ =	shalt  }

</sc_bundles>
